<compile_context>
chip_gen: v7x
topology: tpu7x:2x2x1
jax: 0.10.2.dev20260603
libtpu: 0.0.44.dev20260713+nightly
codegen_flags: <defaults>
</compile_context>

<pallas_src>
import functools

import jax
import jax.numpy as jnp
from jax import lax
from jax.experimental import pallas as pl
from jax.experimental.pallas import tpu as pltpu
from jax.experimental.pallas import tpu_sc as plsc

_GAMMA = 10.0
_NS = 30000
_CHUNK = 1008
_PIECE = 112
_LUTB = 256
_LUTROWS = 264


def _sc_atom(ia_h, ic_h, id_h, iq_h, m_h, ta_h, lut_h, out_h,
             ia_v, ic_v, id_v, iq_v, m_v, ta_v, lut_v, ob0, ob1, sem0, sem1):
    w = lax.axis_index("s") * 2 + lax.axis_index("c")
    base = jnp.minimum(w * _CHUNK, _NS - _CHUNK)
    pltpu.sync_copy(ta_h, ta_v)
    pltpu.sync_copy(lut_h, lut_v)
    pltpu.sync_copy(ia_h.at[pl.ds(base, _CHUNK)], ia_v)
    pltpu.sync_copy(ic_h.at[pl.ds(base, _CHUNK)], ic_v)
    pltpu.sync_copy(id_h.at[pl.ds(base, _CHUNK)], id_v)
    pltpu.sync_copy(iq_h.at[pl.ds(base, _CHUNK)], iq_v)
    pltpu.sync_copy(m_h.at[pl.ds(base, _CHUNK)], m_v)
    lane = lax.iota(jnp.int32, 16)
    copies = []
    for p in range(_CHUNK // _PIECE):
        ob = ob0 if p % 2 == 0 else ob1
        sem = sem0 if p % 2 == 0 else sem1
        if p >= 2:
            copies[p - 2].wait()

        def group(g, carry, p=p, ob=ob):
            off = p * _PIECE + g * 16
            idx16 = lane + off
            ia16 = plsc.load_gather(ia_v, [idx16])
            ic16 = plsc.load_gather(ic_v, [idx16])
            id16 = plsc.load_gather(id_v, [idx16])
            iq16 = plsc.load_gather(iq_v, [idx16])
            m16 = plsc.load_gather(m_v, [idx16])
            abase = ia16 * 129
            cdbase = (119 + ic16 * 12 + id16) * 129
            qbase = (215 + iq16) * 129
            xs = m16 * (_LUTB / 20.0)
            qq = jnp.maximum(jnp.minimum(xs.astype(jnp.int32), _LUTB - 1), 0)
            fr = xs - qq.astype(jnp.float32)
            lbase = qq * 129
            row = g * 16 + lane

            @plsc.parallel_loop(0, 128, unroll=8)
            def colstep(j):
                acc = plsc.load_gather(ta_v, [abase + j])
                acc = acc + plsc.load_gather(ta_v, [cdbase + j])
                acc = acc + plsc.load_gather(ta_v, [qbase + j])
                la = plsc.load_gather(lut_v, [lbase + j])
                lb = plsc.load_gather(lut_v, [lbase + 129 + j])
                acc = acc + la + fr * (lb - la)
                plsc.store_scatter(ob, [row, lane * 0 + j], acc)

            return carry

        lax.fori_loop(0, _PIECE // 16, group, 0)
        copies.append(pltpu.async_copy(
            ob.at[:, pl.ds(0, 128)],
            out_h.at[pl.ds(base + p * _PIECE, _PIECE)], sem))
    copies[-2].wait()
    copies[-1].wait()


def _prep_body(Wb, tc, td, lut, tcd):
    colr = lax.broadcasted_iota(jnp.int32, (24, 1), 0).astype(jnp.float32)
    ctr = jnp.where(colr < 20.0, colr, -1e6)
    xs = lax.broadcasted_iota(jnp.int32, (1, _LUTROWS), 1).astype(jnp.float32)
    xs = xs * (20.0 / _LUTB)
    F = jnp.where(colr == 20.0, 1.0, jnp.exp(-_GAMMA * (xs - ctr) ** 2))
    lut[...] = lax.dot_general(F, Wb[...], (((0,), (0,)), ((), ())),
                               preferred_element_type=jnp.float32)
    r = lax.broadcasted_iota(jnp.int32, (1, 96), 1)
    rc = r // 12
    rd = r - rc * 12
    ohc = (lax.broadcasted_iota(jnp.int32, (8, 1), 0) == rc).astype(jnp.float32)
    ohd = (lax.broadcasted_iota(jnp.int32, (16, 1), 0) == rd).astype(jnp.float32)
    tcd[...] = (
        lax.dot_general(ohc, tc[...], (((0,), (0,)), ((), ())),
                        preferred_element_type=jnp.float32)
        + lax.dot_general(ohd, td[...], (((0,), (0,)), ((), ())),
                          preferred_element_type=jnp.float32))


def _atom_body(ia, ic, idg, iq, mass, T, src, o):
    one = jnp.bfloat16(1.0)
    zero = jnp.bfloat16(0.0)
    colh = lax.broadcasted_iota(jnp.int32, (160, 1), 0).astype(jnp.bfloat16)
    iab = ia[0, 0, :][None, :].astype(jnp.bfloat16)
    icb = ic[0, 0, :][None, :].astype(jnp.bfloat16) + 119
    idb = idg[0, 0, :][None, :].astype(jnp.bfloat16) + 127
    iqb = iq[0, 0, :][None, :].astype(jnp.bfloat16) + 139
    hot = (colh == iab) | (colh == icb) | (colh == idb) | (colh == iqb)
    FH = jnp.where(hot, one, zero)
    colr = lax.broadcasted_iota(jnp.int32, (32, 1), 0).astype(jnp.float32)
    ctr = jnp.where(colr < 20.0, colr, -1e6)
    x = mass[0, 0, :][None, :]
    t = (-_GAMMA * (x - ctr) ** 2).astype(jnp.bfloat16)
    FR = jnp.where(colr == 20.0, one, jnp.exp(t))
    F = jnp.concatenate([FH, FR], axis=0)
    o[...] = lax.dot_general(F, T[...], (((0,), (0,)), ((), ())),
                             preferred_element_type=jnp.float32)


def _bond_body(it, ist, ij, ln, Tab, Tba, oab, oba):
    one = jnp.bfloat16(1.0)
    zero = jnp.bfloat16(0.0)
    colh = lax.broadcasted_iota(jnp.int32, (16, 1), 0).astype(jnp.bfloat16)
    itb = it[0, 0, :][None, :].astype(jnp.bfloat16)
    isb = ist[0, 0, :][None, :].astype(jnp.bfloat16) + 8
    FH = jnp.where((colh == itb) | (colh == isb), one, zero)
    colr = lax.broadcasted_iota(jnp.int32, (32, 1), 0).astype(jnp.float32) + 16.0
    ctr = jnp.where((colr >= 20.0) & (colr < 40.0), (colr - 20.0) * 0.1, -1e6)
    x = ln[0, 0, :][None, :]
    t = (-_GAMMA * (x - ctr) ** 2).astype(jnp.bfloat16)
    hot = (colr == ij[0, 0, :][None, :].astype(jnp.float32) + 16.0) | (colr == 40.0)
    FR = jnp.where(hot, one, jnp.exp(t))
    F = jnp.concatenate([FH, FR], axis=0)
    oab[...] = lax.dot_general(F, Tab[...], (((0,), (0,)), ((), ())),
                               preferred_element_type=jnp.float32)
    oba[...] = lax.dot_general(F, Tba[...], (((0,), (0,)), ((), ())),
                               preferred_element_type=jnp.float32)


def _angle_body(ang, T, o):
    one = jnp.bfloat16(1.0)
    col = lax.broadcasted_iota(jnp.int32, (40, 1), 0).astype(jnp.float32)
    ctr = jnp.where(col < 32.0, col * 0.1, -1e6)
    x = ang[0, 0, :][None, :]
    t = (-_GAMMA * (x - ctr) ** 2).astype(jnp.bfloat16)
    F = jnp.where(col == 32.0, one, jnp.exp(t))
    o[...] = lax.dot_general(F, T[...], (((0,), (0,)), ((), ())),
                             preferred_element_type=jnp.float32)


def _vec_spec(B):
    return pl.BlockSpec((1, 1, B), lambda i: (i, 0, 0))


def _tab_spec(shape):
    return pl.BlockSpec(shape, lambda i: (0, 0))


def kernel(idx_atomic, idx_chir, idx_deg, idx_charge, atom_mass, idx_btype,
           idx_bstereo, idx_bconj, bond_length, ab_edge_index, bond_angle,
           ba_edge_index, t_atomic, t_chir, t_deg, t_charge, W_mass, b_mass,
           tb_type_ab, tb_stereo_ab, tb_conj_ab, W_len_ab, b_len_ab,
           tb_type_ba, tb_stereo_ba, tb_conj_ba, W_len_ba, b_len_ba,
           W_angle, b_angle):
    N = idx_atomic.shape[0]
    E = idx_btype.shape[0]
    E2 = bond_angle.shape[0]
    B = 10000
    nb_b, nb_g = E // B, E2 // B

    Wb = jnp.concatenate(
        [W_mass, b_mass[None, :], jnp.zeros((3, 128), jnp.float32)], axis=0)
    tc_pad = t_chir.astype(jnp.float32)
    td_pad = jnp.concatenate(
        [t_deg, jnp.zeros((4, 128), jnp.float32)], axis=0)
    lut, tcd = pl.pallas_call(
        _prep_body,
        in_specs=[pl.BlockSpec((24, 128), lambda: (0, 0)),
                  pl.BlockSpec((8, 128), lambda: (0, 0)),
                  pl.BlockSpec((16, 128), lambda: (0, 0))],
        out_specs=[pl.BlockSpec((_LUTROWS, 128), lambda: (0, 0)),
                   pl.BlockSpec((96, 128), lambda: (0, 0))],
        out_shape=[jax.ShapeDtypeStruct((_LUTROWS, 128), jnp.float32),
                   jax.ShapeDtypeStruct((96, 128), jnp.float32)],
    )(Wb, tc_pad, td_pad)

    ta_flat = jnp.pad(jnp.concatenate(
        [t_atomic.astype(jnp.float32), tcd, t_charge.astype(jnp.float32)],
        axis=0), ((0, 0), (0, 1))).reshape(-1)
    lut_flat = jnp.pad(lut, ((0, 0), (0, 1))).reshape(-1)

    sc_call = pl.kernel(
        _sc_atom,
        out_type=jax.ShapeDtypeStruct((N, 128), jnp.float32),
        mesh=plsc.VectorSubcoreMesh(core_axis_name="c", subcore_axis_name="s"),
        compiler_params=pltpu.CompilerParams(needs_layout_passes=False),
        scratch_types=[
            pltpu.VMEM((_CHUNK,), jnp.int32),
            pltpu.VMEM((_CHUNK,), jnp.int32),
            pltpu.VMEM((_CHUNK,), jnp.int32),
            pltpu.VMEM((_CHUNK,), jnp.int32),
            pltpu.VMEM((_CHUNK,), jnp.float32),
            pltpu.VMEM((231 * 129,), jnp.float32),
            pltpu.VMEM((_LUTROWS * 129,), jnp.float32),
            pltpu.VMEM((_PIECE, 129), jnp.float32),
            pltpu.VMEM((_PIECE, 129), jnp.float32),
            pltpu.SemaphoreType.DMA,
            pltpu.SemaphoreType.DMA,
        ],
    )
    atom_sc = sc_call(
        idx_atomic.astype(jnp.int32), idx_chir.astype(jnp.int32),
        idx_deg.astype(jnp.int32), idx_charge.astype(jnp.int32),
        atom_mass.astype(jnp.float32), ta_flat, lut_flat)

    Ba = 5000
    nb_a, sc_blocks = N // Ba, _NS // Ba
    z5 = jnp.zeros((5, 128), jnp.float32)
    z11 = jnp.zeros((11, 128), jnp.float32)
    T_atom = jnp.concatenate(
        [t_atomic, t_chir, t_deg, t_charge, z5, W_mass, b_mass[None, :], z11],
        axis=0).astype(jnp.bfloat16)
    ia3 = idx_atomic.astype(jnp.int32).reshape(nb_a, 1, Ba)
    ic3 = idx_chir.astype(jnp.int32).reshape(nb_a, 1, Ba)
    id3 = idx_deg.astype(jnp.int32).reshape(nb_a, 1, Ba)
    iq3 = idx_charge.astype(jnp.int32).reshape(nb_a, 1, Ba)
    m3 = atom_mass.astype(jnp.float32).reshape(nb_a, 1, Ba)
    atom_feats = pl.pallas_call(
        _atom_body,
        grid=(nb_a - sc_blocks,),
        in_specs=[pl.BlockSpec((1, 1, Ba), lambda i: (i + sc_blocks, 0, 0))] * 5
        + [_tab_spec((192, 128)),
           pl.BlockSpec(memory_space=pl.ANY)],
        out_specs=pl.BlockSpec((Ba, 128), lambda i: (i + sc_blocks, 0)),
        out_shape=jax.ShapeDtypeStruct((N, 128), jnp.float32),
        input_output_aliases={6: 0},
    )(ia3, ic3, id3, iq3, m3, T_atom, atom_sc)

    z7 = jnp.zeros((7, 128), jnp.float32)
    T_ab = jnp.concatenate(
        [tb_type_ab, tb_stereo_ab, tb_conj_ab, W_len_ab, b_len_ab[None, :], z7],
        axis=0).astype(jnp.bfloat16)
    T_ba = jnp.concatenate(
        [tb_type_ba, tb_stereo_ba, tb_conj_ba, W_len_ba, b_len_ba[None, :], z7],
        axis=0).astype(jnp.bfloat16)
    T_ang = jnp.concatenate(
        [W_angle, b_angle[None, :], z7], axis=0).astype(jnp.bfloat16)

    it3 = idx_btype.astype(jnp.int32).reshape(nb_b, 1, B)
    is3 = idx_bstereo.astype(jnp.int32).reshape(nb_b, 1, B)
    ij3 = idx_bconj.astype(jnp.int32).reshape(nb_b, 1, B)
    ln3 = bond_length.astype(jnp.float32).reshape(nb_b, 1, B)

    bond_attr_ab, bond_node_ba = pl.pallas_call(
        _bond_body,
        grid=(nb_b,),
        in_specs=[_vec_spec(B)] * 4 + [_tab_spec((48, 128))] * 2,
        out_specs=[pl.BlockSpec((B, 128), lambda i: (i, 0))] * 2,
        out_shape=[jax.ShapeDtypeStruct((E, 128), jnp.float32)] * 2,
    )(it3, is3, ij3, ln3, T_ab, T_ba)

    ag3 = bond_angle.astype(jnp.float32).reshape(nb_g, 1, B)
    angle_attr = pl.pallas_call(
        _angle_body,
        grid=(nb_g,),
        in_specs=[_vec_spec(B), _tab_spec((40, 128))],
        out_specs=pl.BlockSpec((B, 128), lambda i: (i, 0)),
        out_shape=jax.ShapeDtypeStruct((E2, 128), jnp.float32),
    )(ag3, T_ang)

    return (atom_feats, bond_attr_ab, ab_edge_index, bond_node_ba,
            angle_attr, ba_edge_index)

# --- scband reference (transcript-rebuilt; emitter-appended) ---
"""Pipeline reference for scband-graph-pair-embedding-34076270526994 (READ-ONLY COPY).

The authoritative reference and input builder live on the scoring server;
editing this copy changes nothing except your own understanding.
"""

import jax, jax.numpy as jnp
import numpy as np

GAMMA = 10.0
C_MASS = jnp.arange(0.0, 20.0, 1.0)
C_LEN = jnp.arange(0.0, 2.0, 0.1)
C_ANGLE = jnp.arange(0.0, float(np.pi), 0.1)


def rbf(x, centers):
    return jnp.exp(-GAMMA * (x[:, None] - centers[None, :]) ** 2)


def setup_inputs(seed: int = 0):
    key = jax.random.key(seed)
    ks = jax.random.split(key, 40)
    N, E, E2, D = 50000, 100000, 200000, 128
    s = 0.02
    inp = {}
    inp['idx_atomic'] = jax.random.randint(ks[0], (N,), 0, 119)
    inp['idx_chir'] = jax.random.randint(ks[1], (N,), 0, 8)
    inp['idx_deg'] = jax.random.randint(ks[2], (N,), 0, 12)
    inp['idx_charge'] = jax.random.randint(ks[3], (N,), 0, 16)
    inp['atom_mass'] = jax.random.uniform(ks[4], (N,)) * 20.0
    inp['idx_btype'] = jax.random.randint(ks[5], (E,), 0, 8)
    inp['idx_bstereo'] = jax.random.randint(ks[6], (E,), 0, 8)
    inp['idx_bconj'] = jax.random.randint(ks[7], (E,), 0, 4)
    inp['bond_length'] = jax.random.uniform(ks[8], (E,)) * 2.0
    inp['ab_edge_index'] = jax.random.randint(ks[9], (2, E), 0, N)
    inp['bond_angle'] = jax.random.uniform(ks[10], (E2,)) * float(np.pi)
    inp['ba_edge_index'] = jax.random.randint(ks[11], (2, E2), 0, E)
    inp['t_atomic'] = jax.random.normal(ks[12], (119, D)) * s
    inp['t_chir'] = jax.random.normal(ks[13], (8, D)) * s
    inp['t_deg'] = jax.random.normal(ks[14], (12, D)) * s
    inp['t_charge'] = jax.random.normal(ks[15], (16, D)) * s
    inp['W_mass'] = jax.random.normal(ks[16], (C_MASS.shape[0], D)) * s
    inp['b_mass'] = jnp.zeros((D,), dtype=jnp.float32)
    inp['tb_type_ab'] = jax.random.normal(ks[17], (8, D)) * s
    inp['tb_stereo_ab'] = jax.random.normal(ks[18], (8, D)) * s
    inp['tb_conj_ab'] = jax.random.normal(ks[19], (4, D)) * s
    inp['W_len_ab'] = jax.random.normal(ks[20], (C_LEN.shape[0], D)) * s
    inp['b_len_ab'] = jnp.zeros((D,), dtype=jnp.float32)
    inp['tb_type_ba'] = jax.random.normal(ks[21], (8, D)) * s
    inp['tb_stereo_ba'] = jax.random.normal(ks[22], (8, D)) * s
    inp['tb_conj_ba'] = jax.random.normal(ks[23], (4, D)) * s
    inp['W_len_ba'] = jax.random.normal(ks[24], (C_LEN.shape[0], D)) * s
    inp['b_len_ba'] = jnp.zeros((D,), dtype=jnp.float32)
    inp['W_angle'] = jax.random.normal(ks[25], (C_ANGLE.shape[0], D)) * s
    inp['b_angle'] = jnp.zeros((D,), dtype=jnp.float32)
    return inp


def reference(idx_atomic, idx_chir, idx_deg, idx_charge, atom_mass, idx_btype, idx_bstereo, idx_bconj, bond_length, ab_edge_index, bond_angle, ba_edge_index, t_atomic, t_chir, t_deg, t_charge, W_mass, b_mass, tb_type_ab, tb_stereo_ab, tb_conj_ab, W_len_ab, b_len_ab, tb_type_ba, tb_stereo_ba, tb_conj_ba, W_len_ba, b_len_ba, W_angle, b_angle):
    # AtomEmbedding: sum of per-feature embedding lookups
    atom_feats = t_atomic[idx_atomic] + t_chir[idx_chir] + t_deg[idx_deg] + t_charge[idx_charge]
    # AtomMassEmbedding: RBF expansion + linear
    atom_feats = atom_feats + rbf(atom_mass, C_MASS) @ W_mass + b_mass
    # BondEmbedding (atom-bond graph edges) + BondLengthEmbedding
    bond_attr_ab = tb_type_ab[idx_btype] + tb_stereo_ab[idx_bstereo] + tb_conj_ab[idx_bconj]
    bond_attr_ab = bond_attr_ab + rbf(bond_length, C_LEN) @ W_len_ab + b_len_ab
    # BondEmbedding (bond-angle graph nodes, separate params) + BondLengthEmbedding
    bond_node_ba = tb_type_ba[idx_btype] + tb_stereo_ba[idx_bstereo] + tb_conj_ba[idx_bconj]
    bond_node_ba = bond_node_ba + rbf(bond_length, C_LEN) @ W_len_ba + b_len_ba
    # BondAngleEmbedding: RBF expansion + linear
    angle_attr = rbf(bond_angle, C_ANGLE) @ W_angle + b_angle
    return (atom_feats, bond_attr_ab, ab_edge_index, bond_node_ba, angle_attr, ba_edge_index)

if __name__ == "__main__":
    import jax
    _d = setup_inputs()
    print(jax.jit(kernel)(*tuple(_d.values())))

</pallas_src>

<mosaic_0001>
#map = affine_map<(d0, d1) -> (0)>
#map1 = affine_map<(d0, d1) -> (0, 0)>
module attributes {stable_mosaic.version = 14 : i64} {
  func.func @_sc_atom(%arg0: i32, %arg1: i32, %arg2: memref<50000xi32, #tpu.memory_space<hbm>>, %arg3: memref<50000xi32, #tpu.memory_space<hbm>>, %arg4: memref<50000xi32, #tpu.memory_space<hbm>>, %arg5: memref<50000xi32, #tpu.memory_space<hbm>>, %arg6: memref<50000xf32, #tpu.memory_space<hbm>>, %arg7: memref<29799xf32, #tpu.memory_space<hbm>>, %arg8: memref<34056xf32, #tpu.memory_space<hbm>>, %arg9: memref<50000x128xf32, #tpu.memory_space<hbm>>, %arg10: memref<1008xi32, #tpu.memory_space<vmem>>, %arg11: memref<1008xi32, #tpu.memory_space<vmem>>, %arg12: memref<1008xi32, #tpu.memory_space<vmem>>, %arg13: memref<1008xi32, #tpu.memory_space<vmem>>, %arg14: memref<1008xf32, #tpu.memory_space<vmem>>, %arg15: memref<29799xf32, #tpu.memory_space<vmem>>, %arg16: memref<34056xf32, #tpu.memory_space<vmem>>, %arg17: memref<112x129xf32, #tpu.memory_space<vmem>>, %arg18: memref<112x129xf32, #tpu.memory_space<vmem>>, %arg19: memref<!tpu.dma_semaphore, #tpu.memory_space<semaphore_mem>>, %arg20: memref<!tpu.dma_semaphore, #tpu.memory_space<semaphore_mem>>) attributes {dimension_semantics = [#tpu.dimension_semantics<core_parallel>, #tpu.dimension_semantics<subcore_parallel>], iteration_bounds = array<i64: 2, 16>, scalar_prefetch = 0 : i64, scratch_operands = 11 : i64, tpu.core_type = #tpu.core_type<sc_vector_subcore>, window_params = [{transform_indices = #map}, {transform_indices = #map}, {transform_indices = #map}, {transform_indices = #map}, {transform_indices = #map}, {transform_indices = #map}, {transform_indices = #map}, {transform_indices = #map1}]} {
    %mul3A = arith.constant 2 : i32
    %mul3A_0 = arith.muli %arg1, %mul3A : i32
    %add3A = arith.addi %mul3A_0, %arg0 : i32
    %mul3A_1 = arith.constant 1008 : i32
    %mul3A_2 = arith.muli %add3A, %mul3A_1 : i32
    %min3A = arith.constant 28992 : i32
    %min3A_3 = arith.minsi %mul3A_2, %min3A : i32
    "tpu.region"() ({
      %run_scoped3A = tpu.sem_alloc : memref<!tpu.dma_semaphore, #tpu.memory_space<semaphore_mem>>
      tpu.enqueue_dma source(%arg7 : memref<29799xf32, #tpu.memory_space<hbm>>) target(%arg15 : memref<29799xf32, #tpu.memory_space<vmem>>) target_semaphore(%run_scoped3A : memref<!tpu.dma_semaphore, #tpu.memory_space<semaphore_mem>>)
      tpu.wait_dma2 semaphore(%run_scoped3A : memref<!tpu.dma_semaphore, #tpu.memory_space<semaphore_mem>>) src(%arg7 : memref<29799xf32, #tpu.memory_space<hbm>>) dst(%arg15 : memref<29799xf32, #tpu.memory_space<vmem>>)
      tpu.yield
    }) : () -> ()
    "tpu.region"() ({
      %run_scoped3A = tpu.sem_alloc : memref<!tpu.dma_semaphore, #tpu.memory_space<semaphore_mem>>
      tpu.enqueue_dma source(%arg8 : memref<34056xf32, #tpu.memory_space<hbm>>) target(%arg16 : memref<34056xf32, #tpu.memory_space<vmem>>) target_semaphore(%run_scoped3A : memref<!tpu.dma_semaphore, #tpu.memory_space<semaphore_mem>>)
      tpu.wait_dma2 semaphore(%run_scoped3A : memref<!tpu.dma_semaphore, #tpu.memory_space<semaphore_mem>>) src(%arg8 : memref<34056xf32, #tpu.memory_space<hbm>>) dst(%arg16 : memref<34056xf32, #tpu.memory_space<vmem>>)
      tpu.yield
    }) : () -> ()
    "tpu.region"() ({
      %run_scoped3A = tpu.sem_alloc : memref<!tpu.dma_semaphore, #tpu.memory_space<semaphore_mem>>
      %dma_start3A_253 = tpu.memref_slice %arg2[%min3A_3] : memref<50000xi32, #tpu.memory_space<hbm>> -> memref<1008xi32, #tpu.memory_space<hbm>>
      %dma_start3A_254 = tpu.memref_slice %arg2[%min3A_3] : memref<50000xi32, #tpu.memory_space<hbm>> -> memref<1008xi32, #tpu.memory_space<hbm>>
      tpu.enqueue_dma source(%dma_start3A_254 : memref<1008xi32, #tpu.memory_space<hbm>>) target(%arg10 : memref<1008xi32, #tpu.memory_space<vmem>>) target_semaphore(%run_scoped3A : memref<!tpu.dma_semaphore, #tpu.memory_space<semaphore_mem>>)
      %dma_wait3A_255 = tpu.memref_slice %arg2[%min3A_3] : memref<50000xi32, #tpu.memory_space<hbm>> -> memref<1008xi32, #tpu.memory_space<hbm>>
      %dma_wait3A_256 = tpu.memref_slice %arg2[%min3A_3] : memref<50000xi32, #tpu.memory_space<hbm>> -> memref<1008xi32, #tpu.memory_space<hbm>>
      tpu.wait_dma2 semaphore(%run_scoped3A : memref<!tpu.dma_semaphore, #tpu.memory_space<semaphore_mem>>) src(%dma_wait3A_256 : memref<1008xi32, #tpu.memory_space<hbm>>) dst(%arg10 : memref<1008xi32, #tpu.memory_space<vmem>>)
      tpu.yield
    }) : () -> ()
    "tpu.region"() ({
      %run_scoped3A = tpu.sem_alloc : memref<!tpu.dma_semaphore, #tpu.memory_space<semaphore_mem>>
      %dma_start3A_253 = tpu.memref_slice %arg3[%min3A_3] : memref<50000xi32, #tpu.memory_space<hbm>> -> memref<1008xi32, #tpu.memory_space<hbm>>
      %dma_start3A_254 = tpu.memref_slice %arg3[%min3A_3] : memref<50000xi32, #tpu.memory_space<hbm>> -> memref<1008xi32, #tpu.memory_space<hbm>>
      tpu.enqueue_dma source(%dma_start3A_254 : memref<1008xi32, #tpu.memory_space<hbm>>) target(%arg11 : memref<1008xi32, #tpu.memory_space<vmem>>) target_semaphore(%run_scoped3A : memref<!tpu.dma_semaphore, #tpu.memory_space<semaphore_mem>>)
      %dma_wait3A_255 = tpu.memref_slice %arg3[%min3A_3] : memref<50000xi32, #tpu.memory_space<hbm>> -> memref<1008xi32, #tpu.memory_space<hbm>>
      %dma_wait3A_256 = tpu.memref_slice %arg3[%min3A_3] : memref<50000xi32, #tpu.memory_space<hbm>> -> memref<1008xi32, #tpu.memory_space<hbm>>
      tpu.wait_dma2 semaphore(%run_scoped3A : memref<!tpu.dma_semaphore, #tpu.memory_space<semaphore_mem>>) src(%dma_wait3A_256 : memref<1008xi32, #tpu.memory_space<hbm>>) dst(%arg11 : memref<1008xi32, #tpu.memory_space<vmem>>)
      tpu.yield
    }) : () -> ()
    "tpu.region"() ({
      %run_scoped3A = tpu.sem_alloc : memref<!tpu.dma_semaphore, #tpu.memory_space<semaphore_mem>>
      %dma_start3A_253 = tpu.memref_slice %arg4[%min3A_3] : memref<50000xi32, #tpu.memory_space<hbm>> -> memref<1008xi32, #tpu.memory_space<hbm>>
      %dma_start3A_254 = tpu.memref_slice %arg4[%min3A_3] : memref<50000xi32, #tpu.memory_space<hbm>> -> memref<1008xi32, #tpu.memory_space<hbm>>
      tpu.enqueue_dma source(%dma_start3A_254 : memref<1008xi32, #tpu.memory_space<hbm>>) target(%arg12 : memref<1008xi32, #tpu.memory_space<vmem>>) target_semaphore(%run_scoped3A : memref<!tpu.dma_semaphore, #tpu.memory_space<semaphore_mem>>)
      %dma_wait3A_255 = tpu.memref_slice %arg4[%min3A_3] : memref<50000xi32, #tpu.memory_space<hbm>> -> memref<1008xi32, #tpu.memory_space<hbm>>
      %dma_wait3A_256 = tpu.memref_slice %arg4[%min3A_3] : memref<50000xi32, #tpu.memory_space<hbm>> -> memref<1008xi32, #tpu.memory_space<hbm>>
      tpu.wait_dma2 semaphore(%run_scoped3A : memref<!tpu.dma_semaphore, #tpu.memory_space<semaphore_mem>>) src(%dma_wait3A_256 : memref<1008xi32, #tpu.memory_space<hbm>>) dst(%arg12 : memref<1008xi32, #tpu.memory_space<vmem>>)
      tpu.yield
    }) : () -> ()
    "tpu.region"() ({
      %run_scoped3A = tpu.sem_alloc : memref<!tpu.dma_semaphore, #tpu.memory_space<semaphore_mem>>
      %dma_start3A_253 = tpu.memref_slice %arg5[%min3A_3] : memref<50000xi32, #tpu.memory_space<hbm>> -> memref<1008xi32, #tpu.memory_space<hbm>>
      %dma_start3A_254 = tpu.memref_slice %arg5[%min3A_3] : memref<50000xi32, #tpu.memory_space<hbm>> -> memref<1008xi32, #tpu.memory_space<hbm>>
      tpu.enqueue_dma source(%dma_start3A_254 : memref<1008xi32, #tpu.memory_space<hbm>>) target(%arg13 : memref<1008xi32, #tpu.memory_space<vmem>>) target_semaphore(%run_scoped3A : memref<!tpu.dma_semaphore, #tpu.memory_space<semaphore_mem>>)
      %dma_wait3A_255 = tpu.memref_slice %arg5[%min3A_3] : memref<50000xi32, #tpu.memory_space<hbm>> -> memref<1008xi32, #tpu.memory_space<hbm>>
      %dma_wait3A_256 = tpu.memref_slice %arg5[%min3A_3] : memref<50000xi32, #tpu.memory_space<hbm>> -> memref<1008xi32, #tpu.memory_space<hbm>>
      tpu.wait_dma2 semaphore(%run_scoped3A : memref<!tpu.dma_semaphore, #tpu.memory_space<semaphore_mem>>) src(%dma_wait3A_256 : memref<1008xi32, #tpu.memory_space<hbm>>) dst(%arg13 : memref<1008xi32, #tpu.memory_space<vmem>>)
      tpu.yield
    }) : () -> ()
    "tpu.region"() ({
      %run_scoped3A = tpu.sem_alloc : memref<!tpu.dma_semaphore, #tpu.memory_space<semaphore_mem>>
      %dma_start3A_253 = tpu.memref_slice %arg6[%min3A_3] : memref<50000xf32, #tpu.memory_space<hbm>> -> memref<1008xf32, #tpu.memory_space<hbm>>
      %dma_start3A_254 = tpu.memref_slice %arg6[%min3A_3] : memref<50000xf32, #tpu.memory_space<hbm>> -> memref<1008xf32, #tpu.memory_space<hbm>>
      tpu.enqueue_dma source(%dma_start3A_254 : memref<1008xf32, #tpu.memory_space<hbm>>) target(%arg14 : memref<1008xf32, #tpu.memory_space<vmem>>) target_semaphore(%run_scoped3A : memref<!tpu.dma_semaphore, #tpu.memory_space<semaphore_mem>>)
      %dma_wait3A_255 = tpu.memref_slice %arg6[%min3A_3] : memref<50000xf32, #tpu.memory_space<hbm>> -> memref<1008xf32, #tpu.memory_space<hbm>>
      %dma_wait3A_256 = tpu.memref_slice %arg6[%min3A_3] : memref<50000xf32, #tpu.memory_space<hbm>> -> memref<1008xf32, #tpu.memory_space<hbm>>
      tpu.wait_dma2 semaphore(%run_scoped3A : memref<!tpu.dma_semaphore, #tpu.memory_space<semaphore_mem>>) src(%dma_wait3A_256 : memref<1008xf32, #tpu.memory_space<hbm>>) dst(%arg14 : memref<1008xf32, #tpu.memory_space<vmem>>)
      tpu.yield
    }) : () -> ()
    %iota3A = tpu.iota {dimensions = array<i32: 0>} : vector<16xi32>
    %scan3A = arith.constant 0 : i32
    %scan3A_4 = arith.constant 0 : i32
    %scan3A_5 = arith.constant 7 : i32
    %scan3A_6 = arith.addi %scan3A_4, %scan3A_5 : i32
    %scan3A_7 = arith.constant 1 : i32
    scf.for %scan3A_253 = %scan3A_4 to %scan3A_6 step %scan3A_7  : i32 {
      %mul3A_254 = arith.constant 16 : i32
      %mul3A_255 = arith.muli %scan3A_253, %mul3A_254 : i32
      %add3A_256 = arith.constant 0 : i32
      %add3A_257 = arith.addi %add3A_256, %mul3A_255 : i32
      %add3A_258 = vector.broadcast %add3A_257 : i32 to vector<16xi32>
      %add3A_259 = arith.addi %iota3A, %add3A_258 : vector<16xi32>
      %gather3A = tpu.vector_load_idx %arg10[%add3A_259] : memref<1008xi32, #tpu.memory_space<vmem>>[vector<16xi32>], vector<16xi32>,
      %gather3A_260 = tpu.vector_load_idx %arg11[%add3A_259] : memref<1008xi32, #tpu.memory_space<vmem>>[vector<16xi32>], vector<16xi32>,
      %gather3A_261 = tpu.vector_load_idx %arg12[%add3A_259] : memref<1008xi32, #tpu.memory_space<vmem>>[vector<16xi32>], vector<16xi32>,
      %gather3A_262 = tpu.vector_load_idx %arg13[%add3A_259] : memref<1008xi32, #tpu.memory_space<vmem>>[vector<16xi32>], vector<16xi32>,
      %gather3A_263 = tpu.vector_load_idx %arg14[%add3A_259] : memref<1008xf32, #tpu.memory_space<vmem>>[vector<16xi32>], vector<16xf32>,
      %mul3A_264 = arith.constant 129 : i32
      %mul3A_265 = vector.broadcast %mul3A_264 : i32 to vector<16xi32>
      %mul3A_266 = arith.muli %gather3A, %mul3A_265 : vector<16xi32>
      %mul3A_267 = arith.constant 12 : i32
      %mul3A_268 = vector.broadcast %mul3A_267 : i32 to vector<16xi32>
      %mul3A_269 = arith.muli %gather3A_260, %mul3A_268 : vector<16xi32>
      %add3A_270 = arith.constant 119 : i32
      %add3A_271 = vector.broadcast %add3A_270 : i32 to vector<16xi32>
      %add3A_272 = arith.addi %add3A_271, %mul3A_269 : vector<16xi32>
      %add3A_273 = arith.addi %add3A_272, %gather3A_261 : vector<16xi32>
      %mul3A_274 = arith.constant 129 : i32
      %mul3A_275 = vector.broadcast %mul3A_274 : i32 to vector<16xi32>
      %mul3A_276 = arith.muli %add3A_273, %mul3A_275 : vector<16xi32>
      %add3A_277 = arith.constant 215 : i32
      %add3A_278 = vector.broadcast %add3A_277 : i32 to vector<16xi32>
      %add3A_279 = arith.addi %add3A_278, %gather3A_262 : vector<16xi32>
      %mul3A_280 = arith.constant 129 : i32
      %mul3A_281 = vector.broadcast %mul3A_280 : i32 to vector<16xi32>
      %mul3A_282 = arith.muli %add3A_279, %mul3A_281 : vector<16xi32>
      %mul3A_283 = arith.constant 1.280000e+01 : f32
      %mul3A_284 = vector.broadcast %mul3A_283 : f32 to vector<16xf32>
      %mul3A_285 = arith.mulf %gather3A_263, %mul3A_284 : vector<16xf32>
      %convert_element_type3A = arith.fptosi %mul3A_285 : vector<16xf32> to vector<16xi32>
      %min3A_286 = arith.constant 255 : i32
      %min3A_287 = vector.broadcast %min3A_286 : i32 to vector<16xi32>
      %min3A_288 = arith.minsi %convert_element_type3A, %min3A_287 : vector<16xi32>
      %max3A = arith.constant 0 : i32
      %max3A_289 = vector.broadcast %max3A : i32 to vector<16xi32>
      %max3A_290 = arith.maxsi %min3A_288, %max3A_289 : vector<16xi32>
      %convert_element_type3A_291 = arith.sitofp %max3A_290 : vector<16xi32> to vector<16xf32>
      %sub3A = arith.subf %mul3A_285, %convert_element_type3A_291 : vector<16xf32>
      %mul3A_292 = arith.constant 129 : i32
      %mul3A_293 = vector.broadcast %mul3A_292 : i32 to vector<16xi32>
      %mul3A_294 = arith.muli %max3A_290, %mul3A_293 : vector<16xi32>
      %mul3A_295 = arith.constant 16 : i32
      %mul3A_296 = arith.muli %scan3A_253, %mul3A_295 : i32
      %add3A_297 = vector.broadcast %mul3A_296 : i32 to vector<16xi32>
      %add3A_298 = arith.addi %add3A_297, %iota3A : vector<16xi32>
      %parallel_loop3A = arith.constant 0 : i32
      %parallel_loop3A_299 = arith.constant 128 : i32
      %parallel_loop3A_300 = arith.constant 1 : i32
      scf.for %parallel_loop3A_301 = %parallel_loop3A to %parallel_loop3A_299 step %parallel_loop3A_300  : i32 {
        %parallel_loop3A_302 = vector.broadcast %parallel_loop3A_301 : i32 to vector<16xi32>
        %parallel_loop3A_303 = arith.addi %mul3A_266, %parallel_loop3A_302 : vector<16xi32>
        %parallel_loop3A_304 = tpu.vector_load_idx %arg15[%parallel_loop3A_303] : memref<29799xf32, #tpu.memory_space<vmem>>[vector<16xi32>], vector<16xf32>,
        %parallel_loop3A_305 = vector.broadcast %parallel_loop3A_301 : i32 to vector<16xi32>
        %parallel_loop3A_306 = arith.addi %mul3A_276, %parallel_loop3A_305 : vector<16xi32>
        %parallel_loop3A_307 = tpu.vector_load_idx %arg15[%parallel_loop3A_306] : memref<29799xf32, #tpu.memory_space<vmem>>[vector<16xi32>], vector<16xf32>,
        %parallel_loop3A_308 = arith.addf %parallel_loop3A_304, %parallel_loop3A_307 : vector<16xf32>
        %parallel_loop3A_309 = vector.broadcast %parallel_loop3A_301 : i32 to vector<16xi32>
        %parallel_loop3A_310 = arith.addi %mul3A_282, %parallel_loop3A_309 : vector<16xi32>
        %parallel_loop3A_311 = tpu.vector_load_idx %arg15[%parallel_loop3A_310] : memref<29799xf32, #tpu.memory_space<vmem>>[vector<16xi32>], vector<16xf32>,
        %parallel_loop3A_312 = arith.addf %parallel_loop3A_308, %parallel_loop3A_311 : vector<16xf32>
        %parallel_loop3A_313 = vector.broadcast %parallel_loop3A_301 : i32 to vector<16xi32>
        %parallel_loop3A_314 = arith.addi %mul3A_294, %parallel_loop3A_313 : vector<16xi32>
        %parallel_loop3A_315 = tpu.vector_load_idx %arg16[%parallel_loop3A_314] : memref<34056xf32, #tpu.memory_space<vmem>>[vector<16xi32>], vector<16xf32>,
        %parallel_loop3A_316 = arith.constant 129 : i32
        %parallel_loop3A_317 = vector.broadcast %parallel_loop3A_316 : i32 to vector<16xi32>
        %parallel_loop3A_318 = arith.addi %mul3A_294, %parallel_loop3A_317 : vector<16xi32>
        %parallel_loop3A_319 = vector.broadcast %parallel_loop3A_301 : i32 to vector<16xi32>
        %parallel_loop3A_320 = arith.addi %parallel_loop3A_318, %parallel_loop3A_319 : vector<16xi32>
        %parallel_loop3A_321 = tpu.vector_load_idx %arg16[%parallel_loop3A_320] : memref<34056xf32, #tpu.memory_space<vmem>>[vector<16xi32>], vector<16xf32>,
        %parallel_loop3A_322 = arith.addf %parallel_loop3A_312, %parallel_loop3A_315 : vector<16xf32>
        %parallel_loop3A_323 = arith.subf %parallel_loop3A_321, %parallel_loop3A_315 : vector<16xf32>
        %parallel_loop3A_324 = arith.mulf %sub3A, %parallel_loop3A_323 : vector<16xf32>
        %parallel_loop3A_325 = arith.addf %parallel_loop3A_322, %parallel_loop3A_324 : vector<16xf32>
        %parallel_loop3A_326 = arith.constant 0 : i32
        %parallel_loop3A_327 = vector.broadcast %parallel_loop3A_326 : i32 to vector<16xi32>
        %parallel_loop3A_328 = arith.muli %iota3A, %parallel_loop3A_327 : vector<16xi32>
        %parallel_loop3A_329 = vector.broadcast %parallel_loop3A_301 : i32 to vector<16xi32>
        %parallel_loop3A_330 = arith.addi %parallel_loop3A_328, %parallel_loop3A_329 : vector<16xi32>
        tpu.vector_store_idx %arg17[%add3A_298, %parallel_loop3A_330], %parallel_loop3A_325 : memref<112x129xf32, #tpu.memory_space<vmem>>[vector<16xi32>, vector<16xi32>], vector<16xf32>,
      } {sc.loop_unroll_factor = 8 : i64, sc.parallel_access}
    }
    %scan3A_8 = arith.constant 7 : i32
    %add3A_9 = arith.constant 0 : i32
    %add3A_10 = arith.addi %min3A_3, %add3A_9 : i32
    %dma_start3A = arith.constant 0 : i32
    %dma_start3A_11 = arith.constant 0 : i32
    %dma_start3A_12 = tpu.memref_slice %arg17[%dma_start3A, %dma_start3A_11] : memref<112x129xf32, #tpu.memory_space<vmem>> -> memref<112x128xf32, #tpu.memory_space<vmem>>
    %dma_start3A_13 = arith.constant 0 : i32
    %dma_start3A_14 = tpu.memref_slice %arg9[%add3A_10, %dma_start3A_13] : memref<50000x128xf32, #tpu.memory_space<hbm>> -> memref<112x128xf32, #tpu.memory_space<hbm>>
    %dma_start3A_15 = arith.constant 0 : i32
    %dma_start3A_16 = tpu.memref_slice %arg9[%add3A_10, %dma_start3A_15] : memref<50000x128xf32, #tpu.memory_space<hbm>> -> memref<112x128xf32, #tpu.memory_space<hbm>>
    %dma_start3A_17 = arith.constant 0 : i32
    %dma_start3A_18 = arith.constant 0 : i32
    %dma_start3A_19 = tpu.memref_slice %arg17[%dma_start3A_17, %dma_start3A_18] : memref<112x129xf32, #tpu.memory_space<vmem>> -> memref<112x128xf32, #tpu.memory_space<vmem>>
    tpu.enqueue_dma source(%dma_start3A_19 : memref<112x128xf32, #tpu.memory_space<vmem>>) target(%dma_start3A_16 : memref<112x128xf32, #tpu.memory_space<hbm>>) target_semaphore(%arg19 : memref<!tpu.dma_semaphore, #tpu.memory_space<semaphore_mem>>)
    %scan3A_20 = arith.constant 0 : i32
    %scan3A_21 = arith.constant 0 : i32
    %scan3A_22 = arith.constant 7 : i32
    %scan3A_23 = arith.addi %scan3A_21, %scan3A_22 : i32
    %scan3A_24 = arith.constant 1 : i32
    scf.for %scan3A_253 = %scan3A_21 to %scan3A_23 step %scan3A_24  : i32 {
      %mul3A_254 = arith.constant 16 : i32
      %mul3A_255 = arith.muli %scan3A_253, %mul3A_254 : i32
      %add3A_256 = arith.constant 112 : i32
      %add3A_257 = arith.addi %add3A_256, %mul3A_255 : i32
      %add3A_258 = vector.broadcast %add3A_257 : i32 to vector<16xi32>
      %add3A_259 = arith.addi %iota3A, %add3A_258 : vector<16xi32>
      %gather3A = tpu.vector_load_idx %arg10[%add3A_259] : memref<1008xi32, #tpu.memory_space<vmem>>[vector<16xi32>], vector<16xi32>,
      %gather3A_260 = tpu.vector_load_idx %arg11[%add3A_259] : memref<1008xi32, #tpu.memory_space<vmem>>[vector<16xi32>], vector<16xi32>,
      %gather3A_261 = tpu.vector_load_idx %arg12[%add3A_259] : memref<1008xi32, #tpu.memory_space<vmem>>[vector<16xi32>], vector<16xi32>,
      %gather3A_262 = tpu.vector_load_idx %arg13[%add3A_259] : memref<1008xi32, #tpu.memory_space<vmem>>[vector<16xi32>], vector<16xi32>,
      %gather3A_263 = tpu.vector_load_idx %arg14[%add3A_259] : memref<1008xf32, #tpu.memory_space<vmem>>[vector<16xi32>], vector<16xf32>,
      %mul3A_264 = arith.constant 129 : i32
      %mul3A_265 = vector.broadcast %mul3A_264 : i32 to vector<16xi32>
      %mul3A_266 = arith.muli %gather3A, %mul3A_265 : vector<16xi32>
      %mul3A_267 = arith.constant 12 : i32
      %mul3A_268 = vector.broadcast %mul3A_267 : i32 to vector<16xi32>
      %mul3A_269 = arith.muli %gather3A_260, %mul3A_268 : vector<16xi32>
      %add3A_270 = arith.constant 119 : i32
      %add3A_271 = vector.broadcast %add3A_270 : i32 to vector<16xi32>
      %add3A_272 = arith.addi %add3A_271, %mul3A_269 : vector<16xi32>
      %add3A_273 = arith.addi %add3A_272, %gather3A_261 : vector<16xi32>
      %mul3A_274 = arith.constant 129 : i32
      %mul3A_275 = vector.broadcast %mul3A_274 : i32 to vector<16xi32>
      %mul3A_276 = arith.muli %add3A_273, %mul3A_275 : vector<16xi32>
      %add3A_277 = arith.constant 215 : i32
      %add3A_278 = vector.broadcast %add3A_277 : i32 to vector<16xi32>
      %add3A_279 = arith.addi %add3A_278, %gather3A_262 : vector<16xi32>
      %mul3A_280 = arith.constant 129 : i32
      %mul3A_281 = vector.broadcast %mul3A_280 : i32 to vector<16xi32>
      %mul3A_282 = arith.muli %add3A_279, %mul3A_281 : vector<16xi32>
      %mul3A_283 = arith.constant 1.280000e+01 : f32
      %mul3A_284 = vector.broadcast %mul3A_283 : f32 to vector<16xf32>
      %mul3A_285 = arith.mulf %gather3A_263, %mul3A_284 : vector<16xf32>
      %convert_element_type3A = arith.fptosi %mul3A_285 : vector<16xf32> to vector<16xi32>
      %min3A_286 = arith.constant 255 : i32
      %min3A_287 = vector.broadcast %min3A_286 : i32 to vector<16xi32>
      %min3A_288 = arith.minsi %convert_element_type3A, %min3A_287 : vector<16xi32>
      %max3A = arith.constant 0 : i32
      %max3A_289 = vector.broadcast %max3A : i32 to vector<16xi32>
      %max3A_290 = arith.maxsi %min3A_288, %max3A_289 : vector<16xi32>
      %convert_element_type3A_291 = arith.sitofp %max3A_290 : vector<16xi32> to vector<16xf32>
      %sub3A = arith.subf %mul3A_285, %convert_element_type3A_291 : vector<16xf32>
      %mul3A_292 = arith.constant 129 : i32
      %mul3A_293 = vector.broadcast %mul3A_292 : i32 to vector<16xi32>
      %mul3A_294 = arith.muli %max3A_290, %mul3A_293 : vector<16xi32>
      %mul3A_295 = arith.constant 16 : i32
      %mul3A_296 = arith.muli %scan3A_253, %mul3A_295 : i32
      %add3A_297 = vector.broadcast %mul3A_296 : i32 to vector<16xi32>
      %add3A_298 = arith.addi %add3A_297, %iota3A : vector<16xi32>
      %parallel_loop3A = arith.constant 0 : i32
      %parallel_loop3A_299 = arith.constant 128 : i32
      %parallel_loop3A_300 = arith.constant 1 : i32
      scf.for %parallel_loop3A_301 = %parallel_loop3A to %parallel_loop3A_299 step %parallel_loop3A_300  : i32 {
        %parallel_loop3A_302 = vector.broadcast %parallel_loop3A_301 : i32 to vector<16xi32>
        %parallel_loop3A_303 = arith.addi %mul3A_266, %parallel_loop3A_302 : vector<16xi32>
        %parallel_loop3A_304 = tpu.vector_load_idx %arg15[%parallel_loop3A_303] : memref<29799xf32, #tpu.memory_space<vmem>>[vector<16xi32>], vector<16xf32>,
        %parallel_loop3A_305 = vector.broadcast %parallel_loop3A_301 : i32 to vector<16xi32>
        %parallel_loop3A_306 = arith.addi %mul3A_276, %parallel_loop3A_305 : vector<16xi32>
        %parallel_loop3A_307 = tpu.vector_load_idx %arg15[%parallel_loop3A_306] : memref<29799xf32, #tpu.memory_space<vmem>>[vector<16xi32>], vector<16xf32>,
        %parallel_loop3A_308 = arith.addf %parallel_loop3A_304, %parallel_loop3A_307 : vector<16xf32>
        %parallel_loop3A_309 = vector.broadcast %parallel_loop3A_301 : i32 to vector<16xi32>
        %parallel_loop3A_310 = arith.addi %mul3A_282, %parallel_loop3A_309 : vector<16xi32>
        %parallel_loop3A_311 = tpu.vector_load_idx %arg15[%parallel_loop3A_310] : memref<29799xf32, #tpu.memory_space<vmem>>[vector<16xi32>], vector<16xf32>,
        %parallel_loop3A_312 = arith.addf %parallel_loop3A_308, %parallel_loop3A_311 : vector<16xf32>
        %parallel_loop3A_313 = vector.broadcast %parallel_loop3A_301 : i32 to vector<16xi32>
        %parallel_loop3A_314 = arith.addi %mul3A_294, %parallel_loop3A_313 : vector<16xi32>
        %parallel_loop3A_315 = tpu.vector_load_idx %arg16[%parallel_loop3A_314] : memref<34056xf32, #tpu.memory_space<vmem>>[vector<16xi32>], vector<16xf32>,
        %parallel_loop3A_316 = arith.constant 129 : i32
        %parallel_loop3A_317 = vector.broadcast %parallel_loop3A_316 : i32 to vector<16xi32>
        %parallel_loop3A_318 = arith.addi %mul3A_294, %parallel_loop3A_317 : vector<16xi32>
        %parallel_loop3A_319 = vector.broadcast %parallel_loop3A_301 : i32 to vector<16xi32>
        %parallel_loop3A_320 = arith.addi %parallel_loop3A_318, %parallel_loop3A_319 : vector<16xi32>
        %parallel_loop3A_321 = tpu.vector_load_idx %arg16[%parallel_loop3A_320] : memref<34056xf32, #tpu.memory_space<vmem>>[vector<16xi32>], vector<16xf32>,
        %parallel_loop3A_322 = arith.addf %parallel_loop3A_312, %parallel_loop3A_315 : vector<16xf32>
        %parallel_loop3A_323 = arith.subf %parallel_loop3A_321, %parallel_loop3A_315 : vector<16xf32>
        %parallel_loop3A_324 = arith.mulf %sub3A, %parallel_loop3A_323 : vector<16xf32>
        %parallel_loop3A_325 = arith.addf %parallel_loop3A_322, %parallel_loop3A_324 : vector<16xf32>
        %parallel_loop3A_326 = arith.constant 0 : i32
        %parallel_loop3A_327 = vector.broadcast %parallel_loop3A_326 : i32 to vector<16xi32>
        %parallel_loop3A_328 = arith.muli %iota3A, %parallel_loop3A_327 : vector<16xi32>
        %parallel_loop3A_329 = vector.broadcast %parallel_loop3A_301 : i32 to vector<16xi32>
        %parallel_loop3A_330 = arith.addi %parallel_loop3A_328, %parallel_loop3A_329 : vector<16xi32>
        tpu.vector_store_idx %arg18[%add3A_298, %parallel_loop3A_330], %parallel_loop3A_325 : memref<112x129xf32, #tpu.memory_space<vmem>>[vector<16xi32>, vector<16xi32>], vector<16xf32>,
      } {sc.loop_unroll_factor = 8 : i64, sc.parallel_access}
    }
    %scan3A_25 = arith.constant 7 : i32
    %add3A_26 = arith.constant 112 : i32
    %add3A_27 = arith.addi %min3A_3, %add3A_26 : i32
    %dma_start3A_28 = arith.constant 0 : i32
    %dma_start3A_29 = arith.constant 0 : i32
    %dma_start3A_30 = tpu.memref_slice %arg18[%dma_start3A_28, %dma_start3A_29] : memref<112x129xf32, #tpu.memory_space<vmem>> -> memref<112x128xf32, #tpu.memory_space<vmem>>
    %dma_start3A_31 = arith.constant 0 : i32
    %dma_start3A_32 = tpu.memref_slice %arg9[%add3A_27, %dma_start3A_31] : memref<50000x128xf32, #tpu.memory_space<hbm>> -> memref<112x128xf32, #tpu.memory_space<hbm>>
    %dma_start3A_33 = arith.constant 0 : i32
    %dma_start3A_34 = tpu.memref_slice %arg9[%add3A_27, %dma_start3A_33] : memref<50000x128xf32, #tpu.memory_space<hbm>> -> memref<112x128xf32, #tpu.memory_space<hbm>>
    %dma_start3A_35 = arith.constant 0 : i32
    %dma_start3A_36 = arith.constant 0 : i32
    %dma_start3A_37 = tpu.memref_slice %arg18[%dma_start3A_35, %dma_start3A_36] : memref<112x129xf32, #tpu.memory_space<vmem>> -> memref<112x128xf32, #tpu.memory_space<vmem>>
    tpu.enqueue_dma source(%dma_start3A_37 : memref<112x128xf32, #tpu.memory_space<vmem>>) target(%dma_start3A_34 : memref<112x128xf32, #tpu.memory_space<hbm>>) target_semaphore(%arg20 : memref<!tpu.dma_semaphore, #tpu.memory_space<semaphore_mem>>)
    %dma_wait3A = arith.constant 0 : i32
    %dma_wait3A_38 = arith.constant 0 : i32
    %dma_wait3A_39 = tpu.memref_slice %arg17[%dma_wait3A, %dma_wait3A_38] : memref<112x129xf32, #tpu.memory_space<vmem>> -> memref<112x128xf32, #tpu.memory_space<vmem>>
    %dma_wait3A_40 = arith.constant 0 : i32
    %dma_wait3A_41 = tpu.memref_slice %arg9[%add3A_10, %dma_wait3A_40] : memref<50000x128xf32, #tpu.memory_space<hbm>> -> memref<112x128xf32, #tpu.memory_space<hbm>>
    %dma_wait3A_42 = arith.constant 0 : i32
    %dma_wait3A_43 = tpu.memref_slice %arg9[%add3A_10, %dma_wait3A_42] : memref<50000x128xf32, #tpu.memory_space<hbm>> -> memref<112x128xf32, #tpu.memory_space<hbm>>
    %dma_wait3A_44 = arith.constant 0 : i32
    %dma_wait3A_45 = arith.constant 0 : i32
    %dma_wait3A_46 = tpu.memref_slice %arg17[%dma_wait3A_44, %dma_wait3A_45] : memref<112x129xf32, #tpu.memory_space<vmem>> -> memref<112x128xf32, #tpu.memory_space<vmem>>
    tpu.wait_dma2 semaphore(%arg19 : memref<!tpu.dma_semaphore, #tpu.memory_space<semaphore_mem>>) src(%dma_wait3A_46 : memref<112x128xf32, #tpu.memory_space<vmem>>) dst(%dma_wait3A_43 : memref<112x128xf32, #tpu.memory_space<hbm>>)
    %scan3A_47 = arith.constant 0 : i32
    %scan3A_48 = arith.constant 0 : i32
    %scan3A_49 = arith.constant 7 : i32
    %scan3A_50 = arith.addi %scan3A_48, %scan3A_49 : i32
    %scan3A_51 = arith.constant 1 : i32
    scf.for %scan3A_253 = %scan3A_48 to %scan3A_50 step %scan3A_51  : i32 {
      %mul3A_254 = arith.constant 16 : i32
      %mul3A_255 = arith.muli %scan3A_253, %mul3A_254 : i32
      %add3A_256 = arith.constant 224 : i32
      %add3A_257 = arith.addi %add3A_256, %mul3A_255 : i32
      %add3A_258 = vector.broadcast %add3A_257 : i32 to vector<16xi32>
      %add3A_259 = arith.addi %iota3A, %add3A_258 : vector<16xi32>
      %gather3A = tpu.vector_load_idx %arg10[%add3A_259] : memref<1008xi32, #tpu.memory_space<vmem>>[vector<16xi32>], vector<16xi32>,
      %gather3A_260 = tpu.vector_load_idx %arg11[%add3A_259] : memref<1008xi32, #tpu.memory_space<vmem>>[vector<16xi32>], vector<16xi32>,
      %gather3A_261 = tpu.vector_load_idx %arg12[%add3A_259] : memref<1008xi32, #tpu.memory_space<vmem>>[vector<16xi32>], vector<16xi32>,
      %gather3A_262 = tpu.vector_load_idx %arg13[%add3A_259] : memref<1008xi32, #tpu.memory_space<vmem>>[vector<16xi32>], vector<16xi32>,
      %gather3A_263 = tpu.vector_load_idx %arg14[%add3A_259] : memref<1008xf32, #tpu.memory_space<vmem>>[vector<16xi32>], vector<16xf32>,
      %mul3A_264 = arith.constant 129 : i32
      %mul3A_265 = vector.broadcast %mul3A_264 : i32 to vector<16xi32>
      %mul3A_266 = arith.muli %gather3A, %mul3A_265 : vector<16xi32>
      %mul3A_267 = arith.constant 12 : i32
      %mul3A_268 = vector.broadcast %mul3A_267 : i32 to vector<16xi32>
      %mul3A_269 = arith.muli %gather3A_260, %mul3A_268 : vector<16xi32>
      %add3A_270 = arith.constant 119 : i32
      %add3A_271 = vector.broadcast %add3A_270 : i32 to vector<16xi32>
      %add3A_272 = arith.addi %add3A_271, %mul3A_269 : vector<16xi32>
      %add3A_273 = arith.addi %add3A_272, %gather3A_261 : vector<16xi32>
      %mul3A_274 = arith.constant 129 : i32
      %mul3A_275 = vector.broadcast %mul3A_274 : i32 to vector<16xi32>
      %mul3A_276 = arith.muli %add3A_273, %mul3A_275 : vector<16xi32>
      %add3A_277 = arith.constant 215 : i32
      %add3A_278 = vector.broadcast %add3A_277 : i32 to vector<16xi32>
      %add3A_279 = arith.addi %add3A_278, %gather3A_262 : vector<16xi32>
      %mul3A_280 = arith.constant 129 : i32
      %mul3A_281 = vector.broadcast %mul3A_280 : i32 to vector<16xi32>
      %mul3A_282 = arith.muli %add3A_279, %mul3A_281 : vector<16xi32>
      %mul3A_283 = arith.constant 1.280000e+01 : f32
      %mul3A_284 = vector.broadcast %mul3A_283 : f32 to vector<16xf32>
      %mul3A_285 = arith.mulf %gather3A_263, %mul3A_284 : vector<16xf32>
      %convert_element_type3A = arith.fptosi %mul3A_285 : vector<16xf32> to vector<16xi32>
      %min3A_286 = arith.constant 255 : i32
      %min3A_287 = vector.broadcast %min3A_286 : i32 to vector<16xi32>
      %min3A_288 = arith.minsi %convert_element_type3A, %min3A_287 : vector<16xi32>
      %max3A = arith.constant 0 : i32
      %max3A_289 = vector.broadcast %max3A : i32 to vector<16xi32>
      %max3A_290 = arith.maxsi %min3A_288, %max3A_289 : vector<16xi32>
      %convert_element_type3A_291 = arith.sitofp %max3A_290 : vector<16xi32> to vector<16xf32>
      %sub3A = arith.subf %mul3A_285, %convert_element_type3A_291 : vector<16xf32>
      %mul3A_292 = arith.constant 129 : i32
      %mul3A_293 = vector.broadcast %mul3A_292 : i32 to vector<16xi32>
      %mul3A_294 = arith.muli %max3A_290, %mul3A_293 : vector<16xi32>
      %mul3A_295 = arith.constant 16 : i32
      %mul3A_296 = arith.muli %scan3A_253, %mul3A_295 : i32
      %add3A_297 = vector.broadcast %mul3A_296 : i32 to vector<16xi32>
      %add3A_298 = arith.addi %add3A_297, %iota3A : vector<16xi32>
      %parallel_loop3A = arith.constant 0 : i32
      %parallel_loop3A_299 = arith.constant 128 : i32
      %parallel_loop3A_300 = arith.constant 1 : i32
      scf.for %parallel_loop3A_301 = %parallel_loop3A to %parallel_loop3A_299 step %parallel_loop3A_300  : i32 {
        %parallel_loop3A_302 = vector.broadcast %parallel_loop3A_301 : i32 to vector<16xi32>
        %parallel_loop3A_303 = arith.addi %mul3A_266, %parallel_loop3A_302 : vector<16xi32>
        %parallel_loop3A_304 = tpu.vector_load_idx %arg15[%parallel_loop3A_303] : memref<29799xf32, #tpu.memory_space<vmem>>[vector<16xi32>], vector<16xf32>,
        %parallel_loop3A_305 = vector.broadcast %parallel_loop3A_301 : i32 to vector<16xi32>
        %parallel_loop3A_306 = arith.addi %mul3A_276, %parallel_loop3A_305 : vector<16xi32>
        %parallel_loop3A_307 = tpu.vector_load_idx %arg15[%parallel_loop3A_306] : memref<29799xf32, #tpu.memory_space<vmem>>[vector<16xi32>], vector<16xf32>,
        %parallel_loop3A_308 = arith.addf %parallel_loop3A_304, %parallel_loop3A_307 : vector<16xf32>
        %parallel_loop3A_309 = vector.broadcast %parallel_loop3A_301 : i32 to vector<16xi32>
        %parallel_loop3A_310 = arith.addi %mul3A_282, %parallel_loop3A_309 : vector<16xi32>
        %parallel_loop3A_311 = tpu.vector_load_idx %arg15[%parallel_loop3A_310] : memref<29799xf32, #tpu.memory_space<vmem>>[vector<16xi32>], vector<16xf32>,
        %parallel_loop3A_312 = arith.addf %parallel_loop3A_308, %parallel_loop3A_311 : vector<16xf32>
        %parallel_loop3A_313 = vector.broadcast %parallel_loop3A_301 : i32 to vector<16xi32>
        %parallel_loop3A_314 = arith.addi %mul3A_294, %parallel_loop3A_313 : vector<16xi32>
        %parallel_loop3A_315 = tpu.vector_load_idx %arg16[%parallel_loop3A_314] : memref<34056xf32, #tpu.memory_space<vmem>>[vector<16xi32>], vector<16xf32>,
        %parallel_loop3A_316 = arith.constant 129 : i32
        %parallel_loop3A_317 = vector.broadcast %parallel_loop3A_316 : i32 to vector<16xi32>
        %parallel_loop3A_318 = arith.addi %mul3A_294, %parallel_loop3A_317 : vector<16xi32>
        %parallel_loop3A_319 = vector.broadcast %parallel_loop3A_301 : i32 to vector<16xi32>
        %parallel_loop3A_320 = arith.addi %parallel_loop3A_318, %parallel_loop3A_319 : vector<16xi32>
        %parallel_loop3A_321 = tpu.vector_load_idx %arg16[%parallel_loop3A_320] : memref<34056xf32, #tpu.memory_space<vmem>>[vector<16xi32>], vector<16xf32>,
        %parallel_loop3A_322 = arith.addf %parallel_loop3A_312, %parallel_loop3A_315 : vector<16xf32>
        %parallel_loop3A_323 = arith.subf %parallel_loop3A_321, %parallel_loop3A_315 : vector<16xf32>
        %parallel_loop3A_324 = arith.mulf %sub3A, %parallel_loop3A_323 : vector<16xf32>
        %parallel_loop3A_325 = arith.addf %parallel_loop3A_322, %parallel_loop3A_324 : vector<16xf32>
        %parallel_loop3A_326 = arith.constant 0 : i32
        %parallel_loop3A_327 = vector.broadcast %parallel_loop3A_326 : i32 to vector<16xi32>
        %parallel_loop3A_328 = arith.muli %iota3A, %parallel_loop3A_327 : vector<16xi32>
        %parallel_loop3A_329 = vector.broadcast %parallel_loop3A_301 : i32 to vector<16xi32>
        %parallel_loop3A_330 = arith.addi %parallel_loop3A_328, %parallel_loop3A_329 : vector<16xi32>
        tpu.vector_store_idx %arg17[%add3A_298, %parallel_loop3A_330], %parallel_loop3A_325 : memref<112x129xf32, #tpu.memory_space<vmem>>[vector<16xi32>, vector<16xi32>], vector<16xf32>,
      } {sc.loop_unroll_factor = 8 : i64, sc.parallel_access}
    }
    %scan3A_52 = arith.constant 7 : i32
    %add3A_53 = arith.constant 224 : i32
    %add3A_54 = arith.addi %min3A_3, %add3A_53 : i32
    %dma_start3A_55 = arith.constant 0 : i32
    %dma_start3A_56 = arith.constant 0 : i32
    %dma_start3A_57 = tpu.memref_slice %arg17[%dma_start3A_55, %dma_start3A_56] : memref<112x129xf32, #tpu.memory_space<vmem>> -> memref<112x128xf32, #tpu.memory_space<vmem>>
    %dma_start3A_58 = arith.constant 0 : i32
    %dma_start3A_59 = tpu.memref_slice %arg9[%add3A_54, %dma_start3A_58] : memref<50000x128xf32, #tpu.memory_space<hbm>> -> memref<112x128xf32, #tpu.memory_space<hbm>>
    %dma_start3A_60 = arith.constant 0 : i32
    %dma_start3A_61 = tpu.memref_slice %arg9[%add3A_54, %dma_start3A_60] : memref<50000x128xf32, #tpu.memory_space<hbm>> -> memref<112x128xf32, #tpu.memory_space<hbm>>
    %dma_start3A_62 = arith.constant 0 : i32
    %dma_start3A_63 = arith.constant 0 : i32
    %dma_start3A_64 = tpu.memref_slice %arg17[%dma_start3A_62, %dma_start3A_63] : memref<112x129xf32, #tpu.memory_space<vmem>> -> memref<112x128xf32, #tpu.memory_space<vmem>>
    tpu.enqueue_dma source(%dma_start3A_64 : memref<112x128xf32, #tpu.memory_space<vmem>>) target(%dma_start3A_61 : memref<112x128xf32, #tpu.memory_space<hbm>>) target_semaphore(%arg19 : memref<!tpu.dma_semaphore, #tpu.memory_space<semaphore_mem>>)
    %dma_wait3A_65 = arith.constant 0 : i32
    %dma_wait3A_66 = arith.constant 0 : i32
    %dma_wait3A_67 = tpu.memref_slice %arg18[%dma_wait3A_65, %dma_wait3A_66] : memref<112x129xf32, #tpu.memory_space<vmem>> -> memref<112x128xf32, #tpu.memory_space<vmem>>
    %dma_wait3A_68 = arith.constant 0 : i32
    %dma_wait3A_69 = tpu.memref_slice %arg9[%add3A_27, %dma_wait3A_68] : memref<50000x128xf32, #tpu.memory_space<hbm>> -> memref<112x128xf32, #tpu.memory_space<hbm>>
    %dma_wait3A_70 = arith.constant 0 : i32
    %dma_wait3A_71 = tpu.memref_slice %arg9[%add3A_27, %dma_wait3A_70] : memref<50000x128xf32, #tpu.memory_space<hbm>> -> memref<112x128xf32, #tpu.memory_space<hbm>>
    %dma_wait3A_72 = arith.constant 0 : i32
    %dma_wait3A_73 = arith.constant 0 : i32
    %dma_wait3A_74 = tpu.memref_slice %arg18[%dma_wait3A_72, %dma_wait3A_73] : memref<112x129xf32, #tpu.memory_space<vmem>> -> memref<112x128xf32, #tpu.memory_space<vmem>>
    tpu.wait_dma2 semaphore(%arg20 : memref<!tpu.dma_semaphore, #tpu.memory_space<semaphore_mem>>) src(%dma_wait3A_74 : memref<112x128xf32, #tpu.memory_space<vmem>>) dst(%dma_wait3A_71 : memref<112x128xf32, #tpu.memory_space<hbm>>)
    %scan3A_75 = arith.constant 0 : i32
    %scan3A_76 = arith.constant 0 : i32
    %scan3A_77 = arith.constant 7 : i32
    %scan3A_78 = arith.addi %scan3A_76, %scan3A_77 : i32
    %scan3A_79 = arith.constant 1 : i32
    scf.for %scan3A_253 = %scan3A_76 to %scan3A_78 step %scan3A_79  : i32 {
      %mul3A_254 = arith.constant 16 : i32
      %mul3A_255 = arith.muli %scan3A_253, %mul3A_254 : i32
      %add3A_256 = arith.constant 336 : i32
      %add3A_257 = arith.addi %add3A_256, %mul3A_255 : i32
      %add3A_258 = vector.broadcast %add3A_257 : i32 to vector<16xi32>
      %add3A_259 = arith.addi %iota3A, %add3A_258 : vector<16xi32>
      %gather3A = tpu.vector_load_idx %arg10[%add3A_259] : memref<1008xi32, #tpu.memory_space<vmem>>[vector<16xi32>], vector<16xi32>,
      %gather3A_260 = tpu.vector_load_idx %arg11[%add3A_259] : memref<1008xi32, #tpu.memory_space<vmem>>[vector<16xi32>], vector<16xi32>,
      %gather3A_261 = tpu.vector_load_idx %arg12[%add3A_259] : memref<1008xi32, #tpu.memory_space<vmem>>[vector<16xi32>], vector<16xi32>,
      %gather3A_262 = tpu.vector_load_idx %arg13[%add3A_259] : memref<1008xi32, #tpu.memory_space<vmem>>[vector<16xi32>], vector<16xi32>,
      %gather3A_263 = tpu.vector_load_idx %arg14[%add3A_259] : memref<1008xf32, #tpu.memory_space<vmem>>[vector<16xi32>], vector<16xf32>,
      %mul3A_264 = arith.constant 129 : i32
      %mul3A_265 = vector.broadcast %mul3A_264 : i32 to vector<16xi32>
      %mul3A_266 = arith.muli %gather3A, %mul3A_265 : vector<16xi32>
      %mul3A_267 = arith.constant 12 : i32
      %mul3A_268 = vector.broadcast %mul3A_267 : i32 to vector<16xi32>
      %mul3A_269 = arith.muli %gather3A_260, %mul3A_268 : vector<16xi32>
      %add3A_270 = arith.constant 119 : i32
      %add3A_271 = vector.broadcast %add3A_270 : i32 to vector<16xi32>
      %add3A_272 = arith.addi %add3A_271, %mul3A_269 : vector<16xi32>
      %add3A_273 = arith.addi %add3A_272, %gather3A_261 : vector<16xi32>
      %mul3A_274 = arith.constant 129 : i32
      %mul3A_275 = vector.broadcast %mul3A_274 : i32 to vector<16xi32>
      %mul3A_276 = arith.muli %add3A_273, %mul3A_275 : vector<16xi32>
      %add3A_277 = arith.constant 215 : i32
      %add3A_278 = vector.broadcast %add3A_277 : i32 to vector<16xi32>
      %add3A_279 = arith.addi %add3A_278, %gather3A_262 : vector<16xi32>
      %mul3A_280 = arith.constant 129 : i32
      %mul3A_281 = vector.broadcast %mul3A_280 : i32 to vector<16xi32>
      %mul3A_282 = arith.muli %add3A_279, %mul3A_281 : vector<16xi32>
      %mul3A_283 = arith.constant 1.280000e+01 : f32
      %mul3A_284 = vector.broadcast %mul3A_283 : f32 to vector<16xf32>
      %mul3A_285 = arith.mulf %gather3A_263, %mul3A_284 : vector<16xf32>
      %convert_element_type3A = arith.fptosi %mul3A_285 : vector<16xf32> to vector<16xi32>
      %min3A_286 = arith.constant 255 : i32
      %min3A_287 = vector.broadcast %min3A_286 : i32 to vector<16xi32>
      %min3A_288 = arith.minsi %convert_element_type3A, %min3A_287 : vector<16xi32>
      %max3A = arith.constant 0 : i32
      %max3A_289 = vector.broadcast %max3A : i32 to vector<16xi32>
      %max3A_290 = arith.maxsi %min3A_288, %max3A_289 : vector<16xi32>
      %convert_element_type3A_291 = arith.sitofp %max3A_290 : vector<16xi32> to vector<16xf32>
      %sub3A = arith.subf %mul3A_285, %convert_element_type3A_291 : vector<16xf32>
      %mul3A_292 = arith.constant 129 : i32
      %mul3A_293 = vector.broadcast %mul3A_292 : i32 to vector<16xi32>
      %mul3A_294 = arith.muli %max3A_290, %mul3A_293 : vector<16xi32>
      %mul3A_295 = arith.constant 16 : i32
      %mul3A_296 = arith.muli %scan3A_253, %mul3A_295 : i32
      %add3A_297 = vector.broadcast %mul3A_296 : i32 to vector<16xi32>
      %add3A_298 = arith.addi %add3A_297, %iota3A : vector<16xi32>
      %parallel_loop3A = arith.constant 0 : i32
      %parallel_loop3A_299 = arith.constant 128 : i32
      %parallel_loop3A_300 = arith.constant 1 : i32
      scf.for %parallel_loop3A_301 = %parallel_loop3A to %parallel_loop3A_299 step %parallel_loop3A_300  : i32 {
        %parallel_loop3A_302 = vector.broadcast %parallel_loop3A_301 : i32 to vector<16xi32>
        %parallel_loop3A_303 = arith.addi %mul3A_266, %parallel_loop3A_302 : vector<16xi32>
        %parallel_loop3A_304 = tpu.vector_load_idx %arg15[%parallel_loop3A_303] : memref<29799xf32, #tpu.memory_space<vmem>>[vector<16xi32>], vector<16xf32>,
        %parallel_loop3A_305 = vector.broadcast %parallel_loop3A_301 : i32 to vector<16xi32>
        %parallel_loop3A_306 = arith.addi %mul3A_276, %parallel_loop3A_305 : vector<16xi32>
        %parallel_loop3A_307 = tpu.vector_load_idx %arg15[%parallel_loop3A_306] : memref<29799xf32, #tpu.memory_space<vmem>>[vector<16xi32>], vector<16xf32>,
        %parallel_loop3A_308 = arith.addf %parallel_loop3A_304, %parallel_loop3A_307 : vector<16xf32>
        %parallel_loop3A_309 = vector.broadcast %parallel_loop3A_301 : i32 to vector<16xi32>
        %parallel_loop3A_310 = arith.addi %mul3A_282, %parallel_loop3A_309 : vector<16xi32>
        %parallel_loop3A_311 = tpu.vector_load_idx %arg15[%parallel_loop3A_310] : memref<29799xf32, #tpu.memory_space<vmem>>[vector<16xi32>], vector<16xf32>,
        %parallel_loop3A_312 = arith.addf %parallel_loop3A_308, %parallel_loop3A_311 : vector<16xf32>
        %parallel_loop3A_313 = vector.broadcast %parallel_loop3A_301 : i32 to vector<16xi32>
        %parallel_loop3A_314 = arith.addi %mul3A_294, %parallel_loop3A_313 : vector<16xi32>
        %parallel_loop3A_315 = tpu.vector_load_idx %arg16[%parallel_loop3A_314] : memref<34056xf32, #tpu.memory_space<vmem>>[vector<16xi32>], vector<16xf32>,
        %parallel_loop3A_316 = arith.constant 129 : i32
        %parallel_loop3A_317 = vector.broadcast %parallel_loop3A_316 : i32 to vector<16xi32>
        %parallel_loop3A_318 = arith.addi %mul3A_294, %parallel_loop3A_317 : vector<16xi32>
        %parallel_loop3A_319 = vector.broadcast %parallel_loop3A_301 : i32 to vector<16xi32>
        %parallel_loop3A_320 = arith.addi %parallel_loop3A_318, %parallel_loop3A_319 : vector<16xi32>
        %parallel_loop3A_321 = tpu.vector_load_idx %arg16[%parallel_loop3A_320] : memref<34056xf32, #tpu.memory_space<vmem>>[vector<16xi32>], vector<16xf32>,
        %parallel_loop3A_322 = arith.addf %parallel_loop3A_312, %parallel_loop3A_315 : vector<16xf32>
        %parallel_loop3A_323 = arith.subf %parallel_loop3A_321, %parallel_loop3A_315 : vector<16xf32>
        %parallel_loop3A_324 = arith.mulf %sub3A, %parallel_loop3A_323 : vector<16xf32>
        %parallel_loop3A_325 = arith.addf %parallel_loop3A_322, %parallel_loop3A_324 : vector<16xf32>
        %parallel_loop3A_326 = arith.constant 0 : i32
        %parallel_loop3A_327 = vector.broadcast %parallel_loop3A_326 : i32 to vector<16xi32>
        %parallel_loop3A_328 = arith.muli %iota3A, %parallel_loop3A_327 : vector<16xi32>
        %parallel_loop3A_329 = vector.broadcast %parallel_loop3A_301 : i32 to vector<16xi32>
        %parallel_loop3A_330 = arith.addi %parallel_loop3A_328, %parallel_loop3A_329 : vector<16xi32>
        tpu.vector_store_idx %arg18[%add3A_298, %parallel_loop3A_330], %parallel_loop3A_325 : memref<112x129xf32, #tpu.memory_space<vmem>>[vector<16xi32>, vector<16xi32>], vector<16xf32>,
      } {sc.loop_unroll_factor = 8 : i64, sc.parallel_access}
    }
    %scan3A_80 = arith.constant 7 : i32
    %add3A_81 = arith.constant 336 : i32
    %add3A_82 = arith.addi %min3A_3, %add3A_81 : i32
    %dma_start3A_83 = arith.constant 0 : i32
    %dma_start3A_84 = arith.constant 0 : i32
    %dma_start3A_85 = tpu.memref_slice %arg18[%dma_start3A_83, %dma_start3A_84] : memref<112x129xf32, #tpu.memory_space<vmem>> -> memref<112x128xf32, #tpu.memory_space<vmem>>
    %dma_start3A_86 = arith.constant 0 : i32
    %dma_start3A_87 = tpu.memref_slice %arg9[%add3A_82, %dma_start3A_86] : memref<50000x128xf32, #tpu.memory_space<hbm>> -> memref<112x128xf32, #tpu.memory_space<hbm>>
    %dma_start3A_88 = arith.constant 0 : i32
    %dma_start3A_89 = tpu.memref_slice %arg9[%add3A_82, %dma_start3A_88] : memref<50000x128xf32, #tpu.memory_space<hbm>> -> memref<112x128xf32, #tpu.memory_space<hbm>>
    %dma_start3A_90 = arith.constant 0 : i32
    %dma_start3A_91 = arith.constant 0 : i32
    %dma_start3A_92 = tpu.memref_slice %arg18[%dma_start3A_90, %dma_start3A_91] : memref<112x129xf32, #tpu.memory_space<vmem>> -> memref<112x128xf32, #tpu.memory_space<vmem>>
    tpu.enqueue_dma source(%dma_start3A_92 : memref<112x128xf32, #tpu.memory_space<vmem>>) target(%dma_start3A_89 : memref<112x128xf32, #tpu.memory_space<hbm>>) target_semaphore(%arg20 : memref<!tpu.dma_semaphore, #tpu.memory_space<semaphore_mem>>)
    %dma_wait3A_93 = arith.constant 0 : i32
    %dma_wait3A_94 = arith.constant 0 : i32
    %dma_wait3A_95 = tpu.memref_slice %arg17[%dma_wait3A_93, %dma_wait3A_94] : memref<112x129xf32, #tpu.memory_space<vmem>> -> memref<112x128xf32, #tpu.memory_space<vmem>>
    %dma_wait3A_96 = arith.constant 0 : i32
    %dma_wait3A_97 = tpu.memref_slice %arg9[%add3A_54, %dma_wait3A_96] : memref<50000x128xf32, #tpu.memory_space<hbm>> -> memref<112x128xf32, #tpu.memory_space<hbm>>
    %dma_wait3A_98 = arith.constant 0 : i32
    %dma_wait3A_99 = tpu.memref_slice %arg9[%add3A_54, %dma_wait3A_98] : memref<50000x128xf32, #tpu.memory_space<hbm>> -> memref<112x128xf32, #tpu.memory_space<hbm>>
    %dma_wait3A_100 = arith.constant 0 : i32
    %dma_wait3A_101 = arith.constant 0 : i32
    %dma_wait3A_102 = tpu.memref_slice %arg17[%dma_wait3A_100, %dma_wait3A_101] : memref<112x129xf32, #tpu.memory_space<vmem>> -> memref<112x128xf32, #tpu.memory_space<vmem>>
    tpu.wait_dma2 semaphore(%arg19 : memref<!tpu.dma_semaphore, #tpu.memory_space<semaphore_mem>>) src(%dma_wait3A_102 : memref<112x128xf32, #tpu.memory_space<vmem>>) dst(%dma_wait3A_99 : memref<112x128xf32, #tpu.memory_space<hbm>>)
    %scan3A_103 = arith.constant 0 : i32
    %scan3A_104 = arith.constant 0 : i32
    %scan3A_105 = arith.constant 7 : i32
    %scan3A_106 = arith.addi %scan3A_104, %scan3A_105 : i32
    %scan3A_107 = arith.constant 1 : i32
    scf.for %scan3A_253 = %scan3A_104 to %scan3A_106 step %scan3A_107  : i32 {
      %mul3A_254 = arith.constant 16 : i32
      %mul3A_255 = arith.muli %scan3A_253, %mul3A_254 : i32
      %add3A_256 = arith.constant 448 : i32
      %add3A_257 = arith.addi %add3A_256, %mul3A_255 : i32
      %add3A_258 = vector.broadcast %add3A_257 : i32 to vector<16xi32>
      %add3A_259 = arith.addi %iota3A, %add3A_258 : vector<16xi32>
      %gather3A = tpu.vector_load_idx %arg10[%add3A_259] : memref<1008xi32, #tpu.memory_space<vmem>>[vector<16xi32>], vector<16xi32>,
      %gather3A_260 = tpu.vector_load_idx %arg11[%add3A_259] : memref<1008xi32, #tpu.memory_space<vmem>>[vector<16xi32>], vector<16xi32>,
      %gather3A_261 = tpu.vector_load_idx %arg12[%add3A_259] : memref<1008xi32, #tpu.memory_space<vmem>>[vector<16xi32>], vector<16xi32>,
      %gather3A_262 = tpu.vector_load_idx %arg13[%add3A_259] : memref<1008xi32, #tpu.memory_space<vmem>>[vector<16xi32>], vector<16xi32>,
      %gather3A_263 = tpu.vector_load_idx %arg14[%add3A_259] : memref<1008xf32, #tpu.memory_space<vmem>>[vector<16xi32>], vector<16xf32>,
      %mul3A_264 = arith.constant 129 : i32
      %mul3A_265 = vector.broadcast %mul3A_264 : i32 to vector<16xi32>
      %mul3A_266 = arith.muli %gather3A, %mul3A_265 : vector<16xi32>
      %mul3A_267 = arith.constant 12 : i32
      %mul3A_268 = vector.broadcast %mul3A_267 : i32 to vector<16xi32>
      %mul3A_269 = arith.muli %gather3A_260, %mul3A_268 : vector<16xi32>
      %add3A_270 = arith.constant 119 : i32
      %add3A_271 = vector.broadcast %add3A_270 : i32 to vector<16xi32>
      %add3A_272 = arith.addi %add3A_271, %mul3A_269 : vector<16xi32>
      %add3A_273 = arith.addi %add3A_272, %gather3A_261 : vector<16xi32>
      %mul3A_274 = arith.constant 129 : i32
      %mul3A_275 = vector.broadcast %mul3A_274 : i32 to vector<16xi32>
      %mul3A_276 = arith.muli %add3A_273, %mul3A_275 : vector<16xi32>
      %add3A_277 = arith.constant 215 : i32
      %add3A_278 = vector.broadcast %add3A_277 : i32 to vector<16xi32>
      %add3A_279 = arith.addi %add3A_278, %gather3A_262 : vector<16xi32>
      %mul3A_280 = arith.constant 129 : i32
      %mul3A_281 = vector.broadcast %mul3A_280 : i32 to vector<16xi32>
      %mul3A_282 = arith.muli %add3A_279, %mul3A_281 : vector<16xi32>
      %mul3A_283 = arith.constant 1.280000e+01 : f32
      %mul3A_284 = vector.broadcast %mul3A_283 : f32 to vector<16xf32>
      %mul3A_285 = arith.mulf %gather3A_263, %mul3A_284 : vector<16xf32>
      %convert_element_type3A = arith.fptosi %mul3A_285 : vector<16xf32> to vector<16xi32>
      %min3A_286 = arith.constant 255 : i32
      %min3A_287 = vector.broadcast %min3A_286 : i32 to vector<16xi32>
      %min3A_288 = arith.minsi %convert_element_type3A, %min3A_287 : vector<16xi32>
      %max3A = arith.constant 0 : i32
      %max3A_289 = vector.broadcast %max3A : i32 to vector<16xi32>
      %max3A_290 = arith.maxsi %min3A_288, %max3A_289 : vector<16xi32>
      %convert_element_type3A_291 = arith.sitofp %max3A_290 : vector<16xi32> to vector<16xf32>
      %sub3A = arith.subf %mul3A_285, %convert_element_type3A_291 : vector<16xf32>
      %mul3A_292 = arith.constant 129 : i32
      %mul3A_293 = vector.broadcast %mul3A_292 : i32 to vector<16xi32>
      %mul3A_294 = arith.muli %max3A_290, %mul3A_293 : vector<16xi32>
      %mul3A_295 = arith.constant 16 : i32
      %mul3A_296 = arith.muli %scan3A_253, %mul3A_295 : i32
      %add3A_297 = vector.broadcast %mul3A_296 : i32 to vector<16xi32>
      %add3A_298 = arith.addi %add3A_297, %iota3A : vector<16xi32>
      %parallel_loop3A = arith.constant 0 : i32
      %parallel_loop3A_299 = arith.constant 128 : i32
      %parallel_loop3A_300 = arith.constant 1 : i32
      scf.for %parallel_loop3A_301 = %parallel_loop3A to %parallel_loop3A_299 step %parallel_loop3A_300  : i32 {
        %parallel_loop3A_302 = vector.broadcast %parallel_loop3A_301 : i32 to vector<16xi32>
        %parallel_loop3A_303 = arith.addi %mul3A_266, %parallel_loop3A_302 : vector<16xi32>
        %parallel_loop3A_304 = tpu.vector_load_idx %arg15[%parallel_loop3A_303] : memref<29799xf32, #tpu.memory_space<vmem>>[vector<16xi32>], vector<16xf32>,
        %parallel_loop3A_305 = vector.broadcast %parallel_loop3A_301 : i32 to vector<16xi32>
        %parallel_loop3A_306 = arith.addi %mul3A_276, %parallel_loop3A_305 : vector<16xi32>
        %parallel_loop3A_307 = tpu.vector_load_idx %arg15[%parallel_loop3A_306] : memref<29799xf32, #tpu.memory_space<vmem>>[vector<16xi32>], vector<16xf32>,
        %parallel_loop3A_308 = arith.addf %parallel_loop3A_304, %parallel_loop3A_307 : vector<16xf32>
        %parallel_loop3A_309 = vector.broadcast %parallel_loop3A_301 : i32 to vector<16xi32>
        %parallel_loop3A_310 = arith.addi %mul3A_282, %parallel_loop3A_309 : vector<16xi32>
        %parallel_loop3A_311 = tpu.vector_load_idx %arg15[%parallel_loop3A_310] : memref<29799xf32, #tpu.memory_space<vmem>>[vector<16xi32>], vector<16xf32>,
        %parallel_loop3A_312 = arith.addf %parallel_loop3A_308, %parallel_loop3A_311 : vector<16xf32>
        %parallel_loop3A_313 = vector.broadcast %parallel_loop3A_301 : i32 to vector<16xi32>
        %parallel_loop3A_314 = arith.addi %mul3A_294, %parallel_loop3A_313 : vector<16xi32>
        %parallel_loop3A_315 = tpu.vector_load_idx %arg16[%parallel_loop3A_314] : memref<34056xf32, #tpu.memory_space<vmem>>[vector<16xi32>], vector<16xf32>,
        %parallel_loop3A_316 = arith.constant 129 : i32
        %parallel_loop3A_317 = vector.broadcast %parallel_loop3A_316 : i32 to vector<16xi32>
        %parallel_loop3A_318 = arith.addi %mul3A_294, %parallel_loop3A_317 : vector<16xi32>
        %parallel_loop3A_319 = vector.broadcast %parallel_loop3A_301 : i32 to vector<16xi32>
        %parallel_loop3A_320 = arith.addi %parallel_loop3A_318, %parallel_loop3A_319 : vector<16xi32>
        %parallel_loop3A_321 = tpu.vector_load_idx %arg16[%parallel_loop3A_320] : memref<34056xf32, #tpu.memory_space<vmem>>[vector<16xi32>], vector<16xf32>,
        %parallel_loop3A_322 = arith.addf %parallel_loop3A_312, %parallel_loop3A_315 : vector<16xf32>
        %parallel_loop3A_323 = arith.subf %parallel_loop3A_321, %parallel_loop3A_315 : vector<16xf32>
        %parallel_loop3A_324 = arith.mulf %sub3A, %parallel_loop3A_323 : vector<16xf32>
        %parallel_loop3A_325 = arith.addf %parallel_loop3A_322, %parallel_loop3A_324 : vector<16xf32>
        %parallel_loop3A_326 = arith.constant 0 : i32
        %parallel_loop3A_327 = vector.broadcast %parallel_loop3A_326 : i32 to vector<16xi32>
        %parallel_loop3A_328 = arith.muli %iota3A, %parallel_loop3A_327 : vector<16xi32>
        %parallel_loop3A_329 = vector.broadcast %parallel_loop3A_301 : i32 to vector<16xi32>
        %parallel_loop3A_330 = arith.addi %parallel_loop3A_328, %parallel_loop3A_329 : vector<16xi32>
        tpu.vector_store_idx %arg17[%add3A_298, %parallel_loop3A_330], %parallel_loop3A_325 : memref<112x129xf32, #tpu.memory_space<vmem>>[vector<16xi32>, vector<16xi32>], vector<16xf32>,
      } {sc.loop_unroll_factor = 8 : i64, sc.parallel_access}
    }
    %scan3A_108 = arith.constant 7 : i32
    %add3A_109 = arith.constant 448 : i32
    %add3A_110 = arith.addi %min3A_3, %add3A_109 : i32
    %dma_start3A_111 = arith.constant 0 : i32
    %dma_start3A_112 = arith.constant 0 : i32
    %dma_start3A_113 = tpu.memref_slice %arg17[%dma_start3A_111, %dma_start3A_112] : memref<112x129xf32, #tpu.memory_space<vmem>> -> memref<112x128xf32, #tpu.memory_space<vmem>>
    %dma_start3A_114 = arith.constant 0 : i32
    %dma_start3A_115 = tpu.memref_slice %arg9[%add3A_110, %dma_start3A_114] : memref<50000x128xf32, #tpu.memory_space<hbm>> -> memref<112x128xf32, #tpu.memory_space<hbm>>
    %dma_start3A_116 = arith.constant 0 : i32
    %dma_start3A_117 = tpu.memref_slice %arg9[%add3A_110, %dma_start3A_116] : memref<50000x128xf32, #tpu.memory_space<hbm>> -> memref<112x128xf32, #tpu.memory_space<hbm>>
    %dma_start3A_118 = arith.constant 0 : i32
    %dma_start3A_119 = arith.constant 0 : i32
    %dma_start3A_120 = tpu.memref_slice %arg17[%dma_start3A_118, %dma_start3A_119] : memref<112x129xf32, #tpu.memory_space<vmem>> -> memref<112x128xf32, #tpu.memory_space<vmem>>
    tpu.enqueue_dma source(%dma_start3A_120 : memref<112x128xf32, #tpu.memory_space<vmem>>) target(%dma_start3A_117 : memref<112x128xf32, #tpu.memory_space<hbm>>) target_semaphore(%arg19 : memref<!tpu.dma_semaphore, #tpu.memory_space<semaphore_mem>>)
    %dma_wait3A_121 = arith.constant 0 : i32
    %dma_wait3A_122 = arith.constant 0 : i32
    %dma_wait3A_123 = tpu.memref_slice %arg18[%dma_wait3A_121, %dma_wait3A_122] : memref<112x129xf32, #tpu.memory_space<vmem>> -> memref<112x128xf32, #tpu.memory_space<vmem>>
    %dma_wait3A_124 = arith.constant 0 : i32
    %dma_wait3A_125 = tpu.memref_slice %arg9[%add3A_82, %dma_wait3A_124] : memref<50000x128xf32, #tpu.memory_space<hbm>> -> memref<112x128xf32, #tpu.memory_space<hbm>>
    %dma_wait3A_126 = arith.constant 0 : i32
    %dma_wait3A_127 = tpu.memref_slice %arg9[%add3A_82, %dma_wait3A_126] : memref<50000x128xf32, #tpu.memory_space<hbm>> -> memref<112x128xf32, #tpu.memory_space<hbm>>
    %dma_wait3A_128 = arith.constant 0 : i32
    %dma_wait3A_129 = arith.constant 0 : i32
    %dma_wait3A_130 = tpu.memref_slice %arg18[%dma_wait3A_128, %dma_wait3A_129] : memref<112x129xf32, #tpu.memory_space<vmem>> -> memref<112x128xf32, #tpu.memory_space<vmem>>
    tpu.wait_dma2 semaphore(%arg20 : memref<!tpu.dma_semaphore, #tpu.memory_space<semaphore_mem>>) src(%dma_wait3A_130 : memref<112x128xf32, #tpu.memory_space<vmem>>) dst(%dma_wait3A_127 : memref<112x128xf32, #tpu.memory_space<hbm>>)
    %scan3A_131 = arith.constant 0 : i32
    %scan3A_132 = arith.constant 0 : i32
    %scan3A_133 = arith.constant 7 : i32
    %scan3A_134 = arith.addi %scan3A_132, %scan3A_133 : i32
    %scan3A_135 = arith.constant 1 : i32
    scf.for %scan3A_253 = %scan3A_132 to %scan3A_134 step %scan3A_135  : i32 {
      %mul3A_254 = arith.constant 16 : i32
      %mul3A_255 = arith.muli %scan3A_253, %mul3A_254 : i32
      %add3A_256 = arith.constant 560 : i32
      %add3A_257 = arith.addi %add3A_256, %mul3A_255 : i32
      %add3A_258 = vector.broadcast %add3A_257 : i32 to vector<16xi32>
      %add3A_259 = arith.addi %iota3A, %add3A_258 : vector<16xi32>
      %gather3A = tpu.vector_load_idx %arg10[%add3A_259] : memref<1008xi32, #tpu.memory_space<vmem>>[vector<16xi32>], vector<16xi32>,
      %gather3A_260 = tpu.vector_load_idx %arg11[%add3A_259] : memref<1008xi32, #tpu.memory_space<vmem>>[vector<16xi32>], vector<16xi32>,
      %gather3A_261 = tpu.vector_load_idx %arg12[%add3A_259] : memref<1008xi32, #tpu.memory_space<vmem>>[vector<16xi32>], vector<16xi32>,
      %gather3A_262 = tpu.vector_load_idx %arg13[%add3A_259] : memref<1008xi32, #tpu.memory_space<vmem>>[vector<16xi32>], vector<16xi32>,
      %gather3A_263 = tpu.vector_load_idx %arg14[%add3A_259] : memref<1008xf32, #tpu.memory_space<vmem>>[vector<16xi32>], vector<16xf32>,
      %mul3A_264 = arith.constant 129 : i32
      %mul3A_265 = vector.broadcast %mul3A_264 : i32 to vector<16xi32>
      %mul3A_266 = arith.muli %gather3A, %mul3A_265 : vector<16xi32>
      %mul3A_267 = arith.constant 12 : i32
      %mul3A_268 = vector.broadcast %mul3A_267 : i32 to vector<16xi32>
      %mul3A_269 = arith.muli %gather3A_260, %mul3A_268 : vector<16xi32>
      %add3A_270 = arith.constant 119 : i32
      %add3A_271 = vector.broadcast %add3A_270 : i32 to vector<16xi32>
      %add3A_272 = arith.addi %add3A_271, %mul3A_269 : vector<16xi32>
      %add3A_273 = arith.addi %add3A_272, %gather3A_261 : vector<16xi32>
      %mul3A_274 = arith.constant 129 : i32
      %mul3A_275 = vector.broadcast %mul3A_274 : i32 to vector<16xi32>
      %mul3A_276 = arith.muli %add3A_273, %mul3A_275 : vector<16xi32>
      %add3A_277 = arith.constant 215 : i32
      %add3A_278 = vector.broadcast %add3A_277 : i32 to vector<16xi32>
      %add3A_279 = arith.addi %add3A_278, %gather3A_262 : vector<16xi32>
      %mul3A_280 = arith.constant 129 : i32
      %mul3A_281 = vector.broadcast %mul3A_280 : i32 to vector<16xi32>
      %mul3A_282 = arith.muli %add3A_279, %mul3A_281 : vector<16xi32>
      %mul3A_283 = arith.constant 1.280000e+01 : f32
      %mul3A_284 = vector.broadcast %mul3A_283 : f32 to vector<16xf32>
      %mul3A_285 = arith.mulf %gather3A_263, %mul3A_284 : vector<16xf32>
      %convert_element_type3A = arith.fptosi %mul3A_285 : vector<16xf32> to vector<16xi32>
      %min3A_286 = arith.constant 255 : i32
      %min3A_287 = vector.broadcast %min3A_286 : i32 to vector<16xi32>
      %min3A_288 = arith.minsi %convert_element_type3A, %min3A_287 : vector<16xi32>
      %max3A = arith.constant 0 : i32
      %max3A_289 = vector.broadcast %max3A : i32 to vector<16xi32>
      %max3A_290 = arith.maxsi %min3A_288, %max3A_289 : vector<16xi32>
      %convert_element_type3A_291 = arith.sitofp %max3A_290 : vector<16xi32> to vector<16xf32>
      %sub3A = arith.subf %mul3A_285, %convert_element_type3A_291 : vector<16xf32>
      %mul3A_292 = arith.constant 129 : i32
      %mul3A_293 = vector.broadcast %mul3A_292 : i32 to vector<16xi32>
      %mul3A_294 = arith.muli %max3A_290, %mul3A_293 : vector<16xi32>
      %mul3A_295 = arith.constant 16 : i32
      %mul3A_296 = arith.muli %scan3A_253, %mul3A_295 : i32
      %add3A_297 = vector.broadcast %mul3A_296 : i32 to vector<16xi32>
      %add3A_298 = arith.addi %add3A_297, %iota3A : vector<16xi32>
      %parallel_loop3A = arith.constant 0 : i32
      %parallel_loop3A_299 = arith.constant 128 : i32
      %parallel_loop3A_300 = arith.constant 1 : i32
      scf.for %parallel_loop3A_301 = %parallel_loop3A to %parallel_loop3A_299 step %parallel_loop3A_300  : i32 {
        %parallel_loop3A_302 = vector.broadcast %parallel_loop3A_301 : i32 to vector<16xi32>
        %parallel_loop3A_303 = arith.addi %mul3A_266, %parallel_loop3A_302 : vector<16xi32>
        %parallel_loop3A_304 = tpu.vector_load_idx %arg15[%parallel_loop3A_303] : memref<29799xf32, #tpu.memory_space<vmem>>[vector<16xi32>], vector<16xf32>,
        %parallel_loop3A_305 = vector.broadcast %parallel_loop3A_301 : i32 to vector<16xi32>
        %parallel_loop3A_306 = arith.addi %mul3A_276, %parallel_loop3A_305 : vector<16xi32>
        %parallel_loop3A_307 = tpu.vector_load_idx %arg15[%parallel_loop3A_306] : memref<29799xf32, #tpu.memory_space<vmem>>[vector<16xi32>], vector<16xf32>,
        %parallel_loop3A_308 = arith.addf %parallel_loop3A_304, %parallel_loop3A_307 : vector<16xf32>
        %parallel_loop3A_309 = vector.broadcast %parallel_loop3A_301 : i32 to vector<16xi32>
        %parallel_loop3A_310 = arith.addi %mul3A_282, %parallel_loop3A_309 : vector<16xi32>
        %parallel_loop3A_311 = tpu.vector_load_idx %arg15[%parallel_loop3A_310] : memref<29799xf32, #tpu.memory_space<vmem>>[vector<16xi32>], vector<16xf32>,
        %parallel_loop3A_312 = arith.addf %parallel_loop3A_308, %parallel_loop3A_311 : vector<16xf32>
        %parallel_loop3A_313 = vector.broadcast %parallel_loop3A_301 : i32 to vector<16xi32>
        %parallel_loop3A_314 = arith.addi %mul3A_294, %parallel_loop3A_313 : vector<16xi32>
        %parallel_loop3A_315 = tpu.vector_load_idx %arg16[%parallel_loop3A_314] : memref<34056xf32, #tpu.memory_space<vmem>>[vector<16xi32>], vector<16xf32>,
        %parallel_loop3A_316 = arith.constant 129 : i32
        %parallel_loop3A_317 = vector.broadcast %parallel_loop3A_316 : i32 to vector<16xi32>
        %parallel_loop3A_318 = arith.addi %mul3A_294, %parallel_loop3A_317 : vector<16xi32>
        %parallel_loop3A_319 = vector.broadcast %parallel_loop3A_301 : i32 to vector<16xi32>
        %parallel_loop3A_320 = arith.addi %parallel_loop3A_318, %parallel_loop3A_319 : vector<16xi32>
        %parallel_loop3A_321 = tpu.vector_load_idx %arg16[%parallel_loop3A_320] : memref<34056xf32, #tpu.memory_space<vmem>>[vector<16xi32>], vector<16xf32>,
        %parallel_loop3A_322 = arith.addf %parallel_loop3A_312, %parallel_loop3A_315 : vector<16xf32>
        %parallel_loop3A_323 = arith.subf %parallel_loop3A_321, %parallel_loop3A_315 : vector<16xf32>
        %parallel_loop3A_324 = arith.mulf %sub3A, %parallel_loop3A_323 : vector<16xf32>
        %parallel_loop3A_325 = arith.addf %parallel_loop3A_322, %parallel_loop3A_324 : vector<16xf32>
        %parallel_loop3A_326 = arith.constant 0 : i32
        %parallel_loop3A_327 = vector.broadcast %parallel_loop3A_326 : i32 to vector<16xi32>
        %parallel_loop3A_328 = arith.muli %iota3A, %parallel_loop3A_327 : vector<16xi32>
        %parallel_loop3A_329 = vector.broadcast %parallel_loop3A_301 : i32 to vector<16xi32>
        %parallel_loop3A_330 = arith.addi %parallel_loop3A_328, %parallel_loop3A_329 : vector<16xi32>
        tpu.vector_store_idx %arg18[%add3A_298, %parallel_loop3A_330], %parallel_loop3A_325 : memref<112x129xf32, #tpu.memory_space<vmem>>[vector<16xi32>, vector<16xi32>], vector<16xf32>,
      } {sc.loop_unroll_factor = 8 : i64, sc.parallel_access}
    }
    %scan3A_136 = arith.constant 7 : i32
    %add3A_137 = arith.constant 560 : i32
    %add3A_138 = arith.addi %min3A_3, %add3A_137 : i32
    %dma_start3A_139 = arith.constant 0 : i32
    %dma_start3A_140 = arith.constant 0 : i32
    %dma_start3A_141 = tpu.memref_slice %arg18[%dma_start3A_139, %dma_start3A_140] : memref<112x129xf32, #tpu.memory_space<vmem>> -> memref<112x128xf32, #tpu.memory_space<vmem>>
    %dma_start3A_142 = arith.constant 0 : i32
    %dma_start3A_143 = tpu.memref_slice %arg9[%add3A_138, %dma_start3A_142] : memref<50000x128xf32, #tpu.memory_space<hbm>> -> memref<112x128xf32, #tpu.memory_space<hbm>>
    %dma_start3A_144 = arith.constant 0 : i32
    %dma_start3A_145 = tpu.memref_slice %arg9[%add3A_138, %dma_start3A_144] : memref<50000x128xf32, #tpu.memory_space<hbm>> -> memref<112x128xf32, #tpu.memory_space<hbm>>
    %dma_start3A_146 = arith.constant 0 : i32
    %dma_start3A_147 = arith.constant 0 : i32
    %dma_start3A_148 = tpu.memref_slice %arg18[%dma_start3A_146, %dma_start3A_147] : memref<112x129xf32, #tpu.memory_space<vmem>> -> memref<112x128xf32, #tpu.memory_space<vmem>>
    tpu.enqueue_dma source(%dma_start3A_148 : memref<112x128xf32, #tpu.memory_space<vmem>>) target(%dma_start3A_145 : memref<112x128xf32, #tpu.memory_space<hbm>>) target_semaphore(%arg20 : memref<!tpu.dma_semaphore, #tpu.memory_space<semaphore_mem>>)
    %dma_wait3A_149 = arith.constant 0 : i32
    %dma_wait3A_150 = arith.constant 0 : i32
    %dma_wait3A_151 = tpu.memref_slice %arg17[%dma_wait3A_149, %dma_wait3A_150] : memref<112x129xf32, #tpu.memory_space<vmem>> -> memref<112x128xf32, #tpu.memory_space<vmem>>
    %dma_wait3A_152 = arith.constant 0 : i32
    %dma_wait3A_153 = tpu.memref_slice %arg9[%add3A_110, %dma_wait3A_152] : memref<50000x128xf32, #tpu.memory_space<hbm>> -> memref<112x128xf32, #tpu.memory_space<hbm>>
    %dma_wait3A_154 = arith.constant 0 : i32
    %dma_wait3A_155 = tpu.memref_slice %arg9[%add3A_110, %dma_wait3A_154] : memref<50000x128xf32, #tpu.memory_space<hbm>> -> memref<112x128xf32, #tpu.memory_space<hbm>>
    %dma_wait3A_156 = arith.constant 0 : i32
    %dma_wait3A_157 = arith.constant 0 : i32
    %dma_wait3A_158 = tpu.memref_slice %arg17[%dma_wait3A_156, %dma_wait3A_157] : memref<112x129xf32, #tpu.memory_space<vmem>> -> memref<112x128xf32, #tpu.memory_space<vmem>>
    tpu.wait_dma2 semaphore(%arg19 : memref<!tpu.dma_semaphore, #tpu.memory_space<semaphore_mem>>) src(%dma_wait3A_158 : memref<112x128xf32, #tpu.memory_space<vmem>>) dst(%dma_wait3A_155 : memref<112x128xf32, #tpu.memory_space<hbm>>)
    %scan3A_159 = arith.constant 0 : i32
    %scan3A_160 = arith.constant 0 : i32
    %scan3A_161 = arith.constant 7 : i32
    %scan3A_162 = arith.addi %scan3A_160, %scan3A_161 : i32
    %scan3A_163 = arith.constant 1 : i32
    scf.for %scan3A_253 = %scan3A_160 to %scan3A_162 step %scan3A_163  : i32 {
      %mul3A_254 = arith.constant 16 : i32
      %mul3A_255 = arith.muli %scan3A_253, %mul3A_254 : i32
      %add3A_256 = arith.constant 672 : i32
      %add3A_257 = arith.addi %add3A_256, %mul3A_255 : i32
      %add3A_258 = vector.broadcast %add3A_257 : i32 to vector<16xi32>
      %add3A_259 = arith.addi %iota3A, %add3A_258 : vector<16xi32>
      %gather3A = tpu.vector_load_idx %arg10[%add3A_259] : memref<1008xi32, #tpu.memory_space<vmem>>[vector<16xi32>], vector<16xi32>,
      %gather3A_260 = tpu.vector_load_idx %arg11[%add3A_259] : memref<1008xi32, #tpu.memory_space<vmem>>[vector<16xi32>], vector<16xi32>,
      %gather3A_261 = tpu.vector_load_idx %arg12[%add3A_259] : memref<1008xi32, #tpu.memory_space<vmem>>[vector<16xi32>], vector<16xi32>,
      %gather3A_262 = tpu.vector_load_idx %arg13[%add3A_259] : memref<1008xi32, #tpu.memory_space<vmem>>[vector<16xi32>], vector<16xi32>,
      %gather3A_263 = tpu.vector_load_idx %arg14[%add3A_259] : memref<1008xf32, #tpu.memory_space<vmem>>[vector<16xi32>], vector<16xf32>,
      %mul3A_264 = arith.constant 129 : i32
      %mul3A_265 = vector.broadcast %mul3A_264 : i32 to vector<16xi32>
      %mul3A_266 = arith.muli %gather3A, %mul3A_265 : vector<16xi32>
      %mul3A_267 = arith.constant 12 : i32
      %mul3A_268 = vector.broadcast %mul3A_267 : i32 to vector<16xi32>
      %mul3A_269 = arith.muli %gather3A_260, %mul3A_268 : vector<16xi32>
      %add3A_270 = arith.constant 119 : i32
      %add3A_271 = vector.broadcast %add3A_270 : i32 to vector<16xi32>
      %add3A_272 = arith.addi %add3A_271, %mul3A_269 : vector<16xi32>
      %add3A_273 = arith.addi %add3A_272, %gather3A_261 : vector<16xi32>
      %mul3A_274 = arith.constant 129 : i32
      %mul3A_275 = vector.broadcast %mul3A_274 : i32 to vector<16xi32>
      %mul3A_276 = arith.muli %add3A_273, %mul3A_275 : vector<16xi32>
      %add3A_277 = arith.constant 215 : i32
      %add3A_278 = vector.broadcast %add3A_277 : i32 to vector<16xi32>
      %add3A_279 = arith.addi %add3A_278, %gather3A_262 : vector<16xi32>
      %mul3A_280 = arith.constant 129 : i32
      %mul3A_281 = vector.broadcast %mul3A_280 : i32 to vector<16xi32>
      %mul3A_282 = arith.muli %add3A_279, %mul3A_281 : vector<16xi32>
      %mul3A_283 = arith.constant 1.280000e+01 : f32
      %mul3A_284 = vector.broadcast %mul3A_283 : f32 to vector<16xf32>
      %mul3A_285 = arith.mulf %gather3A_263, %mul3A_284 : vector<16xf32>
      %convert_element_type3A = arith.fptosi %mul3A_285 : vector<16xf32> to vector<16xi32>
      %min3A_286 = arith.constant 255 : i32
      %min3A_287 = vector.broadcast %min3A_286 : i32 to vector<16xi32>
      %min3A_288 = arith.minsi %convert_element_type3A, %min3A_287 : vector<16xi32>
      %max3A = arith.constant 0 : i32
      %max3A_289 = vector.broadcast %max3A : i32 to vector<16xi32>
      %max3A_290 = arith.maxsi %min3A_288, %max3A_289 : vector<16xi32>
      %convert_element_type3A_291 = arith.sitofp %max3A_290 : vector<16xi32> to vector<16xf32>
      %sub3A = arith.subf %mul3A_285, %convert_element_type3A_291 : vector<16xf32>
      %mul3A_292 = arith.constant 129 : i32
      %mul3A_293 = vector.broadcast %mul3A_292 : i32 to vector<16xi32>
      %mul3A_294 = arith.muli %max3A_290, %mul3A_293 : vector<16xi32>
      %mul3A_295 = arith.constant 16 : i32
      %mul3A_296 = arith.muli %scan3A_253, %mul3A_295 : i32
      %add3A_297 = vector.broadcast %mul3A_296 : i32 to vector<16xi32>
      %add3A_298 = arith.addi %add3A_297, %iota3A : vector<16xi32>
      %parallel_loop3A = arith.constant 0 : i32
      %parallel_loop3A_299 = arith.constant 128 : i32
      %parallel_loop3A_300 = arith.constant 1 : i32
      scf.for %parallel_loop3A_301 = %parallel_loop3A to %parallel_loop3A_299 step %parallel_loop3A_300  : i32 {
        %parallel_loop3A_302 = vector.broadcast %parallel_loop3A_301 : i32 to vector<16xi32>
        %parallel_loop3A_303 = arith.addi %mul3A_266, %parallel_loop3A_302 : vector<16xi32>
        %parallel_loop3A_304 = tpu.vector_load_idx %arg15[%parallel_loop3A_303] : memref<29799xf32, #tpu.memory_space<vmem>>[vector<16xi32>], vector<16xf32>,
        %parallel_loop3A_305 = vector.broadcast %parallel_loop3A_301 : i32 to vector<16xi32>
        %parallel_loop3A_306 = arith.addi %mul3A_276, %parallel_loop3A_305 : vector<16xi32>
        %parallel_loop3A_307 = tpu.vector_load_idx %arg15[%parallel_loop3A_306] : memref<29799xf32, #tpu.memory_space<vmem>>[vector<16xi32>], vector<16xf32>,
        %parallel_loop3A_308 = arith.addf %parallel_loop3A_304, %parallel_loop3A_307 : vector<16xf32>
        %parallel_loop3A_309 = vector.broadcast %parallel_loop3A_301 : i32 to vector<16xi32>
        %parallel_loop3A_310 = arith.addi %mul3A_282, %parallel_loop3A_309 : vector<16xi32>
        %parallel_loop3A_311 = tpu.vector_load_idx %arg15[%parallel_loop3A_310] : memref<29799xf32, #tpu.memory_space<vmem>>[vector<16xi32>], vector<16xf32>,
        %parallel_loop3A_312 = arith.addf %parallel_loop3A_308, %parallel_loop3A_311 : vector<16xf32>
        %parallel_loop3A_313 = vector.broadcast %parallel_loop3A_301 : i32 to vector<16xi32>
        %parallel_loop3A_314 = arith.addi %mul3A_294, %parallel_loop3A_313 : vector<16xi32>
        %parallel_loop3A_315 = tpu.vector_load_idx %arg16[%parallel_loop3A_314] : memref<34056xf32, #tpu.memory_space<vmem>>[vector<16xi32>], vector<16xf32>,
        %parallel_loop3A_316 = arith.constant 129 : i32
        %parallel_loop3A_317 = vector.broadcast %parallel_loop3A_316 : i32 to vector<16xi32>
        %parallel_loop3A_318 = arith.addi %mul3A_294, %parallel_loop3A_317 : vector<16xi32>
        %parallel_loop3A_319 = vector.broadcast %parallel_loop3A_301 : i32 to vector<16xi32>
        %parallel_loop3A_320 = arith.addi %parallel_loop3A_318, %parallel_loop3A_319 : vector<16xi32>
        %parallel_loop3A_321 = tpu.vector_load_idx %arg16[%parallel_loop3A_320] : memref<34056xf32, #tpu.memory_space<vmem>>[vector<16xi32>], vector<16xf32>,
        %parallel_loop3A_322 = arith.addf %parallel_loop3A_312, %parallel_loop3A_315 : vector<16xf32>
        %parallel_loop3A_323 = arith.subf %parallel_loop3A_321, %parallel_loop3A_315 : vector<16xf32>
        %parallel_loop3A_324 = arith.mulf %sub3A, %parallel_loop3A_323 : vector<16xf32>
        %parallel_loop3A_325 = arith.addf %parallel_loop3A_322, %parallel_loop3A_324 : vector<16xf32>
        %parallel_loop3A_326 = arith.constant 0 : i32
        %parallel_loop3A_327 = vector.broadcast %parallel_loop3A_326 : i32 to vector<16xi32>
        %parallel_loop3A_328 = arith.muli %iota3A, %parallel_loop3A_327 : vector<16xi32>
        %parallel_loop3A_329 = vector.broadcast %parallel_loop3A_301 : i32 to vector<16xi32>
        %parallel_loop3A_330 = arith.addi %parallel_loop3A_328, %parallel_loop3A_329 : vector<16xi32>
        tpu.vector_store_idx %arg17[%add3A_298, %parallel_loop3A_330], %parallel_loop3A_325 : memref<112x129xf32, #tpu.memory_space<vmem>>[vector<16xi32>, vector<16xi32>], vector<16xf32>,
      } {sc.loop_unroll_factor = 8 : i64, sc.parallel_access}
    }
    %scan3A_164 = arith.constant 7 : i32
    %add3A_165 = arith.constant 672 : i32
    %add3A_166 = arith.addi %min3A_3, %add3A_165 : i32
    %dma_start3A_167 = arith.constant 0 : i32
    %dma_start3A_168 = arith.constant 0 : i32
    %dma_start3A_169 = tpu.memref_slice %arg17[%dma_start3A_167, %dma_start3A_168] : memref<112x129xf32, #tpu.memory_space<vmem>> -> memref<112x128xf32, #tpu.memory_space<vmem>>
    %dma_start3A_170 = arith.constant 0 : i32
    %dma_start3A_171 = tpu.memref_slice %arg9[%add3A_166, %dma_start3A_170] : memref<50000x128xf32, #tpu.memory_space<hbm>> -> memref<112x128xf32, #tpu.memory_space<hbm>>
    %dma_start3A_172 = arith.constant 0 : i32
    %dma_start3A_173 = tpu.memref_slice %arg9[%add3A_166, %dma_start3A_172] : memref<50000x128xf32, #tpu.memory_space<hbm>> -> memref<112x128xf32, #tpu.memory_space<hbm>>
    %dma_start3A_174 = arith.constant 0 : i32
    %dma_start3A_175 = arith.constant 0 : i32
    %dma_start3A_176 = tpu.memref_slice %arg17[%dma_start3A_174, %dma_start3A_175] : memref<112x129xf32, #tpu.memory_space<vmem>> -> memref<112x128xf32, #tpu.memory_space<vmem>>
    tpu.enqueue_dma source(%dma_start3A_176 : memref<112x128xf32, #tpu.memory_space<vmem>>) target(%dma_start3A_173 : memref<112x128xf32, #tpu.memory_space<hbm>>) target_semaphore(%arg19 : memref<!tpu.dma_semaphore, #tpu.memory_space<semaphore_mem>>)
    %dma_wait3A_177 = arith.constant 0 : i32
    %dma_wait3A_178 = arith.constant 0 : i32
    %dma_wait3A_179 = tpu.memref_slice %arg18[%dma_wait3A_177, %dma_wait3A_178] : memref<112x129xf32, #tpu.memory_space<vmem>> -> memref<112x128xf32, #tpu.memory_space<vmem>>
    %dma_wait3A_180 = arith.constant 0 : i32
    %dma_wait3A_181 = tpu.memref_slice %arg9[%add3A_138, %dma_wait3A_180] : memref<50000x128xf32, #tpu.memory_space<hbm>> -> memref<112x128xf32, #tpu.memory_space<hbm>>
    %dma_wait3A_182 = arith.constant 0 : i32
    %dma_wait3A_183 = tpu.memref_slice %arg9[%add3A_138, %dma_wait3A_182] : memref<50000x128xf32, #tpu.memory_space<hbm>> -> memref<112x128xf32, #tpu.memory_space<hbm>>
    %dma_wait3A_184 = arith.constant 0 : i32
    %dma_wait3A_185 = arith.constant 0 : i32
    %dma_wait3A_186 = tpu.memref_slice %arg18[%dma_wait3A_184, %dma_wait3A_185] : memref<112x129xf32, #tpu.memory_space<vmem>> -> memref<112x128xf32, #tpu.memory_space<vmem>>
    tpu.wait_dma2 semaphore(%arg20 : memref<!tpu.dma_semaphore, #tpu.memory_space<semaphore_mem>>) src(%dma_wait3A_186 : memref<112x128xf32, #tpu.memory_space<vmem>>) dst(%dma_wait3A_183 : memref<112x128xf32, #tpu.memory_space<hbm>>)
    %scan3A_187 = arith.constant 0 : i32
    %scan3A_188 = arith.constant 0 : i32
    %scan3A_189 = arith.constant 7 : i32
    %scan3A_190 = arith.addi %scan3A_188, %scan3A_189 : i32
    %scan3A_191 = arith.constant 1 : i32
    scf.for %scan3A_253 = %scan3A_188 to %scan3A_190 step %scan3A_191  : i32 {
      %mul3A_254 = arith.constant 16 : i32
      %mul3A_255 = arith.muli %scan3A_253, %mul3A_254 : i32
      %add3A_256 = arith.constant 784 : i32
      %add3A_257 = arith.addi %add3A_256, %mul3A_255 : i32
      %add3A_258 = vector.broadcast %add3A_257 : i32 to vector<16xi32>
      %add3A_259 = arith.addi %iota3A, %add3A_258 : vector<16xi32>
      %gather3A = tpu.vector_load_idx %arg10[%add3A_259] : memref<1008xi32, #tpu.memory_space<vmem>>[vector<16xi32>], vector<16xi32>,
      %gather3A_260 = tpu.vector_load_idx %arg11[%add3A_259] : memref<1008xi32, #tpu.memory_space<vmem>>[vector<16xi32>], vector<16xi32>,
      %gather3A_261 = tpu.vector_load_idx %arg12[%add3A_259] : memref<1008xi32, #tpu.memory_space<vmem>>[vector<16xi32>], vector<16xi32>,
      %gather3A_262 = tpu.vector_load_idx %arg13[%add3A_259] : memref<1008xi32, #tpu.memory_space<vmem>>[vector<16xi32>], vector<16xi32>,
      %gather3A_263 = tpu.vector_load_idx %arg14[%add3A_259] : memref<1008xf32, #tpu.memory_space<vmem>>[vector<16xi32>], vector<16xf32>,
      %mul3A_264 = arith.constant 129 : i32
      %mul3A_265 = vector.broadcast %mul3A_264 : i32 to vector<16xi32>
      %mul3A_266 = arith.muli %gather3A, %mul3A_265 : vector<16xi32>
      %mul3A_267 = arith.constant 12 : i32
      %mul3A_268 = vector.broadcast %mul3A_267 : i32 to vector<16xi32>
      %mul3A_269 = arith.muli %gather3A_260, %mul3A_268 : vector<16xi32>
      %add3A_270 = arith.constant 119 : i32
      %add3A_271 = vector.broadcast %add3A_270 : i32 to vector<16xi32>
      %add3A_272 = arith.addi %add3A_271, %mul3A_269 : vector<16xi32>
      %add3A_273 = arith.addi %add3A_272, %gather3A_261 : vector<16xi32>
      %mul3A_274 = arith.constant 129 : i32
      %mul3A_275 = vector.broadcast %mul3A_274 : i32 to vector<16xi32>
      %mul3A_276 = arith.muli %add3A_273, %mul3A_275 : vector<16xi32>
      %add3A_277 = arith.constant 215 : i32
      %add3A_278 = vector.broadcast %add3A_277 : i32 to vector<16xi32>
      %add3A_279 = arith.addi %add3A_278, %gather3A_262 : vector<16xi32>
      %mul3A_280 = arith.constant 129 : i32
      %mul3A_281 = vector.broadcast %mul3A_280 : i32 to vector<16xi32>
      %mul3A_282 = arith.muli %add3A_279, %mul3A_281 : vector<16xi32>
      %mul3A_283 = arith.constant 1.280000e+01 : f32
      %mul3A_284 = vector.broadcast %mul3A_283 : f32 to vector<16xf32>
      %mul3A_285 = arith.mulf %gather3A_263, %mul3A_284 : vector<16xf32>
      %convert_element_type3A = arith.fptosi %mul3A_285 : vector<16xf32> to vector<16xi32>
      %min3A_286 = arith.constant 255 : i32
      %min3A_287 = vector.broadcast %min3A_286 : i32 to vector<16xi32>
      %min3A_288 = arith.minsi %convert_element_type3A, %min3A_287 : vector<16xi32>
      %max3A = arith.constant 0 : i32
      %max3A_289 = vector.broadcast %max3A : i32 to vector<16xi32>
      %max3A_290 = arith.maxsi %min3A_288, %max3A_289 : vector<16xi32>
      %convert_element_type3A_291 = arith.sitofp %max3A_290 : vector<16xi32> to vector<16xf32>
      %sub3A = arith.subf %mul3A_285, %convert_element_type3A_291 : vector<16xf32>
      %mul3A_292 = arith.constant 129 : i32
      %mul3A_293 = vector.broadcast %mul3A_292 : i32 to vector<16xi32>
      %mul3A_294 = arith.muli %max3A_290, %mul3A_293 : vector<16xi32>
      %mul3A_295 = arith.constant 16 : i32
      %mul3A_296 = arith.muli %scan3A_253, %mul3A_295 : i32
      %add3A_297 = vector.broadcast %mul3A_296 : i32 to vector<16xi32>
      %add3A_298 = arith.addi %add3A_297, %iota3A : vector<16xi32>
      %parallel_loop3A = arith.constant 0 : i32
      %parallel_loop3A_299 = arith.constant 128 : i32
      %parallel_loop3A_300 = arith.constant 1 : i32
      scf.for %parallel_loop3A_301 = %parallel_loop3A to %parallel_loop3A_299 step %parallel_loop3A_300  : i32 {
        %parallel_loop3A_302 = vector.broadcast %parallel_loop3A_301 : i32 to vector<16xi32>
        %parallel_loop3A_303 = arith.addi %mul3A_266, %parallel_loop3A_302 : vector<16xi32>
        %parallel_loop3A_304 = tpu.vector_load_idx %arg15[%parallel_loop3A_303] : memref<29799xf32, #tpu.memory_space<vmem>>[vector<16xi32>], vector<16xf32>,
        %parallel_loop3A_305 = vector.broadcast %parallel_loop3A_301 : i32 to vector<16xi32>
        %parallel_loop3A_306 = arith.addi %mul3A_276, %parallel_loop3A_305 : vector<16xi32>
        %parallel_loop3A_307 = tpu.vector_load_idx %arg15[%parallel_loop3A_306] : memref<29799xf32, #tpu.memory_space<vmem>>[vector<16xi32>], vector<16xf32>,
        %parallel_loop3A_308 = arith.addf %parallel_loop3A_304, %parallel_loop3A_307 : vector<16xf32>
        %parallel_loop3A_309 = vector.broadcast %parallel_loop3A_301 : i32 to vector<16xi32>
        %parallel_loop3A_310 = arith.addi %mul3A_282, %parallel_loop3A_309 : vector<16xi32>
        %parallel_loop3A_311 = tpu.vector_load_idx %arg15[%parallel_loop3A_310] : memref<29799xf32, #tpu.memory_space<vmem>>[vector<16xi32>], vector<16xf32>,
        %parallel_loop3A_312 = arith.addf %parallel_loop3A_308, %parallel_loop3A_311 : vector<16xf32>
        %parallel_loop3A_313 = vector.broadcast %parallel_loop3A_301 : i32 to vector<16xi32>
        %parallel_loop3A_314 = arith.addi %mul3A_294, %parallel_loop3A_313 : vector<16xi32>
        %parallel_loop3A_315 = tpu.vector_load_idx %arg16[%parallel_loop3A_314] : memref<34056xf32, #tpu.memory_space<vmem>>[vector<16xi32>], vector<16xf32>,
        %parallel_loop3A_316 = arith.constant 129 : i32
        %parallel_loop3A_317 = vector.broadcast %parallel_loop3A_316 : i32 to vector<16xi32>
        %parallel_loop3A_318 = arith.addi %mul3A_294, %parallel_loop3A_317 : vector<16xi32>
        %parallel_loop3A_319 = vector.broadcast %parallel_loop3A_301 : i32 to vector<16xi32>
        %parallel_loop3A_320 = arith.addi %parallel_loop3A_318, %parallel_loop3A_319 : vector<16xi32>
        %parallel_loop3A_321 = tpu.vector_load_idx %arg16[%parallel_loop3A_320] : memref<34056xf32, #tpu.memory_space<vmem>>[vector<16xi32>], vector<16xf32>,
        %parallel_loop3A_322 = arith.addf %parallel_loop3A_312, %parallel_loop3A_315 : vector<16xf32>
        %parallel_loop3A_323 = arith.subf %parallel_loop3A_321, %parallel_loop3A_315 : vector<16xf32>
        %parallel_loop3A_324 = arith.mulf %sub3A, %parallel_loop3A_323 : vector<16xf32>
        %parallel_loop3A_325 = arith.addf %parallel_loop3A_322, %parallel_loop3A_324 : vector<16xf32>
        %parallel_loop3A_326 = arith.constant 0 : i32
        %parallel_loop3A_327 = vector.broadcast %parallel_loop3A_326 : i32 to vector<16xi32>
        %parallel_loop3A_328 = arith.muli %iota3A, %parallel_loop3A_327 : vector<16xi32>
        %parallel_loop3A_329 = vector.broadcast %parallel_loop3A_301 : i32 to vector<16xi32>
        %parallel_loop3A_330 = arith.addi %parallel_loop3A_328, %parallel_loop3A_329 : vector<16xi32>
        tpu.vector_store_idx %arg18[%add3A_298, %parallel_loop3A_330], %parallel_loop3A_325 : memref<112x129xf32, #tpu.memory_space<vmem>>[vector<16xi32>, vector<16xi32>], vector<16xf32>,
      } {sc.loop_unroll_factor = 8 : i64, sc.parallel_access}
    }
    %scan3A_192 = arith.constant 7 : i32
    %add3A_193 = arith.constant 784 : i32
    %add3A_194 = arith.addi %min3A_3, %add3A_193 : i32
    %dma_start3A_195 = arith.constant 0 : i32
    %dma_start3A_196 = arith.constant 0 : i32
    %dma_start3A_197 = tpu.memref_slice %arg18[%dma_start3A_195, %dma_start3A_196] : memref<112x129xf32, #tpu.memory_space<vmem>> -> memref<112x128xf32, #tpu.memory_space<vmem>>
    %dma_start3A_198 = arith.constant 0 : i32
    %dma_start3A_199 = tpu.memref_slice %arg9[%add3A_194, %dma_start3A_198] : memref<50000x128xf32, #tpu.memory_space<hbm>> -> memref<112x128xf32, #tpu.memory_space<hbm>>
    %dma_start3A_200 = arith.constant 0 : i32
    %dma_start3A_201 = tpu.memref_slice %arg9[%add3A_194, %dma_start3A_200] : memref<50000x128xf32, #tpu.memory_space<hbm>> -> memref<112x128xf32, #tpu.memory_space<hbm>>
    %dma_start3A_202 = arith.constant 0 : i32
    %dma_start3A_203 = arith.constant 0 : i32
    %dma_start3A_204 = tpu.memref_slice %arg18[%dma_start3A_202, %dma_start3A_203] : memref<112x129xf32, #tpu.memory_space<vmem>> -> memref<112x128xf32, #tpu.memory_space<vmem>>
    tpu.enqueue_dma source(%dma_start3A_204 : memref<112x128xf32, #tpu.memory_space<vmem>>) target(%dma_start3A_201 : memref<112x128xf32, #tpu.memory_space<hbm>>) target_semaphore(%arg20 : memref<!tpu.dma_semaphore, #tpu.memory_space<semaphore_mem>>)
    %dma_wait3A_205 = arith.constant 0 : i32
    %dma_wait3A_206 = arith.constant 0 : i32
    %dma_wait3A_207 = tpu.memref_slice %arg17[%dma_wait3A_205, %dma_wait3A_206] : memref<112x129xf32, #tpu.memory_space<vmem>> -> memref<112x128xf32, #tpu.memory_space<vmem>>
    %dma_wait3A_208 = arith.constant 0 : i32
    %dma_wait3A_209 = tpu.memref_slice %arg9[%add3A_166, %dma_wait3A_208] : memref<50000x128xf32, #tpu.memory_space<hbm>> -> memref<112x128xf32, #tpu.memory_space<hbm>>
    %dma_wait3A_210 = arith.constant 0 : i32
    %dma_wait3A_211 = tpu.memref_slice %arg9[%add3A_166, %dma_wait3A_210] : memref<50000x128xf32, #tpu.memory_space<hbm>> -> memref<112x128xf32, #tpu.memory_space<hbm>>
    %dma_wait3A_212 = arith.constant 0 : i32
    %dma_wait3A_213 = arith.constant 0 : i32
    %dma_wait3A_214 = tpu.memref_slice %arg17[%dma_wait3A_212, %dma_wait3A_213] : memref<112x129xf32, #tpu.memory_space<vmem>> -> memref<112x128xf32, #tpu.memory_space<vmem>>
    tpu.wait_dma2 semaphore(%arg19 : memref<!tpu.dma_semaphore, #tpu.memory_space<semaphore_mem>>) src(%dma_wait3A_214 : memref<112x128xf32, #tpu.memory_space<vmem>>) dst(%dma_wait3A_211 : memref<112x128xf32, #tpu.memory_space<hbm>>)
    %scan3A_215 = arith.constant 0 : i32
    %scan3A_216 = arith.constant 0 : i32
    %scan3A_217 = arith.constant 7 : i32
    %scan3A_218 = arith.addi %scan3A_216, %scan3A_217 : i32
    %scan3A_219 = arith.constant 1 : i32
    scf.for %scan3A_253 = %scan3A_216 to %scan3A_218 step %scan3A_219  : i32 {
      %mul3A_254 = arith.constant 16 : i32
      %mul3A_255 = arith.muli %scan3A_253, %mul3A_254 : i32
      %add3A_256 = arith.constant 896 : i32
      %add3A_257 = arith.addi %add3A_256, %mul3A_255 : i32
      %add3A_258 = vector.broadcast %add3A_257 : i32 to vector<16xi32>
      %add3A_259 = arith.addi %iota3A, %add3A_258 : vector<16xi32>
      %gather3A = tpu.vector_load_idx %arg10[%add3A_259] : memref<1008xi32, #tpu.memory_space<vmem>>[vector<16xi32>], vector<16xi32>,
      %gather3A_260 = tpu.vector_load_idx %arg11[%add3A_259] : memref<1008xi32, #tpu.memory_space<vmem>>[vector<16xi32>], vector<16xi32>,
      %gather3A_261 = tpu.vector_load_idx %arg12[%add3A_259] : memref<1008xi32, #tpu.memory_space<vmem>>[vector<16xi32>], vector<16xi32>,
      %gather3A_262 = tpu.vector_load_idx %arg13[%add3A_259] : memref<1008xi32, #tpu.memory_space<vmem>>[vector<16xi32>], vector<16xi32>,
      %gather3A_263 = tpu.vector_load_idx %arg14[%add3A_259] : memref<1008xf32, #tpu.memory_space<vmem>>[vector<16xi32>], vector<16xf32>,
      %mul3A_264 = arith.constant 129 : i32
      %mul3A_265 = vector.broadcast %mul3A_264 : i32 to vector<16xi32>
      %mul3A_266 = arith.muli %gather3A, %mul3A_265 : vector<16xi32>
      %mul3A_267 = arith.constant 12 : i32
      %mul3A_268 = vector.broadcast %mul3A_267 : i32 to vector<16xi32>
      %mul3A_269 = arith.muli %gather3A_260, %mul3A_268 : vector<16xi32>
      %add3A_270 = arith.constant 119 : i32
      %add3A_271 = vector.broadcast %add3A_270 : i32 to vector<16xi32>
      %add3A_272 = arith.addi %add3A_271, %mul3A_269 : vector<16xi32>
      %add3A_273 = arith.addi %add3A_272, %gather3A_261 : vector<16xi32>
      %mul3A_274 = arith.constant 129 : i32
      %mul3A_275 = vector.broadcast %mul3A_274 : i32 to vector<16xi32>
      %mul3A_276 = arith.muli %add3A_273, %mul3A_275 : vector<16xi32>
      %add3A_277 = arith.constant 215 : i32
      %add3A_278 = vector.broadcast %add3A_277 : i32 to vector<16xi32>
      %add3A_279 = arith.addi %add3A_278, %gather3A_262 : vector<16xi32>
      %mul3A_280 = arith.constant 129 : i32
      %mul3A_281 = vector.broadcast %mul3A_280 : i32 to vector<16xi32>
      %mul3A_282 = arith.muli %add3A_279, %mul3A_281 : vector<16xi32>
      %mul3A_283 = arith.constant 1.280000e+01 : f32
      %mul3A_284 = vector.broadcast %mul3A_283 : f32 to vector<16xf32>
      %mul3A_285 = arith.mulf %gather3A_263, %mul3A_284 : vector<16xf32>
      %convert_element_type3A = arith.fptosi %mul3A_285 : vector<16xf32> to vector<16xi32>
      %min3A_286 = arith.constant 255 : i32
      %min3A_287 = vector.broadcast %min3A_286 : i32 to vector<16xi32>
      %min3A_288 = arith.minsi %convert_element_type3A, %min3A_287 : vector<16xi32>
      %max3A = arith.constant 0 : i32
      %max3A_289 = vector.broadcast %max3A : i32 to vector<16xi32>
      %max3A_290 = arith.maxsi %min3A_288, %max3A_289 : vector<16xi32>
      %convert_element_type3A_291 = arith.sitofp %max3A_290 : vector<16xi32> to vector<16xf32>
      %sub3A = arith.subf %mul3A_285, %convert_element_type3A_291 : vector<16xf32>
      %mul3A_292 = arith.constant 129 : i32
      %mul3A_293 = vector.broadcast %mul3A_292 : i32 to vector<16xi32>
      %mul3A_294 = arith.muli %max3A_290, %mul3A_293 : vector<16xi32>
      %mul3A_295 = arith.constant 16 : i32
      %mul3A_296 = arith.muli %scan3A_253, %mul3A_295 : i32
      %add3A_297 = vector.broadcast %mul3A_296 : i32 to vector<16xi32>
      %add3A_298 = arith.addi %add3A_297, %iota3A : vector<16xi32>
      %parallel_loop3A = arith.constant 0 : i32
      %parallel_loop3A_299 = arith.constant 128 : i32
      %parallel_loop3A_300 = arith.constant 1 : i32
      scf.for %parallel_loop3A_301 = %parallel_loop3A to %parallel_loop3A_299 step %parallel_loop3A_300  : i32 {
        %parallel_loop3A_302 = vector.broadcast %parallel_loop3A_301 : i32 to vector<16xi32>
        %parallel_loop3A_303 = arith.addi %mul3A_266, %parallel_loop3A_302 : vector<16xi32>
        %parallel_loop3A_304 = tpu.vector_load_idx %arg15[%parallel_loop3A_303] : memref<29799xf32, #tpu.memory_space<vmem>>[vector<16xi32>], vector<16xf32>,
        %parallel_loop3A_305 = vector.broadcast %parallel_loop3A_301 : i32 to vector<16xi32>
        %parallel_loop3A_306 = arith.addi %mul3A_276, %parallel_loop3A_305 : vector<16xi32>
        %parallel_loop3A_307 = tpu.vector_load_idx %arg15[%parallel_loop3A_306] : memref<29799xf32, #tpu.memory_space<vmem>>[vector<16xi32>], vector<16xf32>,
        %parallel_loop3A_308 = arith.addf %parallel_loop3A_304, %parallel_loop3A_307 : vector<16xf32>
        %parallel_loop3A_309 = vector.broadcast %parallel_loop3A_301 : i32 to vector<16xi32>
        %parallel_loop3A_310 = arith.addi %mul3A_282, %parallel_loop3A_309 : vector<16xi32>
        %parallel_loop3A_311 = tpu.vector_load_idx %arg15[%parallel_loop3A_310] : memref<29799xf32, #tpu.memory_space<vmem>>[vector<16xi32>], vector<16xf32>,
        %parallel_loop3A_312 = arith.addf %parallel_loop3A_308, %parallel_loop3A_311 : vector<16xf32>
        %parallel_loop3A_313 = vector.broadcast %parallel_loop3A_301 : i32 to vector<16xi32>
        %parallel_loop3A_314 = arith.addi %mul3A_294, %parallel_loop3A_313 : vector<16xi32>
        %parallel_loop3A_315 = tpu.vector_load_idx %arg16[%parallel_loop3A_314] : memref<34056xf32, #tpu.memory_space<vmem>>[vector<16xi32>], vector<16xf32>,
        %parallel_loop3A_316 = arith.constant 129 : i32
        %parallel_loop3A_317 = vector.broadcast %parallel_loop3A_316 : i32 to vector<16xi32>
        %parallel_loop3A_318 = arith.addi %mul3A_294, %parallel_loop3A_317 : vector<16xi32>
        %parallel_loop3A_319 = vector.broadcast %parallel_loop3A_301 : i32 to vector<16xi32>
        %parallel_loop3A_320 = arith.addi %parallel_loop3A_318, %parallel_loop3A_319 : vector<16xi32>
        %parallel_loop3A_321 = tpu.vector_load_idx %arg16[%parallel_loop3A_320] : memref<34056xf32, #tpu.memory_space<vmem>>[vector<16xi32>], vector<16xf32>,
        %parallel_loop3A_322 = arith.addf %parallel_loop3A_312, %parallel_loop3A_315 : vector<16xf32>
        %parallel_loop3A_323 = arith.subf %parallel_loop3A_321, %parallel_loop3A_315 : vector<16xf32>
        %parallel_loop3A_324 = arith.mulf %sub3A, %parallel_loop3A_323 : vector<16xf32>
        %parallel_loop3A_325 = arith.addf %parallel_loop3A_322, %parallel_loop3A_324 : vector<16xf32>
        %parallel_loop3A_326 = arith.constant 0 : i32
        %parallel_loop3A_327 = vector.broadcast %parallel_loop3A_326 : i32 to vector<16xi32>
        %parallel_loop3A_328 = arith.muli %iota3A, %parallel_loop3A_327 : vector<16xi32>
        %parallel_loop3A_329 = vector.broadcast %parallel_loop3A_301 : i32 to vector<16xi32>
        %parallel_loop3A_330 = arith.addi %parallel_loop3A_328, %parallel_loop3A_329 : vector<16xi32>
        tpu.vector_store_idx %arg17[%add3A_298, %parallel_loop3A_330], %parallel_loop3A_325 : memref<112x129xf32, #tpu.memory_space<vmem>>[vector<16xi32>, vector<16xi32>], vector<16xf32>,
      } {sc.loop_unroll_factor = 8 : i64, sc.parallel_access}
    }
    %scan3A_220 = arith.constant 7 : i32
    %add3A_221 = arith.constant 896 : i32
    %add3A_222 = arith.addi %min3A_3, %add3A_221 : i32
    %dma_start3A_223 = arith.constant 0 : i32
    %dma_start3A_224 = arith.constant 0 : i32
    %dma_start3A_225 = tpu.memref_slice %arg17[%dma_start3A_223, %dma_start3A_224] : memref<112x129xf32, #tpu.memory_space<vmem>> -> memref<112x128xf32, #tpu.memory_space<vmem>>
    %dma_start3A_226 = arith.constant 0 : i32
    %dma_start3A_227 = tpu.memref_slice %arg9[%add3A_222, %dma_start3A_226] : memref<50000x128xf32, #tpu.memory_space<hbm>> -> memref<112x128xf32, #tpu.memory_space<hbm>>
    %dma_start3A_228 = arith.constant 0 : i32
    %dma_start3A_229 = tpu.memref_slice %arg9[%add3A_222, %dma_start3A_228] : memref<50000x128xf32, #tpu.memory_space<hbm>> -> memref<112x128xf32, #tpu.memory_space<hbm>>
    %dma_start3A_230 = arith.constant 0 : i32
    %dma_start3A_231 = arith.constant 0 : i32
    %dma_start3A_232 = tpu.memref_slice %arg17[%dma_start3A_230, %dma_start3A_231] : memref<112x129xf32, #tpu.memory_space<vmem>> -> memref<112x128xf32, #tpu.memory_space<vmem>>
    tpu.enqueue_dma source(%dma_start3A_232 : memref<112x128xf32, #tpu.memory_space<vmem>>) target(%dma_start3A_229 : memref<112x128xf32, #tpu.memory_space<hbm>>) target_semaphore(%arg19 : memref<!tpu.dma_semaphore, #tpu.memory_space<semaphore_mem>>)
    %dma_wait3A_233 = arith.constant 0 : i32
    %dma_wait3A_234 = arith.constant 0 : i32
    %dma_wait3A_235 = tpu.memref_slice %arg18[%dma_wait3A_233, %dma_wait3A_234] : memref<112x129xf32, #tpu.memory_space<vmem>> -> memref<112x128xf32, #tpu.memory_space<vmem>>
    %dma_wait3A_236 = arith.constant 0 : i32
    %dma_wait3A_237 = tpu.memref_slice %arg9[%add3A_194, %dma_wait3A_236] : memref<50000x128xf32, #tpu.memory_space<hbm>> -> memref<112x128xf32, #tpu.memory_space<hbm>>
    %dma_wait3A_238 = arith.constant 0 : i32
    %dma_wait3A_239 = tpu.memref_slice %arg9[%add3A_194, %dma_wait3A_238] : memref<50000x128xf32, #tpu.memory_space<hbm>> -> memref<112x128xf32, #tpu.memory_space<hbm>>
    %dma_wait3A_240 = arith.constant 0 : i32
    %dma_wait3A_241 = arith.constant 0 : i32
    %dma_wait3A_242 = tpu.memref_slice %arg18[%dma_wait3A_240, %dma_wait3A_241] : memref<112x129xf32, #tpu.memory_space<vmem>> -> memref<112x128xf32, #tpu.memory_space<vmem>>
    tpu.wait_dma2 semaphore(%arg20 : memref<!tpu.dma_semaphore, #tpu.memory_space<semaphore_mem>>) src(%dma_wait3A_242 : memref<112x128xf32, #tpu.memory_space<vmem>>) dst(%dma_wait3A_239 : memref<112x128xf32, #tpu.memory_space<hbm>>)
    %dma_wait3A_243 = arith.constant 0 : i32
    %dma_wait3A_244 = arith.constant 0 : i32
    %dma_wait3A_245 = tpu.memref_slice %arg17[%dma_wait3A_243, %dma_wait3A_244] : memref<112x129xf32, #tpu.memory_space<vmem>> -> memref<112x128xf32, #tpu.memory_space<vmem>>
    %dma_wait3A_246 = arith.constant 0 : i32
    %dma_wait3A_247 = tpu.memref_slice %arg9[%add3A_222, %dma_wait3A_246] : memref<50000x128xf32, #tpu.memory_space<hbm>> -> memref<112x128xf32, #tpu.memory_space<hbm>>
    %dma_wait3A_248 = arith.constant 0 : i32
    %dma_wait3A_249 = tpu.memref_slice %arg9[%add3A_222, %dma_wait3A_248] : memref<50000x128xf32, #tpu.memory_space<hbm>> -> memref<112x128xf32, #tpu.memory_space<hbm>>
    %dma_wait3A_250 = arith.constant 0 : i32
    %dma_wait3A_251 = arith.constant 0 : i32
    %dma_wait3A_252 = tpu.memref_slice %arg17[%dma_wait3A_250, %dma_wait3A_251] : memref<112x129xf32, #tpu.memory_space<vmem>> -> memref<112x128xf32, #tpu.memory_space<vmem>>
    tpu.wait_dma2 semaphore(%arg19 : memref<!tpu.dma_semaphore, #tpu.memory_space<semaphore_mem>>) src(%dma_wait3A_252 : memref<112x128xf32, #tpu.memory_space<vmem>>) dst(%dma_wait3A_249 : memref<112x128xf32, #tpu.memory_space<hbm>>)
    return
  }
}

module attributes {stable_mosaic.version = 14 : i64} {
  func.func @_prep_body(%arg0: memref<24x128xf32, #tpu.memory_space<vmem>>, %arg1: memref<8x128xf32, #tpu.memory_space<vmem>>, %arg2: memref<16x128xf32, #tpu.memory_space<vmem>>, %arg3: memref<264x128xf32, #tpu.memory_space<vmem>>, %arg4: memref<96x128xf32, #tpu.memory_space<vmem>>) attributes {dimension_semantics = [], scalar_prefetch = 0 : i64, scratch_operands = 0 : i64, tpu.core_type = #tpu.core_type<tc>} {
    %iota3A = tpu.iota {dimensions = array<i32: 0>} : vector<24x1xi32>
    %convert_element_type3A = arith.sitofp %iota3A : vector<24x1xi32> to vector<24x1xf32>
    %lt3A = arith.constant 2.000000e+01 : f32
    %lt3A_0 = vector.broadcast %lt3A : f32 to vector<24x1xf32>
    %lt3A_1 = arith.cmpf olt, %convert_element_type3A, %lt3A_0 : vector<24x1xf32>
    %jit3A = arith.constant -1.000000e+06 : f32
    %broadcast_in_dim3A = vector.broadcast %jit3A : f32 to vector<24x1xf32>
    %select_n3A = arith.select %lt3A_1, %convert_element_type3A, %broadcast_in_dim3A : vector<24x1xi1>, vector<24x1xf32>
    %iota3A_2 = tpu.iota {dimensions = array<i32: 1>} : vector<1x264xi32>
    %convert_element_type3A_3 = arith.sitofp %iota3A_2 : vector<1x264xi32> to vector<1x264xf32>
    %mul3A = arith.constant 7.812500e-02 : f32
    %mul3A_4 = vector.broadcast %mul3A : f32 to vector<1x264xf32>
    %mul3A_5 = arith.mulf %convert_element_type3A_3, %mul3A_4 : vector<1x264xf32>
    %eq3A = arith.constant 2.000000e+01 : f32
    %eq3A_6 = vector.broadcast %eq3A : f32 to vector<24x1xf32>
    %eq3A_7 = arith.cmpf oeq, %convert_element_type3A, %eq3A_6 : vector<24x1xf32>
    %sub3A = vector.broadcast %mul3A_5 : vector<1x264xf32> to vector<24x264xf32>
    %sub3A_8 = vector.broadcast %select_n3A : vector<24x1xf32> to vector<24x264xf32>
    %sub3A_9 = arith.subf %sub3A, %sub3A_8 : vector<24x264xf32>
    %integer_pow3A = arith.mulf %sub3A_9, %sub3A_9 : vector<24x264xf32>
    %mul3A_10 = arith.constant -1.000000e+01 : f32
    %mul3A_11 = vector.broadcast %mul3A_10 : f32 to vector<24x264xf32>
    %mul3A_12 = arith.mulf %mul3A_11, %integer_pow3A : vector<24x264xf32>
    %exp3A = math.exp %mul3A_12 : vector<24x264xf32>
    %jit3A_13 = arith.constant 1.000000e+00 : f32
    %broadcast_in_dim3A_14 = vector.shape_cast %eq3A_7 : vector<24x1xi1> to vector<24x1xi1>
    %broadcast_in_dim3A_15 = vector.broadcast %broadcast_in_dim3A_14 : vector<24x1xi1> to vector<24x264xi1>
    %broadcast_in_dim3A_16 = vector.broadcast %jit3A_13 : f32 to vector<24x264xf32>
    %select_n3A_17 = arith.select %broadcast_in_dim3A_15, %broadcast_in_dim3A_16, %exp3A : vector<24x264xi1>, vector<24x264xf32>
    %get3A = arith.constant 0 : index
    %get3A_18 = arith.constant 0 : index
    %get3A_19 = vector.load %arg0[%get3A, %get3A_18] : memref<24x128xf32, #tpu.memory_space<vmem>>, vector<24x128xf32>
    %dot_general3A = arith.constant dense<0.000000e+00> : vector<264x128xf32>
    %dot_general3A_20 = tpu.matmul %select_n3A_17, %get3A_19, %dot_general3A {dimension_numbers = #tpu.dot_dimension_numbers<[0], [0], [1], [1], [0, 1, 1, 1], [], []>, transpose_lhs_hint = false} : vector<24x264xf32>, vector<24x128xf32>, vector<264x128xf32> -> vector<264x128xf32>
    %swap3A = arith.constant 0 : index
    %swap3A_21 = arith.constant 0 : index
    %swap3A_22 = vector.load %arg3[%swap3A, %swap3A_21] : memref<264x128xf32, #tpu.memory_space<vmem>>, vector<264x128xf32>
    tpu.vector_store %arg3[%swap3A, %swap3A_21], %dot_general3A_20 {strides = array<i32>} : memref<264x128xf32, #tpu.memory_space<vmem>>, vector<264x128xf32>,
    %iota3A_23 = tpu.iota {dimensions = array<i32: 1>} : vector<1x96xi32>
    %jit3A_24 = arith.constant 12 : i32
    %div3A = vector.broadcast %jit3A_24 : i32 to vector<1x96xi32>
    %div3A_25 = arith.divsi %iota3A_23, %div3A : vector<1x96xi32>
    %sign3A = arith.constant 0 : i32
    %sign3A_26 = vector.broadcast %sign3A : i32 to vector<1x96xi32>
    %sign3A_27 = arith.cmpi sgt, %iota3A_23, %sign3A_26 : vector<1x96xi32>
    %sign3A_28 = arith.extui %sign3A_27 : vector<1x96xi1> to vector<1x96xi32>
    %sign3A_29 = arith.constant 0 : i32
    %sign3A_30 = vector.broadcast %sign3A_29 : i32 to vector<1x96xi32>
    %sign3A_31 = arith.cmpi slt, %iota3A_23, %sign3A_30 : vector<1x96xi32>
    %sign3A_32 = arith.extui %sign3A_31 : vector<1x96xi1> to vector<1x96xi32>
    %sign3A_33 = arith.subi %sign3A_28, %sign3A_32 : vector<1x96xi32>
    %sign3A_34 = arith.constant 0 : i32
    %sign3A_35 = arith.cmpi sgt, %jit3A_24, %sign3A_34 : i32
    %sign3A_36 = arith.extui %sign3A_35 : i1 to i32
    %sign3A_37 = arith.constant 0 : i32
    %sign3A_38 = arith.cmpi slt, %jit3A_24, %sign3A_37 : i32
    %sign3A_39 = arith.extui %sign3A_38 : i1 to i32
    %sign3A_40 = arith.subi %sign3A_36, %sign3A_39 : i32
    %ne3A = vector.broadcast %sign3A_40 : i32 to vector<1x96xi32>
    %ne3A_41 = arith.cmpi ne, %sign3A_33, %ne3A : vector<1x96xi32>
    %rem3A = vector.broadcast %jit3A_24 : i32 to vector<1x96xi32>
    %rem3A_42 = arith.remsi %iota3A_23, %rem3A : vector<1x96xi32>
    %ne3A_43 = arith.constant 0 : i32
    %ne3A_44 = vector.broadcast %ne3A_43 : i32 to vector<1x96xi32>
    %ne3A_45 = arith.cmpi ne, %rem3A_42, %ne3A_44 : vector<1x96xi32>
    %and3A = arith.andi %ne3A_41, %ne3A_45 : vector<1x96xi1>
    %sub3A_46 = arith.constant 1 : i32
    %sub3A_47 = vector.broadcast %sub3A_46 : i32 to vector<1x96xi32>
    %sub3A_48 = arith.subi %div3A_25, %sub3A_47 : vector<1x96xi32>
    %select_n3A_49 = arith.select %and3A, %sub3A_48, %div3A_25 : vector<1x96xi1>, vector<1x96xi32>
    %mul3A_50 = arith.constant 12 : i32
    %mul3A_51 = vector.broadcast %mul3A_50 : i32 to vector<1x96xi32>
    %mul3A_52 = arith.muli %select_n3A_49, %mul3A_51 : vector<1x96xi32>
    %sub3A_53 = arith.subi %iota3A_23, %mul3A_52 : vector<1x96xi32>
    %iota3A_54 = tpu.iota {dimensions = array<i32: 0>} : vector<8x1xi32>
    %eq3A_55 = vector.broadcast %iota3A_54 : vector<8x1xi32> to vector<8x96xi32>
    %eq3A_56 = vector.broadcast %select_n3A_49 : vector<1x96xi32> to vector<8x96xi32>
    %eq3A_57 = arith.cmpi eq, %eq3A_55, %eq3A_56 : vector<8x96xi32>
    %convert_element_type3A_58 = arith.extui %eq3A_57 : vector<8x96xi1> to vector<8x96xi32>
    %convert_element_type3A_59 = arith.sitofp %convert_element_type3A_58 : vector<8x96xi32> to vector<8x96xf32>
    %iota3A_60 = tpu.iota {dimensions = array<i32: 0>} : vector<16x1xi32>
    %eq3A_61 = vector.broadcast %iota3A_60 : vector<16x1xi32> to vector<16x96xi32>
    %eq3A_62 = vector.broadcast %sub3A_53 : vector<1x96xi32> to vector<16x96xi32>
    %eq3A_63 = arith.cmpi eq, %eq3A_61, %eq3A_62 : vector<16x96xi32>
    %convert_element_type3A_64 = arith.extui %eq3A_63 : vector<16x96xi1> to vector<16x96xi32>
    %convert_element_type3A_65 = arith.sitofp %convert_element_type3A_64 : vector<16x96xi32> to vector<16x96xf32>
    %get3A_66 = arith.constant 0 : index
    %get3A_67 = arith.constant 0 : index
    %get3A_68 = vector.load %arg1[%get3A_66, %get3A_67] : memref<8x128xf32, #tpu.memory_space<vmem>>, vector<8x128xf32>
    %dot_general3A_69 = arith.constant dense<0.000000e+00> : vector<96x128xf32>
    %dot_general3A_70 = tpu.matmul %convert_element_type3A_59, %get3A_68, %dot_general3A_69 {dimension_numbers = #tpu.dot_dimension_numbers<[0], [0], [1], [1], [0, 1, 1, 1], [], []>, transpose_lhs_hint = false} : vector<8x96xf32>, vector<8x128xf32>, vector<96x128xf32> -> vector<96x128xf32>
    %get3A_71 = arith.constant 0 : index
    %get3A_72 = arith.constant 0 : index
    %get3A_73 = vector.load %arg2[%get3A_71, %get3A_72] : memref<16x128xf32, #tpu.memory_space<vmem>>, vector<16x128xf32>
    %dot_general3A_74 = arith.constant dense<0.000000e+00> : vector<96x128xf32>
    %dot_general3A_75 = tpu.matmul %convert_element_type3A_65, %get3A_73, %dot_general3A_74 {dimension_numbers = #tpu.dot_dimension_numbers<[0], [0], [1], [1], [0, 1, 1, 1], [], []>, transpose_lhs_hint = false} : vector<16x96xf32>, vector<16x128xf32>, vector<96x128xf32> -> vector<96x128xf32>
    %add3A = arith.addf %dot_general3A_70, %dot_general3A_75 : vector<96x128xf32>
    %swap3A_76 = arith.constant 0 : index
    %swap3A_77 = arith.constant 0 : index
    %swap3A_78 = vector.load %arg4[%swap3A_76, %swap3A_77] : memref<96x128xf32, #tpu.memory_space<vmem>>, vector<96x128xf32>
    tpu.vector_store %arg4[%swap3A_76, %swap3A_77], %add3A {strides = array<i32>} : memref<96x128xf32, #tpu.memory_space<vmem>>, vector<96x128xf32>,
    return
  }
}

module attributes {stable_mosaic.version = 14 : i64} {
  func.func @_angle_body(%arg0: i32, %arg1: memref<1x1x10000xf32, #tpu.memory_space<vmem>>, %arg2: memref<40x128xbf16, #tpu.memory_space<vmem>>, %arg3: memref<10000x128xf32, #tpu.memory_space<vmem>>) attributes {dimension_semantics = [#tpu.dimension_semantics<arbitrary>], iteration_bounds = array<i64: 20>, scalar_prefetch = 0 : i64, scratch_operands = 0 : i64, tpu.core_type = #tpu.core_type<tc>, window_params = [{transform_indices = @transform_0, window_bounds = array<i64: 1, 1, 10000>}, {pipeline_mode = #tpu.pipeline_mode<synchronous>, transform_indices = @transform_1, window_bounds = array<i64: 40, 128>}, {transform_indices = @transform_2, window_bounds = array<i64: 10000, 128>}]} {
    %iota3A = tpu.iota {dimensions = array<i32: 0>} : vector<40x1xi32>
    %convert_element_type3A = arith.sitofp %iota3A : vector<40x1xi32> to vector<40x1xf32>
    %lt3A = arith.constant 3.200000e+01 : f32
    %lt3A_0 = vector.broadcast %lt3A : f32 to vector<40x1xf32>
    %lt3A_1 = arith.cmpf olt, %convert_element_type3A, %lt3A_0 : vector<40x1xf32>
    %mul3A = arith.constant 1.000000e-01 : f32
    %mul3A_2 = vector.broadcast %mul3A : f32 to vector<40x1xf32>
    %mul3A_3 = arith.mulf %convert_element_type3A, %mul3A_2 : vector<40x1xf32>
    %jit3A = arith.constant -1.000000e+06 : f32
    %broadcast_in_dim3A = vector.broadcast %jit3A : f32 to vector<40x1xf32>
    %select_n3A = arith.select %lt3A_1, %mul3A_3, %broadcast_in_dim3A : vector<40x1xi1>, vector<40x1xf32>
    %get3A = arith.constant 0 : index
    %get3A_4 = arith.constant 0 : index
    %get3A_5 = arith.constant 0 : index
    %get3A_6 = vector.load %arg1[%get3A, %get3A_4, %get3A_5] : memref<1x1x10000xf32, #tpu.memory_space<vmem>>, vector<1x1x10000xf32>
    %get3A_7 = vector.shape_cast %get3A_6 : vector<1x1x10000xf32> to vector<10000xf32>
    %broadcast_in_dim3A_8 = vector.shape_cast %get3A_7 : vector<10000xf32> to vector<1x10000xf32>
    %sub3A = vector.broadcast %broadcast_in_dim3A_8 : vector<1x10000xf32> to vector<40x10000xf32>
    %sub3A_9 = vector.broadcast %select_n3A : vector<40x1xf32> to vector<40x10000xf32>
    %sub3A_10 = arith.subf %sub3A, %sub3A_9 : vector<40x10000xf32>
    %integer_pow3A = arith.mulf %sub3A_10, %sub3A_10 : vector<40x10000xf32>
    %mul3A_11 = arith.constant -1.000000e+01 : f32
    %mul3A_12 = vector.broadcast %mul3A_11 : f32 to vector<40x10000xf32>
    %mul3A_13 = arith.mulf %mul3A_12, %integer_pow3A : vector<40x10000xf32>
    %convert_element_type3A_14 = arith.truncf %mul3A_13 : vector<40x10000xf32> to vector<40x10000xbf16>
    %eq3A = arith.constant 3.200000e+01 : f32
    %eq3A_15 = vector.broadcast %eq3A : f32 to vector<40x1xf32>
    %eq3A_16 = arith.cmpf oeq, %convert_element_type3A, %eq3A_15 : vector<40x1xf32>
    %exp3A = math.exp %convert_element_type3A_14 : vector<40x10000xbf16>
    %jit3A_17 = arith.constant 1.000000e+00 : bf16
    %broadcast_in_dim3A_18 = vector.shape_cast %eq3A_16 : vector<40x1xi1> to vector<40x1xi1>
    %broadcast_in_dim3A_19 = vector.broadcast %broadcast_in_dim3A_18 : vector<40x1xi1> to vector<40x10000xi1>
    %broadcast_in_dim3A_20 = vector.broadcast %jit3A_17 : bf16 to vector<40x10000xbf16>
    %select_n3A_21 = arith.select %broadcast_in_dim3A_19, %broadcast_in_dim3A_20, %exp3A : vector<40x10000xi1>, vector<40x10000xbf16>
    %get3A_22 = arith.constant 0 : index
    %get3A_23 = arith.constant 0 : index
    %get3A_24 = vector.load %arg2[%get3A_22, %get3A_23] : memref<40x128xbf16, #tpu.memory_space<vmem>>, vector<40x128xbf16>
    %dot_general3A = arith.constant dense<0.000000e+00> : vector<10000x128xf32>
    %dot_general3A_25 = tpu.matmul %select_n3A_21, %get3A_24, %dot_general3A {dimension_numbers = #tpu.dot_dimension_numbers<[0], [0], [1], [1], [0, 1, 1, 1], [], []>, transpose_lhs_hint = false} : vector<40x10000xbf16>, vector<40x128xbf16>, vector<10000x128xf32> -> vector<10000x128xf32>
    %swap3A = arith.constant 0 : index
    %swap3A_26 = arith.constant 0 : index
    %swap3A_27 = vector.load %arg3[%swap3A, %swap3A_26] : memref<10000x128xf32, #tpu.memory_space<vmem>>, vector<10000x128xf32>
    tpu.vector_store %arg3[%swap3A, %swap3A_26], %dot_general3A_25 {strides = array<i32>} : memref<10000x128xf32, #tpu.memory_space<vmem>>, vector<10000x128xf32>,
    return
  }
  func.func @transform_0(%arg0: i32) -> (i32, i32, i32) {
    %c0_i32 = arith.constant 0 : i32
    %c0_i32_0 = arith.constant 0 : i32
    %c0_i32_1 = arith.constant 0 : i32
    return %arg0, %c0_i32, %c0_i32_0 : i32, i32, i32
  }
  func.func @transform_1(%arg0: i32) -> (i32, i32) {
    %c0_i32 = arith.constant 0 : i32
    %c0_i32_0 = arith.constant 0 : i32
    %c0_i32_1 = arith.constant 0 : i32
    return %c0_i32, %c0_i32_0 : i32, i32
  }
  func.func @transform_2(%arg0: i32) -> (i32, i32) {
    %c0_i32 = arith.constant 0 : i32
    %c0_i32_0 = arith.constant 0 : i32
    return %arg0, %c0_i32 : i32, i32
  }
}

module attributes {stable_mosaic.version = 14 : i64} {
  func.func @_bond_body(%arg0: i32, %arg1: memref<1x1x10000xi32, #tpu.memory_space<vmem>>, %arg2: memref<1x1x10000xi32, #tpu.memory_space<vmem>>, %arg3: memref<1x1x10000xi32, #tpu.memory_space<vmem>>, %arg4: memref<1x1x10000xf32, #tpu.memory_space<vmem>>, %arg5: memref<48x128xbf16, #tpu.memory_space<vmem>>, %arg6: memref<48x128xbf16, #tpu.memory_space<vmem>>, %arg7: memref<10000x128xf32, #tpu.memory_space<vmem>>, %arg8: memref<10000x128xf32, #tpu.memory_space<vmem>>) attributes {dimension_semantics = [#tpu.dimension_semantics<arbitrary>], iteration_bounds = array<i64: 10>, scalar_prefetch = 0 : i64, scratch_operands = 0 : i64, tpu.core_type = #tpu.core_type<tc>, window_params = [{transform_indices = @transform_0, window_bounds = array<i64: 1, 1, 10000>}, {transform_indices = @transform_1, window_bounds = array<i64: 1, 1, 10000>}, {transform_indices = @transform_2, window_bounds = array<i64: 1, 1, 10000>}, {transform_indices = @transform_3, window_bounds = array<i64: 1, 1, 10000>}, {pipeline_mode = #tpu.pipeline_mode<synchronous>, transform_indices = @transform_4, window_bounds = array<i64: 48, 128>}, {pipeline_mode = #tpu.pipeline_mode<synchronous>, transform_indices = @transform_5, window_bounds = array<i64: 48, 128>}, {transform_indices = @transform_6, window_bounds = array<i64: 10000, 128>}, {transform_indices = @transform_7, window_bounds = array<i64: 10000, 128>}]} {
    %iota3A = tpu.iota {dimensions = array<i32: 0>} : vector<16x1xi32>
    %convert_element_type3A = arith.sitofp %iota3A : vector<16x1xi32> to vector<16x1xbf16>
    %get3A = arith.constant 0 : index
    %get3A_0 = arith.constant 0 : index
    %get3A_1 = arith.constant 0 : index
    %get3A_2 = vector.load %arg1[%get3A, %get3A_0, %get3A_1] : memref<1x1x10000xi32, #tpu.memory_space<vmem>>, vector<1x1x10000xi32>
    %get3A_3 = vector.shape_cast %get3A_2 : vector<1x1x10000xi32> to vector<10000xi32>
    %broadcast_in_dim3A = vector.shape_cast %get3A_3 : vector<10000xi32> to vector<1x10000xi32>
    %convert_element_type3A_4 = arith.sitofp %broadcast_in_dim3A : vector<1x10000xi32> to vector<1x10000xbf16>
    %get3A_5 = arith.constant 0 : index
    %get3A_6 = arith.constant 0 : index
    %get3A_7 = arith.constant 0 : index
    %get3A_8 = vector.load %arg2[%get3A_5, %get3A_6, %get3A_7] : memref<1x1x10000xi32, #tpu.memory_space<vmem>>, vector<1x1x10000xi32>
    %get3A_9 = vector.shape_cast %get3A_8 : vector<1x1x10000xi32> to vector<10000xi32>
    %broadcast_in_dim3A_10 = vector.shape_cast %get3A_9 : vector<10000xi32> to vector<1x10000xi32>
    %convert_element_type3A_11 = arith.sitofp %broadcast_in_dim3A_10 : vector<1x10000xi32> to vector<1x10000xbf16>
    %add3A = arith.constant 8.000000e+00 : bf16
    %add3A_12 = vector.broadcast %add3A : bf16 to vector<1x10000xbf16>
    %add3A_13 = arith.addf %convert_element_type3A_11, %add3A_12 : vector<1x10000xbf16>
    %eq3A = vector.broadcast %convert_element_type3A : vector<16x1xbf16> to vector<16x10000xbf16>
    %eq3A_14 = vector.broadcast %convert_element_type3A_4 : vector<1x10000xbf16> to vector<16x10000xbf16>
    %eq3A_15 = arith.cmpf oeq, %eq3A, %eq3A_14 : vector<16x10000xbf16>
    %eq3A_16 = vector.broadcast %convert_element_type3A : vector<16x1xbf16> to vector<16x10000xbf16>
    %eq3A_17 = vector.broadcast %add3A_13 : vector<1x10000xbf16> to vector<16x10000xbf16>
    %eq3A_18 = arith.cmpf oeq, %eq3A_16, %eq3A_17 : vector<16x10000xbf16>
    %or3A = arith.ori %eq3A_15, %eq3A_18 : vector<16x10000xi1>
    %jit3A = arith.constant 1.000000e+00 : bf16
    %jit3A_19 = arith.constant 0.000000e+00 : bf16
    %broadcast_in_dim3A_20 = vector.broadcast %jit3A : bf16 to vector<16x10000xbf16>
    %broadcast_in_dim3A_21 = vector.broadcast %jit3A_19 : bf16 to vector<16x10000xbf16>
    %select_n3A = arith.select %or3A, %broadcast_in_dim3A_20, %broadcast_in_dim3A_21 : vector<16x10000xi1>, vector<16x10000xbf16>
    %iota3A_22 = tpu.iota {dimensions = array<i32: 0>} : vector<32x1xi32>
    %convert_element_type3A_23 = arith.sitofp %iota3A_22 : vector<32x1xi32> to vector<32x1xf32>
    %add3A_24 = arith.constant 1.600000e+01 : f32
    %add3A_25 = vector.broadcast %add3A_24 : f32 to vector<32x1xf32>
    %add3A_26 = arith.addf %convert_element_type3A_23, %add3A_25 : vector<32x1xf32>
    %ge3A = arith.constant 2.000000e+01 : f32
    %ge3A_27 = vector.broadcast %ge3A : f32 to vector<32x1xf32>
    %ge3A_28 = arith.cmpf oge, %add3A_26, %ge3A_27 : vector<32x1xf32>
    %lt3A = arith.constant 4.000000e+01 : f32
    %lt3A_29 = vector.broadcast %lt3A : f32 to vector<32x1xf32>
    %lt3A_30 = arith.cmpf olt, %add3A_26, %lt3A_29 : vector<32x1xf32>
    %and3A = arith.andi %ge3A_28, %lt3A_30 : vector<32x1xi1>
    %sub3A = arith.constant 2.000000e+01 : f32
    %sub3A_31 = vector.broadcast %sub3A : f32 to vector<32x1xf32>
    %sub3A_32 = arith.subf %add3A_26, %sub3A_31 : vector<32x1xf32>
    %mul3A = arith.constant 1.000000e-01 : f32
    %mul3A_33 = vector.broadcast %mul3A : f32 to vector<32x1xf32>
    %mul3A_34 = arith.mulf %sub3A_32, %mul3A_33 : vector<32x1xf32>
    %jit3A_35 = arith.constant -1.000000e+06 : f32
    %broadcast_in_dim3A_36 = vector.broadcast %jit3A_35 : f32 to vector<32x1xf32>
    %select_n3A_37 = arith.select %and3A, %mul3A_34, %broadcast_in_dim3A_36 : vector<32x1xi1>, vector<32x1xf32>
    %get3A_38 = arith.constant 0 : index
    %get3A_39 = arith.constant 0 : index
    %get3A_40 = arith.constant 0 : index
    %get3A_41 = vector.load %arg4[%get3A_38, %get3A_39, %get3A_40] : memref<1x1x10000xf32, #tpu.memory_space<vmem>>, vector<1x1x10000xf32>
    %get3A_42 = vector.shape_cast %get3A_41 : vector<1x1x10000xf32> to vector<10000xf32>
    %broadcast_in_dim3A_43 = vector.shape_cast %get3A_42 : vector<10000xf32> to vector<1x10000xf32>
    %sub3A_44 = vector.broadcast %broadcast_in_dim3A_43 : vector<1x10000xf32> to vector<32x10000xf32>
    %sub3A_45 = vector.broadcast %select_n3A_37 : vector<32x1xf32> to vector<32x10000xf32>
    %sub3A_46 = arith.subf %sub3A_44, %sub3A_45 : vector<32x10000xf32>
    %integer_pow3A = arith.mulf %sub3A_46, %sub3A_46 : vector<32x10000xf32>
    %mul3A_47 = arith.constant -1.000000e+01 : f32
    %mul3A_48 = vector.broadcast %mul3A_47 : f32 to vector<32x10000xf32>
    %mul3A_49 = arith.mulf %mul3A_48, %integer_pow3A : vector<32x10000xf32>
    %convert_element_type3A_50 = arith.truncf %mul3A_49 : vector<32x10000xf32> to vector<32x10000xbf16>
    %get3A_51 = arith.constant 0 : index
    %get3A_52 = arith.constant 0 : index
    %get3A_53 = arith.constant 0 : index
    %get3A_54 = vector.load %arg3[%get3A_51, %get3A_52, %get3A_53] : memref<1x1x10000xi32, #tpu.memory_space<vmem>>, vector<1x1x10000xi32>
    %get3A_55 = vector.shape_cast %get3A_54 : vector<1x1x10000xi32> to vector<10000xi32>
    %broadcast_in_dim3A_56 = vector.shape_cast %get3A_55 : vector<10000xi32> to vector<1x10000xi32>
    %convert_element_type3A_57 = arith.sitofp %broadcast_in_dim3A_56 : vector<1x10000xi32> to vector<1x10000xf32>
    %add3A_58 = arith.constant 1.600000e+01 : f32
    %add3A_59 = vector.broadcast %add3A_58 : f32 to vector<1x10000xf32>
    %add3A_60 = arith.addf %convert_element_type3A_57, %add3A_59 : vector<1x10000xf32>
    %eq3A_61 = vector.broadcast %add3A_26 : vector<32x1xf32> to vector<32x10000xf32>
    %eq3A_62 = vector.broadcast %add3A_60 : vector<1x10000xf32> to vector<32x10000xf32>
    %eq3A_63 = arith.cmpf oeq, %eq3A_61, %eq3A_62 : vector<32x10000xf32>
    %eq3A_64 = arith.constant 4.000000e+01 : f32
    %eq3A_65 = vector.broadcast %eq3A_64 : f32 to vector<32x1xf32>
    %eq3A_66 = arith.cmpf oeq, %add3A_26, %eq3A_65 : vector<32x1xf32>
    %or3A_67 = vector.broadcast %eq3A_66 : vector<32x1xi1> to vector<32x10000xi1>
    %or3A_68 = arith.ori %eq3A_63, %or3A_67 : vector<32x10000xi1>
    %exp3A = math.exp %convert_element_type3A_50 : vector<32x10000xbf16>
    %jit3A_69 = arith.constant 1.000000e+00 : bf16
    %broadcast_in_dim3A_70 = vector.broadcast %jit3A_69 : bf16 to vector<32x10000xbf16>
    %select_n3A_71 = arith.select %or3A_68, %broadcast_in_dim3A_70, %exp3A : vector<32x10000xi1>, vector<32x10000xbf16>
    %concatenate3A = tpu.concatenate %select_n3A, %select_n3A_71 in 0 : vector<16x10000xbf16>, vector<32x10000xbf16> -> vector<48x10000xbf16>
    %get3A_72 = arith.constant 0 : index
    %get3A_73 = arith.constant 0 : index
    %get3A_74 = vector.load %arg5[%get3A_72, %get3A_73] : memref<48x128xbf16, #tpu.memory_space<vmem>>, vector<48x128xbf16>
    %dot_general3A = arith.constant dense<0.000000e+00> : vector<10000x128xf32>
    %dot_general3A_75 = tpu.matmul %concatenate3A, %get3A_74, %dot_general3A {dimension_numbers = #tpu.dot_dimension_numbers<[0], [0], [1], [1], [0, 1, 1, 1], [], []>, transpose_lhs_hint = false} : vector<48x10000xbf16>, vector<48x128xbf16>, vector<10000x128xf32> -> vector<10000x128xf32>
    %swap3A = arith.constant 0 : index
    %swap3A_76 = arith.constant 0 : index
    %swap3A_77 = vector.load %arg7[%swap3A, %swap3A_76] : memref<10000x128xf32, #tpu.memory_space<vmem>>, vector<10000x128xf32>
    tpu.vector_store %arg7[%swap3A, %swap3A_76], %dot_general3A_75 {strides = array<i32>} : memref<10000x128xf32, #tpu.memory_space<vmem>>, vector<10000x128xf32>,
    %get3A_78 = arith.constant 0 : index
    %get3A_79 = arith.constant 0 : index
    %get3A_80 = vector.load %arg6[%get3A_78, %get3A_79] : memref<48x128xbf16, #tpu.memory_space<vmem>>, vector<48x128xbf16>
    %dot_general3A_81 = arith.constant dense<0.000000e+00> : vector<10000x128xf32>
    %dot_general3A_82 = tpu.matmul %concatenate3A, %get3A_80, %dot_general3A_81 {dimension_numbers = #tpu.dot_dimension_numbers<[0], [0], [1], [1], [0, 1, 1, 1], [], []>, transpose_lhs_hint = false} : vector<48x10000xbf16>, vector<48x128xbf16>, vector<10000x128xf32> -> vector<10000x128xf32>
    %swap3A_83 = arith.constant 0 : index
    %swap3A_84 = arith.constant 0 : index
    %swap3A_85 = vector.load %arg8[%swap3A_83, %swap3A_84] : memref<10000x128xf32, #tpu.memory_space<vmem>>, vector<10000x128xf32>
    tpu.vector_store %arg8[%swap3A_83, %swap3A_84], %dot_general3A_82 {strides = array<i32>} : memref<10000x128xf32, #tpu.memory_space<vmem>>, vector<10000x128xf32>,
    return
  }
  func.func @transform_0(%arg0: i32) -> (i32, i32, i32) {
    %c0_i32 = arith.constant 0 : i32
    %c0_i32_0 = arith.constant 0 : i32
    %c0_i32_1 = arith.constant 0 : i32
    return %arg0, %c0_i32, %c0_i32_0 : i32, i32, i32
  }
  func.func @transform_1(%arg0: i32) -> (i32, i32, i32) {
    %c0_i32 = arith.constant 0 : i32
    %c0_i32_0 = arith.constant 0 : i32
    %c0_i32_1 = arith.constant 0 : i32
    return %arg0, %c0_i32, %c0_i32_0 : i32, i32, i32
  }
  func.func @transform_2(%arg0: i32) -> (i32, i32, i32) {
    %c0_i32 = arith.constant 0 : i32
    %c0_i32_0 = arith.constant 0 : i32
    %c0_i32_1 = arith.constant 0 : i32
    return %arg0, %c0_i32, %c0_i32_0 : i32, i32, i32
  }
  func.func @transform_3(%arg0: i32) -> (i32, i32, i32) {
    %c0_i32 = arith.constant 0 : i32
    %c0_i32_0 = arith.constant 0 : i32
    %c0_i32_1 = arith.constant 0 : i32
    return %arg0, %c0_i32, %c0_i32_0 : i32, i32, i32
  }
  func.func @transform_4(%arg0: i32) -> (i32, i32) {
    %c0_i32 = arith.constant 0 : i32
    %c0_i32_0 = arith.constant 0 : i32
    %c0_i32_1 = arith.constant 0 : i32
    return %c0_i32, %c0_i32_0 : i32, i32
  }
  func.func @transform_5(%arg0: i32) -> (i32, i32) {
    %c0_i32 = arith.constant 0 : i32
    %c0_i32_0 = arith.constant 0 : i32
    %c0_i32_1 = arith.constant 0 : i32
    return %c0_i32, %c0_i32_0 : i32, i32
  }
  func.func @transform_6(%arg0: i32) -> (i32, i32) {
    %c0_i32 = arith.constant 0 : i32
    %c0_i32_0 = arith.constant 0 : i32
    return %arg0, %c0_i32 : i32, i32
  }
  func.func @transform_7(%arg0: i32) -> (i32, i32) {
    %c0_i32 = arith.constant 0 : i32
    %c0_i32_0 = arith.constant 0 : i32
    return %arg0, %c0_i32 : i32, i32
  }
}

module attributes {stable_mosaic.version = 14 : i64} {
  func.func @_atom_body(%arg0: i32, %arg1: memref<1x1x5000xi32, #tpu.memory_space<vmem>>, %arg2: memref<1x1x5000xi32, #tpu.memory_space<vmem>>, %arg3: memref<1x1x5000xi32, #tpu.memory_space<vmem>>, %arg4: memref<1x1x5000xi32, #tpu.memory_space<vmem>>, %arg5: memref<1x1x5000xf32, #tpu.memory_space<vmem>>, %arg6: memref<192x128xbf16, #tpu.memory_space<vmem>>, %arg7: memref<50000x128xf32, #tpu.memory_space<any>>, %arg8: memref<5000x128xf32, #tpu.memory_space<vmem>>) attributes {dimension_semantics = [#tpu.dimension_semantics<arbitrary>], iteration_bounds = array<i64: 4>, scalar_prefetch = 0 : i64, scratch_operands = 0 : i64, tpu.core_type = #tpu.core_type<tc>, window_params = [{transform_indices = @transform_0, window_bounds = array<i64: 1, 1, 5000>}, {transform_indices = @transform_1, window_bounds = array<i64: 1, 1, 5000>}, {transform_indices = @transform_2, window_bounds = array<i64: 1, 1, 5000>}, {transform_indices = @transform_3, window_bounds = array<i64: 1, 1, 5000>}, {transform_indices = @transform_4, window_bounds = array<i64: 1, 1, 5000>}, {pipeline_mode = #tpu.pipeline_mode<synchronous>, transform_indices = @transform_5, window_bounds = array<i64: 192, 128>}, {}, {transform_indices = @transform_7, window_bounds = array<i64: 5000, 128>}]} {
    %iota3A = tpu.iota {dimensions = array<i32: 0>} : vector<160x1xi32>
    %convert_element_type3A = arith.sitofp %iota3A : vector<160x1xi32> to vector<160x1xbf16>
    %get3A = arith.constant 0 : index
    %get3A_0 = arith.constant 0 : index
    %get3A_1 = arith.constant 0 : index
    %get3A_2 = vector.load %arg1[%get3A, %get3A_0, %get3A_1] : memref<1x1x5000xi32, #tpu.memory_space<vmem>>, vector<1x1x5000xi32>
    %get3A_3 = vector.shape_cast %get3A_2 : vector<1x1x5000xi32> to vector<5000xi32>
    %broadcast_in_dim3A = vector.shape_cast %get3A_3 : vector<5000xi32> to vector<1x5000xi32>
    %convert_element_type3A_4 = arith.sitofp %broadcast_in_dim3A : vector<1x5000xi32> to vector<1x5000xbf16>
    %get3A_5 = arith.constant 0 : index
    %get3A_6 = arith.constant 0 : index
    %get3A_7 = arith.constant 0 : index
    %get3A_8 = vector.load %arg2[%get3A_5, %get3A_6, %get3A_7] : memref<1x1x5000xi32, #tpu.memory_space<vmem>>, vector<1x1x5000xi32>
    %get3A_9 = vector.shape_cast %get3A_8 : vector<1x1x5000xi32> to vector<5000xi32>
    %broadcast_in_dim3A_10 = vector.shape_cast %get3A_9 : vector<5000xi32> to vector<1x5000xi32>
    %convert_element_type3A_11 = arith.sitofp %broadcast_in_dim3A_10 : vector<1x5000xi32> to vector<1x5000xbf16>
    %add3A = arith.constant 1.190000e+02 : bf16
    %add3A_12 = vector.broadcast %add3A : bf16 to vector<1x5000xbf16>
    %add3A_13 = arith.addf %convert_element_type3A_11, %add3A_12 : vector<1x5000xbf16>
    %get3A_14 = arith.constant 0 : index
    %get3A_15 = arith.constant 0 : index
    %get3A_16 = arith.constant 0 : index
    %get3A_17 = vector.load %arg3[%get3A_14, %get3A_15, %get3A_16] : memref<1x1x5000xi32, #tpu.memory_space<vmem>>, vector<1x1x5000xi32>
    %get3A_18 = vector.shape_cast %get3A_17 : vector<1x1x5000xi32> to vector<5000xi32>
    %broadcast_in_dim3A_19 = vector.shape_cast %get3A_18 : vector<5000xi32> to vector<1x5000xi32>
    %convert_element_type3A_20 = arith.sitofp %broadcast_in_dim3A_19 : vector<1x5000xi32> to vector<1x5000xbf16>
    %add3A_21 = arith.constant 1.270000e+02 : bf16
    %add3A_22 = vector.broadcast %add3A_21 : bf16 to vector<1x5000xbf16>
    %add3A_23 = arith.addf %convert_element_type3A_20, %add3A_22 : vector<1x5000xbf16>
    %get3A_24 = arith.constant 0 : index
    %get3A_25 = arith.constant 0 : index
    %get3A_26 = arith.constant 0 : index
    %get3A_27 = vector.load %arg4[%get3A_24, %get3A_25, %get3A_26] : memref<1x1x5000xi32, #tpu.memory_space<vmem>>, vector<1x1x5000xi32>
    %get3A_28 = vector.shape_cast %get3A_27 : vector<1x1x5000xi32> to vector<5000xi32>
    %broadcast_in_dim3A_29 = vector.shape_cast %get3A_28 : vector<5000xi32> to vector<1x5000xi32>
    %convert_element_type3A_30 = arith.sitofp %broadcast_in_dim3A_29 : vector<1x5000xi32> to vector<1x5000xbf16>
    %add3A_31 = arith.constant 1.390000e+02 : bf16
    %add3A_32 = vector.broadcast %add3A_31 : bf16 to vector<1x5000xbf16>
    %add3A_33 = arith.addf %convert_element_type3A_30, %add3A_32 : vector<1x5000xbf16>
    %eq3A = vector.broadcast %convert_element_type3A : vector<160x1xbf16> to vector<160x5000xbf16>
    %eq3A_34 = vector.broadcast %convert_element_type3A_4 : vector<1x5000xbf16> to vector<160x5000xbf16>
    %eq3A_35 = arith.cmpf oeq, %eq3A, %eq3A_34 : vector<160x5000xbf16>
    %eq3A_36 = vector.broadcast %convert_element_type3A : vector<160x1xbf16> to vector<160x5000xbf16>
    %eq3A_37 = vector.broadcast %add3A_13 : vector<1x5000xbf16> to vector<160x5000xbf16>
    %eq3A_38 = arith.cmpf oeq, %eq3A_36, %eq3A_37 : vector<160x5000xbf16>
    %or3A = arith.ori %eq3A_35, %eq3A_38 : vector<160x5000xi1>
    %eq3A_39 = vector.broadcast %convert_element_type3A : vector<160x1xbf16> to vector<160x5000xbf16>
    %eq3A_40 = vector.broadcast %add3A_23 : vector<1x5000xbf16> to vector<160x5000xbf16>
    %eq3A_41 = arith.cmpf oeq, %eq3A_39, %eq3A_40 : vector<160x5000xbf16>
    %or3A_42 = arith.ori %or3A, %eq3A_41 : vector<160x5000xi1>
    %eq3A_43 = vector.broadcast %convert_element_type3A : vector<160x1xbf16> to vector<160x5000xbf16>
    %eq3A_44 = vector.broadcast %add3A_33 : vector<1x5000xbf16> to vector<160x5000xbf16>
    %eq3A_45 = arith.cmpf oeq, %eq3A_43, %eq3A_44 : vector<160x5000xbf16>
    %or3A_46 = arith.ori %or3A_42, %eq3A_45 : vector<160x5000xi1>
    %jit3A = arith.constant 1.000000e+00 : bf16
    %jit3A_47 = arith.constant 0.000000e+00 : bf16
    %broadcast_in_dim3A_48 = vector.broadcast %jit3A : bf16 to vector<160x5000xbf16>
    %broadcast_in_dim3A_49 = vector.broadcast %jit3A_47 : bf16 to vector<160x5000xbf16>
    %select_n3A = arith.select %or3A_46, %broadcast_in_dim3A_48, %broadcast_in_dim3A_49 : vector<160x5000xi1>, vector<160x5000xbf16>
    %iota3A_50 = tpu.iota {dimensions = array<i32: 0>} : vector<32x1xi32>
    %convert_element_type3A_51 = arith.sitofp %iota3A_50 : vector<32x1xi32> to vector<32x1xf32>
    %lt3A = arith.constant 2.000000e+01 : f32
    %lt3A_52 = vector.broadcast %lt3A : f32 to vector<32x1xf32>
    %lt3A_53 = arith.cmpf olt, %convert_element_type3A_51, %lt3A_52 : vector<32x1xf32>
    %jit3A_54 = arith.constant -1.000000e+06 : f32
    %broadcast_in_dim3A_55 = vector.broadcast %jit3A_54 : f32 to vector<32x1xf32>
    %select_n3A_56 = arith.select %lt3A_53, %convert_element_type3A_51, %broadcast_in_dim3A_55 : vector<32x1xi1>, vector<32x1xf32>
    %get3A_57 = arith.constant 0 : index
    %get3A_58 = arith.constant 0 : index
    %get3A_59 = arith.constant 0 : index
    %get3A_60 = vector.load %arg5[%get3A_57, %get3A_58, %get3A_59] : memref<1x1x5000xf32, #tpu.memory_space<vmem>>, vector<1x1x5000xf32>
    %get3A_61 = vector.shape_cast %get3A_60 : vector<1x1x5000xf32> to vector<5000xf32>
    %broadcast_in_dim3A_62 = vector.shape_cast %get3A_61 : vector<5000xf32> to vector<1x5000xf32>
    %sub3A = vector.broadcast %broadcast_in_dim3A_62 : vector<1x5000xf32> to vector<32x5000xf32>
    %sub3A_63 = vector.broadcast %select_n3A_56 : vector<32x1xf32> to vector<32x5000xf32>
    %sub3A_64 = arith.subf %sub3A, %sub3A_63 : vector<32x5000xf32>
    %integer_pow3A = arith.mulf %sub3A_64, %sub3A_64 : vector<32x5000xf32>
    %mul3A = arith.constant -1.000000e+01 : f32
    %mul3A_65 = vector.broadcast %mul3A : f32 to vector<32x5000xf32>
    %mul3A_66 = arith.mulf %mul3A_65, %integer_pow3A : vector<32x5000xf32>
    %convert_element_type3A_67 = arith.truncf %mul3A_66 : vector<32x5000xf32> to vector<32x5000xbf16>
    %eq3A_68 = arith.constant 2.000000e+01 : f32
    %eq3A_69 = vector.broadcast %eq3A_68 : f32 to vector<32x1xf32>
    %eq3A_70 = arith.cmpf oeq, %convert_element_type3A_51, %eq3A_69 : vector<32x1xf32>
    %exp3A = math.exp %convert_element_type3A_67 : vector<32x5000xbf16>
    %jit3A_71 = arith.constant 1.000000e+00 : bf16
    %broadcast_in_dim3A_72 = vector.shape_cast %eq3A_70 : vector<32x1xi1> to vector<32x1xi1>
    %broadcast_in_dim3A_73 = vector.broadcast %broadcast_in_dim3A_72 : vector<32x1xi1> to vector<32x5000xi1>
    %broadcast_in_dim3A_74 = vector.broadcast %jit3A_71 : bf16 to vector<32x5000xbf16>
    %select_n3A_75 = arith.select %broadcast_in_dim3A_73, %broadcast_in_dim3A_74, %exp3A : vector<32x5000xi1>, vector<32x5000xbf16>
    %concatenate3A = tpu.concatenate %select_n3A, %select_n3A_75 in 0 : vector<160x5000xbf16>, vector<32x5000xbf16> -> vector<192x5000xbf16>
    %get3A_76 = arith.constant 0 : index
    %get3A_77 = arith.constant 0 : index
    %get3A_78 = vector.load %arg6[%get3A_76, %get3A_77] : memref<192x128xbf16, #tpu.memory_space<vmem>>, vector<192x128xbf16>
    %dot_general3A = arith.constant dense<0.000000e+00> : vector<5000x128xf32>
    %dot_general3A_79 = tpu.matmul %concatenate3A, %get3A_78, %dot_general3A {dimension_numbers = #tpu.dot_dimension_numbers<[0], [0], [1], [1], [0, 1, 1, 1], [], []>, transpose_lhs_hint = false} : vector<192x5000xbf16>, vector<192x128xbf16>, vector<5000x128xf32> -> vector<5000x128xf32>
    %swap3A = arith.constant 0 : index
    %swap3A_80 = arith.constant 0 : index
    %swap3A_81 = vector.load %arg8[%swap3A, %swap3A_80] : memref<5000x128xf32, #tpu.memory_space<vmem>>, vector<5000x128xf32>
    tpu.vector_store %arg8[%swap3A, %swap3A_80], %dot_general3A_79 {strides = array<i32>} : memref<5000x128xf32, #tpu.memory_space<vmem>>, vector<5000x128xf32>,
    return
  }
  func.func @transform_0(%arg0: i32) -> (i32, i32, i32) {
    %add3A = arith.constant 6 : i32
    %add3A_0 = arith.addi %arg0, %add3A : i32
    %c0_i32 = arith.constant 0 : i32
    %c0_i32_1 = arith.constant 0 : i32
    %c0_i32_2 = arith.constant 0 : i32
    return %add3A_0, %c0_i32, %c0_i32_1 : i32, i32, i32
  }
  func.func @transform_1(%arg0: i32) -> (i32, i32, i32) {
    %add3A = arith.constant 6 : i32
    %add3A_0 = arith.addi %arg0, %add3A : i32
    %c0_i32 = arith.constant 0 : i32
    %c0_i32_1 = arith.constant 0 : i32
    %c0_i32_2 = arith.constant 0 : i32
    return %add3A_0, %c0_i32, %c0_i32_1 : i32, i32, i32
  }
  func.func @transform_2(%arg0: i32) -> (i32, i32, i32) {
    %add3A = arith.constant 6 : i32
    %add3A_0 = arith.addi %arg0, %add3A : i32
    %c0_i32 = arith.constant 0 : i32
    %c0_i32_1 = arith.constant 0 : i32
    %c0_i32_2 = arith.constant 0 : i32
    return %add3A_0, %c0_i32, %c0_i32_1 : i32, i32, i32
  }
  func.func @transform_3(%arg0: i32) -> (i32, i32, i32) {
    %add3A = arith.constant 6 : i32
    %add3A_0 = arith.addi %arg0, %add3A : i32
    %c0_i32 = arith.constant 0 : i32
    %c0_i32_1 = arith.constant 0 : i32
    %c0_i32_2 = arith.constant 0 : i32
    return %add3A_0, %c0_i32, %c0_i32_1 : i32, i32, i32
  }
  func.func @transform_4(%arg0: i32) -> (i32, i32, i32) {
    %add3A = arith.constant 6 : i32
    %add3A_0 = arith.addi %arg0, %add3A : i32
    %c0_i32 = arith.constant 0 : i32
    %c0_i32_1 = arith.constant 0 : i32
    %c0_i32_2 = arith.constant 0 : i32
    return %add3A_0, %c0_i32, %c0_i32_1 : i32, i32, i32
  }
  func.func @transform_5(%arg0: i32) -> (i32, i32) {
    %c0_i32 = arith.constant 0 : i32
    %c0_i32_0 = arith.constant 0 : i32
    %c0_i32_1 = arith.constant 0 : i32
    return %c0_i32, %c0_i32_0 : i32, i32
  }
  func.func @transform_7(%arg0: i32) -> (i32, i32) {
    %add3A = arith.constant 6 : i32
    %add3A_0 = arith.addi %arg0, %add3A : i32
    %c0_i32 = arith.constant 0 : i32
    %c0_i32_1 = arith.constant 0 : i32
    return %add3A_0, %c0_i32 : i32, i32
  }
}

</mosaic_0001>

<sc_bundles>
// kernel: kernel.7.cloned.1.call-start
scs
__scs_entry_jumppad:
0x0: {  	(pc) =	sbr.rel $0x88, $3  }
0x1: {  	(tag) =	ssettag $0x0;
	lr =	simm.s32 $0x1  }
0x2: {  	[smem:$0x3F83] =	sst lr;
	_ =	strace $0xD0000000  }
0x3: {  	_ = 	snop  }
0x4: {  	_ = 	snop  }
0x5: {  	_ = 	snop  }
0x6: {  	_ = 	snop  }
0x7: {  	_ = 	snop  }
__scs_overlays_trampoline_lowered:
0x8: {  	[smem:$0x3F92] =	sst s0  }
0x9: {  	[smem:$0x3F93] =	sst s1  }
0xa: {  	[smem:$0x3F94] =	sst s2  }
0xb: {  	[smem:$0x3F95] =	sst s3  }
0xc: {  	[smem:$0x3F96] =	sst s4  }
0xd: {  	[smem:$0x3F97] =	sst s5  }
0xe: {  	[smem:$0x3F98] =	sst s6  }
0xf: {  	[smem:$0x3F99] =	sst s7  }
0x10: {  	[smem:$0x3F9A] =	sst s8  }
0x11: {  	[smem:$0x3F9B] =	sst s9;
	s0 =	simm.s32 @!p0 $0x0  }
0x12: {  	s1 =	sld [smem:$0x3F81];
	s0 =	simm.s32 @p0 $0x1  }
0x13: {  	[smem:$0x3F9C] =	sst s0;
	s0 =	simm.s32 @!p1 $0x0  }
0x14: {  	s2 =	sld [smem:$0x3F80];
	s0 =	simm.s32 @p1 $0x1  }
0x15: {  	[smem:$0x3F9D] =	sst s0;
	s0 =	simm.s32 @!p2 $0x0  }
0x16: {  	s3 =	sld [smem:$0x3FDB];
	s0 =	simm.s32 @p2 $0x1  }
0x17: {  	s4 =	simm.s32 $0x1BF5;
	[smem:$0x3F9F] =	sst s0  }
0x18: {  	s0 =	sld [smem:$0x3F82];
	_ =	swait.ge [sflag:s4], $0x0  }
0x19: {  	s7 =	sld [smem:$0x3F83]  }
0x1a: {  	s8 =	sadd.s32 $0xFFFFE003, lr  }
0x1b: {  	s9 =	sadd.s32 $0xFFFFFEF7, lr;
	s5 =	simm.s32 $0xFFFFFFFF;
	p2 =	slt.u32 s8, $0xFFFFF086  }
0x1c: {  	p1 =	slt.u32 s9, $0xF7A;
	s5 =	simm.s32 @!p2 $0x0  }
0x1d: {  	s5 =	simm.s32 @p1 $0x1;
	p0 =	seq.s32 s7, s2  }
0x1e: {  	s7 =	smul.u32 @!p0 $0xF7A, s2;
	p2 =	seq.s32 @!p0 s5, $0x0  }
0x1f: {  	s9 =	smul.u32 $0xF7A, s1;
	s8 =	simm.s32 @!p0 $0x1BF5;
	p2 =	por !p2, p0  }
0x20: {  	[sflag:s8] =	ssyncset.s32 @!p0 $0xFFFFF086;
	s6 =	sadd.s32 @!p0 s3, s7;
	s7 =	simm.s32 @!p0 $0x108  }
0x21: {  	s3 =	sadd.s32 s3, s9;
	s6 =	sadd.s32 @!p0 $0x88, s6;
	s7 =	simm.s32 @p2 $0x1082  }
0x22: {  	[simem:s7], [sflag:s8] =	dma.local @!p0 [hbm:s6], $0xF7A  }
0x23: {  	s9 =	sor.u32 $0xD0000000, s2;
	s6 =	simm.s32 $0x108;
	_ =	swait.ge @!p0 [sflag:s8], $0x0  }
0x24: {  	s3 =	sadd.s32 $0x88, s3;
	s6 =	simm.s32 @!p1 $0x1082;
	[sflag:s4] =	ssyncset.s32 $0xFFFFF086  }
0x25: {  	[simem:s6], [sflag:s4] =	dma.local [hbm:s3], $0xF7A  }
0x26: {  	[smem:$0x3F83] =	sst s1;
	(tag) =	ssettag s2;
	_ =	strace s9  }
0x27: {  	s1 =	sld [smem:$0x3F93]  }
0x28: {  	s2 =	sld [smem:$0x3F94]  }
0x29: {  	s4 =	sld [smem:$0x3F96]  }
0x2a: {  	p0 =	seq.s32 s5, $0x0;
	s5 =	sld [smem:$0x3F97]  }
0x2b: {  	s6 =	sld [smem:$0x3F98]  }
0x2c: {  	s7 =	sld [smem:$0x3F99]  }
0x2d: {  	s3 =	simm.s32 $0x108;
	s8 =	sld [smem:$0x3F9A]  }
0x2e: {  	s3 =	simm.s32 @!p0 $0x1082;
	s9 =	sld [smem:$0x3F9B]  }
0x2f: {  	lr =	sadd.s32 s0, s3;
	s0 =	sld [smem:$0x3F92]  }
0x30: {  	s3 =	sld [smem:$0x3F95]  }
0x31: {  	[smem:$0x3F9E] =	sst s10  }
0x32: {  	s10 =	sld [smem:$0x3F9C];
	_ =	sdelay $0x3  }
0x33: {  	p0 =	seq.s32 s10, $0x1;
	s10 =	sld [smem:$0x3F9E];
	_ =	sdelay $0x3  }
0x34: {  	[smem:$0x3F9E] =	sst s10  }
0x35: {  	s10 =	sld [smem:$0x3F9D];
	_ =	sdelay $0x3  }
0x36: {  	p1 =	seq.s32 s10, $0x1;
	s10 =	sld [smem:$0x3F9E];
	_ =	sdelay $0x3  }
0x37: {  	[smem:$0x3F9E] =	sst s10  }
0x38: {  	s10 =	sld [smem:$0x3F9F]  }
0x39: {  	_ = 	snop;
	(pc) =	sbr.ind lr, $3  }
0x3a: {  	_ = 	snop  }
0x3b: {  	_ = 	snop  }
0x3c: {  	p2 =	seq.s32 s10, $0x1;
	s10 =	sld [smem:$0x3F9E]  }
0x3d: {  	_ =	shalt  }
0x3e: {  	_ =	shalt  }
0x3f: {  	_ =	shalt  }
0x40: {  	_ =	shalt  }
0x41: {  	_ =	shalt  }
0x42: {  	_ =	shalt  }
0x43: {  	_ =	shalt  }
0x44: {  	_ =	shalt  }
0x45: {  	_ =	shalt  }
0x46: {  	_ =	shalt  }
0x47: {  	_ =	shalt  }
0x48: {  	_ =	shalt  }
0x49: {  	_ =	shalt  }
0x4a: {  	_ =	shalt  }
0x4b: {  	_ =	shalt  }
0x4c: {  	_ =	shalt  }
0x4d: {  	_ =	shalt  }
0x4e: {  	_ =	shalt  }
0x4f: {  	_ =	shalt  }
0x50: {  	_ =	shalt  }
0x51: {  	_ =	shalt  }
0x52: {  	_ =	shalt  }
0x53: {  	_ =	shalt  }
0x54: {  	_ =	shalt  }
0x55: {  	_ =	shalt  }
0x56: {  	_ =	shalt  }
0x57: {  	_ =	shalt  }
0x58: {  	_ =	shalt  }
0x59: {  	_ =	shalt  }
0x5a: {  	_ =	shalt  }
0x5b: {  	_ =	shalt  }
0x5c: {  	_ =	shalt  }
0x5d: {  	_ =	shalt  }
0x5e: {  	_ =	shalt  }
0x5f: {  	_ =	shalt  }
0x60: {  	_ =	shalt  }
0x61: {  	_ =	shalt  }
0x62: {  	_ =	shalt  }
0x63: {  	_ =	shalt  }
0x64: {  	_ =	shalt  }
0x65: {  	_ =	shalt  }
0x66: {  	_ =	shalt  }
0x67: {  	_ =	shalt  }
0x68: {  	_ =	shalt  }
0x69: {  	_ =	shalt  }
0x6a: {  	_ =	shalt  }
0x6b: {  	_ =	shalt  }
0x6c: {  	_ =	shalt  }
0x6d: {  	_ =	shalt  }
0x6e: {  	_ =	shalt  }
0x6f: {  	_ =	shalt  }
0x70: {  	_ =	shalt  }
0x71: {  	_ =	shalt  }
0x72: {  	_ =	shalt  }
0x73: {  	_ =	shalt  }
0x74: {  	_ =	shalt  }
0x75: {  	_ =	shalt  }
0x76: {  	_ =	shalt  }
0x77: {  	_ =	shalt  }
0x78: {  	_ =	shalt  }
0x79: {  	_ =	shalt  }
0x7a: {  	_ =	shalt  }
0x7b: {  	_ =	shalt  }
0x7c: {  	_ =	shalt  }
0x7d: {  	_ =	shalt  }
0x7e: {  	_ =	shalt  }
0x7f: {  	_ =	shalt  }
0x80: {  	_ =	shalt  }
0x81: {  	_ =	shalt  }
0x82: {  	_ =	shalt  }
0x83: {  	_ =	shalt  }
0x84: {  	_ =	shalt  }
0x85: {  	_ =	shalt  }
0x86: {  	_ =	shalt  }
0x87: {  	_ =	shalt  }
.Lfunc_end0:
.L_simem_size_0:
called_computation_lowered:
.L_overlay_start_0:
0x88: {  	s2 =	sld [smem:$0x3FD9]  }
0x89: {  	s3 =	sld [smem:$0x3FFE];
	_ =	sdelay $0x1  }
0x8a: {  	s1 =	srdreg.scid  }
0x8b: {  	s0 =	sand.u32 $0x1, s1  }
0x8c: {  	s15 =	sshll.u32 s0, $0xA;
	s2 =	sadd.s32 s3, s2  }
0x8d: {  	s2 =	sadd.s32 s2, s15  }
0x8e: {  	[smem:$0x3FAA] =	sst s2  }
0x8f: {  	_ = 	snop  }
0x90: {  	s2 =	sld [smem:$0x3FC9]  }
0x91: {  	s16 =	sld [smem:$0x3FC8]  }
0x92: {  	s4 =	sld [smem:$0x3FD0]  }
0x93: {  	s5 =	sld [smem:$0x3FC7]  }
0x94: {  	s6 =	sld [smem:$0x3FC6]  }
0x95: {  	s8 =	simm.s32 $0xA;
	s9 =	simm.s32 $0x10;
	s7 =	sld [smem:$0x3FC5]  }
0x96: {  	[smem:s9], [sflag:s8] =	dma.local [hbm:s4], $0x1  }
0x97: {  	_ =	swait.eq [sflag:s8], $0x1  }
0x98: {  	s17 =	sld [smem:$0x10];
	[sflag:s8] =	ssyncset.done $0x0  }
0x99: {  	s18 =	sld [smem:$0x12];
	[sflag:s8] =	ssyncadd.s32 $0xFFFFFFFF  }
0x9a: {  	s19 =	sld [smem:$0x15];
	(tm) =	ssettm $0x1  }
0x9b: {  	s10 =	sld [smem:$0x3FFB];
	_ =	sdelay $0x3  }
0x9c: {  	_ =	strace s10  }
0x9d: {  	s10 =	sld [smem:$0x3FFC];
	_ =	sdelay $0x3  }
0x9e: {  	_ =	strace s10  }
0x9f: {  	s10 =	sld [smem:$0x3FFD];
	_ =	sdelay $0x3  }
0xa0: {  	_ =	strace s10  }
0xa1: {  	_ =	strace $0x8FFFFFFF  }
0xa2: {  	s20 =	sld [smem:$0x3FDB];
	_ =	sdelay $0x1  }
0xa3: {  	s11 =	simm.s32 $_scs_section_size  }
0xa4: {  	s12 =	simm.s32 $_size__tile_overlayer_lowered;
	s13 =	simm.s32 $_tile_overlayer_lowered  }
0xa5: {  	s23 =	simm.s32 $0x1BFF;
	s22 =	sshll.u32 s13, $0x1;
	s10 =	sadd.s32 s11, s20  }
0xa6: {  	s14 =	simm.s32 $0x0;
	s21 =	sshll.u32 s12, $0x1;
	s12 =	sadd.s32 s22, s10  }
0xa7: {  	[timem:s14], [sflag:s23] =	dma.local [hbm:s12], s21  }
0xa8: {  	_ =	swait.ge [sflag:s23], s21  }
0xa9: {  	s11 =	ssub.s32 $0x0, s21;
	[sflag:s23] =	ssyncset.done $0x0  }
0xaa: {  	[sflag:s23] =	ssyncadd.s32 s11;
	_ =	sdelay $0x1  }
0xab: {  	s24 =	simm.s32 $0x1B8B  }
0xac: {  	_ =	swait.ge [sflag:s24], $0x1  }
0xad: {  	[sflag:s24] =	ssyncset.done $0x0  }
0xae: {  	s25 =	simm.s32 $0x1B8E;
	[sflag:s24] =	ssyncadd.s32 $0xFFFFFFFF  }
0xaf: {  	s26 =	simm.s32 $execute0_lowered;
	[smem:$0x3FD2] =	sst s25  }
0xb0: {  	s11 =	sshll.u32 s26, $0x1;
	_ =	strace $0x80000046;
	[dreg:$0x1] =	wrdreg $0xFFFFFFFF  }
0xb1: {  	s28 =	simm.s32 $_size_execute0_lowered;
	s10 =	sadd.s32 s10, s11;
	[dreg:$0x0] =	wrdreg $0x0  }
0xb2: {  	s11 =	sshll.u32 s28, $0x1;
	[dreg:$0x2] =	wrdreg s10  }
0xb3: {  	[dreg:$0x3] =	wrdreg s11  }
0xb4: {  	[dreg:$0x4] =	wrdreg $0xC0  }
0xb5: {  	_ =	task [dreg:s14], $0x5FFFF  }
0xb6: {  	[dreg:$0x1] =	wrdreg $0xFFFFFFFF  }
0xb7: {  	[dreg:$0x0] =	wrdreg $0x60  }
0xb8: {  	[dreg:$0x2] =	wrdreg s2  }
0xb9: {  	[dreg:$0x3] =	wrdreg s16  }
0xba: {  	[dreg:$0x4] =	wrdreg s5  }
0xbb: {  	[dreg:$0x5] =	wrdreg s6  }
0xbc: {  	[dreg:$0x6] =	wrdreg s7  }
0xbd: {  	[dreg:$0x7] =	wrdreg s19  }
0xbe: {  	[dreg:$0x8] =	wrdreg s18  }
0xbf: {  	[dreg:$0x9] =	wrdreg s17  }
0xc0: {  	[dreg:$0xa] =	wrdreg $0x9  }
0xc1: {  	_ =	task.clear_ibuf [dreg:s14], $0xBFFFF;
	_ =	strace $0x90000046  }
0xc2: {  	s29 =	simm.s32 $0x9;
	_ =	strace $0x80000048  }
0xc3: {  	_ =	swait.ge [sflag:s29], $0x1  }
0xc4: {  	[sflag:s29] =	ssyncadd.s32 $0xFFFFFFFF  }
0xc5: {  	_ =	strace $0x90000048  }
0xc6: {  	_ =	sfence  }
0xc7: {  	s30 =	sld [smem:$0x0];
	_ =	sdelay $0x2  }
0xc8: {  	s31 =	sshll.u32 s1, $0xD;
	s1 =	sshrl.u32 s1, $0x2  }
0xc9: {  	s3 =	sand.u32 $0x4000, s31;
	s1 =	sadd.s32 s1, s30  }
0xca: {  	s0 =	sor.u32 s3, s0;
	s1 =	sshll.u32 s1, $0x11  }
0xcb: {  	s0 =	sor.u32 s1, s0  }
0xcc: {  	s0 =	sadd.s32 $0x8F2B, s0  }
0xcd: {  	[sflag:s0] =	ssyncadd.remote.s32 $0x1  }
0xce: {  	_ =	sfence.sel $0xFFFF  }
0xcf: {  	[dreg:$0x0] =	wrdreg $0xFFFFFFFF;
	(pc) =	sbr.abs _section_cstart, $3  }
0xd0: {  	[dreg:$0x1] =	wrdreg $0xFFFFFFFF  }
0xd1: {  	_ =	task.clear_ibuf [dreg:s14], $0x2FFFF;
	_ =	strace $0x9FFFFFFF  }
0xd2: {  	(tm) =	ssettm $0x7FFFFFFF  }
0xd3: {  	_ =	shalt  }
tec
execute0_lowered:
.L_overlay_start_1:
0x0: {  	(tag) =	ssettag $0x1  }
0x1: {  	s0 =	rddreg [dreg:$0x0]  }
0x2: {  	s1 =	rddreg [dreg:$0x1]  }
0x3: {  	s2 =	rddreg [dreg:$0x2]  }
0x4: {  	s3 =	rddreg [dreg:$0x3]  }
0x5: {  	s5 =	rddreg [dreg:$0x4]  }
0x6: {  	s4 =	srdreg.scid;
	s7 =	stileid.u32  }
0x7: {  	s22 =	rddreg [dreg:$0x7];
	s6 =	sand.u32 $0x1, s4;
	s21 =	sshll.u32 s7, $0x1  }
0x8: {  	s20 =	simm.s32 $0x1400;
	s28 =	simm.s32 $0x10E00;
	s4 =	sor.u32 s6, s21  }
0x9: {  	s29 =	simm.s32 $0x17E00;
	s6 =	ssub.s32 $0x2, s6;
	s8 =	smul.u32 $0x3F0, s4  }
0xa: {  	s21 =	simm.s32 $0x3;
	s4 =	simm.s32 $0x0;
	s9 =	sshrl.u32 s6, $0x1  }
0xb: {  	[smem:$0x7FF] =	sst s4;
	s6 =	ssub.s32 s6, s9;
	s8 =	smin.u32 s8, $0x7140  }
0xc: {  	_ =	strace $0x80000047;
	s31 =	smax.u32 s6, $0x1;
	s10 =	sshrl.u32 s8, $0x3  }
0xd: {  	s24 =	sshll.u32 s8, $0x4;
	[dreg:$0xe] =	wrdreg s31;
	s0 =	sadd.s32 s0, s10  }
0xe: {  	s23 =	sadd.s32 s1, s10;
	s25 =	sadd.s32 s2, s10;
	[dreg:$0x9] =	wrdreg s0  }
0xf: {  	s26 =	sadd.s32 s3, s10;
	s9 =	sadd.s32 s22, s24;
	[dreg:$0xa] =	wrdreg s23  }
0x10: {  	s30 =	sadd.s32 s5, s10;
	s22 =	simm.s32 $0x8880;
	[dreg:$0xb] =	wrdreg s25  }
0x11: {  	s24 =	simm.s32 $0x800;
	s2 =	simm.s32 $0x0;
	[dreg:$0xc] =	wrdreg s26  }
0x12: {  	[dreg:$0xd] =	wrdreg s30;
	s11 =	sadd.s32 $0x700, s9;
	s12 =	sadd.s32 $0xE00, s9  }
0x13: {  	v0 =	vlaneseq.u32;
	s13 =	sadd.s32 $0x1500, s9;
	s14 =	sadd.s32 $0x1C00, s9;
	s15 =	sadd.s32 $0x2300, s9  }
0x14: {  	v1 =	vand.u32 $0x7, v0;
	s16 =	sadd.s32 $0x2A00, s9;
	s17 =	sadd.s32 $0x3100, s9;
	s18 =	sadd.s32 $0x3800, s9  }
0x15: {  	v2 =	vmul.u32 $0x100, v0;
	v1 =	vmul.u32 $0x80, v1;
	s23 =	simm.s32 $0x400;
	s25 =	simm.s32 $0xC00;
	s26 =	simm.s32 $0x1000  }
.LBB2_1:
0x16: {  	[dreg:$0xf] =	wrdreg s2  }
0x17: {  	s0 =	rddreg [dreg:$0x5]  }
0x18: {  	[tilespmem:s20], [sflag:$0x3] =	stream.linear.gather [hbm4b:s0+s4], $0x7480, $0x38;
	[tilespmem:$0x1EE00] =	vst v63  }
0x19: {  	_ =	swait.ge [sflag:s21], $0x7480  }
0x1a: {  	[sflag:s21] =	ssyncset.done $0x0  }
0x1b: {  	[sflag:s21] =	ssyncadd.s32 $0xFFFF8B80  }
0x1c: {  	s7 =	rddreg [dreg:$0x6]  }
0x1d: {  	[tilespmem:s22], [sflag:$0x3] =	stream.linear.gather [hbm4b:s7+s4], $0x8580, $0x38;
	[tilespmem:$0x1EE00] =	vst v63  }
0x1e: {  	_ =	swait.ge [sflag:s21], $0x8580  }
0x1f: {  	[sflag:s21] =	ssyncset.done $0x0  }
0x20: {  	s8 =	rddreg [dreg:$0x9];
	[sflag:s21] =	ssyncadd.s32 $0xFFFF7A80  }
0x21: {  	[tilespmem:s4], [sflag:$0x3] =	stream.linear.gather [hbm4b:s8+s4], $0x3F0, $0x38;
	[tilespmem:$0x1EE00] =	vst v63  }
0x22: {  	_ =	swait.ge [sflag:s21], $0x3F0  }
0x23: {  	[sflag:s21] =	ssyncset.done $0x0  }
0x24: {  	s10 =	rddreg [dreg:$0xa];
	[sflag:s21] =	ssyncadd.s32 $0xFFFFFC10  }
0x25: {  	[tilespmem:s23], [sflag:$0x3] =	stream.linear.gather [hbm4b:s10+s4], $0x3F0, $0x38;
	[tilespmem:$0x1EE00] =	vst v63  }
0x26: {  	_ =	swait.ge [sflag:s21], $0x3F0  }
0x27: {  	[sflag:s21] =	ssyncset.done $0x0  }
0x28: {  	s19 =	rddreg [dreg:$0xb];
	[sflag:s21] =	ssyncadd.s32 $0xFFFFFC10  }
0x29: {  	[tilespmem:s24], [sflag:$0x3] =	stream.linear.gather [hbm4b:s19+s4], $0x3F0, $0x38;
	[tilespmem:$0x1EE00] =	vst v63  }
0x2a: {  	_ =	swait.ge [sflag:s21], $0x3F0  }
0x2b: {  	[sflag:s21] =	ssyncset.done $0x0  }
0x2c: {  	s30 =	rddreg [dreg:$0xc];
	[sflag:s21] =	ssyncadd.s32 $0xFFFFFC10  }
0x2d: {  	[tilespmem:s25], [sflag:$0x3] =	stream.linear.gather [hbm4b:s30+s4], $0x3F0, $0x38;
	[tilespmem:$0x1EE00] =	vst v63  }
0x2e: {  	_ =	swait.ge [sflag:s21], $0x3F0  }
0x2f: {  	[sflag:s21] =	ssyncset.done $0x0  }
0x30: {  	s31 =	rddreg [dreg:$0xd];
	[sflag:s21] =	ssyncadd.s32 $0xFFFFFC10  }
0x31: {  	[tilespmem:s26], [sflag:$0x3] =	stream.linear.gather [hbm4b:s31+s4], $0x3F0, $0x38;
	[tilespmem:$0x1EE00] =	vst v63  }
0x32: {  	_ =	swait.ge [sflag:s21], $0x3F0  }
0x33: {  	[sflag:s21] =	ssyncset.done $0x0  }
0x34: {  	s0 =	simm.s32 $0x0;
	[sflag:s21] =	ssyncadd.s32 $0xFFFFFC10  }
.LBB2_2:
0x35: {  	s1 =	sshll.u32 s0, $0x4  }
0x36: {  	v9 =	vor.u32 s1, v0;
	_ =	sdelay $0x4  }
0x37: {  	v3 =	vld.idx.msk [tilespmem:v9+s26+$0x0], $0xffff;
	_ =	sdelay $0x1  }
0x38: {  	v7 =	vld.idx.msk [tilespmem:v9+s25+$0x0], $0xffff  }
0x39: {  	s3 =	simm.s32 $0x0;
	v4 =	vld.idx.msk [tilespmem:v9+s23+$0x0], $0xffff  }
0x3a: {  	v5 =	vld.idx.msk [tilespmem:v9+s3+$0x0], $0xffff  }
0x3b: {  	v10 =	vmul.f32 $1.280000020e+01, v3;
	v3 =	vld.idx.msk [tilespmem:v9+s24+$0x0], $0xffff;
	_ =	sdelay $0x1  }
0x3c: {  	v7 =	vmul.u32 $0x81, v7  }
0x3d: {  	v4 =	vmul.u32 $0xC, v4  }
0x3e: {  	s7 =	simm.s32 $0x7;
	v6 =	vtrunc.f32 v10;
	v7 =	vadd.s32 $0x6C57, v7  }
0x3f: {  	s8 =	simm.s32 $0x3;
	v14 =	vadd.s32 s7, v7;
	v4 =	vadd.s32 v3, v4;
	v3 =	vmul.u32 $0x81, v5  }
0x40: {  	v6 =	vcvt.f32.s32 v6;
	v20 =	vadd.s32 s8, v7  }
0x41: {  	v8 =	vadd.s32 s3, v3  }
0x42: {  	vm0 =	vgt.s32 v6, $0x0;
	v5 =	vmul.u32 $0x81, v4;
	v23 =	vadd.s32 s7, v3  }
0x43: {  	s5 =	simm.s32 $0x6;
	v6 =	vnsel vm0, $0x0, v6;
	v27 =	vadd.s32 s8, v3  }
0x44: {  	v12 =	vmin.u32 v6, $0xFF;
	v37 =	vadd.s32 s5, v3;
	v5 =	vadd.s32 $0x3BF7, v5;
	v22 =	vld.idx.msk [tilespmem:v14+s20+$0x0], $0xffff  }
0x45: {  	s10 =	simm.s32 $0x1;
	v4 =	vmul.u32 $0x81, v12;
	v28 =	vld.idx.msk [tilespmem:v20+s20+$0x0], $0xffff;
	v11 =	vadd.s32 s3, v5  }
0x46: {  	s6 =	simm.s32 $0x2;
	v17 =	vadd.s32 s10, v5;
	v16 =	vld.idx.msk [tilespmem:v8+s20+$0x0], $0xffff  }
0x47: {  	v14 =	vadd.s32 s6, v5;
	v6 =	vadd.s32 $0x81, v4;
	v23 =	vld.idx.msk [tilespmem:v23+s20+$0x0], $0xffff  }
0x48: {  	s2 =	simm.s32 $0x5;
	v13 =	vadd.s32 s10, v6;
	v35 =	vld.idx.msk [tilespmem:v27+s20+$0x0], $0xffff  }
0x49: {  	v15 =	vadd.s32 s2, v6;
	v43 =	vld.idx.msk [tilespmem:v37+s20+$0x0], $0xffff  }
0x4a: {  	v30 =	vadd.s32 s8, v5;
	v19 =	vld.idx.msk [tilespmem:v11+s20+$0x0], $0xffff  }
0x4b: {  	v25 =	vadd.s32 s7, v4;
	v17 =	vld.idx.msk [tilespmem:v17+s20+$0x0], $0xffff  }
0x4c: {  	v18 =	vadd.s32 s7, v6;
	v29 =	vld.idx.msk [tilespmem:v14+s20+$0x0], $0xffff  }
0x4d: {  	v21 =	vld.idx.msk [tilespmem:v13+s22+$0x0], $0xffff;
	v13 =	vadd.s32 s7, v5  }
0x4e: {  	v11 =	vld.idx.msk [tilespmem:v15+s22+$0x0], $0xffff;
	v15 =	vadd.s32 s8, v4  }
0x4f: {  	s1 =	simm.s32 $0x4;
	v8 =	vadd.s32 s10, v4;
	v30 =	vld.idx.msk [tilespmem:v30+s20+$0x0], $0xffff  }
0x50: {  	v32 =	vadd.s32 s1, v6;
	v25 =	vld.idx.msk [tilespmem:v25+s22+$0x0], $0xffff  }
0x51: {  	v14 =	vadd.s32 s5, v6;
	v24 =	vld.idx.msk [tilespmem:v18+s22+$0x0], $0xffff  }
0x52: {  	v26 =	vld.idx.msk [tilespmem:v13+s20+$0x0], $0xffff;
	v13 =	vadd.s32 s10, v3  }
0x53: {  	v18 =	vld.idx.msk [tilespmem:v15+s22+$0x0], $0xffff;
	v15 =	vadd.s32 s5, v4  }
0x54: {  	v33 =	vadd.s32 s1, v4;
	v8 =	vld.idx.msk [tilespmem:v8+s22+$0x0], $0xffff  }
0x55: {  	v27 =	vadd.s32 s1, v7;
	v32 =	vld.idx.msk [tilespmem:v32+s22+$0x0], $0xffff  }
0x56: {  	v40 =	vadd.s32 s6, v7;
	v48 =	vadd.s32 s2, v7;
	v34 =	vld.idx.msk [tilespmem:v14+s22+$0x0], $0xffff  }
0x57: {  	v36 =	vadd.s32 s6, v3;
	v12 =	vcvt.s32.f32 v12;
	v14 =	vadd.s32 s1, v3;
	v31 =	vld.idx.msk [tilespmem:v13+s20+$0x0], $0xffff  }
0x58: {  	v39 =	vadd.s32 s5, v5;
	v44 =	vadd.s32 s2, v5;
	v20 =	vld.idx.msk [tilespmem:v15+s22+$0x0], $0xffff;
	v15 =	vadd.s32 s1, v5  }
0x59: {  	v46 =	vadd.s32 s2, v4;
	v38 =	vadd.s32 s8, v6;
	v41 =	vsub.f32 v21, v8;
	v21 =	vld.idx.msk [tilespmem:v33+s22+$0x0], $0xffff  }
0x5a: {  	v37 =	vadd.s32 s6, v6;
	v42 =	vld.idx.msk [tilespmem:v27+s20+$0x0], $0xffff;
	v27 =	vadd.f32 v19, v16;
	v19 =	vadd.f32 v30, v35  }
0x5b: {  	v35 =	vadd.s32 s3, v4;
	v24 =	vsub.f32 v24, v25;
	v13 =	vshll.u32 v9, $0x8  }
0x5c: {  	v23 =	vadd.f32 v26, v23;
	v26 =	vadd.s32 s5, v7;
	v17 =	vadd.f32 v17, v31;
	v31 =	vld.idx.msk [tilespmem:v14+s20+$0x0], $0xffff  }
0x5d: {  	v28 =	vadd.f32 v28, v19;
	v9 =	vsub.f32 v10, v12;
	v10 =	vand.u32 $0x7800, v13;
	v62 =	vld.idx.msk [tilespmem:v15+s20+$0x0], $0xffff  }
0x5e: {  	v13 =	vadd.s32 s10, v7;
	v45 =	vsub.f32 v32, v21;
	v22 =	vadd.f32 v22, v23  }
0x5f: {  	v39 =	vld.idx.msk [tilespmem:v39+s20+$0x0], $0xffff;
	v32 =	vadd.s32 s2, v3;
	v10 =	vor.u32 v1, v10;
	v23 =	vadd.s32 s3, v7  }
0x60: {  	v24 =	vmul.f32 v24, v9;
	v30 =	vor.u32 s7, v10;
	v22 =	vadd.f32 v25, v22;
	v25 =	vld.idx.msk [tilespmem:v36+s20+$0x0], $0xffff  }
0x61: {  	v12 =	vor.u32 s10, v10;
	v16 =	vor.u32 s6, v10;
	v19 =	vor.u32 s8, v10;
	v47 =	vld.idx.msk [tilespmem:v26+s20+$0x0], $0xffff  }
0x62: {  	v36 =	vadd.s32 s6, v4;
	v14 =	vor.u32 s2, v10;
	v26 =	vld.idx.msk [tilespmem:v40+s20+$0x0], $0xffff;
	v31 =	vadd.f32 v62, v31  }
0x63: {  	v15 =	vor.u32 s3, v10;
	v63 =	vsub.f32 v34, v20;
	v34 =	vld.idx.msk [tilespmem:v38+s22+$0x0], $0xffff;
	v22 =	vadd.f32 v24, v22  }
0x64: {  	v38 =	vadd.s32 s3, v6;
	v24 =	vadd.f32 v18, v28;
	v33 =	vld.idx.msk [tilespmem:v23+s20+$0x0], $0xffff;
	v23 =	vadd.f32 v42, v31  }
0x65: {  	v28 =	vmul.f32 v63, v9;
	[tilespmem:v30+s28+$0x0] =	vst.idx.msk $0xffff, v22;
	v30 =	vld.idx.msk [tilespmem:v44+s20+$0x0], $0xffff;
	v31 =	vadd.f32 v39, v43  }
0x66: {  	v22 =	vmul.f32 v45, v9;
	v40 =	vadd.f32 v29, v25;
	v25 =	vld.idx.msk [tilespmem:v46+s22+$0x0], $0xffff;
	v21 =	vadd.f32 v21, v23  }
0x67: {  	s3 =	simm.s32 $0x8;
	v29 =	vld.idx.msk [tilespmem:v48+s20+$0x0], $0xffff;
	v23 =	vmul.f32 v41, v9;
	v39 =	vadd.f32 v47, v31;
	v31 =	vor.u32 s5, v10  }
.LBB2_3:
0x68: {  	v41 =	vadd.s32 s3, v3;
	v42 =	vadd.s32 s3, v5;
	s10 =	sadd.s32 $0x1, s3;
	s5 =	sadd.s32 $0x5, s3;
	s8 =	sadd.s32 $0x7, s3;
	v40 =	vadd.f32 v26, v40;
	v37 =	vld.idx.msk [tilespmem:v37+s22+$0x0], $0xffff  }
0x69: {  	p0 =	slt.u32 s3, $0x78;
	v27 =	vadd.f32 v33, v27;
	s6 =	smov.u32 s3;
	s3 =	sadd.s32 $0x8, s3;
	v43 =	vadd.s32 s10, v6;
	v44 =	vadd.s32 s8, v7;
	v33 =	vld.idx.msk [tilespmem:v36+s22+$0x0], $0xffff  }
0x6a: {  	v36 =	vadd.s32 s10, v3;
	v45 =	vadd.s32 s8, v3;
	v18 =	vsub.f32 v34, v18;
	v38 =	vld.idx.msk [tilespmem:v38+s22+$0x0], $0xffff  }
0x6b: {  	v34 =	vadd.s32 s10, v5;
	s7 =	sadd.s32 $0x2, s6;
	v46 =	vadd.s32 s8, v4;
	v20 =	vadd.f32 v20, v39;
	v35 =	vld.idx.msk [tilespmem:v35+s22+$0x0], $0xffff  }
0x6c: {  	v39 =	vadd.s32 s8, v5;
	v26 =	vadd.s32 s7, v3;
	v47 =	vsub.f32 v11, v25;
	v32 =	vld.idx.msk [tilespmem:v32+s20+$0x0], $0xffff  }
0x6d: {  	s31 =	sadd.s32 $0x3, s6;
	v49 =	vadd.s32 s8, v6;
	v48 =	vadd.s32 s7, v5;
	v11 =	vadd.s32 s5, v6;
	v41 =	vld.idx.msk [tilespmem:v41+s20+$0x0], $0xffff  }
0x6e: {  	v50 =	vadd.s32 s10, v4;
	v51 =	vadd.s32 s31, v3;
	v52 =	vadd.s32 s31, v7;
	v42 =	vld.idx.msk [tilespmem:v42+s20+$0x0], $0xffff  }
0x6f: {  	v53 =	vadd.s32 s10, v7;
	s2 =	sadd.s32 $0x4, s6;
	v54 =	vadd.s32 s31, v5;
	v55 =	vadd.s32 s31, v4;
	v43 =	vld.idx.msk [tilespmem:v43+s22+$0x0], $0xffff  }
0x70: {  	v56 =	vadd.s32 s2, v3;
	v57 =	vadd.s32 s2, v7;
	v37 =	vsub.f32 v37, v33;
	v58 =	vld.idx.msk [tilespmem:v13+s20+$0x0], $0xffff;
	v13 =	vmovc v53  }
0x71: {  	v59 =	vadd.s32 s2, v4;
	v53 =	vadd.s32 s2, v5;
	v38 =	vsub.f32 v38, v35;
	v44 =	vld.idx.msk [tilespmem:v44+s20+$0x0], $0xffff  }
0x72: {  	v60 =	vadd.s32 s31, v6;
	v20 =	vadd.f32 v28, v20;
	v30 =	vadd.f32 v30, v32;
	v11 =	vld.idx.msk [tilespmem:v11+s22+$0x0], $0xffff  }
0x73: {  	s19 =	sadd.s32 $0x6, s6;
	v18 =	vmul.f32 v18, v9;
	v27 =	vadd.f32 v35, v27;
	v32 =	vmul.f32 v38, v9;
	v28 =	vld.idx.msk [tilespmem:v50+s22+$0x0], $0xffff  }
0x74: {  	v35 =	vadd.s32 s19, v3;
	v38 =	vadd.s32 s19, v7;
	v29 =	vadd.f32 v29, v30;
	v34 =	vld.idx.msk [tilespmem:v34+s20+$0x0], $0xffff;
	[tilespmem:v31+s28+$0x0] =	vst.idx.msk $0xffff, v20  }
0x75: {  	v24 =	vadd.f32 v18, v24;
	v30 =	vadd.s32 s19, v5;
	v20 =	vadd.s32 s19, v4;
	v31 =	vld.idx.msk [tilespmem:v49+s22+$0x0], $0xffff  }
0x76: {  	v27 =	vadd.f32 v32, v27;
	v32 =	vmul.f32 v37, v9;
	v17 =	vadd.f32 v58, v17;
	v39 =	vld.idx.msk [tilespmem:v39+s20+$0x0], $0xffff  }
0x77: {  	v33 =	vadd.f32 v33, v40;
	v25 =	vadd.f32 v25, v29;
	v29 =	vmul.f32 v47, v9;
	v48 =	vld.idx.msk [tilespmem:v48+s20+$0x0], $0xffff  }
0x78: {  	v37 =	vadd.s32 s19, v6;
	v40 =	vadd.f32 v8, v17;
	v17 =	vor.u32 s1, v10;
	s1 =	smov.u32 s2;
	v18 =	vld.idx.msk [tilespmem:v55+s22+$0x0], $0xffff;
	[tilespmem:v19+s28+$0x0] =	vst.idx.msk $0xffff, v24  }
0x79: {  	v21 =	vadd.f32 v22, v21;
	v19 =	vld.idx.msk [tilespmem:v52+s20+$0x0], $0xffff;
	[tilespmem:v15+s28+$0x0] =	vst.idx.msk $0xffff, v27;
	v15 =	vadd.f32 v32, v33  }
0x7a: {  	v24 =	vadd.f32 v29, v25;
	v8 =	vmov v28;
	v23 =	vadd.f32 v23, v40;
	v22 =	vld.idx.msk [tilespmem:v45+s20+$0x0], $0xffff  }
0x7b: {  	v29 =	vsub.f32 v43, v8;
	v25 =	vld.idx.msk [tilespmem:v46+s22+$0x0], $0xffff;
	[tilespmem:v16+s28+$0x0] =	vst.idx.msk $0xffff, v15  }
0x7c: {  	v16 =	vadd.s32 s1, v6;
	v15 =	vld.idx.msk [tilespmem:v36+s20+$0x0], $0xffff;
	[tilespmem:v14+s28+$0x0] =	vst.idx.msk $0xffff, v24  }
0x7d: {  	v24 =	vld.idx.msk [tilespmem:v37+s22+$0x0], $0xffff;
	[tilespmem:v12+s28+$0x0] =	vst.idx.msk $0xffff, v23  }
0x7e: {  	v20 =	vld.idx.msk [tilespmem:v20+s22+$0x0], $0xffff;
	[tilespmem:v17+s28+$0x0] =	vst.idx.msk $0xffff, v21  }
0x7f: {  	v21 =	vld.idx.msk [tilespmem:v51+s20+$0x0], $0xffff  }
0x80: {  	v23 =	vld.idx.msk [tilespmem:v54+s20+$0x0], $0xffff  }
0x81: {  	v31 =	vsub.f32 v31, v25;
	v28 =	vld.idx.msk [tilespmem:v16+s22+$0x0], $0xffff  }
0x82: {  	v17 =	vadd.f32 v34, v15;
	v15 =	vadd.f32 v39, v22;
	v43 =	vld.idx.msk [tilespmem:v59+s22+$0x0], $0xffff  }
0x83: {  	v22 =	vld.idx.msk [tilespmem:v56+s20+$0x0], $0xffff  }
0x84: {  	v14 =	vor.u32 s5, v10;
	v12 =	vor.u32 s10, v10;
	v33 =	vadd.f32 v44, v15;
	v32 =	vld.idx.msk [tilespmem:v53+s20+$0x0], $0xffff  }
0x85: {  	v36 =	vadd.s32 s7, v7;
	v34 =	vadd.s32 s6, v7;
	v15 =	vor.u32 s6, v10;
	v39 =	vld.idx.msk [tilespmem:v57+s20+$0x0], $0xffff  }
0x86: {  	v27 =	vadd.f32 v42, v41;
	v21 =	vadd.f32 v23, v21;
	v23 =	vld.idx.msk [tilespmem:v35+s20+$0x0], $0xffff;
	v35 =	vor.u32 s8, v10  }
0x87: {  	v16 =	vor.u32 s7, v10;
	v25 =	vadd.f32 v25, v33;
	v40 =	vld.idx.msk [tilespmem:v30+s20+$0x0], $0xffff;
	v30 =	vmul.f32 v31, v9  }
0x88: {  	v41 =	vadd.s32 s5, v5;
	v21 =	vadd.f32 v19, v21;
	v19 =	vor.u32 s31, v10;
	v31 =	vld.idx.msk [tilespmem:v26+s20+$0x0], $0xffff  }
0x89: {  	v44 =	vadd.s32 s5, v4;
	v42 =	vsub.f32 v28, v43;
	v45 =	vld.idx.msk [tilespmem:v38+s20+$0x0], $0xffff;
	v25 =	vadd.f32 v30, v25  }
0x8a: {  	v46 =	vadd.s32 s5, v7;
	v28 =	vsub.f32 v24, v20;
	v22 =	vadd.f32 v32, v22;
	v26 =	vld.idx.msk [tilespmem:v36+s20+$0x0], $0xffff  }
.Ltmp0:
0x8b: {  	v37 =	vadd.s32 s7, v6;
	v24 =	vadd.f32 v18, v21;
	v32 =	vadd.s32 s5, v3;
	v33 =	vld.idx.msk [tilespmem:v34+s20+$0x0], $0xffff;
	[tilespmem:v35+s28+$0x0] =	vst.idx.msk $0xffff, v25;
	(pc) =	sbr.rel @p0 .LBB2_3-.Ltmp0, $4  }
0x8c: {  	v28 =	vmul.f32 v28, v9;
	v36 =	vadd.s32 s7, v4;
	v21 =	vadd.f32 v39, v22;
	v34 =	vld.idx.msk [tilespmem:v60+s22+$0x0], $0xffff  }
0x8d: {  	v38 =	vadd.s32 s6, v6;
	v35 =	vadd.s32 s6, v4;
	v39 =	vadd.f32 v40, v23;
	v30 =	vld.idx.msk [tilespmem:v41+s20+$0x0], $0xffff  }
0x8e: {  	v22 =	vmul.f32 v42, v9;
	v40 =	vadd.f32 v48, v31;
	v21 =	vadd.f32 v43, v21;
	v25 =	vld.idx.msk [tilespmem:v44+s22+$0x0], $0xffff  }
0x8f: {  	v23 =	vmul.f32 v29, v9;
	v31 =	vor.u32 s19, v10;
	v39 =	vadd.f32 v45, v39;
	v29 =	vld.idx.msk [tilespmem:v46+s20+$0x0], $0xffff  }
0x90: {  	_ =	sdelay $0x3  }
0x91: {  	v3 =	vld.idx.msk [tilespmem:v37+s22+$0x0], $0xffff  }
0x92: {  	v4 =	vld.idx.msk [tilespmem:v38+s22+$0x0], $0xffff  }
0x93: {  	v5 =	vld.idx.msk [tilespmem:v35+s22+$0x0], $0xffff  }
0x94: {  	v6 =	vld.idx.msk [tilespmem:v32+s20+$0x0], $0xffff  }
0x95: {  	v7 =	vld.idx.msk [tilespmem:v36+s22+$0x0], $0xffff  }
0x96: {  	v26 =	vadd.f32 v26, v40;
	v13 =	vld.idx.msk [tilespmem:v13+s20+$0x0], $0xffff;
	v20 =	vadd.f32 v20, v39  }
0x97: {  	v27 =	vadd.f32 v33, v27;
	v18 =	vsub.f32 v34, v18  }
0x98: {  	v11 =	vsub.f32 v11, v25;
	v20 =	vadd.f32 v28, v20  }
0x99: {  	v18 =	vmul.f32 v18, v9;
	v4 =	vsub.f32 v4, v5;
	v6 =	vadd.f32 v30, v6  }
0x9a: {  	v3 =	vsub.f32 v3, v7;
	v5 =	vadd.f32 v5, v27;
	[tilespmem:v31+s28+$0x0] =	vst.idx.msk $0xffff, v20  }
0x9b: {  	v18 =	vadd.f32 v18, v24;
	v13 =	vadd.f32 v13, v17;
	v4 =	vmul.f32 v4, v9  }
0x9c: {  	v7 =	vadd.f32 v7, v26;
	v6 =	vadd.f32 v29, v6;
	v3 =	vmul.f32 v3, v9  }
0x9d: {  	s0 =	sadd.s32 $0x1, s0;
	v60 =	vmul.f32 v11, v9;
	v8 =	vadd.f32 v8, v13;
	v4 =	vadd.f32 v4, v5  }
0x9e: {  	v61 =	vor.u32 s1, v10;
	p0 =	sne.s32 s0, $0x7;
	[tilespmem:v19+s28+$0x0] =	vst.idx.msk $0xffff, v18;
	v59 =	vadd.f32 v25, v6;
	v3 =	vadd.f32 v3, v7  }
.Ltmp1:
0x9f: {  	v63 =	vadd.f32 v23, v8;
	[tilespmem:v15+s28+$0x0] =	vst.idx.msk $0xffff, v4;
	(pc) =	sbr.rel @p0 .LBB2_2-.Ltmp1, $4  }
0xa0: {  	v62 =	vadd.f32 v60, v59;
	[tilespmem:v16+s28+$0x0] =	vst.idx.msk $0xffff, v3  }
0xa1: {  	v3 =	vadd.f32 v22, v21;
	[tilespmem:v12+s28+$0x0] =	vst.idx.msk $0xffff, v63  }
0xa2: {  	[tilespmem:v14+s28+$0x0] =	vst.idx.msk $0xffff, v62  }
0xa3: {  	[tilespmem:v61+s28+$0x0] =	vst.idx.msk $0xffff, v3  }
0xa4: {  	s0 =	simm.s32 $0x0  }
0xa5: {  	[hbm4b:s9+s0] =	stream.linear.scatter [tilespmem:s28], [sflag:$0x1], $0x400, $0x38;
	[tilespmem:$0x1EE00] =	vst v63  }
0xa6: {  	s1 =	sadd.s32 $0x80, s9;
	s2 =	simm.s32 $0x11600  }
0xa7: {  	[hbm4b:s1+s0] =	stream.linear.scatter [tilespmem:s2], [sflag:$0x1], $0x400, $0x38;
	[tilespmem:$0x1EE00] =	vst v63  }
0xa8: {  	s10 =	sadd.s32 $0x100, s9;
	s19 =	simm.s32 $0x11E00  }
0xa9: {  	[hbm4b:s10+s0] =	stream.linear.scatter [tilespmem:s19], [sflag:$0x1], $0x400, $0x38;
	[tilespmem:$0x1EE00] =	vst v63  }
0xaa: {  	s30 =	sadd.s32 $0x180, s9;
	s31 =	simm.s32 $0x12600  }
0xab: {  	[hbm4b:s30+s0] =	stream.linear.scatter [tilespmem:s31], [sflag:$0x1], $0x400, $0x38;
	[tilespmem:$0x1EE00] =	vst v63  }
0xac: {  	s3 =	simm.s32 $0x12E00;
	s2 =	sadd.s32 $0x200, s9  }
0xad: {  	[hbm4b:s2+s0] =	stream.linear.scatter [tilespmem:s3], [sflag:$0x1], $0x400, $0x38;
	[tilespmem:$0x1EE00] =	vst v63  }
0xae: {  	s5 =	sadd.s32 $0x280, s9;
	s6 =	simm.s32 $0x13600  }
0xaf: {  	[hbm4b:s5+s0] =	stream.linear.scatter [tilespmem:s6], [sflag:$0x1], $0x400, $0x38;
	[tilespmem:$0x1EE00] =	vst v63  }
0xb0: {  	s7 =	sadd.s32 $0x300, s9;
	s8 =	simm.s32 $0x13E00  }
0xb1: {  	[hbm4b:s7+s0] =	stream.linear.scatter [tilespmem:s8], [sflag:$0x1], $0x400, $0x38;
	[tilespmem:$0x1EE00] =	vst v63  }
0xb2: {  	s10 =	sadd.s32 $0x380, s9;
	s19 =	simm.s32 $0x14600  }
0xb3: {  	[hbm4b:s10+s0] =	stream.linear.scatter [tilespmem:s19], [sflag:$0x1], $0x400, $0x38;
	[tilespmem:$0x1EE00] =	vst v63  }
0xb4: {  	s30 =	sadd.s32 $0x400, s9;
	s31 =	simm.s32 $0x14E00  }
0xb5: {  	[hbm4b:s30+s0] =	stream.linear.scatter [tilespmem:s31], [sflag:$0x1], $0x400, $0x38;
	[tilespmem:$0x1EE00] =	vst v63  }
0xb6: {  	s2 =	sadd.s32 $0x480, s9;
	s3 =	simm.s32 $0x15600  }
0xb7: {  	[hbm4b:s2+s0] =	stream.linear.scatter [tilespmem:s3], [sflag:$0x1], $0x400, $0x38;
	[tilespmem:$0x1EE00] =	vst v63  }
0xb8: {  	s5 =	sadd.s32 $0x500, s9;
	s6 =	simm.s32 $0x15E00  }
0xb9: {  	[hbm4b:s5+s0] =	stream.linear.scatter [tilespmem:s6], [sflag:$0x1], $0x400, $0x38;
	[tilespmem:$0x1EE00] =	vst v63  }
0xba: {  	s7 =	sadd.s32 $0x580, s9;
	s8 =	simm.s32 $0x16600  }
0xbb: {  	[hbm4b:s7+s0] =	stream.linear.scatter [tilespmem:s8], [sflag:$0x1], $0x400, $0x38;
	[tilespmem:$0x1EE00] =	vst v63  }
0xbc: {  	s10 =	sadd.s32 $0x600, s9;
	s19 =	simm.s32 $0x16E00  }
0xbd: {  	[hbm4b:s10+s0] =	stream.linear.scatter [tilespmem:s19], [sflag:$0x1], $0x400, $0x38;
	[tilespmem:$0x1EE00] =	vst v63  }
0xbe: {  	s1 =	simm.s32 $0x0;
	s30 =	sadd.s32 $0x680, s9;
	s31 =	simm.s32 $0x17600  }
0xbf: {  	[hbm4b:s30+s0] =	stream.linear.scatter [tilespmem:s31], [sflag:$0x1], $0x400, $0x38;
	[tilespmem:$0x1EE00] =	vst v63  }
.LBB2_6:
0xc0: {  	s19 =	sshll.u32 s1, $0x4  }
0xc1: {  	s2 =	sadd.s32 $0x70, s19  }
0xc2: {  	v3 =	vor.u32 s2, v0;
	_ =	sdelay $0x4  }
0xc3: {  	v4 =	vld.idx.msk [tilespmem:v3+s26+$0x0], $0xffff;
	_ =	sdelay $0x2  }
0xc4: {  	v5 =	vld.idx.msk [tilespmem:v3+s23+$0x0], $0xffff  }
0xc5: {  	v6 =	vld.idx.msk [tilespmem:v3+s0+$0x0], $0xffff  }
0xc6: {  	v9 =	vmul.f32 $1.280000020e+01, v4;
	v4 =	vld.idx.msk [tilespmem:v3+s24+$0x0], $0xffff;
	_ =	sdelay $0x1  }
0xc7: {  	v8 =	vld.idx.msk [tilespmem:v3+s25+$0x0], $0xffff  }
0xc8: {  	v3 =	vmul.u32 $0xC, v5;
	v7 =	vtrunc.f32 v9  }
0xc9: {  	v7 =	vcvt.f32.s32 v7  }
0xca: {  	v4 =	vadd.s32 v4, v3;
	v3 =	vmul.u32 $0x81, v6  }
0xcb: {  	vm0 =	vgt.s32 v7, $0x0  }
0xcc: {  	s7 =	simm.s32 $0x7;
	v5 =	vnsel vm0, $0x0, v7;
	v7 =	vmul.u32 $0x81, v8;
	v8 =	vadd.s32 s0, v3  }
0xcd: {  	s10 =	simm.s32 $0x1;
	v22 =	vadd.s32 s7, v3  }
0xce: {  	s8 =	simm.s32 $0x3;
	v25 =	vadd.s32 s10, v3  }
0xcf: {  	s6 =	simm.s32 $0x6;
	v6 =	vmul.u32 $0x81, v4;
	v27 =	vadd.s32 s8, v3  }
0xd0: {  	s5 =	simm.s32 $0x2;
	v36 =	vadd.s32 s6, v3  }
0xd1: {  	v10 =	vmin.u32 v5, $0xFF;
	v35 =	vadd.s32 s5, v3;
	v5 =	vadd.s32 $0x3BF7, v6;
	v16 =	vld.idx.msk [tilespmem:v8+s20+$0x0], $0xffff  }
0xd2: {  	v7 =	vadd.s32 $0x6C57, v7;
	v11 =	vadd.s32 s0, v5;
	v22 =	vld.idx.msk [tilespmem:v22+s20+$0x0], $0xffff  }
0xd3: {  	v13 =	vadd.s32 s7, v7;
	v25 =	vld.idx.msk [tilespmem:v25+s20+$0x0], $0xffff  }
0xd4: {  	v4 =	vmul.u32 $0x81, v10;
	v15 =	vadd.s32 s10, v5;
	v34 =	vld.idx.msk [tilespmem:v27+s20+$0x0], $0xffff  }
0xd5: {  	v18 =	vadd.s32 s7, v5;
	v43 =	vld.idx.msk [tilespmem:v36+s20+$0x0], $0xffff  }
0xd6: {  	s31 =	simm.s32 $0x5;
	v20 =	vadd.s32 s8, v7;
	v6 =	vadd.s32 $0x81, v4;
	v61 =	vld.idx.msk [tilespmem:v35+s20+$0x0], $0xffff  }
0xd7: {  	v14 =	vadd.s32 s31, v6;
	v19 =	vld.idx.msk [tilespmem:v11+s20+$0x0], $0xffff  }
0xd8: {  	v28 =	vadd.s32 s8, v5;
	v21 =	vld.idx.msk [tilespmem:v13+s20+$0x0], $0xffff  }
0xd9: {  	v37 =	vadd.s32 s6, v5;
	v15 =	vld.idx.msk [tilespmem:v15+s20+$0x0], $0xffff  }
0xda: {  	v23 =	vadd.s32 s7, v4;
	v24 =	vld.idx.msk [tilespmem:v18+s20+$0x0], $0xffff  }
0xdb: {  	v13 =	vadd.s32 s5, v5;
	v26 =	vld.idx.msk [tilespmem:v20+s20+$0x0], $0xffff  }
0xdc: {  	s3 =	simm.s32 $0x4;
	v11 =	vld.idx.msk [tilespmem:v14+s22+$0x0], $0xffff;
	v14 =	vadd.s32 s8, v4  }
0xdd: {  	v31 =	vadd.s32 s3, v4;
	v28 =	vld.idx.msk [tilespmem:v28+s20+$0x0], $0xffff  }
0xde: {  	v12 =	vadd.s32 s10, v6;
	v45 =	vld.idx.msk [tilespmem:v37+s20+$0x0], $0xffff  }
0xdf: {  	v17 =	vadd.s32 s7, v6;
	v23 =	vld.idx.msk [tilespmem:v23+s22+$0x0], $0xffff  }
0xe0: {  	v29 =	vld.idx.msk [tilespmem:v13+s20+$0x0], $0xffff;
	v13 =	vadd.s32 s6, v6  }
0xe1: {  	v18 =	vld.idx.msk [tilespmem:v14+s22+$0x0], $0xffff;
	v14 =	vadd.s32 s6, v4  }
0xe2: {  	v30 =	vadd.s32 s3, v6;
	v31 =	vld.idx.msk [tilespmem:v31+s22+$0x0], $0xffff  }
0xe3: {  	v33 =	vadd.s32 s3, v3;
	v10 =	vcvt.s32.f32 v10;
	v27 =	vadd.s32 s3, v7;
	v12 =	vld.idx.msk [tilespmem:v12+s22+$0x0], $0xffff  }
0xe4: {  	v41 =	vadd.s32 s5, v7;
	v8 =	vadd.s32 s10, v4;
	v20 =	vmov s19;
	v17 =	vld.idx.msk [tilespmem:v17+s22+$0x0], $0xffff  }
0xe5: {  	v46 =	vadd.s32 s31, v5;
	v62 =	vadd.s32 s31, v7;
	v20 =	vshll.u32 v20, $0x8;
	v32 =	vld.idx.msk [tilespmem:v13+s22+$0x0], $0xffff  }
0xe6: {  	v9 =	vsub.f32 v9, v10;
	v13 =	vor.u32 v2, v20;
	v20 =	vld.idx.msk [tilespmem:v14+s22+$0x0], $0xffff;
	v14 =	vadd.s32 s3, v5  }
0xe7: {  	v48 =	vadd.s32 s31, v4;
	v38 =	vadd.s32 s8, v6;
	v36 =	vadd.s32 s5, v4;
	v30 =	vld.idx.msk [tilespmem:v30+s22+$0x0], $0xffff  }
0xe8: {  	v35 =	vadd.s32 s0, v4;
	v42 =	vld.idx.msk [tilespmem:v27+s20+$0x0], $0xffff;
	v22 =	vadd.f32 v24, v22;
	v27 =	vadd.f32 v19, v16  }
0xe9: {  	v8 =	vld.idx.msk [tilespmem:v8+s22+$0x0], $0xffff;
	v24 =	vadd.s32 s6, v7;
	v19 =	vadd.f32 v28, v34;
	v63 =	vadd.f32 v45, v43  }
0xea: {  	v37 =	vadd.s32 s5, v6;
	v40 =	vsub.f32 v17, v23;
	v17 =	vadd.f32 v15, v25;
	v25 =	vld.idx.msk [tilespmem:v33+s20+$0x0], $0xffff  }
0xeb: {  	v21 =	vadd.f32 v21, v22;
	v22 =	vadd.s32 s0, v7;
	v10 =	vand.u32 $0x7800, v13;
	v60 =	vld.idx.msk [tilespmem:v14+s20+$0x0], $0xffff  }
0xec: {  	v28 =	vadd.f32 v26, v19;
	v47 =	vsub.f32 v30, v31;
	v10 =	vor.u32 v1, v10  }
0xed: {  	v34 =	vld.idx.msk [tilespmem:v38+s22+$0x0], $0xffff;
	v21 =	vadd.f32 v23, v21;
	v23 =	vmul.f32 v40, v9;
	v44 =	vor.u32 s7, v10  }
0xee: {  	v38 =	vadd.s32 s0, v6;
	v39 =	vsub.f32 v12, v8;
	v49 =	vld.idx.msk [tilespmem:v24+s20+$0x0], $0xffff;
	v40 =	vadd.f32 v29, v61  }
0xef: {  	v13 =	vadd.s32 s10, v7;
	v21 =	vadd.f32 v23, v21;
	v24 =	vadd.f32 v18, v28  }
0xf0: {  	v26 =	vld.idx.msk [tilespmem:v41+s20+$0x0], $0xffff;
	v12 =	vor.u32 s10, v10;
	v15 =	vor.u32 s0, v10;
	v23 =	vadd.f32 v60, v25  }
0xf1: {  	v33 =	vld.idx.msk [tilespmem:v22+s20+$0x0], $0xffff;
	v16 =	vor.u32 s5, v10;
	v19 =	vor.u32 s8, v10;
	v25 =	vsub.f32 v32, v20  }
0xf2: {  	v30 =	vld.idx.msk [tilespmem:v46+s20+$0x0], $0xffff;
	v14 =	vor.u32 s31, v10;
	[tilespmem:v44+s29+$0x0] =	vst.idx.msk $0xffff, v21;
	v32 =	vadd.s32 s31, v3;
	v22 =	vadd.f32 v42, v23  }
0xf3: {  	v29 =	vld.idx.msk [tilespmem:v62+s20+$0x0], $0xffff;
	v28 =	vmul.f32 v25, v9;
	v23 =	vmul.f32 v39, v9;
	v39 =	vadd.f32 v49, v63  }
0xf4: {  	s5 =	simm.s32 $0x8;
	v25 =	vld.idx.msk [tilespmem:v48+s22+$0x0], $0xffff;
	v21 =	vadd.f32 v31, v22;
	v22 =	vmul.f32 v47, v9;
	v31 =	vor.u32 s6, v10  }
.LBB2_7:
0xf5: {  	v41 =	vadd.s32 s5, v3;
	v42 =	vadd.s32 s5, v5;
	s19 =	sadd.s32 $0x1, s5;
	s6 =	sadd.s32 $0x5, s5;
	s10 =	sadd.s32 $0x7, s5;
	v40 =	vadd.f32 v26, v40;
	v37 =	vld.idx.msk [tilespmem:v37+s22+$0x0], $0xffff  }
0xf6: {  	p0 =	slt.u32 s5, $0x78;
	v27 =	vadd.f32 v33, v27;
	s7 =	smov.u32 s5;
	s5 =	sadd.s32 $0x8, s5;
	v43 =	vadd.s32 s19, v6;
	v44 =	vadd.s32 s10, v7;
	v33 =	vld.idx.msk [tilespmem:v36+s22+$0x0], $0xffff  }
0xf7: {  	v36 =	vadd.s32 s19, v3;
	v45 =	vadd.s32 s10, v3;
	v18 =	vsub.f32 v34, v18;
	v38 =	vld.idx.msk [tilespmem:v38+s22+$0x0], $0xffff  }
0xf8: {  	v34 =	vadd.s32 s19, v5;
	s8 =	sadd.s32 $0x2, s7;
	v46 =	vadd.s32 s10, v4;
	v20 =	vadd.f32 v20, v39;
	v35 =	vld.idx.msk [tilespmem:v35+s22+$0x0], $0xffff  }
0xf9: {  	v39 =	vadd.s32 s10, v5;
	v26 =	vadd.s32 s8, v3;
	v47 =	vsub.f32 v11, v25;
	v32 =	vld.idx.msk [tilespmem:v32+s20+$0x0], $0xffff  }
0xfa: {  	s2 =	sadd.s32 $0x3, s7;
	v49 =	vadd.s32 s10, v6;
	v48 =	vadd.s32 s8, v5;
	v11 =	vadd.s32 s6, v6;
	v41 =	vld.idx.msk [tilespmem:v41+s20+$0x0], $0xffff  }
0xfb: {  	v50 =	vadd.s32 s19, v4;
	v51 =	vadd.s32 s2, v3;
	v52 =	vadd.s32 s2, v7;
	v42 =	vld.idx.msk [tilespmem:v42+s20+$0x0], $0xffff  }
0xfc: {  	v53 =	vadd.s32 s19, v7;
	s30 =	sadd.s32 $0x4, s7;
	v54 =	vadd.s32 s2, v5;
	v55 =	vadd.s32 s2, v4;
	v43 =	vld.idx.msk [tilespmem:v43+s22+$0x0], $0xffff  }
0xfd: {  	v56 =	vadd.s32 s30, v3;
	v57 =	vadd.s32 s30, v7;
	v37 =	vsub.f32 v37, v33;
	v58 =	vld.idx.msk [tilespmem:v13+s20+$0x0], $0xffff;
	v13 =	vmovc v53  }
0xfe: {  	v59 =	vadd.s32 s30, v4;
	v53 =	vadd.s32 s30, v5;
	v38 =	vsub.f32 v38, v35;
	v44 =	vld.idx.msk [tilespmem:v44+s20+$0x0], $0xffff  }
0xff: {  	v60 =	vadd.s32 s2, v6;
	v20 =	vadd.f32 v28, v20;
	v30 =	vadd.f32 v30, v32;
	v11 =	vld.idx.msk [tilespmem:v11+s22+$0x0], $0xffff  }
0x100: {  	s31 =	sadd.s32 $0x6, s7;
	v18 =	vmul.f32 v18, v9;
	v27 =	vadd.f32 v35, v27;
	v32 =	vmul.f32 v38, v9;
	v28 =	vld.idx.msk [tilespmem:v50+s22+$0x0], $0xffff  }
0x101: {  	v35 =	vadd.s32 s31, v3;
	v38 =	vadd.s32 s31, v7;
	v29 =	vadd.f32 v29, v30;
	v34 =	vld.idx.msk [tilespmem:v34+s20+$0x0], $0xffff;
	[tilespmem:v31+s29+$0x0] =	vst.idx.msk $0xffff, v20  }
0x102: {  	v24 =	vadd.f32 v18, v24;
	v30 =	vadd.s32 s31, v5;
	v20 =	vadd.s32 s31, v4;
	v31 =	vld.idx.msk [tilespmem:v49+s22+$0x0], $0xffff  }
0x103: {  	v27 =	vadd.f32 v32, v27;
	v32 =	vmul.f32 v37, v9;
	v17 =	vadd.f32 v58, v17;
	v39 =	vld.idx.msk [tilespmem:v39+s20+$0x0], $0xffff  }
0x104: {  	v33 =	vadd.f32 v33, v40;
	v25 =	vadd.f32 v25, v29;
	v29 =	vmul.f32 v47, v9;
	v48 =	vld.idx.msk [tilespmem:v48+s20+$0x0], $0xffff  }
0x105: {  	v37 =	vadd.s32 s31, v6;
	v40 =	vadd.f32 v8, v17;
	v17 =	vor.u32 s3, v10;
	s3 =	smov.u32 s30;
	v18 =	vld.idx.msk [tilespmem:v55+s22+$0x0], $0xffff;
	[tilespmem:v19+s29+$0x0] =	vst.idx.msk $0xffff, v24  }
0x106: {  	v21 =	vadd.f32 v22, v21;
	v19 =	vld.idx.msk [tilespmem:v52+s20+$0x0], $0xffff;
	[tilespmem:v15+s29+$0x0] =	vst.idx.msk $0xffff, v27;
	v15 =	vadd.f32 v32, v33  }
0x107: {  	v24 =	vadd.f32 v29, v25;
	v8 =	vmov v28;
	v23 =	vadd.f32 v23, v40;
	v22 =	vld.idx.msk [tilespmem:v45+s20+$0x0], $0xffff  }
0x108: {  	v29 =	vsub.f32 v43, v8;
	v25 =	vld.idx.msk [tilespmem:v46+s22+$0x0], $0xffff;
	[tilespmem:v16+s29+$0x0] =	vst.idx.msk $0xffff, v15  }
0x109: {  	v16 =	vadd.s32 s3, v6;
	v15 =	vld.idx.msk [tilespmem:v36+s20+$0x0], $0xffff;
	[tilespmem:v14+s29+$0x0] =	vst.idx.msk $0xffff, v24  }
0x10a: {  	v24 =	vld.idx.msk [tilespmem:v37+s22+$0x0], $0xffff;
	[tilespmem:v12+s29+$0x0] =	vst.idx.msk $0xffff, v23  }
0x10b: {  	v20 =	vld.idx.msk [tilespmem:v20+s22+$0x0], $0xffff;
	[tilespmem:v17+s29+$0x0] =	vst.idx.msk $0xffff, v21  }
0x10c: {  	v21 =	vld.idx.msk [tilespmem:v51+s20+$0x0], $0xffff  }
0x10d: {  	v23 =	vld.idx.msk [tilespmem:v54+s20+$0x0], $0xffff  }
0x10e: {  	v31 =	vsub.f32 v31, v25;
	v28 =	vld.idx.msk [tilespmem:v16+s22+$0x0], $0xffff  }
0x10f: {  	v17 =	vadd.f32 v34, v15;
	v15 =	vadd.f32 v39, v22;
	v43 =	vld.idx.msk [tilespmem:v59+s22+$0x0], $0xffff  }
0x110: {  	v22 =	vld.idx.msk [tilespmem:v56+s20+$0x0], $0xffff  }
0x111: {  	v14 =	vor.u32 s6, v10;
	v12 =	vor.u32 s19, v10;
	v33 =	vadd.f32 v44, v15;
	v32 =	vld.idx.msk [tilespmem:v53+s20+$0x0], $0xffff  }
0x112: {  	v36 =	vadd.s32 s8, v7;
	v34 =	vadd.s32 s7, v7;
	v15 =	vor.u32 s7, v10;
	v39 =	vld.idx.msk [tilespmem:v57+s20+$0x0], $0xffff  }
0x113: {  	v27 =	vadd.f32 v42, v41;
	v21 =	vadd.f32 v23, v21;
	v23 =	vld.idx.msk [tilespmem:v35+s20+$0x0], $0xffff;
	v35 =	vor.u32 s10, v10  }
0x114: {  	v16 =	vor.u32 s8, v10;
	v25 =	vadd.f32 v25, v33;
	v40 =	vld.idx.msk [tilespmem:v30+s20+$0x0], $0xffff;
	v30 =	vmul.f32 v31, v9  }
0x115: {  	v41 =	vadd.s32 s6, v5;
	v21 =	vadd.f32 v19, v21;
	v19 =	vor.u32 s2, v10;
	v31 =	vld.idx.msk [tilespmem:v26+s20+$0x0], $0xffff  }
0x116: {  	v44 =	vadd.s32 s6, v4;
	v42 =	vsub.f32 v28, v43;
	v45 =	vld.idx.msk [tilespmem:v38+s20+$0x0], $0xffff;
	v25 =	vadd.f32 v30, v25  }
0x117: {  	v46 =	vadd.s32 s6, v7;
	v28 =	vsub.f32 v24, v20;
	v22 =	vadd.f32 v32, v22;
	v26 =	vld.idx.msk [tilespmem:v36+s20+$0x0], $0xffff  }
.Ltmp2:
0x118: {  	v37 =	vadd.s32 s8, v6;
	v24 =	vadd.f32 v18, v21;
	v32 =	vadd.s32 s6, v3;
	v33 =	vld.idx.msk [tilespmem:v34+s20+$0x0], $0xffff;
	[tilespmem:v35+s29+$0x0] =	vst.idx.msk $0xffff, v25;
	(pc) =	sbr.rel @p0 .LBB2_7-.Ltmp2, $4  }
0x119: {  	v28 =	vmul.f32 v28, v9;
	v36 =	vadd.s32 s8, v4;
	v21 =	vadd.f32 v39, v22;
	v34 =	vld.idx.msk [tilespmem:v60+s22+$0x0], $0xffff  }
0x11a: {  	v38 =	vadd.s32 s7, v6;
	v35 =	vadd.s32 s7, v4;
	v39 =	vadd.f32 v40, v23;
	v30 =	vld.idx.msk [tilespmem:v41+s20+$0x0], $0xffff  }
0x11b: {  	v22 =	vmul.f32 v42, v9;
	v40 =	vadd.f32 v48, v31;
	v21 =	vadd.f32 v43, v21;
	v25 =	vld.idx.msk [tilespmem:v44+s22+$0x0], $0xffff  }
0x11c: {  	v23 =	vmul.f32 v29, v9;
	v31 =	vor.u32 s31, v10;
	v39 =	vadd.f32 v45, v39;
	v29 =	vld.idx.msk [tilespmem:v46+s20+$0x0], $0xffff  }
0x11d: {  	_ =	sdelay $0x3  }
0x11e: {  	v3 =	vld.idx.msk [tilespmem:v37+s22+$0x0], $0xffff  }
0x11f: {  	v4 =	vld.idx.msk [tilespmem:v38+s22+$0x0], $0xffff  }
0x120: {  	v5 =	vld.idx.msk [tilespmem:v35+s22+$0x0], $0xffff  }
0x121: {  	v6 =	vld.idx.msk [tilespmem:v32+s20+$0x0], $0xffff  }
0x122: {  	v7 =	vld.idx.msk [tilespmem:v36+s22+$0x0], $0xffff  }
0x123: {  	v26 =	vadd.f32 v26, v40;
	v13 =	vld.idx.msk [tilespmem:v13+s20+$0x0], $0xffff;
	v20 =	vadd.f32 v20, v39  }
0x124: {  	v27 =	vadd.f32 v33, v27;
	v18 =	vsub.f32 v34, v18  }
0x125: {  	v11 =	vsub.f32 v11, v25;
	v20 =	vadd.f32 v28, v20  }
0x126: {  	v18 =	vmul.f32 v18, v9;
	v4 =	vsub.f32 v4, v5;
	v6 =	vadd.f32 v30, v6  }
0x127: {  	v3 =	vsub.f32 v3, v7;
	v5 =	vadd.f32 v5, v27;
	[tilespmem:v31+s29+$0x0] =	vst.idx.msk $0xffff, v20  }
0x128: {  	v18 =	vadd.f32 v18, v24;
	v13 =	vadd.f32 v13, v17;
	v4 =	vmul.f32 v4, v9  }
0x129: {  	v7 =	vadd.f32 v7, v26;
	v6 =	vadd.f32 v29, v6;
	v3 =	vmul.f32 v3, v9  }
0x12a: {  	s1 =	sadd.s32 $0x1, s1;
	v60 =	vmul.f32 v11, v9;
	v8 =	vadd.f32 v8, v13;
	v4 =	vadd.f32 v4, v5  }
0x12b: {  	v61 =	vor.u32 s3, v10;
	p0 =	sne.s32 s1, $0x7;
	[tilespmem:v19+s29+$0x0] =	vst.idx.msk $0xffff, v18;
	v59 =	vadd.f32 v25, v6;
	v3 =	vadd.f32 v3, v7  }
.Ltmp3:
0x12c: {  	v63 =	vadd.f32 v23, v8;
	[tilespmem:v15+s29+$0x0] =	vst.idx.msk $0xffff, v4;
	(pc) =	sbr.rel @p0 .LBB2_6-.Ltmp3, $4  }
0x12d: {  	v62 =	vadd.f32 v60, v59;
	[tilespmem:v16+s29+$0x0] =	vst.idx.msk $0xffff, v3  }
0x12e: {  	v3 =	vadd.f32 v22, v21;
	[tilespmem:v12+s29+$0x0] =	vst.idx.msk $0xffff, v63  }
0x12f: {  	[tilespmem:v14+s29+$0x0] =	vst.idx.msk $0xffff, v62  }
0x130: {  	[tilespmem:v61+s29+$0x0] =	vst.idx.msk $0xffff, v3  }
0x131: {  	s0 =	simm.s32 $0x0  }
0x132: {  	[hbm4b:s11+s0] =	stream.linear.scatter [tilespmem:s29], [sflag:$0x2], $0x400, $0x38;
	[tilespmem:$0x1EE00] =	vst v63  }
0x133: {  	s1 =	sadd.s32 $0x80, s11;
	s2 =	simm.s32 $0x18600  }
0x134: {  	[hbm4b:s1+s0] =	stream.linear.scatter [tilespmem:s2], [sflag:$0x2], $0x400, $0x38;
	[tilespmem:$0x1EE00] =	vst v63  }
0x135: {  	s7 =	sadd.s32 $0x100, s11;
	s8 =	simm.s32 $0x18E00  }
0x136: {  	[hbm4b:s7+s0] =	stream.linear.scatter [tilespmem:s8], [sflag:$0x2], $0x400, $0x38;
	[tilespmem:$0x1EE00] =	vst v63  }
0x137: {  	s10 =	sadd.s32 $0x180, s11;
	s19 =	simm.s32 $0x19600  }
0x138: {  	[hbm4b:s10+s0] =	stream.linear.scatter [tilespmem:s19], [sflag:$0x2], $0x400, $0x38;
	[tilespmem:$0x1EE00] =	vst v63  }
0x139: {  	s30 =	sadd.s32 $0x200, s11;
	s31 =	simm.s32 $0x19E00  }
0x13a: {  	[hbm4b:s30+s0] =	stream.linear.scatter [tilespmem:s31], [sflag:$0x2], $0x400, $0x38;
	[tilespmem:$0x1EE00] =	vst v63  }
0x13b: {  	s3 =	simm.s32 $0x1A600;
	s2 =	sadd.s32 $0x280, s11  }
0x13c: {  	[hbm4b:s2+s0] =	stream.linear.scatter [tilespmem:s3], [sflag:$0x2], $0x400, $0x38;
	[tilespmem:$0x1EE00] =	vst v63  }
0x13d: {  	s5 =	sadd.s32 $0x300, s11;
	s6 =	simm.s32 $0x1AE00  }
0x13e: {  	[hbm4b:s5+s0] =	stream.linear.scatter [tilespmem:s6], [sflag:$0x2], $0x400, $0x38;
	[tilespmem:$0x1EE00] =	vst v63  }
0x13f: {  	s7 =	sadd.s32 $0x380, s11;
	s8 =	simm.s32 $0x1B600  }
0x140: {  	[hbm4b:s7+s0] =	stream.linear.scatter [tilespmem:s8], [sflag:$0x2], $0x400, $0x38;
	[tilespmem:$0x1EE00] =	vst v63  }
0x141: {  	s10 =	sadd.s32 $0x400, s11;
	s19 =	simm.s32 $0x1BE00  }
0x142: {  	[hbm4b:s10+s0] =	stream.linear.scatter [tilespmem:s19], [sflag:$0x2], $0x400, $0x38;
	[tilespmem:$0x1EE00] =	vst v63  }
0x143: {  	s30 =	sadd.s32 $0x480, s11;
	s31 =	simm.s32 $0x1C600  }
0x144: {  	[hbm4b:s30+s0] =	stream.linear.scatter [tilespmem:s31], [sflag:$0x2], $0x400, $0x38;
	[tilespmem:$0x1EE00] =	vst v63  }
0x145: {  	s3 =	sadd.s32 $0x500, s11;
	s5 =	simm.s32 $0x1CE00  }
0x146: {  	[hbm4b:s3+s0] =	stream.linear.scatter [tilespmem:s5], [sflag:$0x2], $0x400, $0x38;
	[tilespmem:$0x1EE00] =	vst v63  }
0x147: {  	s6 =	sadd.s32 $0x580, s11;
	s7 =	simm.s32 $0x1D600  }
0x148: {  	[hbm4b:s6+s0] =	stream.linear.scatter [tilespmem:s7], [sflag:$0x2], $0x400, $0x38;
	[tilespmem:$0x1EE00] =	vst v63  }
0x149: {  	s8 =	sadd.s32 $0x600, s11;
	s10 =	simm.s32 $0x1DE00  }
0x14a: {  	[hbm4b:s8+s0] =	stream.linear.scatter [tilespmem:s10], [sflag:$0x2], $0x400, $0x38;
	[tilespmem:$0x1EE00] =	vst v63  }
0x14b: {  	s19 =	sadd.s32 $0x680, s11;
	s30 =	simm.s32 $0x1E600;
	s31 =	simm.s32 $0x1  }
0x14c: {  	[hbm4b:s19+s0] =	stream.linear.scatter [tilespmem:s30], [sflag:$0x2], $0x400, $0x38;
	[tilespmem:$0x1EE00] =	vst v63  }
0x14d: {  	_ =	swait.ge [sflag:s31], $0x3800  }
0x14e: {  	[sflag:s31] =	ssyncset.done $0x0  }
0x14f: {  	s1 =	simm.s32 $0x0;
	[sflag:s31] =	ssyncadd.s32 $0xFFFFC800  }
.LBB2_10:
0x150: {  	s19 =	sshll.u32 s1, $0x4  }
0x151: {  	s2 =	sadd.s32 $0xE0, s19  }
0x152: {  	v3 =	vor.u32 s2, v0;
	_ =	sdelay $0x4  }
0x153: {  	v4 =	vld.idx.msk [tilespmem:v3+s26+$0x0], $0xffff;
	_ =	sdelay $0x2  }
0x154: {  	v5 =	vld.idx.msk [tilespmem:v3+s23+$0x0], $0xffff  }
0x155: {  	v6 =	vld.idx.msk [tilespmem:v3+s0+$0x0], $0xffff  }
0x156: {  	v9 =	vmul.f32 $1.280000020e+01, v4;
	v4 =	vld.idx.msk [tilespmem:v3+s24+$0x0], $0xffff;
	_ =	sdelay $0x1  }
0x157: {  	v8 =	vld.idx.msk [tilespmem:v3+s25+$0x0], $0xffff  }
0x158: {  	v3 =	vmul.u32 $0xC, v5;
	v7 =	vtrunc.f32 v9  }
0x159: {  	v7 =	vcvt.f32.s32 v7  }
0x15a: {  	v4 =	vadd.s32 v4, v3;
	v3 =	vmul.u32 $0x81, v6  }
0x15b: {  	vm0 =	vgt.s32 v7, $0x0  }
0x15c: {  	s7 =	simm.s32 $0x7;
	v5 =	vnsel vm0, $0x0, v7;
	v7 =	vmul.u32 $0x81, v8;
	v8 =	vadd.s32 s0, v3  }
0x15d: {  	s10 =	simm.s32 $0x1;
	v22 =	vadd.s32 s7, v3  }
0x15e: {  	s8 =	simm.s32 $0x3;
	v25 =	vadd.s32 s10, v3  }
0x15f: {  	s6 =	simm.s32 $0x6;
	v6 =	vmul.u32 $0x81, v4;
	v27 =	vadd.s32 s8, v3  }
0x160: {  	s5 =	simm.s32 $0x2;
	v36 =	vadd.s32 s6, v3  }
0x161: {  	v10 =	vmin.u32 v5, $0xFF;
	v35 =	vadd.s32 s5, v3;
	v5 =	vadd.s32 $0x3BF7, v6;
	v16 =	vld.idx.msk [tilespmem:v8+s20+$0x0], $0xffff  }
0x162: {  	v7 =	vadd.s32 $0x6C57, v7;
	v11 =	vadd.s32 s0, v5;
	v22 =	vld.idx.msk [tilespmem:v22+s20+$0x0], $0xffff  }
0x163: {  	v13 =	vadd.s32 s7, v7;
	v25 =	vld.idx.msk [tilespmem:v25+s20+$0x0], $0xffff  }
0x164: {  	v4 =	vmul.u32 $0x81, v10;
	v15 =	vadd.s32 s10, v5;
	v34 =	vld.idx.msk [tilespmem:v27+s20+$0x0], $0xffff  }
0x165: {  	v18 =	vadd.s32 s7, v5;
	v43 =	vld.idx.msk [tilespmem:v36+s20+$0x0], $0xffff  }
0x166: {  	s31 =	simm.s32 $0x5;
	v20 =	vadd.s32 s8, v7;
	v6 =	vadd.s32 $0x81, v4;
	v61 =	vld.idx.msk [tilespmem:v35+s20+$0x0], $0xffff  }
0x167: {  	v14 =	vadd.s32 s31, v6;
	v19 =	vld.idx.msk [tilespmem:v11+s20+$0x0], $0xffff  }
0x168: {  	v28 =	vadd.s32 s8, v5;
	v21 =	vld.idx.msk [tilespmem:v13+s20+$0x0], $0xffff  }
0x169: {  	v37 =	vadd.s32 s6, v5;
	v15 =	vld.idx.msk [tilespmem:v15+s20+$0x0], $0xffff  }
0x16a: {  	v23 =	vadd.s32 s7, v4;
	v24 =	vld.idx.msk [tilespmem:v18+s20+$0x0], $0xffff  }
0x16b: {  	v13 =	vadd.s32 s5, v5;
	v26 =	vld.idx.msk [tilespmem:v20+s20+$0x0], $0xffff  }
0x16c: {  	s3 =	simm.s32 $0x4;
	v11 =	vld.idx.msk [tilespmem:v14+s22+$0x0], $0xffff;
	v14 =	vadd.s32 s8, v4  }
0x16d: {  	v31 =	vadd.s32 s3, v4;
	v28 =	vld.idx.msk [tilespmem:v28+s20+$0x0], $0xffff  }
0x16e: {  	v12 =	vadd.s32 s10, v6;
	v45 =	vld.idx.msk [tilespmem:v37+s20+$0x0], $0xffff  }
0x16f: {  	v17 =	vadd.s32 s7, v6;
	v23 =	vld.idx.msk [tilespmem:v23+s22+$0x0], $0xffff  }
0x170: {  	v29 =	vld.idx.msk [tilespmem:v13+s20+$0x0], $0xffff;
	v13 =	vadd.s32 s6, v6  }
0x171: {  	v18 =	vld.idx.msk [tilespmem:v14+s22+$0x0], $0xffff;
	v14 =	vadd.s32 s6, v4  }
0x172: {  	v30 =	vadd.s32 s3, v6;
	v31 =	vld.idx.msk [tilespmem:v31+s22+$0x0], $0xffff  }
0x173: {  	v33 =	vadd.s32 s3, v3;
	v10 =	vcvt.s32.f32 v10;
	v27 =	vadd.s32 s3, v7;
	v12 =	vld.idx.msk [tilespmem:v12+s22+$0x0], $0xffff  }
0x174: {  	v41 =	vadd.s32 s5, v7;
	v8 =	vadd.s32 s10, v4;
	v20 =	vmov s19;
	v17 =	vld.idx.msk [tilespmem:v17+s22+$0x0], $0xffff  }
0x175: {  	v46 =	vadd.s32 s31, v5;
	v62 =	vadd.s32 s31, v7;
	v20 =	vshll.u32 v20, $0x8;
	v32 =	vld.idx.msk [tilespmem:v13+s22+$0x0], $0xffff  }
0x176: {  	v9 =	vsub.f32 v9, v10;
	v13 =	vor.u32 v2, v20;
	v20 =	vld.idx.msk [tilespmem:v14+s22+$0x0], $0xffff;
	v14 =	vadd.s32 s3, v5  }
0x177: {  	v48 =	vadd.s32 s31, v4;
	v38 =	vadd.s32 s8, v6;
	v36 =	vadd.s32 s5, v4;
	v30 =	vld.idx.msk [tilespmem:v30+s22+$0x0], $0xffff  }
0x178: {  	v35 =	vadd.s32 s0, v4;
	v42 =	vld.idx.msk [tilespmem:v27+s20+$0x0], $0xffff;
	v22 =	vadd.f32 v24, v22;
	v27 =	vadd.f32 v19, v16  }
0x179: {  	v8 =	vld.idx.msk [tilespmem:v8+s22+$0x0], $0xffff;
	v24 =	vadd.s32 s6, v7;
	v19 =	vadd.f32 v28, v34;
	v63 =	vadd.f32 v45, v43  }
0x17a: {  	v37 =	vadd.s32 s5, v6;
	v40 =	vsub.f32 v17, v23;
	v17 =	vadd.f32 v15, v25;
	v25 =	vld.idx.msk [tilespmem:v33+s20+$0x0], $0xffff  }
0x17b: {  	v21 =	vadd.f32 v21, v22;
	v22 =	vadd.s32 s0, v7;
	v10 =	vand.u32 $0x7800, v13;
	v60 =	vld.idx.msk [tilespmem:v14+s20+$0x0], $0xffff  }
0x17c: {  	v28 =	vadd.f32 v26, v19;
	v47 =	vsub.f32 v30, v31;
	v10 =	vor.u32 v1, v10  }
0x17d: {  	v34 =	vld.idx.msk [tilespmem:v38+s22+$0x0], $0xffff;
	v21 =	vadd.f32 v23, v21;
	v23 =	vmul.f32 v40, v9;
	v44 =	vor.u32 s7, v10  }
0x17e: {  	v38 =	vadd.s32 s0, v6;
	v39 =	vsub.f32 v12, v8;
	v49 =	vld.idx.msk [tilespmem:v24+s20+$0x0], $0xffff;
	v40 =	vadd.f32 v29, v61  }
0x17f: {  	v13 =	vadd.s32 s10, v7;
	v21 =	vadd.f32 v23, v21;
	v24 =	vadd.f32 v18, v28  }
0x180: {  	v26 =	vld.idx.msk [tilespmem:v41+s20+$0x0], $0xffff;
	v12 =	vor.u32 s10, v10;
	v15 =	vor.u32 s0, v10;
	v23 =	vadd.f32 v60, v25  }
0x181: {  	v33 =	vld.idx.msk [tilespmem:v22+s20+$0x0], $0xffff;
	v16 =	vor.u32 s5, v10;
	v19 =	vor.u32 s8, v10;
	v25 =	vsub.f32 v32, v20  }
0x182: {  	v30 =	vld.idx.msk [tilespmem:v46+s20+$0x0], $0xffff;
	v14 =	vor.u32 s31, v10;
	[tilespmem:v44+s28+$0x0] =	vst.idx.msk $0xffff, v21;
	v32 =	vadd.s32 s31, v3;
	v22 =	vadd.f32 v42, v23  }
0x183: {  	v29 =	vld.idx.msk [tilespmem:v62+s20+$0x0], $0xffff;
	v28 =	vmul.f32 v25, v9;
	v23 =	vmul.f32 v39, v9;
	v39 =	vadd.f32 v49, v63  }
0x184: {  	s5 =	simm.s32 $0x8;
	v25 =	vld.idx.msk [tilespmem:v48+s22+$0x0], $0xffff;
	v21 =	vadd.f32 v31, v22;
	v22 =	vmul.f32 v47, v9;
	v31 =	vor.u32 s6, v10  }
.LBB2_11:
0x185: {  	v41 =	vadd.s32 s5, v3;
	v42 =	vadd.s32 s5, v5;
	s19 =	sadd.s32 $0x1, s5;
	s6 =	sadd.s32 $0x5, s5;
	s10 =	sadd.s32 $0x7, s5;
	v40 =	vadd.f32 v26, v40;
	v37 =	vld.idx.msk [tilespmem:v37+s22+$0x0], $0xffff  }
0x186: {  	p0 =	slt.u32 s5, $0x78;
	v27 =	vadd.f32 v33, v27;
	s7 =	smov.u32 s5;
	s5 =	sadd.s32 $0x8, s5;
	v43 =	vadd.s32 s19, v6;
	v44 =	vadd.s32 s10, v7;
	v33 =	vld.idx.msk [tilespmem:v36+s22+$0x0], $0xffff  }
0x187: {  	v36 =	vadd.s32 s19, v3;
	v45 =	vadd.s32 s10, v3;
	v18 =	vsub.f32 v34, v18;
	v38 =	vld.idx.msk [tilespmem:v38+s22+$0x0], $0xffff  }
0x188: {  	v34 =	vadd.s32 s19, v5;
	s8 =	sadd.s32 $0x2, s7;
	v46 =	vadd.s32 s10, v4;
	v20 =	vadd.f32 v20, v39;
	v35 =	vld.idx.msk [tilespmem:v35+s22+$0x0], $0xffff  }
0x189: {  	v39 =	vadd.s32 s10, v5;
	v26 =	vadd.s32 s8, v3;
	v47 =	vsub.f32 v11, v25;
	v32 =	vld.idx.msk [tilespmem:v32+s20+$0x0], $0xffff  }
0x18a: {  	s2 =	sadd.s32 $0x3, s7;
	v49 =	vadd.s32 s10, v6;
	v48 =	vadd.s32 s8, v5;
	v11 =	vadd.s32 s6, v6;
	v41 =	vld.idx.msk [tilespmem:v41+s20+$0x0], $0xffff  }
0x18b: {  	v50 =	vadd.s32 s19, v4;
	v51 =	vadd.s32 s2, v3;
	v52 =	vadd.s32 s2, v7;
	v42 =	vld.idx.msk [tilespmem:v42+s20+$0x0], $0xffff  }
0x18c: {  	v53 =	vadd.s32 s19, v7;
	s30 =	sadd.s32 $0x4, s7;
	v54 =	vadd.s32 s2, v5;
	v55 =	vadd.s32 s2, v4;
	v43 =	vld.idx.msk [tilespmem:v43+s22+$0x0], $0xffff  }
0x18d: {  	v56 =	vadd.s32 s30, v3;
	v57 =	vadd.s32 s30, v7;
	v37 =	vsub.f32 v37, v33;
	v58 =	vld.idx.msk [tilespmem:v13+s20+$0x0], $0xffff;
	v13 =	vmovc v53  }
0x18e: {  	v59 =	vadd.s32 s30, v4;
	v53 =	vadd.s32 s30, v5;
	v38 =	vsub.f32 v38, v35;
	v44 =	vld.idx.msk [tilespmem:v44+s20+$0x0], $0xffff  }
0x18f: {  	v60 =	vadd.s32 s2, v6;
	v20 =	vadd.f32 v28, v20;
	v30 =	vadd.f32 v30, v32;
	v11 =	vld.idx.msk [tilespmem:v11+s22+$0x0], $0xffff  }
0x190: {  	s31 =	sadd.s32 $0x6, s7;
	v18 =	vmul.f32 v18, v9;
	v27 =	vadd.f32 v35, v27;
	v32 =	vmul.f32 v38, v9;
	v28 =	vld.idx.msk [tilespmem:v50+s22+$0x0], $0xffff  }
0x191: {  	v35 =	vadd.s32 s31, v3;
	v38 =	vadd.s32 s31, v7;
	v29 =	vadd.f32 v29, v30;
	v34 =	vld.idx.msk [tilespmem:v34+s20+$0x0], $0xffff;
	[tilespmem:v31+s28+$0x0] =	vst.idx.msk $0xffff, v20  }
0x192: {  	v24 =	vadd.f32 v18, v24;
	v30 =	vadd.s32 s31, v5;
	v20 =	vadd.s32 s31, v4;
	v31 =	vld.idx.msk [tilespmem:v49+s22+$0x0], $0xffff  }
0x193: {  	v27 =	vadd.f32 v32, v27;
	v32 =	vmul.f32 v37, v9;
	v17 =	vadd.f32 v58, v17;
	v39 =	vld.idx.msk [tilespmem:v39+s20+$0x0], $0xffff  }
0x194: {  	v33 =	vadd.f32 v33, v40;
	v25 =	vadd.f32 v25, v29;
	v29 =	vmul.f32 v47, v9;
	v48 =	vld.idx.msk [tilespmem:v48+s20+$0x0], $0xffff  }
0x195: {  	v37 =	vadd.s32 s31, v6;
	v40 =	vadd.f32 v8, v17;
	v17 =	vor.u32 s3, v10;
	s3 =	smov.u32 s30;
	v18 =	vld.idx.msk [tilespmem:v55+s22+$0x0], $0xffff;
	[tilespmem:v19+s28+$0x0] =	vst.idx.msk $0xffff, v24  }
0x196: {  	v21 =	vadd.f32 v22, v21;
	v19 =	vld.idx.msk [tilespmem:v52+s20+$0x0], $0xffff;
	[tilespmem:v15+s28+$0x0] =	vst.idx.msk $0xffff, v27;
	v15 =	vadd.f32 v32, v33  }
0x197: {  	v24 =	vadd.f32 v29, v25;
	v8 =	vmov v28;
	v23 =	vadd.f32 v23, v40;
	v22 =	vld.idx.msk [tilespmem:v45+s20+$0x0], $0xffff  }
0x198: {  	v29 =	vsub.f32 v43, v8;
	v25 =	vld.idx.msk [tilespmem:v46+s22+$0x0], $0xffff;
	[tilespmem:v16+s28+$0x0] =	vst.idx.msk $0xffff, v15  }
0x199: {  	v16 =	vadd.s32 s3, v6;
	v15 =	vld.idx.msk [tilespmem:v36+s20+$0x0], $0xffff;
	[tilespmem:v14+s28+$0x0] =	vst.idx.msk $0xffff, v24  }
0x19a: {  	v24 =	vld.idx.msk [tilespmem:v37+s22+$0x0], $0xffff;
	[tilespmem:v12+s28+$0x0] =	vst.idx.msk $0xffff, v23  }
0x19b: {  	v20 =	vld.idx.msk [tilespmem:v20+s22+$0x0], $0xffff;
	[tilespmem:v17+s28+$0x0] =	vst.idx.msk $0xffff, v21  }
0x19c: {  	v21 =	vld.idx.msk [tilespmem:v51+s20+$0x0], $0xffff  }
0x19d: {  	v23 =	vld.idx.msk [tilespmem:v54+s20+$0x0], $0xffff  }
0x19e: {  	v31 =	vsub.f32 v31, v25;
	v28 =	vld.idx.msk [tilespmem:v16+s22+$0x0], $0xffff  }
0x19f: {  	v17 =	vadd.f32 v34, v15;
	v15 =	vadd.f32 v39, v22;
	v43 =	vld.idx.msk [tilespmem:v59+s22+$0x0], $0xffff  }
0x1a0: {  	v22 =	vld.idx.msk [tilespmem:v56+s20+$0x0], $0xffff  }
0x1a1: {  	v14 =	vor.u32 s6, v10;
	v12 =	vor.u32 s19, v10;
	v33 =	vadd.f32 v44, v15;
	v32 =	vld.idx.msk [tilespmem:v53+s20+$0x0], $0xffff  }
0x1a2: {  	v36 =	vadd.s32 s8, v7;
	v34 =	vadd.s32 s7, v7;
	v15 =	vor.u32 s7, v10;
	v39 =	vld.idx.msk [tilespmem:v57+s20+$0x0], $0xffff  }
0x1a3: {  	v27 =	vadd.f32 v42, v41;
	v21 =	vadd.f32 v23, v21;
	v23 =	vld.idx.msk [tilespmem:v35+s20+$0x0], $0xffff;
	v35 =	vor.u32 s10, v10  }
0x1a4: {  	v16 =	vor.u32 s8, v10;
	v25 =	vadd.f32 v25, v33;
	v40 =	vld.idx.msk [tilespmem:v30+s20+$0x0], $0xffff;
	v30 =	vmul.f32 v31, v9  }
0x1a5: {  	v41 =	vadd.s32 s6, v5;
	v21 =	vadd.f32 v19, v21;
	v19 =	vor.u32 s2, v10;
	v31 =	vld.idx.msk [tilespmem:v26+s20+$0x0], $0xffff  }
0x1a6: {  	v44 =	vadd.s32 s6, v4;
	v42 =	vsub.f32 v28, v43;
	v45 =	vld.idx.msk [tilespmem:v38+s20+$0x0], $0xffff;
	v25 =	vadd.f32 v30, v25  }
0x1a7: {  	v46 =	vadd.s32 s6, v7;
	v28 =	vsub.f32 v24, v20;
	v22 =	vadd.f32 v32, v22;
	v26 =	vld.idx.msk [tilespmem:v36+s20+$0x0], $0xffff  }
.Ltmp4:
0x1a8: {  	v37 =	vadd.s32 s8, v6;
	v24 =	vadd.f32 v18, v21;
	v32 =	vadd.s32 s6, v3;
	v33 =	vld.idx.msk [tilespmem:v34+s20+$0x0], $0xffff;
	[tilespmem:v35+s28+$0x0] =	vst.idx.msk $0xffff, v25;
	(pc) =	sbr.rel @p0 .LBB2_11-.Ltmp4, $4  }
0x1a9: {  	v28 =	vmul.f32 v28, v9;
	v36 =	vadd.s32 s8, v4;
	v21 =	vadd.f32 v39, v22;
	v34 =	vld.idx.msk [tilespmem:v60+s22+$0x0], $0xffff  }
0x1aa: {  	v38 =	vadd.s32 s7, v6;
	v35 =	vadd.s32 s7, v4;
	v39 =	vadd.f32 v40, v23;
	v30 =	vld.idx.msk [tilespmem:v41+s20+$0x0], $0xffff  }
0x1ab: {  	v22 =	vmul.f32 v42, v9;
	v40 =	vadd.f32 v48, v31;
	v21 =	vadd.f32 v43, v21;
	v25 =	vld.idx.msk [tilespmem:v44+s22+$0x0], $0xffff  }
0x1ac: {  	v23 =	vmul.f32 v29, v9;
	v31 =	vor.u32 s31, v10;
	v39 =	vadd.f32 v45, v39;
	v29 =	vld.idx.msk [tilespmem:v46+s20+$0x0], $0xffff  }
0x1ad: {  	_ =	sdelay $0x3  }
0x1ae: {  	v3 =	vld.idx.msk [tilespmem:v37+s22+$0x0], $0xffff  }
0x1af: {  	v4 =	vld.idx.msk [tilespmem:v38+s22+$0x0], $0xffff  }
0x1b0: {  	v5 =	vld.idx.msk [tilespmem:v35+s22+$0x0], $0xffff  }
0x1b1: {  	v6 =	vld.idx.msk [tilespmem:v32+s20+$0x0], $0xffff  }
0x1b2: {  	v7 =	vld.idx.msk [tilespmem:v36+s22+$0x0], $0xffff  }
0x1b3: {  	v26 =	vadd.f32 v26, v40;
	v13 =	vld.idx.msk [tilespmem:v13+s20+$0x0], $0xffff;
	v20 =	vadd.f32 v20, v39  }
0x1b4: {  	v27 =	vadd.f32 v33, v27;
	v18 =	vsub.f32 v34, v18  }
0x1b5: {  	v11 =	vsub.f32 v11, v25;
	v20 =	vadd.f32 v28, v20  }
0x1b6: {  	v18 =	vmul.f32 v18, v9;
	v4 =	vsub.f32 v4, v5;
	v6 =	vadd.f32 v30, v6  }
0x1b7: {  	v3 =	vsub.f32 v3, v7;
	v5 =	vadd.f32 v5, v27;
	[tilespmem:v31+s28+$0x0] =	vst.idx.msk $0xffff, v20  }
0x1b8: {  	v18 =	vadd.f32 v18, v24;
	v13 =	vadd.f32 v13, v17;
	v4 =	vmul.f32 v4, v9  }
0x1b9: {  	v7 =	vadd.f32 v7, v26;
	v6 =	vadd.f32 v29, v6;
	v3 =	vmul.f32 v3, v9  }
0x1ba: {  	s1 =	sadd.s32 $0x1, s1;
	v60 =	vmul.f32 v11, v9;
	v8 =	vadd.f32 v8, v13;
	v4 =	vadd.f32 v4, v5  }
0x1bb: {  	v61 =	vor.u32 s3, v10;
	p0 =	sne.s32 s1, $0x7;
	[tilespmem:v19+s28+$0x0] =	vst.idx.msk $0xffff, v18;
	v59 =	vadd.f32 v25, v6;
	v3 =	vadd.f32 v3, v7  }
.Ltmp5:
0x1bc: {  	v63 =	vadd.f32 v23, v8;
	[tilespmem:v15+s28+$0x0] =	vst.idx.msk $0xffff, v4;
	(pc) =	sbr.rel @p0 .LBB2_10-.Ltmp5, $4  }
0x1bd: {  	v62 =	vadd.f32 v60, v59;
	[tilespmem:v16+s28+$0x0] =	vst.idx.msk $0xffff, v3  }
0x1be: {  	v3 =	vadd.f32 v22, v21;
	[tilespmem:v12+s28+$0x0] =	vst.idx.msk $0xffff, v63  }
0x1bf: {  	[tilespmem:v14+s28+$0x0] =	vst.idx.msk $0xffff, v62  }
0x1c0: {  	[tilespmem:v61+s28+$0x0] =	vst.idx.msk $0xffff, v3  }
0x1c1: {  	s0 =	simm.s32 $0x0  }
0x1c2: {  	[hbm4b:s12+s0] =	stream.linear.scatter [tilespmem:s28], [sflag:$0x1], $0x400, $0x38;
	[tilespmem:$0x1EE00] =	vst v63  }
0x1c3: {  	s1 =	sadd.s32 $0x80, s12;
	s2 =	simm.s32 $0x11600  }
0x1c4: {  	[hbm4b:s1+s0] =	stream.linear.scatter [tilespmem:s2], [sflag:$0x1], $0x400, $0x38;
	[tilespmem:$0x1EE00] =	vst v63  }
0x1c5: {  	s7 =	sadd.s32 $0x100, s12;
	s8 =	simm.s32 $0x11E00  }
0x1c6: {  	[hbm4b:s7+s0] =	stream.linear.scatter [tilespmem:s8], [sflag:$0x1], $0x400, $0x38;
	[tilespmem:$0x1EE00] =	vst v63  }
0x1c7: {  	s10 =	sadd.s32 $0x180, s12;
	s19 =	simm.s32 $0x12600  }
0x1c8: {  	[hbm4b:s10+s0] =	stream.linear.scatter [tilespmem:s19], [sflag:$0x1], $0x400, $0x38;
	[tilespmem:$0x1EE00] =	vst v63  }
0x1c9: {  	s30 =	sadd.s32 $0x200, s12;
	s31 =	simm.s32 $0x12E00  }
0x1ca: {  	[hbm4b:s30+s0] =	stream.linear.scatter [tilespmem:s31], [sflag:$0x1], $0x400, $0x38;
	[tilespmem:$0x1EE00] =	vst v63  }
0x1cb: {  	s3 =	simm.s32 $0x13600;
	s2 =	sadd.s32 $0x280, s12  }
0x1cc: {  	[hbm4b:s2+s0] =	stream.linear.scatter [tilespmem:s3], [sflag:$0x1], $0x400, $0x38;
	[tilespmem:$0x1EE00] =	vst v63  }
0x1cd: {  	s5 =	sadd.s32 $0x300, s12;
	s6 =	simm.s32 $0x13E00  }
0x1ce: {  	[hbm4b:s5+s0] =	stream.linear.scatter [tilespmem:s6], [sflag:$0x1], $0x400, $0x38;
	[tilespmem:$0x1EE00] =	vst v63  }
0x1cf: {  	s7 =	sadd.s32 $0x380, s12;
	s8 =	simm.s32 $0x14600  }
0x1d0: {  	[hbm4b:s7+s0] =	stream.linear.scatter [tilespmem:s8], [sflag:$0x1], $0x400, $0x38;
	[tilespmem:$0x1EE00] =	vst v63  }
0x1d1: {  	s10 =	sadd.s32 $0x400, s12;
	s19 =	simm.s32 $0x14E00  }
0x1d2: {  	[hbm4b:s10+s0] =	stream.linear.scatter [tilespmem:s19], [sflag:$0x1], $0x400, $0x38;
	[tilespmem:$0x1EE00] =	vst v63  }
0x1d3: {  	s30 =	sadd.s32 $0x480, s12;
	s31 =	simm.s32 $0x15600  }
0x1d4: {  	[hbm4b:s30+s0] =	stream.linear.scatter [tilespmem:s31], [sflag:$0x1], $0x400, $0x38;
	[tilespmem:$0x1EE00] =	vst v63  }
0x1d5: {  	s3 =	sadd.s32 $0x500, s12;
	s5 =	simm.s32 $0x15E00  }
0x1d6: {  	[hbm4b:s3+s0] =	stream.linear.scatter [tilespmem:s5], [sflag:$0x1], $0x400, $0x38;
	[tilespmem:$0x1EE00] =	vst v63  }
0x1d7: {  	s6 =	sadd.s32 $0x580, s12;
	s7 =	simm.s32 $0x16600  }
0x1d8: {  	[hbm4b:s6+s0] =	stream.linear.scatter [tilespmem:s7], [sflag:$0x1], $0x400, $0x38;
	[tilespmem:$0x1EE00] =	vst v63  }
0x1d9: {  	s8 =	sadd.s32 $0x600, s12;
	s10 =	simm.s32 $0x16E00  }
0x1da: {  	[hbm4b:s8+s0] =	stream.linear.scatter [tilespmem:s10], [sflag:$0x1], $0x400, $0x38;
	[tilespmem:$0x1EE00] =	vst v63  }
0x1db: {  	s19 =	sadd.s32 $0x680, s12;
	s30 =	simm.s32 $0x17600;
	s31 =	simm.s32 $0x2  }
0x1dc: {  	[hbm4b:s19+s0] =	stream.linear.scatter [tilespmem:s30], [sflag:$0x1], $0x400, $0x38;
	[tilespmem:$0x1EE00] =	vst v63  }
0x1dd: {  	_ =	swait.ge [sflag:s31], $0x3800  }
0x1de: {  	[sflag:s31] =	ssyncset.done $0x0  }
0x1df: {  	s1 =	simm.s32 $0x0;
	[sflag:s31] =	ssyncadd.s32 $0xFFFFC800  }
.LBB2_14:
0x1e0: {  	s19 =	sshll.u32 s1, $0x4  }
0x1e1: {  	s2 =	sadd.s32 $0x150, s19  }
0x1e2: {  	v3 =	vor.u32 s2, v0;
	_ =	sdelay $0x4  }
0x1e3: {  	v4 =	vld.idx.msk [tilespmem:v3+s26+$0x0], $0xffff;
	_ =	sdelay $0x2  }
0x1e4: {  	v5 =	vld.idx.msk [tilespmem:v3+s23+$0x0], $0xffff  }
0x1e5: {  	v6 =	vld.idx.msk [tilespmem:v3+s0+$0x0], $0xffff  }
0x1e6: {  	v9 =	vmul.f32 $1.280000020e+01, v4;
	v4 =	vld.idx.msk [tilespmem:v3+s24+$0x0], $0xffff;
	_ =	sdelay $0x1  }
0x1e7: {  	v8 =	vld.idx.msk [tilespmem:v3+s25+$0x0], $0xffff  }
0x1e8: {  	v3 =	vmul.u32 $0xC, v5;
	v7 =	vtrunc.f32 v9  }
0x1e9: {  	v7 =	vcvt.f32.s32 v7  }
0x1ea: {  	v4 =	vadd.s32 v4, v3;
	v3 =	vmul.u32 $0x81, v6  }
0x1eb: {  	vm0 =	vgt.s32 v7, $0x0  }
0x1ec: {  	s7 =	simm.s32 $0x7;
	v5 =	vnsel vm0, $0x0, v7;
	v7 =	vmul.u32 $0x81, v8;
	v8 =	vadd.s32 s0, v3  }
0x1ed: {  	s10 =	simm.s32 $0x1;
	v22 =	vadd.s32 s7, v3  }
0x1ee: {  	s8 =	simm.s32 $0x3;
	v25 =	vadd.s32 s10, v3  }
0x1ef: {  	s6 =	simm.s32 $0x6;
	v6 =	vmul.u32 $0x81, v4;
	v27 =	vadd.s32 s8, v3  }
0x1f0: {  	s5 =	simm.s32 $0x2;
	v36 =	vadd.s32 s6, v3  }
0x1f1: {  	v10 =	vmin.u32 v5, $0xFF;
	v35 =	vadd.s32 s5, v3;
	v5 =	vadd.s32 $0x3BF7, v6;
	v16 =	vld.idx.msk [tilespmem:v8+s20+$0x0], $0xffff  }
0x1f2: {  	v7 =	vadd.s32 $0x6C57, v7;
	v11 =	vadd.s32 s0, v5;
	v22 =	vld.idx.msk [tilespmem:v22+s20+$0x0], $0xffff  }
0x1f3: {  	v13 =	vadd.s32 s7, v7;
	v25 =	vld.idx.msk [tilespmem:v25+s20+$0x0], $0xffff  }
0x1f4: {  	v4 =	vmul.u32 $0x81, v10;
	v15 =	vadd.s32 s10, v5;
	v34 =	vld.idx.msk [tilespmem:v27+s20+$0x0], $0xffff  }
0x1f5: {  	v18 =	vadd.s32 s7, v5;
	v43 =	vld.idx.msk [tilespmem:v36+s20+$0x0], $0xffff  }
0x1f6: {  	s31 =	simm.s32 $0x5;
	v20 =	vadd.s32 s8, v7;
	v6 =	vadd.s32 $0x81, v4;
	v61 =	vld.idx.msk [tilespmem:v35+s20+$0x0], $0xffff  }
0x1f7: {  	v14 =	vadd.s32 s31, v6;
	v19 =	vld.idx.msk [tilespmem:v11+s20+$0x0], $0xffff  }
0x1f8: {  	v28 =	vadd.s32 s8, v5;
	v21 =	vld.idx.msk [tilespmem:v13+s20+$0x0], $0xffff  }
0x1f9: {  	v37 =	vadd.s32 s6, v5;
	v15 =	vld.idx.msk [tilespmem:v15+s20+$0x0], $0xffff  }
0x1fa: {  	v23 =	vadd.s32 s7, v4;
	v24 =	vld.idx.msk [tilespmem:v18+s20+$0x0], $0xffff  }
0x1fb: {  	v13 =	vadd.s32 s5, v5;
	v26 =	vld.idx.msk [tilespmem:v20+s20+$0x0], $0xffff  }
0x1fc: {  	s3 =	simm.s32 $0x4;
	v11 =	vld.idx.msk [tilespmem:v14+s22+$0x0], $0xffff;
	v14 =	vadd.s32 s8, v4  }
0x1fd: {  	v31 =	vadd.s32 s3, v4;
	v28 =	vld.idx.msk [tilespmem:v28+s20+$0x0], $0xffff  }
0x1fe: {  	v12 =	vadd.s32 s10, v6;
	v45 =	vld.idx.msk [tilespmem:v37+s20+$0x0], $0xffff  }
0x1ff: {  	v17 =	vadd.s32 s7, v6;
	v23 =	vld.idx.msk [tilespmem:v23+s22+$0x0], $0xffff  }
0x200: {  	v29 =	vld.idx.msk [tilespmem:v13+s20+$0x0], $0xffff;
	v13 =	vadd.s32 s6, v6  }
0x201: {  	v18 =	vld.idx.msk [tilespmem:v14+s22+$0x0], $0xffff;
	v14 =	vadd.s32 s6, v4  }
0x202: {  	v30 =	vadd.s32 s3, v6;
	v31 =	vld.idx.msk [tilespmem:v31+s22+$0x0], $0xffff  }
0x203: {  	v33 =	vadd.s32 s3, v3;
	v10 =	vcvt.s32.f32 v10;
	v27 =	vadd.s32 s3, v7;
	v12 =	vld.idx.msk [tilespmem:v12+s22+$0x0], $0xffff  }
0x204: {  	v41 =	vadd.s32 s5, v7;
	v8 =	vadd.s32 s10, v4;
	v20 =	vmov s19;
	v17 =	vld.idx.msk [tilespmem:v17+s22+$0x0], $0xffff  }
0x205: {  	v46 =	vadd.s32 s31, v5;
	v62 =	vadd.s32 s31, v7;
	v20 =	vshll.u32 v20, $0x8;
	v32 =	vld.idx.msk [tilespmem:v13+s22+$0x0], $0xffff  }
0x206: {  	v9 =	vsub.f32 v9, v10;
	v13 =	vor.u32 v2, v20;
	v20 =	vld.idx.msk [tilespmem:v14+s22+$0x0], $0xffff;
	v14 =	vadd.s32 s3, v5  }
0x207: {  	v48 =	vadd.s32 s31, v4;
	v38 =	vadd.s32 s8, v6;
	v36 =	vadd.s32 s5, v4;
	v30 =	vld.idx.msk [tilespmem:v30+s22+$0x0], $0xffff  }
0x208: {  	v35 =	vadd.s32 s0, v4;
	v42 =	vld.idx.msk [tilespmem:v27+s20+$0x0], $0xffff;
	v22 =	vadd.f32 v24, v22;
	v27 =	vadd.f32 v19, v16  }
0x209: {  	v8 =	vld.idx.msk [tilespmem:v8+s22+$0x0], $0xffff;
	v24 =	vadd.s32 s6, v7;
	v19 =	vadd.f32 v28, v34;
	v63 =	vadd.f32 v45, v43  }
0x20a: {  	v37 =	vadd.s32 s5, v6;
	v40 =	vsub.f32 v17, v23;
	v17 =	vadd.f32 v15, v25;
	v25 =	vld.idx.msk [tilespmem:v33+s20+$0x0], $0xffff  }
0x20b: {  	v21 =	vadd.f32 v21, v22;
	v22 =	vadd.s32 s0, v7;
	v10 =	vand.u32 $0x7800, v13;
	v60 =	vld.idx.msk [tilespmem:v14+s20+$0x0], $0xffff  }
0x20c: {  	v28 =	vadd.f32 v26, v19;
	v47 =	vsub.f32 v30, v31;
	v10 =	vor.u32 v1, v10  }
0x20d: {  	v34 =	vld.idx.msk [tilespmem:v38+s22+$0x0], $0xffff;
	v21 =	vadd.f32 v23, v21;
	v23 =	vmul.f32 v40, v9;
	v44 =	vor.u32 s7, v10  }
0x20e: {  	v38 =	vadd.s32 s0, v6;
	v39 =	vsub.f32 v12, v8;
	v49 =	vld.idx.msk [tilespmem:v24+s20+$0x0], $0xffff;
	v40 =	vadd.f32 v29, v61  }
0x20f: {  	v13 =	vadd.s32 s10, v7;
	v21 =	vadd.f32 v23, v21;
	v24 =	vadd.f32 v18, v28  }
0x210: {  	v26 =	vld.idx.msk [tilespmem:v41+s20+$0x0], $0xffff;
	v12 =	vor.u32 s10, v10;
	v15 =	vor.u32 s0, v10;
	v23 =	vadd.f32 v60, v25  }
0x211: {  	v33 =	vld.idx.msk [tilespmem:v22+s20+$0x0], $0xffff;
	v16 =	vor.u32 s5, v10;
	v19 =	vor.u32 s8, v10;
	v25 =	vsub.f32 v32, v20  }
0x212: {  	v30 =	vld.idx.msk [tilespmem:v46+s20+$0x0], $0xffff;
	v14 =	vor.u32 s31, v10;
	[tilespmem:v44+s29+$0x0] =	vst.idx.msk $0xffff, v21;
	v32 =	vadd.s32 s31, v3;
	v22 =	vadd.f32 v42, v23  }
0x213: {  	v29 =	vld.idx.msk [tilespmem:v62+s20+$0x0], $0xffff;
	v28 =	vmul.f32 v25, v9;
	v23 =	vmul.f32 v39, v9;
	v39 =	vadd.f32 v49, v63  }
0x214: {  	s5 =	simm.s32 $0x8;
	v25 =	vld.idx.msk [tilespmem:v48+s22+$0x0], $0xffff;
	v21 =	vadd.f32 v31, v22;
	v22 =	vmul.f32 v47, v9;
	v31 =	vor.u32 s6, v10  }
.LBB2_15:
0x215: {  	v41 =	vadd.s32 s5, v3;
	v42 =	vadd.s32 s5, v5;
	s19 =	sadd.s32 $0x1, s5;
	s6 =	sadd.s32 $0x5, s5;
	s10 =	sadd.s32 $0x7, s5;
	v40 =	vadd.f32 v26, v40;
	v37 =	vld.idx.msk [tilespmem:v37+s22+$0x0], $0xffff  }
0x216: {  	p0 =	slt.u32 s5, $0x78;
	v27 =	vadd.f32 v33, v27;
	s7 =	smov.u32 s5;
	s5 =	sadd.s32 $0x8, s5;
	v43 =	vadd.s32 s19, v6;
	v44 =	vadd.s32 s10, v7;
	v33 =	vld.idx.msk [tilespmem:v36+s22+$0x0], $0xffff  }
0x217: {  	v36 =	vadd.s32 s19, v3;
	v45 =	vadd.s32 s10, v3;
	v18 =	vsub.f32 v34, v18;
	v38 =	vld.idx.msk [tilespmem:v38+s22+$0x0], $0xffff  }
0x218: {  	v34 =	vadd.s32 s19, v5;
	s8 =	sadd.s32 $0x2, s7;
	v46 =	vadd.s32 s10, v4;
	v20 =	vadd.f32 v20, v39;
	v35 =	vld.idx.msk [tilespmem:v35+s22+$0x0], $0xffff  }
0x219: {  	v39 =	vadd.s32 s10, v5;
	v26 =	vadd.s32 s8, v3;
	v47 =	vsub.f32 v11, v25;
	v32 =	vld.idx.msk [tilespmem:v32+s20+$0x0], $0xffff  }
0x21a: {  	s2 =	sadd.s32 $0x3, s7;
	v49 =	vadd.s32 s10, v6;
	v48 =	vadd.s32 s8, v5;
	v11 =	vadd.s32 s6, v6;
	v41 =	vld.idx.msk [tilespmem:v41+s20+$0x0], $0xffff  }
0x21b: {  	v50 =	vadd.s32 s19, v4;
	v51 =	vadd.s32 s2, v3;
	v52 =	vadd.s32 s2, v7;
	v42 =	vld.idx.msk [tilespmem:v42+s20+$0x0], $0xffff  }
0x21c: {  	v53 =	vadd.s32 s19, v7;
	s30 =	sadd.s32 $0x4, s7;
	v54 =	vadd.s32 s2, v5;
	v55 =	vadd.s32 s2, v4;
	v43 =	vld.idx.msk [tilespmem:v43+s22+$0x0], $0xffff  }
0x21d: {  	v56 =	vadd.s32 s30, v3;
	v57 =	vadd.s32 s30, v7;
	v37 =	vsub.f32 v37, v33;
	v58 =	vld.idx.msk [tilespmem:v13+s20+$0x0], $0xffff;
	v13 =	vmovc v53  }
0x21e: {  	v59 =	vadd.s32 s30, v4;
	v53 =	vadd.s32 s30, v5;
	v38 =	vsub.f32 v38, v35;
	v44 =	vld.idx.msk [tilespmem:v44+s20+$0x0], $0xffff  }
0x21f: {  	v60 =	vadd.s32 s2, v6;
	v20 =	vadd.f32 v28, v20;
	v30 =	vadd.f32 v30, v32;
	v11 =	vld.idx.msk [tilespmem:v11+s22+$0x0], $0xffff  }
0x220: {  	s31 =	sadd.s32 $0x6, s7;
	v18 =	vmul.f32 v18, v9;
	v27 =	vadd.f32 v35, v27;
	v32 =	vmul.f32 v38, v9;
	v28 =	vld.idx.msk [tilespmem:v50+s22+$0x0], $0xffff  }
0x221: {  	v35 =	vadd.s32 s31, v3;
	v38 =	vadd.s32 s31, v7;
	v29 =	vadd.f32 v29, v30;
	v34 =	vld.idx.msk [tilespmem:v34+s20+$0x0], $0xffff;
	[tilespmem:v31+s29+$0x0] =	vst.idx.msk $0xffff, v20  }
0x222: {  	v24 =	vadd.f32 v18, v24;
	v30 =	vadd.s32 s31, v5;
	v20 =	vadd.s32 s31, v4;
	v31 =	vld.idx.msk [tilespmem:v49+s22+$0x0], $0xffff  }
0x223: {  	v27 =	vadd.f32 v32, v27;
	v32 =	vmul.f32 v37, v9;
	v17 =	vadd.f32 v58, v17;
	v39 =	vld.idx.msk [tilespmem:v39+s20+$0x0], $0xffff  }
0x224: {  	v33 =	vadd.f32 v33, v40;
	v25 =	vadd.f32 v25, v29;
	v29 =	vmul.f32 v47, v9;
	v48 =	vld.idx.msk [tilespmem:v48+s20+$0x0], $0xffff  }
0x225: {  	v37 =	vadd.s32 s31, v6;
	v40 =	vadd.f32 v8, v17;
	v17 =	vor.u32 s3, v10;
	s3 =	smov.u32 s30;
	v18 =	vld.idx.msk [tilespmem:v55+s22+$0x0], $0xffff;
	[tilespmem:v19+s29+$0x0] =	vst.idx.msk $0xffff, v24  }
0x226: {  	v21 =	vadd.f32 v22, v21;
	v19 =	vld.idx.msk [tilespmem:v52+s20+$0x0], $0xffff;
	[tilespmem:v15+s29+$0x0] =	vst.idx.msk $0xffff, v27;
	v15 =	vadd.f32 v32, v33  }
0x227: {  	v24 =	vadd.f32 v29, v25;
	v8 =	vmov v28;
	v23 =	vadd.f32 v23, v40;
	v22 =	vld.idx.msk [tilespmem:v45+s20+$0x0], $0xffff  }
0x228: {  	v29 =	vsub.f32 v43, v8;
	v25 =	vld.idx.msk [tilespmem:v46+s22+$0x0], $0xffff;
	[tilespmem:v16+s29+$0x0] =	vst.idx.msk $0xffff, v15  }
0x229: {  	v16 =	vadd.s32 s3, v6;
	v15 =	vld.idx.msk [tilespmem:v36+s20+$0x0], $0xffff;
	[tilespmem:v14+s29+$0x0] =	vst.idx.msk $0xffff, v24  }
0x22a: {  	v24 =	vld.idx.msk [tilespmem:v37+s22+$0x0], $0xffff;
	[tilespmem:v12+s29+$0x0] =	vst.idx.msk $0xffff, v23  }
0x22b: {  	v20 =	vld.idx.msk [tilespmem:v20+s22+$0x0], $0xffff;
	[tilespmem:v17+s29+$0x0] =	vst.idx.msk $0xffff, v21  }
0x22c: {  	v21 =	vld.idx.msk [tilespmem:v51+s20+$0x0], $0xffff  }
0x22d: {  	v23 =	vld.idx.msk [tilespmem:v54+s20+$0x0], $0xffff  }
0x22e: {  	v31 =	vsub.f32 v31, v25;
	v28 =	vld.idx.msk [tilespmem:v16+s22+$0x0], $0xffff  }
0x22f: {  	v17 =	vadd.f32 v34, v15;
	v15 =	vadd.f32 v39, v22;
	v43 =	vld.idx.msk [tilespmem:v59+s22+$0x0], $0xffff  }
0x230: {  	v22 =	vld.idx.msk [tilespmem:v56+s20+$0x0], $0xffff  }
0x231: {  	v14 =	vor.u32 s6, v10;
	v12 =	vor.u32 s19, v10;
	v33 =	vadd.f32 v44, v15;
	v32 =	vld.idx.msk [tilespmem:v53+s20+$0x0], $0xffff  }
0x232: {  	v36 =	vadd.s32 s8, v7;
	v34 =	vadd.s32 s7, v7;
	v15 =	vor.u32 s7, v10;
	v39 =	vld.idx.msk [tilespmem:v57+s20+$0x0], $0xffff  }
0x233: {  	v27 =	vadd.f32 v42, v41;
	v21 =	vadd.f32 v23, v21;
	v23 =	vld.idx.msk [tilespmem:v35+s20+$0x0], $0xffff;
	v35 =	vor.u32 s10, v10  }
0x234: {  	v16 =	vor.u32 s8, v10;
	v25 =	vadd.f32 v25, v33;
	v40 =	vld.idx.msk [tilespmem:v30+s20+$0x0], $0xffff;
	v30 =	vmul.f32 v31, v9  }
0x235: {  	v41 =	vadd.s32 s6, v5;
	v21 =	vadd.f32 v19, v21;
	v19 =	vor.u32 s2, v10;
	v31 =	vld.idx.msk [tilespmem:v26+s20+$0x0], $0xffff  }
0x236: {  	v44 =	vadd.s32 s6, v4;
	v42 =	vsub.f32 v28, v43;
	v45 =	vld.idx.msk [tilespmem:v38+s20+$0x0], $0xffff;
	v25 =	vadd.f32 v30, v25  }
0x237: {  	v46 =	vadd.s32 s6, v7;
	v28 =	vsub.f32 v24, v20;
	v22 =	vadd.f32 v32, v22;
	v26 =	vld.idx.msk [tilespmem:v36+s20+$0x0], $0xffff  }
.Ltmp6:
0x238: {  	v37 =	vadd.s32 s8, v6;
	v24 =	vadd.f32 v18, v21;
	v32 =	vadd.s32 s6, v3;
	v33 =	vld.idx.msk [tilespmem:v34+s20+$0x0], $0xffff;
	[tilespmem:v35+s29+$0x0] =	vst.idx.msk $0xffff, v25;
	(pc) =	sbr.rel @p0 .LBB2_15-.Ltmp6, $4  }
0x239: {  	v28 =	vmul.f32 v28, v9;
	v36 =	vadd.s32 s8, v4;
	v21 =	vadd.f32 v39, v22;
	v34 =	vld.idx.msk [tilespmem:v60+s22+$0x0], $0xffff  }
0x23a: {  	v38 =	vadd.s32 s7, v6;
	v35 =	vadd.s32 s7, v4;
	v39 =	vadd.f32 v40, v23;
	v30 =	vld.idx.msk [tilespmem:v41+s20+$0x0], $0xffff  }
0x23b: {  	v22 =	vmul.f32 v42, v9;
	v40 =	vadd.f32 v48, v31;
	v21 =	vadd.f32 v43, v21;
	v25 =	vld.idx.msk [tilespmem:v44+s22+$0x0], $0xffff  }
0x23c: {  	v23 =	vmul.f32 v29, v9;
	v31 =	vor.u32 s31, v10;
	v39 =	vadd.f32 v45, v39;
	v29 =	vld.idx.msk [tilespmem:v46+s20+$0x0], $0xffff  }
0x23d: {  	_ =	sdelay $0x3  }
0x23e: {  	v3 =	vld.idx.msk [tilespmem:v37+s22+$0x0], $0xffff  }
0x23f: {  	v4 =	vld.idx.msk [tilespmem:v38+s22+$0x0], $0xffff  }
0x240: {  	v5 =	vld.idx.msk [tilespmem:v35+s22+$0x0], $0xffff  }
0x241: {  	v6 =	vld.idx.msk [tilespmem:v32+s20+$0x0], $0xffff  }
0x242: {  	v7 =	vld.idx.msk [tilespmem:v36+s22+$0x0], $0xffff  }
0x243: {  	v26 =	vadd.f32 v26, v40;
	v13 =	vld.idx.msk [tilespmem:v13+s20+$0x0], $0xffff;
	v20 =	vadd.f32 v20, v39  }
0x244: {  	v27 =	vadd.f32 v33, v27;
	v18 =	vsub.f32 v34, v18  }
0x245: {  	v11 =	vsub.f32 v11, v25;
	v20 =	vadd.f32 v28, v20  }
0x246: {  	v18 =	vmul.f32 v18, v9;
	v4 =	vsub.f32 v4, v5;
	v6 =	vadd.f32 v30, v6  }
0x247: {  	v3 =	vsub.f32 v3, v7;
	v5 =	vadd.f32 v5, v27;
	[tilespmem:v31+s29+$0x0] =	vst.idx.msk $0xffff, v20  }
0x248: {  	v18 =	vadd.f32 v18, v24;
	v13 =	vadd.f32 v13, v17;
	v4 =	vmul.f32 v4, v9  }
0x249: {  	v7 =	vadd.f32 v7, v26;
	v6 =	vadd.f32 v29, v6;
	v3 =	vmul.f32 v3, v9  }
0x24a: {  	s1 =	sadd.s32 $0x1, s1;
	v60 =	vmul.f32 v11, v9;
	v8 =	vadd.f32 v8, v13;
	v4 =	vadd.f32 v4, v5  }
0x24b: {  	v61 =	vor.u32 s3, v10;
	p0 =	sne.s32 s1, $0x7;
	[tilespmem:v19+s29+$0x0] =	vst.idx.msk $0xffff, v18;
	v59 =	vadd.f32 v25, v6;
	v3 =	vadd.f32 v3, v7  }
.Ltmp7:
0x24c: {  	v63 =	vadd.f32 v23, v8;
	[tilespmem:v15+s29+$0x0] =	vst.idx.msk $0xffff, v4;
	(pc) =	sbr.rel @p0 .LBB2_14-.Ltmp7, $4  }
0x24d: {  	v62 =	vadd.f32 v60, v59;
	[tilespmem:v16+s29+$0x0] =	vst.idx.msk $0xffff, v3  }
0x24e: {  	v3 =	vadd.f32 v22, v21;
	[tilespmem:v12+s29+$0x0] =	vst.idx.msk $0xffff, v63  }
0x24f: {  	[tilespmem:v14+s29+$0x0] =	vst.idx.msk $0xffff, v62  }
0x250: {  	[tilespmem:v61+s29+$0x0] =	vst.idx.msk $0xffff, v3  }
0x251: {  	s0 =	simm.s32 $0x0  }
0x252: {  	[hbm4b:s13+s0] =	stream.linear.scatter [tilespmem:s29], [sflag:$0x2], $0x400, $0x38;
	[tilespmem:$0x1EE00] =	vst v63  }
0x253: {  	s1 =	sadd.s32 $0x80, s13;
	s2 =	simm.s32 $0x18600  }
0x254: {  	[hbm4b:s1+s0] =	stream.linear.scatter [tilespmem:s2], [sflag:$0x2], $0x400, $0x38;
	[tilespmem:$0x1EE00] =	vst v63  }
0x255: {  	s7 =	sadd.s32 $0x100, s13;
	s8 =	simm.s32 $0x18E00  }
0x256: {  	[hbm4b:s7+s0] =	stream.linear.scatter [tilespmem:s8], [sflag:$0x2], $0x400, $0x38;
	[tilespmem:$0x1EE00] =	vst v63  }
0x257: {  	s10 =	sadd.s32 $0x180, s13;
	s19 =	simm.s32 $0x19600  }
0x258: {  	[hbm4b:s10+s0] =	stream.linear.scatter [tilespmem:s19], [sflag:$0x2], $0x400, $0x38;
	[tilespmem:$0x1EE00] =	vst v63  }
0x259: {  	s30 =	sadd.s32 $0x200, s13;
	s31 =	simm.s32 $0x19E00  }
0x25a: {  	[hbm4b:s30+s0] =	stream.linear.scatter [tilespmem:s31], [sflag:$0x2], $0x400, $0x38;
	[tilespmem:$0x1EE00] =	vst v63  }
0x25b: {  	s3 =	simm.s32 $0x1A600;
	s2 =	sadd.s32 $0x280, s13  }
0x25c: {  	[hbm4b:s2+s0] =	stream.linear.scatter [tilespmem:s3], [sflag:$0x2], $0x400, $0x38;
	[tilespmem:$0x1EE00] =	vst v63  }
0x25d: {  	s5 =	sadd.s32 $0x300, s13;
	s6 =	simm.s32 $0x1AE00  }
0x25e: {  	[hbm4b:s5+s0] =	stream.linear.scatter [tilespmem:s6], [sflag:$0x2], $0x400, $0x38;
	[tilespmem:$0x1EE00] =	vst v63  }
0x25f: {  	s7 =	sadd.s32 $0x380, s13;
	s8 =	simm.s32 $0x1B600  }
0x260: {  	[hbm4b:s7+s0] =	stream.linear.scatter [tilespmem:s8], [sflag:$0x2], $0x400, $0x38;
	[tilespmem:$0x1EE00] =	vst v63  }
0x261: {  	s10 =	sadd.s32 $0x400, s13;
	s19 =	simm.s32 $0x1BE00  }
0x262: {  	[hbm4b:s10+s0] =	stream.linear.scatter [tilespmem:s19], [sflag:$0x2], $0x400, $0x38;
	[tilespmem:$0x1EE00] =	vst v63  }
0x263: {  	s30 =	sadd.s32 $0x480, s13;
	s31 =	simm.s32 $0x1C600  }
0x264: {  	[hbm4b:s30+s0] =	stream.linear.scatter [tilespmem:s31], [sflag:$0x2], $0x400, $0x38;
	[tilespmem:$0x1EE00] =	vst v63  }
0x265: {  	s3 =	sadd.s32 $0x500, s13;
	s5 =	simm.s32 $0x1CE00  }
0x266: {  	[hbm4b:s3+s0] =	stream.linear.scatter [tilespmem:s5], [sflag:$0x2], $0x400, $0x38;
	[tilespmem:$0x1EE00] =	vst v63  }
0x267: {  	s6 =	sadd.s32 $0x580, s13;
	s7 =	simm.s32 $0x1D600  }
0x268: {  	[hbm4b:s6+s0] =	stream.linear.scatter [tilespmem:s7], [sflag:$0x2], $0x400, $0x38;
	[tilespmem:$0x1EE00] =	vst v63  }
0x269: {  	s8 =	sadd.s32 $0x600, s13;
	s10 =	simm.s32 $0x1DE00  }
0x26a: {  	[hbm4b:s8+s0] =	stream.linear.scatter [tilespmem:s10], [sflag:$0x2], $0x400, $0x38;
	[tilespmem:$0x1EE00] =	vst v63  }
0x26b: {  	s19 =	sadd.s32 $0x680, s13;
	s30 =	simm.s32 $0x1E600;
	s31 =	simm.s32 $0x1  }
0x26c: {  	[hbm4b:s19+s0] =	stream.linear.scatter [tilespmem:s30], [sflag:$0x2], $0x400, $0x38;
	[tilespmem:$0x1EE00] =	vst v63  }
0x26d: {  	_ =	swait.ge [sflag:s31], $0x3800  }
0x26e: {  	[sflag:s31] =	ssyncset.done $0x0  }
0x26f: {  	s1 =	simm.s32 $0x0;
	[sflag:s31] =	ssyncadd.s32 $0xFFFFC800  }
.LBB2_18:
0x270: {  	s19 =	sshll.u32 s1, $0x4  }
0x271: {  	s2 =	sadd.s32 $0x1C0, s19  }
0x272: {  	v3 =	vor.u32 s2, v0;
	_ =	sdelay $0x4  }
0x273: {  	v4 =	vld.idx.msk [tilespmem:v3+s26+$0x0], $0xffff;
	_ =	sdelay $0x2  }
0x274: {  	v5 =	vld.idx.msk [tilespmem:v3+s23+$0x0], $0xffff  }
0x275: {  	v6 =	vld.idx.msk [tilespmem:v3+s0+$0x0], $0xffff  }
0x276: {  	v9 =	vmul.f32 $1.280000020e+01, v4;
	v4 =	vld.idx.msk [tilespmem:v3+s24+$0x0], $0xffff;
	_ =	sdelay $0x1  }
0x277: {  	v8 =	vld.idx.msk [tilespmem:v3+s25+$0x0], $0xffff  }
0x278: {  	v3 =	vmul.u32 $0xC, v5;
	v7 =	vtrunc.f32 v9  }
0x279: {  	v7 =	vcvt.f32.s32 v7  }
0x27a: {  	v4 =	vadd.s32 v4, v3;
	v3 =	vmul.u32 $0x81, v6  }
0x27b: {  	vm0 =	vgt.s32 v7, $0x0  }
0x27c: {  	s7 =	simm.s32 $0x7;
	v5 =	vnsel vm0, $0x0, v7;
	v7 =	vmul.u32 $0x81, v8;
	v8 =	vadd.s32 s0, v3  }
0x27d: {  	s10 =	simm.s32 $0x1;
	v22 =	vadd.s32 s7, v3  }
0x27e: {  	s8 =	simm.s32 $0x3;
	v25 =	vadd.s32 s10, v3  }
0x27f: {  	s6 =	simm.s32 $0x6;
	v6 =	vmul.u32 $0x81, v4;
	v27 =	vadd.s32 s8, v3  }
0x280: {  	s5 =	simm.s32 $0x2;
	v36 =	vadd.s32 s6, v3  }
0x281: {  	v10 =	vmin.u32 v5, $0xFF;
	v35 =	vadd.s32 s5, v3;
	v5 =	vadd.s32 $0x3BF7, v6;
	v16 =	vld.idx.msk [tilespmem:v8+s20+$0x0], $0xffff  }
0x282: {  	v7 =	vadd.s32 $0x6C57, v7;
	v11 =	vadd.s32 s0, v5;
	v22 =	vld.idx.msk [tilespmem:v22+s20+$0x0], $0xffff  }
0x283: {  	v13 =	vadd.s32 s7, v7;
	v25 =	vld.idx.msk [tilespmem:v25+s20+$0x0], $0xffff  }
0x284: {  	v4 =	vmul.u32 $0x81, v10;
	v15 =	vadd.s32 s10, v5;
	v34 =	vld.idx.msk [tilespmem:v27+s20+$0x0], $0xffff  }
0x285: {  	v18 =	vadd.s32 s7, v5;
	v43 =	vld.idx.msk [tilespmem:v36+s20+$0x0], $0xffff  }
0x286: {  	s31 =	simm.s32 $0x5;
	v20 =	vadd.s32 s8, v7;
	v6 =	vadd.s32 $0x81, v4;
	v61 =	vld.idx.msk [tilespmem:v35+s20+$0x0], $0xffff  }
0x287: {  	v14 =	vadd.s32 s31, v6;
	v19 =	vld.idx.msk [tilespmem:v11+s20+$0x0], $0xffff  }
0x288: {  	v28 =	vadd.s32 s8, v5;
	v21 =	vld.idx.msk [tilespmem:v13+s20+$0x0], $0xffff  }
0x289: {  	v37 =	vadd.s32 s6, v5;
	v15 =	vld.idx.msk [tilespmem:v15+s20+$0x0], $0xffff  }
0x28a: {  	v23 =	vadd.s32 s7, v4;
	v24 =	vld.idx.msk [tilespmem:v18+s20+$0x0], $0xffff  }
0x28b: {  	v13 =	vadd.s32 s5, v5;
	v26 =	vld.idx.msk [tilespmem:v20+s20+$0x0], $0xffff  }
0x28c: {  	s3 =	simm.s32 $0x4;
	v11 =	vld.idx.msk [tilespmem:v14+s22+$0x0], $0xffff;
	v14 =	vadd.s32 s8, v4  }
0x28d: {  	v31 =	vadd.s32 s3, v4;
	v28 =	vld.idx.msk [tilespmem:v28+s20+$0x0], $0xffff  }
0x28e: {  	v12 =	vadd.s32 s10, v6;
	v45 =	vld.idx.msk [tilespmem:v37+s20+$0x0], $0xffff  }
0x28f: {  	v17 =	vadd.s32 s7, v6;
	v23 =	vld.idx.msk [tilespmem:v23+s22+$0x0], $0xffff  }
0x290: {  	v29 =	vld.idx.msk [tilespmem:v13+s20+$0x0], $0xffff;
	v13 =	vadd.s32 s6, v6  }
0x291: {  	v18 =	vld.idx.msk [tilespmem:v14+s22+$0x0], $0xffff;
	v14 =	vadd.s32 s6, v4  }
0x292: {  	v30 =	vadd.s32 s3, v6;
	v31 =	vld.idx.msk [tilespmem:v31+s22+$0x0], $0xffff  }
0x293: {  	v33 =	vadd.s32 s3, v3;
	v10 =	vcvt.s32.f32 v10;
	v27 =	vadd.s32 s3, v7;
	v12 =	vld.idx.msk [tilespmem:v12+s22+$0x0], $0xffff  }
0x294: {  	v41 =	vadd.s32 s5, v7;
	v8 =	vadd.s32 s10, v4;
	v20 =	vmov s19;
	v17 =	vld.idx.msk [tilespmem:v17+s22+$0x0], $0xffff  }
0x295: {  	v46 =	vadd.s32 s31, v5;
	v62 =	vadd.s32 s31, v7;
	v20 =	vshll.u32 v20, $0x8;
	v32 =	vld.idx.msk [tilespmem:v13+s22+$0x0], $0xffff  }
0x296: {  	v9 =	vsub.f32 v9, v10;
	v13 =	vor.u32 v2, v20;
	v20 =	vld.idx.msk [tilespmem:v14+s22+$0x0], $0xffff;
	v14 =	vadd.s32 s3, v5  }
0x297: {  	v48 =	vadd.s32 s31, v4;
	v38 =	vadd.s32 s8, v6;
	v36 =	vadd.s32 s5, v4;
	v30 =	vld.idx.msk [tilespmem:v30+s22+$0x0], $0xffff  }
0x298: {  	v35 =	vadd.s32 s0, v4;
	v42 =	vld.idx.msk [tilespmem:v27+s20+$0x0], $0xffff;
	v22 =	vadd.f32 v24, v22;
	v27 =	vadd.f32 v19, v16  }
0x299: {  	v8 =	vld.idx.msk [tilespmem:v8+s22+$0x0], $0xffff;
	v24 =	vadd.s32 s6, v7;
	v19 =	vadd.f32 v28, v34;
	v63 =	vadd.f32 v45, v43  }
0x29a: {  	v37 =	vadd.s32 s5, v6;
	v40 =	vsub.f32 v17, v23;
	v17 =	vadd.f32 v15, v25;
	v25 =	vld.idx.msk [tilespmem:v33+s20+$0x0], $0xffff  }
0x29b: {  	v21 =	vadd.f32 v21, v22;
	v22 =	vadd.s32 s0, v7;
	v10 =	vand.u32 $0x7800, v13;
	v60 =	vld.idx.msk [tilespmem:v14+s20+$0x0], $0xffff  }
0x29c: {  	v28 =	vadd.f32 v26, v19;
	v47 =	vsub.f32 v30, v31;
	v10 =	vor.u32 v1, v10  }
0x29d: {  	v34 =	vld.idx.msk [tilespmem:v38+s22+$0x0], $0xffff;
	v21 =	vadd.f32 v23, v21;
	v23 =	vmul.f32 v40, v9;
	v44 =	vor.u32 s7, v10  }
0x29e: {  	v38 =	vadd.s32 s0, v6;
	v39 =	vsub.f32 v12, v8;
	v49 =	vld.idx.msk [tilespmem:v24+s20+$0x0], $0xffff;
	v40 =	vadd.f32 v29, v61  }
0x29f: {  	v13 =	vadd.s32 s10, v7;
	v21 =	vadd.f32 v23, v21;
	v24 =	vadd.f32 v18, v28  }
0x2a0: {  	v26 =	vld.idx.msk [tilespmem:v41+s20+$0x0], $0xffff;
	v12 =	vor.u32 s10, v10;
	v15 =	vor.u32 s0, v10;
	v23 =	vadd.f32 v60, v25  }
0x2a1: {  	v33 =	vld.idx.msk [tilespmem:v22+s20+$0x0], $0xffff;
	v16 =	vor.u32 s5, v10;
	v19 =	vor.u32 s8, v10;
	v25 =	vsub.f32 v32, v20  }
0x2a2: {  	v30 =	vld.idx.msk [tilespmem:v46+s20+$0x0], $0xffff;
	v14 =	vor.u32 s31, v10;
	[tilespmem:v44+s28+$0x0] =	vst.idx.msk $0xffff, v21;
	v32 =	vadd.s32 s31, v3;
	v22 =	vadd.f32 v42, v23  }
0x2a3: {  	v29 =	vld.idx.msk [tilespmem:v62+s20+$0x0], $0xffff;
	v28 =	vmul.f32 v25, v9;
	v23 =	vmul.f32 v39, v9;
	v39 =	vadd.f32 v49, v63  }
0x2a4: {  	s5 =	simm.s32 $0x8;
	v25 =	vld.idx.msk [tilespmem:v48+s22+$0x0], $0xffff;
	v21 =	vadd.f32 v31, v22;
	v22 =	vmul.f32 v47, v9;
	v31 =	vor.u32 s6, v10  }
.LBB2_19:
0x2a5: {  	v41 =	vadd.s32 s5, v3;
	v42 =	vadd.s32 s5, v5;
	s19 =	sadd.s32 $0x1, s5;
	s6 =	sadd.s32 $0x5, s5;
	s10 =	sadd.s32 $0x7, s5;
	v40 =	vadd.f32 v26, v40;
	v37 =	vld.idx.msk [tilespmem:v37+s22+$0x0], $0xffff  }
0x2a6: {  	p0 =	slt.u32 s5, $0x78;
	v27 =	vadd.f32 v33, v27;
	s7 =	smov.u32 s5;
	s5 =	sadd.s32 $0x8, s5;
	v43 =	vadd.s32 s19, v6;
	v44 =	vadd.s32 s10, v7;
	v33 =	vld.idx.msk [tilespmem:v36+s22+$0x0], $0xffff  }
0x2a7: {  	v36 =	vadd.s32 s19, v3;
	v45 =	vadd.s32 s10, v3;
	v18 =	vsub.f32 v34, v18;
	v38 =	vld.idx.msk [tilespmem:v38+s22+$0x0], $0xffff  }
0x2a8: {  	v34 =	vadd.s32 s19, v5;
	s8 =	sadd.s32 $0x2, s7;
	v46 =	vadd.s32 s10, v4;
	v20 =	vadd.f32 v20, v39;
	v35 =	vld.idx.msk [tilespmem:v35+s22+$0x0], $0xffff  }
0x2a9: {  	v39 =	vadd.s32 s10, v5;
	v26 =	vadd.s32 s8, v3;
	v47 =	vsub.f32 v11, v25;
	v32 =	vld.idx.msk [tilespmem:v32+s20+$0x0], $0xffff  }
0x2aa: {  	s2 =	sadd.s32 $0x3, s7;
	v49 =	vadd.s32 s10, v6;
	v48 =	vadd.s32 s8, v5;
	v11 =	vadd.s32 s6, v6;
	v41 =	vld.idx.msk [tilespmem:v41+s20+$0x0], $0xffff  }
0x2ab: {  	v50 =	vadd.s32 s19, v4;
	v51 =	vadd.s32 s2, v3;
	v52 =	vadd.s32 s2, v7;
	v42 =	vld.idx.msk [tilespmem:v42+s20+$0x0], $0xffff  }
0x2ac: {  	v53 =	vadd.s32 s19, v7;
	s30 =	sadd.s32 $0x4, s7;
	v54 =	vadd.s32 s2, v5;
	v55 =	vadd.s32 s2, v4;
	v43 =	vld.idx.msk [tilespmem:v43+s22+$0x0], $0xffff  }
0x2ad: {  	v56 =	vadd.s32 s30, v3;
	v57 =	vadd.s32 s30, v7;
	v37 =	vsub.f32 v37, v33;
	v58 =	vld.idx.msk [tilespmem:v13+s20+$0x0], $0xffff;
	v13 =	vmovc v53  }
0x2ae: {  	v59 =	vadd.s32 s30, v4;
	v53 =	vadd.s32 s30, v5;
	v38 =	vsub.f32 v38, v35;
	v44 =	vld.idx.msk [tilespmem:v44+s20+$0x0], $0xffff  }
0x2af: {  	v60 =	vadd.s32 s2, v6;
	v20 =	vadd.f32 v28, v20;
	v30 =	vadd.f32 v30, v32;
	v11 =	vld.idx.msk [tilespmem:v11+s22+$0x0], $0xffff  }
0x2b0: {  	s31 =	sadd.s32 $0x6, s7;
	v18 =	vmul.f32 v18, v9;
	v27 =	vadd.f32 v35, v27;
	v32 =	vmul.f32 v38, v9;
	v28 =	vld.idx.msk [tilespmem:v50+s22+$0x0], $0xffff  }
0x2b1: {  	v35 =	vadd.s32 s31, v3;
	v38 =	vadd.s32 s31, v7;
	v29 =	vadd.f32 v29, v30;
	v34 =	vld.idx.msk [tilespmem:v34+s20+$0x0], $0xffff;
	[tilespmem:v31+s28+$0x0] =	vst.idx.msk $0xffff, v20  }
0x2b2: {  	v24 =	vadd.f32 v18, v24;
	v30 =	vadd.s32 s31, v5;
	v20 =	vadd.s32 s31, v4;
	v31 =	vld.idx.msk [tilespmem:v49+s22+$0x0], $0xffff  }
0x2b3: {  	v27 =	vadd.f32 v32, v27;
	v32 =	vmul.f32 v37, v9;
	v17 =	vadd.f32 v58, v17;
	v39 =	vld.idx.msk [tilespmem:v39+s20+$0x0], $0xffff  }
0x2b4: {  	v33 =	vadd.f32 v33, v40;
	v25 =	vadd.f32 v25, v29;
	v29 =	vmul.f32 v47, v9;
	v48 =	vld.idx.msk [tilespmem:v48+s20+$0x0], $0xffff  }
0x2b5: {  	v37 =	vadd.s32 s31, v6;
	v40 =	vadd.f32 v8, v17;
	v17 =	vor.u32 s3, v10;
	s3 =	smov.u32 s30;
	v18 =	vld.idx.msk [tilespmem:v55+s22+$0x0], $0xffff;
	[tilespmem:v19+s28+$0x0] =	vst.idx.msk $0xffff, v24  }
0x2b6: {  	v21 =	vadd.f32 v22, v21;
	v19 =	vld.idx.msk [tilespmem:v52+s20+$0x0], $0xffff;
	[tilespmem:v15+s28+$0x0] =	vst.idx.msk $0xffff, v27;
	v15 =	vadd.f32 v32, v33  }
0x2b7: {  	v24 =	vadd.f32 v29, v25;
	v8 =	vmov v28;
	v23 =	vadd.f32 v23, v40;
	v22 =	vld.idx.msk [tilespmem:v45+s20+$0x0], $0xffff  }
0x2b8: {  	v29 =	vsub.f32 v43, v8;
	v25 =	vld.idx.msk [tilespmem:v46+s22+$0x0], $0xffff;
	[tilespmem:v16+s28+$0x0] =	vst.idx.msk $0xffff, v15  }
0x2b9: {  	v16 =	vadd.s32 s3, v6;
	v15 =	vld.idx.msk [tilespmem:v36+s20+$0x0], $0xffff;
	[tilespmem:v14+s28+$0x0] =	vst.idx.msk $0xffff, v24  }
0x2ba: {  	v24 =	vld.idx.msk [tilespmem:v37+s22+$0x0], $0xffff;
	[tilespmem:v12+s28+$0x0] =	vst.idx.msk $0xffff, v23  }
0x2bb: {  	v20 =	vld.idx.msk [tilespmem:v20+s22+$0x0], $0xffff;
	[tilespmem:v17+s28+$0x0] =	vst.idx.msk $0xffff, v21  }
0x2bc: {  	v21 =	vld.idx.msk [tilespmem:v51+s20+$0x0], $0xffff  }
0x2bd: {  	v23 =	vld.idx.msk [tilespmem:v54+s20+$0x0], $0xffff  }
0x2be: {  	v31 =	vsub.f32 v31, v25;
	v28 =	vld.idx.msk [tilespmem:v16+s22+$0x0], $0xffff  }
0x2bf: {  	v17 =	vadd.f32 v34, v15;
	v15 =	vadd.f32 v39, v22;
	v43 =	vld.idx.msk [tilespmem:v59+s22+$0x0], $0xffff  }
0x2c0: {  	v22 =	vld.idx.msk [tilespmem:v56+s20+$0x0], $0xffff  }
0x2c1: {  	v14 =	vor.u32 s6, v10;
	v12 =	vor.u32 s19, v10;
	v33 =	vadd.f32 v44, v15;
	v32 =	vld.idx.msk [tilespmem:v53+s20+$0x0], $0xffff  }
0x2c2: {  	v36 =	vadd.s32 s8, v7;
	v34 =	vadd.s32 s7, v7;
	v15 =	vor.u32 s7, v10;
	v39 =	vld.idx.msk [tilespmem:v57+s20+$0x0], $0xffff  }
0x2c3: {  	v27 =	vadd.f32 v42, v41;
	v21 =	vadd.f32 v23, v21;
	v23 =	vld.idx.msk [tilespmem:v35+s20+$0x0], $0xffff;
	v35 =	vor.u32 s10, v10  }
0x2c4: {  	v16 =	vor.u32 s8, v10;
	v25 =	vadd.f32 v25, v33;
	v40 =	vld.idx.msk [tilespmem:v30+s20+$0x0], $0xffff;
	v30 =	vmul.f32 v31, v9  }
0x2c5: {  	v41 =	vadd.s32 s6, v5;
	v21 =	vadd.f32 v19, v21;
	v19 =	vor.u32 s2, v10;
	v31 =	vld.idx.msk [tilespmem:v26+s20+$0x0], $0xffff  }
0x2c6: {  	v44 =	vadd.s32 s6, v4;
	v42 =	vsub.f32 v28, v43;
	v45 =	vld.idx.msk [tilespmem:v38+s20+$0x0], $0xffff;
	v25 =	vadd.f32 v30, v25  }
0x2c7: {  	v46 =	vadd.s32 s6, v7;
	v28 =	vsub.f32 v24, v20;
	v22 =	vadd.f32 v32, v22;
	v26 =	vld.idx.msk [tilespmem:v36+s20+$0x0], $0xffff  }
.Ltmp8:
0x2c8: {  	v37 =	vadd.s32 s8, v6;
	v24 =	vadd.f32 v18, v21;
	v32 =	vadd.s32 s6, v3;
	v33 =	vld.idx.msk [tilespmem:v34+s20+$0x0], $0xffff;
	[tilespmem:v35+s28+$0x0] =	vst.idx.msk $0xffff, v25;
	(pc) =	sbr.rel @p0 .LBB2_19-.Ltmp8, $4  }
0x2c9: {  	v28 =	vmul.f32 v28, v9;
	v36 =	vadd.s32 s8, v4;
	v21 =	vadd.f32 v39, v22;
	v34 =	vld.idx.msk [tilespmem:v60+s22+$0x0], $0xffff  }
0x2ca: {  	v38 =	vadd.s32 s7, v6;
	v35 =	vadd.s32 s7, v4;
	v39 =	vadd.f32 v40, v23;
	v30 =	vld.idx.msk [tilespmem:v41+s20+$0x0], $0xffff  }
0x2cb: {  	v22 =	vmul.f32 v42, v9;
	v40 =	vadd.f32 v48, v31;
	v21 =	vadd.f32 v43, v21;
	v25 =	vld.idx.msk [tilespmem:v44+s22+$0x0], $0xffff  }
0x2cc: {  	v23 =	vmul.f32 v29, v9;
	v31 =	vor.u32 s31, v10;
	v39 =	vadd.f32 v45, v39;
	v29 =	vld.idx.msk [tilespmem:v46+s20+$0x0], $0xffff  }
0x2cd: {  	_ =	sdelay $0x3  }
0x2ce: {  	v3 =	vld.idx.msk [tilespmem:v37+s22+$0x0], $0xffff  }
0x2cf: {  	v4 =	vld.idx.msk [tilespmem:v38+s22+$0x0], $0xffff  }
0x2d0: {  	v5 =	vld.idx.msk [tilespmem:v35+s22+$0x0], $0xffff  }
0x2d1: {  	v6 =	vld.idx.msk [tilespmem:v32+s20+$0x0], $0xffff  }
0x2d2: {  	v7 =	vld.idx.msk [tilespmem:v36+s22+$0x0], $0xffff  }
0x2d3: {  	v26 =	vadd.f32 v26, v40;
	v13 =	vld.idx.msk [tilespmem:v13+s20+$0x0], $0xffff;
	v20 =	vadd.f32 v20, v39  }
0x2d4: {  	v27 =	vadd.f32 v33, v27;
	v18 =	vsub.f32 v34, v18  }
0x2d5: {  	v11 =	vsub.f32 v11, v25;
	v20 =	vadd.f32 v28, v20  }
0x2d6: {  	v18 =	vmul.f32 v18, v9;
	v4 =	vsub.f32 v4, v5;
	v6 =	vadd.f32 v30, v6  }
0x2d7: {  	v3 =	vsub.f32 v3, v7;
	v5 =	vadd.f32 v5, v27;
	[tilespmem:v31+s28+$0x0] =	vst.idx.msk $0xffff, v20  }
0x2d8: {  	v18 =	vadd.f32 v18, v24;
	v13 =	vadd.f32 v13, v17;
	v4 =	vmul.f32 v4, v9  }
0x2d9: {  	v7 =	vadd.f32 v7, v26;
	v6 =	vadd.f32 v29, v6;
	v3 =	vmul.f32 v3, v9  }
0x2da: {  	s1 =	sadd.s32 $0x1, s1;
	v60 =	vmul.f32 v11, v9;
	v8 =	vadd.f32 v8, v13;
	v4 =	vadd.f32 v4, v5  }
0x2db: {  	v61 =	vor.u32 s3, v10;
	p0 =	sne.s32 s1, $0x7;
	[tilespmem:v19+s28+$0x0] =	vst.idx.msk $0xffff, v18;
	v59 =	vadd.f32 v25, v6;
	v3 =	vadd.f32 v3, v7  }
.Ltmp9:
0x2dc: {  	v63 =	vadd.f32 v23, v8;
	[tilespmem:v15+s28+$0x0] =	vst.idx.msk $0xffff, v4;
	(pc) =	sbr.rel @p0 .LBB2_18-.Ltmp9, $4  }
0x2dd: {  	v62 =	vadd.f32 v60, v59;
	[tilespmem:v16+s28+$0x0] =	vst.idx.msk $0xffff, v3  }
0x2de: {  	v3 =	vadd.f32 v22, v21;
	[tilespmem:v12+s28+$0x0] =	vst.idx.msk $0xffff, v63  }
0x2df: {  	[tilespmem:v14+s28+$0x0] =	vst.idx.msk $0xffff, v62  }
0x2e0: {  	[tilespmem:v61+s28+$0x0] =	vst.idx.msk $0xffff, v3  }
0x2e1: {  	s0 =	simm.s32 $0x0  }
0x2e2: {  	[hbm4b:s14+s0] =	stream.linear.scatter [tilespmem:s28], [sflag:$0x1], $0x400, $0x38;
	[tilespmem:$0x1EE00] =	vst v63  }
0x2e3: {  	s1 =	sadd.s32 $0x80, s14;
	s2 =	simm.s32 $0x11600  }
0x2e4: {  	[hbm4b:s1+s0] =	stream.linear.scatter [tilespmem:s2], [sflag:$0x1], $0x400, $0x38;
	[tilespmem:$0x1EE00] =	vst v63  }
0x2e5: {  	s7 =	sadd.s32 $0x100, s14;
	s8 =	simm.s32 $0x11E00  }
0x2e6: {  	[hbm4b:s7+s0] =	stream.linear.scatter [tilespmem:s8], [sflag:$0x1], $0x400, $0x38;
	[tilespmem:$0x1EE00] =	vst v63  }
0x2e7: {  	s10 =	sadd.s32 $0x180, s14;
	s19 =	simm.s32 $0x12600  }
0x2e8: {  	[hbm4b:s10+s0] =	stream.linear.scatter [tilespmem:s19], [sflag:$0x1], $0x400, $0x38;
	[tilespmem:$0x1EE00] =	vst v63  }
0x2e9: {  	s30 =	sadd.s32 $0x200, s14;
	s31 =	simm.s32 $0x12E00  }
0x2ea: {  	[hbm4b:s30+s0] =	stream.linear.scatter [tilespmem:s31], [sflag:$0x1], $0x400, $0x38;
	[tilespmem:$0x1EE00] =	vst v63  }
0x2eb: {  	s3 =	simm.s32 $0x13600;
	s2 =	sadd.s32 $0x280, s14  }
0x2ec: {  	[hbm4b:s2+s0] =	stream.linear.scatter [tilespmem:s3], [sflag:$0x1], $0x400, $0x38;
	[tilespmem:$0x1EE00] =	vst v63  }
0x2ed: {  	s5 =	sadd.s32 $0x300, s14;
	s6 =	simm.s32 $0x13E00  }
0x2ee: {  	[hbm4b:s5+s0] =	stream.linear.scatter [tilespmem:s6], [sflag:$0x1], $0x400, $0x38;
	[tilespmem:$0x1EE00] =	vst v63  }
0x2ef: {  	s7 =	sadd.s32 $0x380, s14;
	s8 =	simm.s32 $0x14600  }
0x2f0: {  	[hbm4b:s7+s0] =	stream.linear.scatter [tilespmem:s8], [sflag:$0x1], $0x400, $0x38;
	[tilespmem:$0x1EE00] =	vst v63  }
0x2f1: {  	s10 =	sadd.s32 $0x400, s14;
	s19 =	simm.s32 $0x14E00  }
0x2f2: {  	[hbm4b:s10+s0] =	stream.linear.scatter [tilespmem:s19], [sflag:$0x1], $0x400, $0x38;
	[tilespmem:$0x1EE00] =	vst v63  }
0x2f3: {  	s30 =	sadd.s32 $0x480, s14;
	s31 =	simm.s32 $0x15600  }
0x2f4: {  	[hbm4b:s30+s0] =	stream.linear.scatter [tilespmem:s31], [sflag:$0x1], $0x400, $0x38;
	[tilespmem:$0x1EE00] =	vst v63  }
0x2f5: {  	s3 =	sadd.s32 $0x500, s14;
	s5 =	simm.s32 $0x15E00  }
0x2f6: {  	[hbm4b:s3+s0] =	stream.linear.scatter [tilespmem:s5], [sflag:$0x1], $0x400, $0x38;
	[tilespmem:$0x1EE00] =	vst v63  }
0x2f7: {  	s6 =	sadd.s32 $0x580, s14;
	s7 =	simm.s32 $0x16600  }
0x2f8: {  	[hbm4b:s6+s0] =	stream.linear.scatter [tilespmem:s7], [sflag:$0x1], $0x400, $0x38;
	[tilespmem:$0x1EE00] =	vst v63  }
0x2f9: {  	s8 =	sadd.s32 $0x600, s14;
	s10 =	simm.s32 $0x16E00  }
0x2fa: {  	[hbm4b:s8+s0] =	stream.linear.scatter [tilespmem:s10], [sflag:$0x1], $0x400, $0x38;
	[tilespmem:$0x1EE00] =	vst v63  }
0x2fb: {  	s19 =	sadd.s32 $0x680, s14;
	s30 =	simm.s32 $0x17600;
	s31 =	simm.s32 $0x2  }
0x2fc: {  	[hbm4b:s19+s0] =	stream.linear.scatter [tilespmem:s30], [sflag:$0x1], $0x400, $0x38;
	[tilespmem:$0x1EE00] =	vst v63  }
0x2fd: {  	_ =	swait.ge [sflag:s31], $0x3800  }
0x2fe: {  	[sflag:s31] =	ssyncset.done $0x0  }
0x2ff: {  	s1 =	simm.s32 $0x0;
	[sflag:s31] =	ssyncadd.s32 $0xFFFFC800  }
.LBB2_22:
0x300: {  	s19 =	sshll.u32 s1, $0x4  }
0x301: {  	s2 =	sadd.s32 $0x230, s19  }
0x302: {  	v3 =	vor.u32 s2, v0;
	_ =	sdelay $0x4  }
0x303: {  	v4 =	vld.idx.msk [tilespmem:v3+s26+$0x0], $0xffff;
	_ =	sdelay $0x2  }
0x304: {  	v5 =	vld.idx.msk [tilespmem:v3+s23+$0x0], $0xffff  }
0x305: {  	v6 =	vld.idx.msk [tilespmem:v3+s0+$0x0], $0xffff  }
0x306: {  	v9 =	vmul.f32 $1.280000020e+01, v4;
	v4 =	vld.idx.msk [tilespmem:v3+s24+$0x0], $0xffff;
	_ =	sdelay $0x1  }
0x307: {  	v8 =	vld.idx.msk [tilespmem:v3+s25+$0x0], $0xffff  }
0x308: {  	v3 =	vmul.u32 $0xC, v5;
	v7 =	vtrunc.f32 v9  }
0x309: {  	v7 =	vcvt.f32.s32 v7  }
0x30a: {  	v4 =	vadd.s32 v4, v3;
	v3 =	vmul.u32 $0x81, v6  }
0x30b: {  	vm0 =	vgt.s32 v7, $0x0  }
0x30c: {  	s7 =	simm.s32 $0x7;
	v5 =	vnsel vm0, $0x0, v7;
	v7 =	vmul.u32 $0x81, v8;
	v8 =	vadd.s32 s0, v3  }
0x30d: {  	s10 =	simm.s32 $0x1;
	v22 =	vadd.s32 s7, v3  }
0x30e: {  	s8 =	simm.s32 $0x3;
	v25 =	vadd.s32 s10, v3  }
0x30f: {  	s6 =	simm.s32 $0x6;
	v6 =	vmul.u32 $0x81, v4;
	v27 =	vadd.s32 s8, v3  }
0x310: {  	s5 =	simm.s32 $0x2;
	v36 =	vadd.s32 s6, v3  }
0x311: {  	v10 =	vmin.u32 v5, $0xFF;
	v35 =	vadd.s32 s5, v3;
	v5 =	vadd.s32 $0x3BF7, v6;
	v16 =	vld.idx.msk [tilespmem:v8+s20+$0x0], $0xffff  }
0x312: {  	v7 =	vadd.s32 $0x6C57, v7;
	v11 =	vadd.s32 s0, v5;
	v22 =	vld.idx.msk [tilespmem:v22+s20+$0x0], $0xffff  }
0x313: {  	v13 =	vadd.s32 s7, v7;
	v25 =	vld.idx.msk [tilespmem:v25+s20+$0x0], $0xffff  }
0x314: {  	v4 =	vmul.u32 $0x81, v10;
	v15 =	vadd.s32 s10, v5;
	v34 =	vld.idx.msk [tilespmem:v27+s20+$0x0], $0xffff  }
0x315: {  	v18 =	vadd.s32 s7, v5;
	v43 =	vld.idx.msk [tilespmem:v36+s20+$0x0], $0xffff  }
0x316: {  	s31 =	simm.s32 $0x5;
	v20 =	vadd.s32 s8, v7;
	v6 =	vadd.s32 $0x81, v4;
	v61 =	vld.idx.msk [tilespmem:v35+s20+$0x0], $0xffff  }
0x317: {  	v14 =	vadd.s32 s31, v6;
	v19 =	vld.idx.msk [tilespmem:v11+s20+$0x0], $0xffff  }
0x318: {  	v28 =	vadd.s32 s8, v5;
	v21 =	vld.idx.msk [tilespmem:v13+s20+$0x0], $0xffff  }
0x319: {  	v37 =	vadd.s32 s6, v5;
	v15 =	vld.idx.msk [tilespmem:v15+s20+$0x0], $0xffff  }
0x31a: {  	v23 =	vadd.s32 s7, v4;
	v24 =	vld.idx.msk [tilespmem:v18+s20+$0x0], $0xffff  }
0x31b: {  	v13 =	vadd.s32 s5, v5;
	v26 =	vld.idx.msk [tilespmem:v20+s20+$0x0], $0xffff  }
0x31c: {  	s3 =	simm.s32 $0x4;
	v11 =	vld.idx.msk [tilespmem:v14+s22+$0x0], $0xffff;
	v14 =	vadd.s32 s8, v4  }
0x31d: {  	v31 =	vadd.s32 s3, v4;
	v28 =	vld.idx.msk [tilespmem:v28+s20+$0x0], $0xffff  }
0x31e: {  	v12 =	vadd.s32 s10, v6;
	v45 =	vld.idx.msk [tilespmem:v37+s20+$0x0], $0xffff  }
0x31f: {  	v17 =	vadd.s32 s7, v6;
	v23 =	vld.idx.msk [tilespmem:v23+s22+$0x0], $0xffff  }
0x320: {  	v29 =	vld.idx.msk [tilespmem:v13+s20+$0x0], $0xffff;
	v13 =	vadd.s32 s6, v6  }
0x321: {  	v18 =	vld.idx.msk [tilespmem:v14+s22+$0x0], $0xffff;
	v14 =	vadd.s32 s6, v4  }
0x322: {  	v30 =	vadd.s32 s3, v6;
	v31 =	vld.idx.msk [tilespmem:v31+s22+$0x0], $0xffff  }
0x323: {  	v33 =	vadd.s32 s3, v3;
	v10 =	vcvt.s32.f32 v10;
	v27 =	vadd.s32 s3, v7;
	v12 =	vld.idx.msk [tilespmem:v12+s22+$0x0], $0xffff  }
0x324: {  	v41 =	vadd.s32 s5, v7;
	v8 =	vadd.s32 s10, v4;
	v20 =	vmov s19;
	v17 =	vld.idx.msk [tilespmem:v17+s22+$0x0], $0xffff  }
0x325: {  	v46 =	vadd.s32 s31, v5;
	v62 =	vadd.s32 s31, v7;
	v20 =	vshll.u32 v20, $0x8;
	v32 =	vld.idx.msk [tilespmem:v13+s22+$0x0], $0xffff  }
0x326: {  	v9 =	vsub.f32 v9, v10;
	v13 =	vor.u32 v2, v20;
	v20 =	vld.idx.msk [tilespmem:v14+s22+$0x0], $0xffff;
	v14 =	vadd.s32 s3, v5  }
0x327: {  	v48 =	vadd.s32 s31, v4;
	v38 =	vadd.s32 s8, v6;
	v36 =	vadd.s32 s5, v4;
	v30 =	vld.idx.msk [tilespmem:v30+s22+$0x0], $0xffff  }
0x328: {  	v35 =	vadd.s32 s0, v4;
	v42 =	vld.idx.msk [tilespmem:v27+s20+$0x0], $0xffff;
	v22 =	vadd.f32 v24, v22;
	v27 =	vadd.f32 v19, v16  }
0x329: {  	v8 =	vld.idx.msk [tilespmem:v8+s22+$0x0], $0xffff;
	v24 =	vadd.s32 s6, v7;
	v19 =	vadd.f32 v28, v34;
	v63 =	vadd.f32 v45, v43  }
0x32a: {  	v37 =	vadd.s32 s5, v6;
	v40 =	vsub.f32 v17, v23;
	v17 =	vadd.f32 v15, v25;
	v25 =	vld.idx.msk [tilespmem:v33+s20+$0x0], $0xffff  }
0x32b: {  	v21 =	vadd.f32 v21, v22;
	v22 =	vadd.s32 s0, v7;
	v10 =	vand.u32 $0x7800, v13;
	v60 =	vld.idx.msk [tilespmem:v14+s20+$0x0], $0xffff  }
0x32c: {  	v28 =	vadd.f32 v26, v19;
	v47 =	vsub.f32 v30, v31;
	v10 =	vor.u32 v1, v10  }
0x32d: {  	v34 =	vld.idx.msk [tilespmem:v38+s22+$0x0], $0xffff;
	v21 =	vadd.f32 v23, v21;
	v23 =	vmul.f32 v40, v9;
	v44 =	vor.u32 s7, v10  }
0x32e: {  	v38 =	vadd.s32 s0, v6;
	v39 =	vsub.f32 v12, v8;
	v49 =	vld.idx.msk [tilespmem:v24+s20+$0x0], $0xffff;
	v40 =	vadd.f32 v29, v61  }
0x32f: {  	v13 =	vadd.s32 s10, v7;
	v21 =	vadd.f32 v23, v21;
	v24 =	vadd.f32 v18, v28  }
0x330: {  	v26 =	vld.idx.msk [tilespmem:v41+s20+$0x0], $0xffff;
	v12 =	vor.u32 s10, v10;
	v15 =	vor.u32 s0, v10;
	v23 =	vadd.f32 v60, v25  }
0x331: {  	v33 =	vld.idx.msk [tilespmem:v22+s20+$0x0], $0xffff;
	v16 =	vor.u32 s5, v10;
	v19 =	vor.u32 s8, v10;
	v25 =	vsub.f32 v32, v20  }
0x332: {  	v30 =	vld.idx.msk [tilespmem:v46+s20+$0x0], $0xffff;
	v14 =	vor.u32 s31, v10;
	[tilespmem:v44+s29+$0x0] =	vst.idx.msk $0xffff, v21;
	v32 =	vadd.s32 s31, v3;
	v22 =	vadd.f32 v42, v23  }
0x333: {  	v29 =	vld.idx.msk [tilespmem:v62+s20+$0x0], $0xffff;
	v28 =	vmul.f32 v25, v9;
	v23 =	vmul.f32 v39, v9;
	v39 =	vadd.f32 v49, v63  }
0x334: {  	s5 =	simm.s32 $0x8;
	v25 =	vld.idx.msk [tilespmem:v48+s22+$0x0], $0xffff;
	v21 =	vadd.f32 v31, v22;
	v22 =	vmul.f32 v47, v9;
	v31 =	vor.u32 s6, v10  }
.LBB2_23:
0x335: {  	v41 =	vadd.s32 s5, v3;
	v42 =	vadd.s32 s5, v5;
	s19 =	sadd.s32 $0x1, s5;
	s6 =	sadd.s32 $0x5, s5;
	s10 =	sadd.s32 $0x7, s5;
	v40 =	vadd.f32 v26, v40;
	v37 =	vld.idx.msk [tilespmem:v37+s22+$0x0], $0xffff  }
0x336: {  	p0 =	slt.u32 s5, $0x78;
	v27 =	vadd.f32 v33, v27;
	s7 =	smov.u32 s5;
	s5 =	sadd.s32 $0x8, s5;
	v43 =	vadd.s32 s19, v6;
	v44 =	vadd.s32 s10, v7;
	v33 =	vld.idx.msk [tilespmem:v36+s22+$0x0], $0xffff  }
0x337: {  	v36 =	vadd.s32 s19, v3;
	v45 =	vadd.s32 s10, v3;
	v18 =	vsub.f32 v34, v18;
	v38 =	vld.idx.msk [tilespmem:v38+s22+$0x0], $0xffff  }
0x338: {  	v34 =	vadd.s32 s19, v5;
	s8 =	sadd.s32 $0x2, s7;
	v46 =	vadd.s32 s10, v4;
	v20 =	vadd.f32 v20, v39;
	v35 =	vld.idx.msk [tilespmem:v35+s22+$0x0], $0xffff  }
0x339: {  	v39 =	vadd.s32 s10, v5;
	v26 =	vadd.s32 s8, v3;
	v47 =	vsub.f32 v11, v25;
	v32 =	vld.idx.msk [tilespmem:v32+s20+$0x0], $0xffff  }
0x33a: {  	s2 =	sadd.s32 $0x3, s7;
	v49 =	vadd.s32 s10, v6;
	v48 =	vadd.s32 s8, v5;
	v11 =	vadd.s32 s6, v6;
	v41 =	vld.idx.msk [tilespmem:v41+s20+$0x0], $0xffff  }
0x33b: {  	v50 =	vadd.s32 s19, v4;
	v51 =	vadd.s32 s2, v3;
	v52 =	vadd.s32 s2, v7;
	v42 =	vld.idx.msk [tilespmem:v42+s20+$0x0], $0xffff  }
0x33c: {  	v53 =	vadd.s32 s19, v7;
	s30 =	sadd.s32 $0x4, s7;
	v54 =	vadd.s32 s2, v5;
	v55 =	vadd.s32 s2, v4;
	v43 =	vld.idx.msk [tilespmem:v43+s22+$0x0], $0xffff  }
0x33d: {  	v56 =	vadd.s32 s30, v3;
	v57 =	vadd.s32 s30, v7;
	v37 =	vsub.f32 v37, v33;
	v58 =	vld.idx.msk [tilespmem:v13+s20+$0x0], $0xffff;
	v13 =	vmovc v53  }
0x33e: {  	v59 =	vadd.s32 s30, v4;
	v53 =	vadd.s32 s30, v5;
	v38 =	vsub.f32 v38, v35;
	v44 =	vld.idx.msk [tilespmem:v44+s20+$0x0], $0xffff  }
0x33f: {  	v60 =	vadd.s32 s2, v6;
	v20 =	vadd.f32 v28, v20;
	v30 =	vadd.f32 v30, v32;
	v11 =	vld.idx.msk [tilespmem:v11+s22+$0x0], $0xffff  }
0x340: {  	s31 =	sadd.s32 $0x6, s7;
	v18 =	vmul.f32 v18, v9;
	v27 =	vadd.f32 v35, v27;
	v32 =	vmul.f32 v38, v9;
	v28 =	vld.idx.msk [tilespmem:v50+s22+$0x0], $0xffff  }
0x341: {  	v35 =	vadd.s32 s31, v3;
	v38 =	vadd.s32 s31, v7;
	v29 =	vadd.f32 v29, v30;
	v34 =	vld.idx.msk [tilespmem:v34+s20+$0x0], $0xffff;
	[tilespmem:v31+s29+$0x0] =	vst.idx.msk $0xffff, v20  }
0x342: {  	v24 =	vadd.f32 v18, v24;
	v30 =	vadd.s32 s31, v5;
	v20 =	vadd.s32 s31, v4;
	v31 =	vld.idx.msk [tilespmem:v49+s22+$0x0], $0xffff  }
0x343: {  	v27 =	vadd.f32 v32, v27;
	v32 =	vmul.f32 v37, v9;
	v17 =	vadd.f32 v58, v17;
	v39 =	vld.idx.msk [tilespmem:v39+s20+$0x0], $0xffff  }
0x344: {  	v33 =	vadd.f32 v33, v40;
	v25 =	vadd.f32 v25, v29;
	v29 =	vmul.f32 v47, v9;
	v48 =	vld.idx.msk [tilespmem:v48+s20+$0x0], $0xffff  }
0x345: {  	v37 =	vadd.s32 s31, v6;
	v40 =	vadd.f32 v8, v17;
	v17 =	vor.u32 s3, v10;
	s3 =	smov.u32 s30;
	v18 =	vld.idx.msk [tilespmem:v55+s22+$0x0], $0xffff;
	[tilespmem:v19+s29+$0x0] =	vst.idx.msk $0xffff, v24  }
0x346: {  	v21 =	vadd.f32 v22, v21;
	v19 =	vld.idx.msk [tilespmem:v52+s20+$0x0], $0xffff;
	[tilespmem:v15+s29+$0x0] =	vst.idx.msk $0xffff, v27;
	v15 =	vadd.f32 v32, v33  }
0x347: {  	v24 =	vadd.f32 v29, v25;
	v8 =	vmov v28;
	v23 =	vadd.f32 v23, v40;
	v22 =	vld.idx.msk [tilespmem:v45+s20+$0x0], $0xffff  }
0x348: {  	v29 =	vsub.f32 v43, v8;
	v25 =	vld.idx.msk [tilespmem:v46+s22+$0x0], $0xffff;
	[tilespmem:v16+s29+$0x0] =	vst.idx.msk $0xffff, v15  }
0x349: {  	v16 =	vadd.s32 s3, v6;
	v15 =	vld.idx.msk [tilespmem:v36+s20+$0x0], $0xffff;
	[tilespmem:v14+s29+$0x0] =	vst.idx.msk $0xffff, v24  }
0x34a: {  	v24 =	vld.idx.msk [tilespmem:v37+s22+$0x0], $0xffff;
	[tilespmem:v12+s29+$0x0] =	vst.idx.msk $0xffff, v23  }
0x34b: {  	v20 =	vld.idx.msk [tilespmem:v20+s22+$0x0], $0xffff;
	[tilespmem:v17+s29+$0x0] =	vst.idx.msk $0xffff, v21  }
0x34c: {  	v21 =	vld.idx.msk [tilespmem:v51+s20+$0x0], $0xffff  }
0x34d: {  	v23 =	vld.idx.msk [tilespmem:v54+s20+$0x0], $0xffff  }
0x34e: {  	v31 =	vsub.f32 v31, v25;
	v28 =	vld.idx.msk [tilespmem:v16+s22+$0x0], $0xffff  }
0x34f: {  	v17 =	vadd.f32 v34, v15;
	v15 =	vadd.f32 v39, v22;
	v43 =	vld.idx.msk [tilespmem:v59+s22+$0x0], $0xffff  }
0x350: {  	v22 =	vld.idx.msk [tilespmem:v56+s20+$0x0], $0xffff  }
0x351: {  	v14 =	vor.u32 s6, v10;
	v12 =	vor.u32 s19, v10;
	v33 =	vadd.f32 v44, v15;
	v32 =	vld.idx.msk [tilespmem:v53+s20+$0x0], $0xffff  }
0x352: {  	v36 =	vadd.s32 s8, v7;
	v34 =	vadd.s32 s7, v7;
	v15 =	vor.u32 s7, v10;
	v39 =	vld.idx.msk [tilespmem:v57+s20+$0x0], $0xffff  }
0x353: {  	v27 =	vadd.f32 v42, v41;
	v21 =	vadd.f32 v23, v21;
	v23 =	vld.idx.msk [tilespmem:v35+s20+$0x0], $0xffff;
	v35 =	vor.u32 s10, v10  }
0x354: {  	v16 =	vor.u32 s8, v10;
	v25 =	vadd.f32 v25, v33;
	v40 =	vld.idx.msk [tilespmem:v30+s20+$0x0], $0xffff;
	v30 =	vmul.f32 v31, v9  }
0x355: {  	v41 =	vadd.s32 s6, v5;
	v21 =	vadd.f32 v19, v21;
	v19 =	vor.u32 s2, v10;
	v31 =	vld.idx.msk [tilespmem:v26+s20+$0x0], $0xffff  }
0x356: {  	v44 =	vadd.s32 s6, v4;
	v42 =	vsub.f32 v28, v43;
	v45 =	vld.idx.msk [tilespmem:v38+s20+$0x0], $0xffff;
	v25 =	vadd.f32 v30, v25  }
0x357: {  	v46 =	vadd.s32 s6, v7;
	v28 =	vsub.f32 v24, v20;
	v22 =	vadd.f32 v32, v22;
	v26 =	vld.idx.msk [tilespmem:v36+s20+$0x0], $0xffff  }
.Ltmp10:
0x358: {  	v37 =	vadd.s32 s8, v6;
	v24 =	vadd.f32 v18, v21;
	v32 =	vadd.s32 s6, v3;
	v33 =	vld.idx.msk [tilespmem:v34+s20+$0x0], $0xffff;
	[tilespmem:v35+s29+$0x0] =	vst.idx.msk $0xffff, v25;
	(pc) =	sbr.rel @p0 .LBB2_23-.Ltmp10, $4  }
0x359: {  	v28 =	vmul.f32 v28, v9;
	v36 =	vadd.s32 s8, v4;
	v21 =	vadd.f32 v39, v22;
	v34 =	vld.idx.msk [tilespmem:v60+s22+$0x0], $0xffff  }
0x35a: {  	v38 =	vadd.s32 s7, v6;
	v35 =	vadd.s32 s7, v4;
	v39 =	vadd.f32 v40, v23;
	v30 =	vld.idx.msk [tilespmem:v41+s20+$0x0], $0xffff  }
0x35b: {  	v22 =	vmul.f32 v42, v9;
	v40 =	vadd.f32 v48, v31;
	v21 =	vadd.f32 v43, v21;
	v25 =	vld.idx.msk [tilespmem:v44+s22+$0x0], $0xffff  }
0x35c: {  	v23 =	vmul.f32 v29, v9;
	v31 =	vor.u32 s31, v10;
	v39 =	vadd.f32 v45, v39;
	v29 =	vld.idx.msk [tilespmem:v46+s20+$0x0], $0xffff  }
0x35d: {  	_ =	sdelay $0x3  }
0x35e: {  	v3 =	vld.idx.msk [tilespmem:v37+s22+$0x0], $0xffff  }
0x35f: {  	v4 =	vld.idx.msk [tilespmem:v38+s22+$0x0], $0xffff  }
0x360: {  	v5 =	vld.idx.msk [tilespmem:v35+s22+$0x0], $0xffff  }
0x361: {  	v6 =	vld.idx.msk [tilespmem:v32+s20+$0x0], $0xffff  }
0x362: {  	v7 =	vld.idx.msk [tilespmem:v36+s22+$0x0], $0xffff  }
0x363: {  	v26 =	vadd.f32 v26, v40;
	v13 =	vld.idx.msk [tilespmem:v13+s20+$0x0], $0xffff;
	v20 =	vadd.f32 v20, v39  }
0x364: {  	v27 =	vadd.f32 v33, v27;
	v18 =	vsub.f32 v34, v18  }
0x365: {  	v11 =	vsub.f32 v11, v25;
	v20 =	vadd.f32 v28, v20  }
0x366: {  	v18 =	vmul.f32 v18, v9;
	v4 =	vsub.f32 v4, v5;
	v6 =	vadd.f32 v30, v6  }
0x367: {  	v3 =	vsub.f32 v3, v7;
	v5 =	vadd.f32 v5, v27;
	[tilespmem:v31+s29+$0x0] =	vst.idx.msk $0xffff, v20  }
0x368: {  	v18 =	vadd.f32 v18, v24;
	v13 =	vadd.f32 v13, v17;
	v4 =	vmul.f32 v4, v9  }
0x369: {  	v7 =	vadd.f32 v7, v26;
	v6 =	vadd.f32 v29, v6;
	v3 =	vmul.f32 v3, v9  }
0x36a: {  	s1 =	sadd.s32 $0x1, s1;
	v60 =	vmul.f32 v11, v9;
	v8 =	vadd.f32 v8, v13;
	v4 =	vadd.f32 v4, v5  }
0x36b: {  	v61 =	vor.u32 s3, v10;
	p0 =	sne.s32 s1, $0x7;
	[tilespmem:v19+s29+$0x0] =	vst.idx.msk $0xffff, v18;
	v59 =	vadd.f32 v25, v6;
	v3 =	vadd.f32 v3, v7  }
.Ltmp11:
0x36c: {  	v63 =	vadd.f32 v23, v8;
	[tilespmem:v15+s29+$0x0] =	vst.idx.msk $0xffff, v4;
	(pc) =	sbr.rel @p0 .LBB2_22-.Ltmp11, $4  }
0x36d: {  	v62 =	vadd.f32 v60, v59;
	[tilespmem:v16+s29+$0x0] =	vst.idx.msk $0xffff, v3  }
0x36e: {  	v3 =	vadd.f32 v22, v21;
	[tilespmem:v12+s29+$0x0] =	vst.idx.msk $0xffff, v63  }
0x36f: {  	[tilespmem:v14+s29+$0x0] =	vst.idx.msk $0xffff, v62  }
0x370: {  	[tilespmem:v61+s29+$0x0] =	vst.idx.msk $0xffff, v3  }
0x371: {  	s0 =	simm.s32 $0x0  }
0x372: {  	[hbm4b:s15+s0] =	stream.linear.scatter [tilespmem:s29], [sflag:$0x2], $0x400, $0x38;
	[tilespmem:$0x1EE00] =	vst v63  }
0x373: {  	s1 =	sadd.s32 $0x80, s15;
	s2 =	simm.s32 $0x18600  }
0x374: {  	[hbm4b:s1+s0] =	stream.linear.scatter [tilespmem:s2], [sflag:$0x2], $0x400, $0x38;
	[tilespmem:$0x1EE00] =	vst v63  }
0x375: {  	s7 =	sadd.s32 $0x100, s15;
	s8 =	simm.s32 $0x18E00  }
0x376: {  	[hbm4b:s7+s0] =	stream.linear.scatter [tilespmem:s8], [sflag:$0x2], $0x400, $0x38;
	[tilespmem:$0x1EE00] =	vst v63  }
0x377: {  	s10 =	sadd.s32 $0x180, s15;
	s19 =	simm.s32 $0x19600  }
0x378: {  	[hbm4b:s10+s0] =	stream.linear.scatter [tilespmem:s19], [sflag:$0x2], $0x400, $0x38;
	[tilespmem:$0x1EE00] =	vst v63  }
0x379: {  	s30 =	sadd.s32 $0x200, s15;
	s31 =	simm.s32 $0x19E00  }
0x37a: {  	[hbm4b:s30+s0] =	stream.linear.scatter [tilespmem:s31], [sflag:$0x2], $0x400, $0x38;
	[tilespmem:$0x1EE00] =	vst v63  }
0x37b: {  	s3 =	simm.s32 $0x1A600;
	s2 =	sadd.s32 $0x280, s15  }
0x37c: {  	[hbm4b:s2+s0] =	stream.linear.scatter [tilespmem:s3], [sflag:$0x2], $0x400, $0x38;
	[tilespmem:$0x1EE00] =	vst v63  }
0x37d: {  	s5 =	sadd.s32 $0x300, s15;
	s6 =	simm.s32 $0x1AE00  }
0x37e: {  	[hbm4b:s5+s0] =	stream.linear.scatter [tilespmem:s6], [sflag:$0x2], $0x400, $0x38;
	[tilespmem:$0x1EE00] =	vst v63  }
0x37f: {  	s7 =	sadd.s32 $0x380, s15;
	s8 =	simm.s32 $0x1B600  }
0x380: {  	[hbm4b:s7+s0] =	stream.linear.scatter [tilespmem:s8], [sflag:$0x2], $0x400, $0x38;
	[tilespmem:$0x1EE00] =	vst v63  }
0x381: {  	s10 =	sadd.s32 $0x400, s15;
	s19 =	simm.s32 $0x1BE00  }
0x382: {  	[hbm4b:s10+s0] =	stream.linear.scatter [tilespmem:s19], [sflag:$0x2], $0x400, $0x38;
	[tilespmem:$0x1EE00] =	vst v63  }
0x383: {  	s30 =	sadd.s32 $0x480, s15;
	s31 =	simm.s32 $0x1C600  }
0x384: {  	[hbm4b:s30+s0] =	stream.linear.scatter [tilespmem:s31], [sflag:$0x2], $0x400, $0x38;
	[tilespmem:$0x1EE00] =	vst v63  }
0x385: {  	s3 =	sadd.s32 $0x500, s15;
	s5 =	simm.s32 $0x1CE00  }
0x386: {  	[hbm4b:s3+s0] =	stream.linear.scatter [tilespmem:s5], [sflag:$0x2], $0x400, $0x38;
	[tilespmem:$0x1EE00] =	vst v63  }
0x387: {  	s6 =	sadd.s32 $0x580, s15;
	s7 =	simm.s32 $0x1D600  }
0x388: {  	[hbm4b:s6+s0] =	stream.linear.scatter [tilespmem:s7], [sflag:$0x2], $0x400, $0x38;
	[tilespmem:$0x1EE00] =	vst v63  }
0x389: {  	s8 =	sadd.s32 $0x600, s15;
	s10 =	simm.s32 $0x1DE00  }
0x38a: {  	[hbm4b:s8+s0] =	stream.linear.scatter [tilespmem:s10], [sflag:$0x2], $0x400, $0x38;
	[tilespmem:$0x1EE00] =	vst v63  }
0x38b: {  	s19 =	sadd.s32 $0x680, s15;
	s30 =	simm.s32 $0x1E600;
	s31 =	simm.s32 $0x1  }
0x38c: {  	[hbm4b:s19+s0] =	stream.linear.scatter [tilespmem:s30], [sflag:$0x2], $0x400, $0x38;
	[tilespmem:$0x1EE00] =	vst v63  }
0x38d: {  	_ =	swait.ge [sflag:s31], $0x3800  }
0x38e: {  	[sflag:s31] =	ssyncset.done $0x0  }
0x38f: {  	s1 =	simm.s32 $0x0;
	[sflag:s31] =	ssyncadd.s32 $0xFFFFC800  }
.LBB2_26:
0x390: {  	s19 =	sshll.u32 s1, $0x4  }
0x391: {  	s2 =	sadd.s32 $0x2A0, s19  }
0x392: {  	v3 =	vor.u32 s2, v0;
	_ =	sdelay $0x4  }
0x393: {  	v4 =	vld.idx.msk [tilespmem:v3+s26+$0x0], $0xffff;
	_ =	sdelay $0x2  }
0x394: {  	v5 =	vld.idx.msk [tilespmem:v3+s23+$0x0], $0xffff  }
0x395: {  	v6 =	vld.idx.msk [tilespmem:v3+s0+$0x0], $0xffff  }
0x396: {  	v9 =	vmul.f32 $1.280000020e+01, v4;
	v4 =	vld.idx.msk [tilespmem:v3+s24+$0x0], $0xffff;
	_ =	sdelay $0x1  }
0x397: {  	v8 =	vld.idx.msk [tilespmem:v3+s25+$0x0], $0xffff  }
0x398: {  	v3 =	vmul.u32 $0xC, v5;
	v7 =	vtrunc.f32 v9  }
0x399: {  	v7 =	vcvt.f32.s32 v7  }
0x39a: {  	v4 =	vadd.s32 v4, v3;
	v3 =	vmul.u32 $0x81, v6  }
0x39b: {  	vm0 =	vgt.s32 v7, $0x0  }
0x39c: {  	s7 =	simm.s32 $0x7;
	v5 =	vnsel vm0, $0x0, v7;
	v7 =	vmul.u32 $0x81, v8;
	v8 =	vadd.s32 s0, v3  }
0x39d: {  	s10 =	simm.s32 $0x1;
	v22 =	vadd.s32 s7, v3  }
0x39e: {  	s8 =	simm.s32 $0x3;
	v25 =	vadd.s32 s10, v3  }
0x39f: {  	s6 =	simm.s32 $0x6;
	v6 =	vmul.u32 $0x81, v4;
	v27 =	vadd.s32 s8, v3  }
0x3a0: {  	s5 =	simm.s32 $0x2;
	v36 =	vadd.s32 s6, v3  }
0x3a1: {  	v10 =	vmin.u32 v5, $0xFF;
	v35 =	vadd.s32 s5, v3;
	v5 =	vadd.s32 $0x3BF7, v6;
	v16 =	vld.idx.msk [tilespmem:v8+s20+$0x0], $0xffff  }
0x3a2: {  	v7 =	vadd.s32 $0x6C57, v7;
	v11 =	vadd.s32 s0, v5;
	v22 =	vld.idx.msk [tilespmem:v22+s20+$0x0], $0xffff  }
0x3a3: {  	v13 =	vadd.s32 s7, v7;
	v25 =	vld.idx.msk [tilespmem:v25+s20+$0x0], $0xffff  }
0x3a4: {  	v4 =	vmul.u32 $0x81, v10;
	v15 =	vadd.s32 s10, v5;
	v34 =	vld.idx.msk [tilespmem:v27+s20+$0x0], $0xffff  }
0x3a5: {  	v18 =	vadd.s32 s7, v5;
	v43 =	vld.idx.msk [tilespmem:v36+s20+$0x0], $0xffff  }
0x3a6: {  	s31 =	simm.s32 $0x5;
	v20 =	vadd.s32 s8, v7;
	v6 =	vadd.s32 $0x81, v4;
	v61 =	vld.idx.msk [tilespmem:v35+s20+$0x0], $0xffff  }
0x3a7: {  	v14 =	vadd.s32 s31, v6;
	v19 =	vld.idx.msk [tilespmem:v11+s20+$0x0], $0xffff  }
0x3a8: {  	v28 =	vadd.s32 s8, v5;
	v21 =	vld.idx.msk [tilespmem:v13+s20+$0x0], $0xffff  }
0x3a9: {  	v37 =	vadd.s32 s6, v5;
	v15 =	vld.idx.msk [tilespmem:v15+s20+$0x0], $0xffff  }
0x3aa: {  	v23 =	vadd.s32 s7, v4;
	v24 =	vld.idx.msk [tilespmem:v18+s20+$0x0], $0xffff  }
0x3ab: {  	v13 =	vadd.s32 s5, v5;
	v26 =	vld.idx.msk [tilespmem:v20+s20+$0x0], $0xffff  }
0x3ac: {  	s3 =	simm.s32 $0x4;
	v11 =	vld.idx.msk [tilespmem:v14+s22+$0x0], $0xffff;
	v14 =	vadd.s32 s8, v4  }
0x3ad: {  	v31 =	vadd.s32 s3, v4;
	v28 =	vld.idx.msk [tilespmem:v28+s20+$0x0], $0xffff  }
0x3ae: {  	v12 =	vadd.s32 s10, v6;
	v45 =	vld.idx.msk [tilespmem:v37+s20+$0x0], $0xffff  }
0x3af: {  	v17 =	vadd.s32 s7, v6;
	v23 =	vld.idx.msk [tilespmem:v23+s22+$0x0], $0xffff  }
0x3b0: {  	v29 =	vld.idx.msk [tilespmem:v13+s20+$0x0], $0xffff;
	v13 =	vadd.s32 s6, v6  }
0x3b1: {  	v18 =	vld.idx.msk [tilespmem:v14+s22+$0x0], $0xffff;
	v14 =	vadd.s32 s6, v4  }
0x3b2: {  	v30 =	vadd.s32 s3, v6;
	v31 =	vld.idx.msk [tilespmem:v31+s22+$0x0], $0xffff  }
0x3b3: {  	v33 =	vadd.s32 s3, v3;
	v10 =	vcvt.s32.f32 v10;
	v27 =	vadd.s32 s3, v7;
	v12 =	vld.idx.msk [tilespmem:v12+s22+$0x0], $0xffff  }
0x3b4: {  	v41 =	vadd.s32 s5, v7;
	v8 =	vadd.s32 s10, v4;
	v20 =	vmov s19;
	v17 =	vld.idx.msk [tilespmem:v17+s22+$0x0], $0xffff  }
0x3b5: {  	v46 =	vadd.s32 s31, v5;
	v62 =	vadd.s32 s31, v7;
	v20 =	vshll.u32 v20, $0x8;
	v32 =	vld.idx.msk [tilespmem:v13+s22+$0x0], $0xffff  }
0x3b6: {  	v9 =	vsub.f32 v9, v10;
	v13 =	vor.u32 v2, v20;
	v20 =	vld.idx.msk [tilespmem:v14+s22+$0x0], $0xffff;
	v14 =	vadd.s32 s3, v5  }
0x3b7: {  	v48 =	vadd.s32 s31, v4;
	v38 =	vadd.s32 s8, v6;
	v36 =	vadd.s32 s5, v4;
	v30 =	vld.idx.msk [tilespmem:v30+s22+$0x0], $0xffff  }
0x3b8: {  	v35 =	vadd.s32 s0, v4;
	v42 =	vld.idx.msk [tilespmem:v27+s20+$0x0], $0xffff;
	v22 =	vadd.f32 v24, v22;
	v27 =	vadd.f32 v19, v16  }
0x3b9: {  	v8 =	vld.idx.msk [tilespmem:v8+s22+$0x0], $0xffff;
	v24 =	vadd.s32 s6, v7;
	v19 =	vadd.f32 v28, v34;
	v63 =	vadd.f32 v45, v43  }
0x3ba: {  	v37 =	vadd.s32 s5, v6;
	v40 =	vsub.f32 v17, v23;
	v17 =	vadd.f32 v15, v25;
	v25 =	vld.idx.msk [tilespmem:v33+s20+$0x0], $0xffff  }
0x3bb: {  	v21 =	vadd.f32 v21, v22;
	v22 =	vadd.s32 s0, v7;
	v10 =	vand.u32 $0x7800, v13;
	v60 =	vld.idx.msk [tilespmem:v14+s20+$0x0], $0xffff  }
0x3bc: {  	v28 =	vadd.f32 v26, v19;
	v47 =	vsub.f32 v30, v31;
	v10 =	vor.u32 v1, v10  }
0x3bd: {  	v34 =	vld.idx.msk [tilespmem:v38+s22+$0x0], $0xffff;
	v21 =	vadd.f32 v23, v21;
	v23 =	vmul.f32 v40, v9;
	v44 =	vor.u32 s7, v10  }
0x3be: {  	v38 =	vadd.s32 s0, v6;
	v39 =	vsub.f32 v12, v8;
	v49 =	vld.idx.msk [tilespmem:v24+s20+$0x0], $0xffff;
	v40 =	vadd.f32 v29, v61  }
0x3bf: {  	v13 =	vadd.s32 s10, v7;
	v21 =	vadd.f32 v23, v21;
	v24 =	vadd.f32 v18, v28  }
0x3c0: {  	v26 =	vld.idx.msk [tilespmem:v41+s20+$0x0], $0xffff;
	v12 =	vor.u32 s10, v10;
	v15 =	vor.u32 s0, v10;
	v23 =	vadd.f32 v60, v25  }
0x3c1: {  	v33 =	vld.idx.msk [tilespmem:v22+s20+$0x0], $0xffff;
	v16 =	vor.u32 s5, v10;
	v19 =	vor.u32 s8, v10;
	v25 =	vsub.f32 v32, v20  }
0x3c2: {  	v30 =	vld.idx.msk [tilespmem:v46+s20+$0x0], $0xffff;
	v14 =	vor.u32 s31, v10;
	[tilespmem:v44+s28+$0x0] =	vst.idx.msk $0xffff, v21;
	v32 =	vadd.s32 s31, v3;
	v22 =	vadd.f32 v42, v23  }
0x3c3: {  	v29 =	vld.idx.msk [tilespmem:v62+s20+$0x0], $0xffff;
	v28 =	vmul.f32 v25, v9;
	v23 =	vmul.f32 v39, v9;
	v39 =	vadd.f32 v49, v63  }
0x3c4: {  	s5 =	simm.s32 $0x8;
	v25 =	vld.idx.msk [tilespmem:v48+s22+$0x0], $0xffff;
	v21 =	vadd.f32 v31, v22;
	v22 =	vmul.f32 v47, v9;
	v31 =	vor.u32 s6, v10  }
.LBB2_27:
0x3c5: {  	v41 =	vadd.s32 s5, v3;
	v42 =	vadd.s32 s5, v5;
	s19 =	sadd.s32 $0x1, s5;
	s6 =	sadd.s32 $0x5, s5;
	s10 =	sadd.s32 $0x7, s5;
	v40 =	vadd.f32 v26, v40;
	v37 =	vld.idx.msk [tilespmem:v37+s22+$0x0], $0xffff  }
0x3c6: {  	p0 =	slt.u32 s5, $0x78;
	v27 =	vadd.f32 v33, v27;
	s7 =	smov.u32 s5;
	s5 =	sadd.s32 $0x8, s5;
	v43 =	vadd.s32 s19, v6;
	v44 =	vadd.s32 s10, v7;
	v33 =	vld.idx.msk [tilespmem:v36+s22+$0x0], $0xffff  }
0x3c7: {  	v36 =	vadd.s32 s19, v3;
	v45 =	vadd.s32 s10, v3;
	v18 =	vsub.f32 v34, v18;
	v38 =	vld.idx.msk [tilespmem:v38+s22+$0x0], $0xffff  }
0x3c8: {  	v34 =	vadd.s32 s19, v5;
	s8 =	sadd.s32 $0x2, s7;
	v46 =	vadd.s32 s10, v4;
	v20 =	vadd.f32 v20, v39;
	v35 =	vld.idx.msk [tilespmem:v35+s22+$0x0], $0xffff  }
0x3c9: {  	v39 =	vadd.s32 s10, v5;
	v26 =	vadd.s32 s8, v3;
	v47 =	vsub.f32 v11, v25;
	v32 =	vld.idx.msk [tilespmem:v32+s20+$0x0], $0xffff  }
0x3ca: {  	s2 =	sadd.s32 $0x3, s7;
	v49 =	vadd.s32 s10, v6;
	v48 =	vadd.s32 s8, v5;
	v11 =	vadd.s32 s6, v6;
	v41 =	vld.idx.msk [tilespmem:v41+s20+$0x0], $0xffff  }
0x3cb: {  	v50 =	vadd.s32 s19, v4;
	v51 =	vadd.s32 s2, v3;
	v52 =	vadd.s32 s2, v7;
	v42 =	vld.idx.msk [tilespmem:v42+s20+$0x0], $0xffff  }
0x3cc: {  	v53 =	vadd.s32 s19, v7;
	s30 =	sadd.s32 $0x4, s7;
	v54 =	vadd.s32 s2, v5;
	v55 =	vadd.s32 s2, v4;
	v43 =	vld.idx.msk [tilespmem:v43+s22+$0x0], $0xffff  }
0x3cd: {  	v56 =	vadd.s32 s30, v3;
	v57 =	vadd.s32 s30, v7;
	v37 =	vsub.f32 v37, v33;
	v58 =	vld.idx.msk [tilespmem:v13+s20+$0x0], $0xffff;
	v13 =	vmovc v53  }
0x3ce: {  	v59 =	vadd.s32 s30, v4;
	v53 =	vadd.s32 s30, v5;
	v38 =	vsub.f32 v38, v35;
	v44 =	vld.idx.msk [tilespmem:v44+s20+$0x0], $0xffff  }
0x3cf: {  	v60 =	vadd.s32 s2, v6;
	v20 =	vadd.f32 v28, v20;
	v30 =	vadd.f32 v30, v32;
	v11 =	vld.idx.msk [tilespmem:v11+s22+$0x0], $0xffff  }
0x3d0: {  	s31 =	sadd.s32 $0x6, s7;
	v18 =	vmul.f32 v18, v9;
	v27 =	vadd.f32 v35, v27;
	v32 =	vmul.f32 v38, v9;
	v28 =	vld.idx.msk [tilespmem:v50+s22+$0x0], $0xffff  }
0x3d1: {  	v35 =	vadd.s32 s31, v3;
	v38 =	vadd.s32 s31, v7;
	v29 =	vadd.f32 v29, v30;
	v34 =	vld.idx.msk [tilespmem:v34+s20+$0x0], $0xffff;
	[tilespmem:v31+s28+$0x0] =	vst.idx.msk $0xffff, v20  }
0x3d2: {  	v24 =	vadd.f32 v18, v24;
	v30 =	vadd.s32 s31, v5;
	v20 =	vadd.s32 s31, v4;
	v31 =	vld.idx.msk [tilespmem:v49+s22+$0x0], $0xffff  }
0x3d3: {  	v27 =	vadd.f32 v32, v27;
	v32 =	vmul.f32 v37, v9;
	v17 =	vadd.f32 v58, v17;
	v39 =	vld.idx.msk [tilespmem:v39+s20+$0x0], $0xffff  }
0x3d4: {  	v33 =	vadd.f32 v33, v40;
	v25 =	vadd.f32 v25, v29;
	v29 =	vmul.f32 v47, v9;
	v48 =	vld.idx.msk [tilespmem:v48+s20+$0x0], $0xffff  }
0x3d5: {  	v37 =	vadd.s32 s31, v6;
	v40 =	vadd.f32 v8, v17;
	v17 =	vor.u32 s3, v10;
	s3 =	smov.u32 s30;
	v18 =	vld.idx.msk [tilespmem:v55+s22+$0x0], $0xffff;
	[tilespmem:v19+s28+$0x0] =	vst.idx.msk $0xffff, v24  }
0x3d6: {  	v21 =	vadd.f32 v22, v21;
	v19 =	vld.idx.msk [tilespmem:v52+s20+$0x0], $0xffff;
	[tilespmem:v15+s28+$0x0] =	vst.idx.msk $0xffff, v27;
	v15 =	vadd.f32 v32, v33  }
0x3d7: {  	v24 =	vadd.f32 v29, v25;
	v8 =	vmov v28;
	v23 =	vadd.f32 v23, v40;
	v22 =	vld.idx.msk [tilespmem:v45+s20+$0x0], $0xffff  }
0x3d8: {  	v29 =	vsub.f32 v43, v8;
	v25 =	vld.idx.msk [tilespmem:v46+s22+$0x0], $0xffff;
	[tilespmem:v16+s28+$0x0] =	vst.idx.msk $0xffff, v15  }
0x3d9: {  	v16 =	vadd.s32 s3, v6;
	v15 =	vld.idx.msk [tilespmem:v36+s20+$0x0], $0xffff;
	[tilespmem:v14+s28+$0x0] =	vst.idx.msk $0xffff, v24  }
0x3da: {  	v24 =	vld.idx.msk [tilespmem:v37+s22+$0x0], $0xffff;
	[tilespmem:v12+s28+$0x0] =	vst.idx.msk $0xffff, v23  }
0x3db: {  	v20 =	vld.idx.msk [tilespmem:v20+s22+$0x0], $0xffff;
	[tilespmem:v17+s28+$0x0] =	vst.idx.msk $0xffff, v21  }
0x3dc: {  	v21 =	vld.idx.msk [tilespmem:v51+s20+$0x0], $0xffff  }
0x3dd: {  	v23 =	vld.idx.msk [tilespmem:v54+s20+$0x0], $0xffff  }
0x3de: {  	v31 =	vsub.f32 v31, v25;
	v28 =	vld.idx.msk [tilespmem:v16+s22+$0x0], $0xffff  }
0x3df: {  	v17 =	vadd.f32 v34, v15;
	v15 =	vadd.f32 v39, v22;
	v43 =	vld.idx.msk [tilespmem:v59+s22+$0x0], $0xffff  }
0x3e0: {  	v22 =	vld.idx.msk [tilespmem:v56+s20+$0x0], $0xffff  }
0x3e1: {  	v14 =	vor.u32 s6, v10;
	v12 =	vor.u32 s19, v10;
	v33 =	vadd.f32 v44, v15;
	v32 =	vld.idx.msk [tilespmem:v53+s20+$0x0], $0xffff  }
0x3e2: {  	v36 =	vadd.s32 s8, v7;
	v34 =	vadd.s32 s7, v7;
	v15 =	vor.u32 s7, v10;
	v39 =	vld.idx.msk [tilespmem:v57+s20+$0x0], $0xffff  }
0x3e3: {  	v27 =	vadd.f32 v42, v41;
	v21 =	vadd.f32 v23, v21;
	v23 =	vld.idx.msk [tilespmem:v35+s20+$0x0], $0xffff;
	v35 =	vor.u32 s10, v10  }
0x3e4: {  	v16 =	vor.u32 s8, v10;
	v25 =	vadd.f32 v25, v33;
	v40 =	vld.idx.msk [tilespmem:v30+s20+$0x0], $0xffff;
	v30 =	vmul.f32 v31, v9  }
0x3e5: {  	v41 =	vadd.s32 s6, v5;
	v21 =	vadd.f32 v19, v21;
	v19 =	vor.u32 s2, v10;
	v31 =	vld.idx.msk [tilespmem:v26+s20+$0x0], $0xffff  }
0x3e6: {  	v44 =	vadd.s32 s6, v4;
	v42 =	vsub.f32 v28, v43;
	v45 =	vld.idx.msk [tilespmem:v38+s20+$0x0], $0xffff;
	v25 =	vadd.f32 v30, v25  }
0x3e7: {  	v46 =	vadd.s32 s6, v7;
	v28 =	vsub.f32 v24, v20;
	v22 =	vadd.f32 v32, v22;
	v26 =	vld.idx.msk [tilespmem:v36+s20+$0x0], $0xffff  }
.Ltmp12:
0x3e8: {  	v37 =	vadd.s32 s8, v6;
	v24 =	vadd.f32 v18, v21;
	v32 =	vadd.s32 s6, v3;
	v33 =	vld.idx.msk [tilespmem:v34+s20+$0x0], $0xffff;
	[tilespmem:v35+s28+$0x0] =	vst.idx.msk $0xffff, v25;
	(pc) =	sbr.rel @p0 .LBB2_27-.Ltmp12, $4  }
0x3e9: {  	v28 =	vmul.f32 v28, v9;
	v36 =	vadd.s32 s8, v4;
	v21 =	vadd.f32 v39, v22;
	v34 =	vld.idx.msk [tilespmem:v60+s22+$0x0], $0xffff  }
0x3ea: {  	v38 =	vadd.s32 s7, v6;
	v35 =	vadd.s32 s7, v4;
	v39 =	vadd.f32 v40, v23;
	v30 =	vld.idx.msk [tilespmem:v41+s20+$0x0], $0xffff  }
0x3eb: {  	v22 =	vmul.f32 v42, v9;
	v40 =	vadd.f32 v48, v31;
	v21 =	vadd.f32 v43, v21;
	v25 =	vld.idx.msk [tilespmem:v44+s22+$0x0], $0xffff  }
0x3ec: {  	v23 =	vmul.f32 v29, v9;
	v31 =	vor.u32 s31, v10;
	v39 =	vadd.f32 v45, v39;
	v29 =	vld.idx.msk [tilespmem:v46+s20+$0x0], $0xffff  }
0x3ed: {  	_ =	sdelay $0x3  }
0x3ee: {  	v3 =	vld.idx.msk [tilespmem:v37+s22+$0x0], $0xffff  }
0x3ef: {  	v4 =	vld.idx.msk [tilespmem:v38+s22+$0x0], $0xffff  }
0x3f0: {  	v5 =	vld.idx.msk [tilespmem:v35+s22+$0x0], $0xffff  }
0x3f1: {  	v6 =	vld.idx.msk [tilespmem:v32+s20+$0x0], $0xffff  }
0x3f2: {  	v7 =	vld.idx.msk [tilespmem:v36+s22+$0x0], $0xffff  }
0x3f3: {  	v26 =	vadd.f32 v26, v40;
	v13 =	vld.idx.msk [tilespmem:v13+s20+$0x0], $0xffff;
	v20 =	vadd.f32 v20, v39  }
0x3f4: {  	v27 =	vadd.f32 v33, v27;
	v18 =	vsub.f32 v34, v18  }
0x3f5: {  	v11 =	vsub.f32 v11, v25;
	v20 =	vadd.f32 v28, v20  }
0x3f6: {  	v18 =	vmul.f32 v18, v9;
	v4 =	vsub.f32 v4, v5;
	v6 =	vadd.f32 v30, v6  }
0x3f7: {  	v3 =	vsub.f32 v3, v7;
	v5 =	vadd.f32 v5, v27;
	[tilespmem:v31+s28+$0x0] =	vst.idx.msk $0xffff, v20  }
0x3f8: {  	v18 =	vadd.f32 v18, v24;
	v13 =	vadd.f32 v13, v17;
	v4 =	vmul.f32 v4, v9  }
0x3f9: {  	v7 =	vadd.f32 v7, v26;
	v6 =	vadd.f32 v29, v6;
	v3 =	vmul.f32 v3, v9  }
0x3fa: {  	s1 =	sadd.s32 $0x1, s1;
	v60 =	vmul.f32 v11, v9;
	v8 =	vadd.f32 v8, v13;
	v4 =	vadd.f32 v4, v5  }
0x3fb: {  	v61 =	vor.u32 s3, v10;
	p0 =	sne.s32 s1, $0x7;
	[tilespmem:v19+s28+$0x0] =	vst.idx.msk $0xffff, v18;
	v59 =	vadd.f32 v25, v6;
	v3 =	vadd.f32 v3, v7  }
.Ltmp13:
0x3fc: {  	v63 =	vadd.f32 v23, v8;
	[tilespmem:v15+s28+$0x0] =	vst.idx.msk $0xffff, v4;
	(pc) =	sbr.rel @p0 .LBB2_26-.Ltmp13, $4  }
0x3fd: {  	v62 =	vadd.f32 v60, v59;
	[tilespmem:v16+s28+$0x0] =	vst.idx.msk $0xffff, v3  }
0x3fe: {  	v3 =	vadd.f32 v22, v21;
	[tilespmem:v12+s28+$0x0] =	vst.idx.msk $0xffff, v63  }
0x3ff: {  	[tilespmem:v14+s28+$0x0] =	vst.idx.msk $0xffff, v62  }
0x400: {  	[tilespmem:v61+s28+$0x0] =	vst.idx.msk $0xffff, v3  }
0x401: {  	s0 =	simm.s32 $0x0  }
0x402: {  	[hbm4b:s16+s0] =	stream.linear.scatter [tilespmem:s28], [sflag:$0x1], $0x400, $0x38;
	[tilespmem:$0x1EE00] =	vst v63  }
0x403: {  	s1 =	sadd.s32 $0x80, s16;
	s2 =	simm.s32 $0x11600  }
0x404: {  	[hbm4b:s1+s0] =	stream.linear.scatter [tilespmem:s2], [sflag:$0x1], $0x400, $0x38;
	[tilespmem:$0x1EE00] =	vst v63  }
0x405: {  	s7 =	sadd.s32 $0x100, s16;
	s8 =	simm.s32 $0x11E00  }
0x406: {  	[hbm4b:s7+s0] =	stream.linear.scatter [tilespmem:s8], [sflag:$0x1], $0x400, $0x38;
	[tilespmem:$0x1EE00] =	vst v63  }
0x407: {  	s10 =	sadd.s32 $0x180, s16;
	s19 =	simm.s32 $0x12600  }
0x408: {  	[hbm4b:s10+s0] =	stream.linear.scatter [tilespmem:s19], [sflag:$0x1], $0x400, $0x38;
	[tilespmem:$0x1EE00] =	vst v63  }
0x409: {  	s30 =	sadd.s32 $0x200, s16;
	s31 =	simm.s32 $0x12E00  }
0x40a: {  	[hbm4b:s30+s0] =	stream.linear.scatter [tilespmem:s31], [sflag:$0x1], $0x400, $0x38;
	[tilespmem:$0x1EE00] =	vst v63  }
0x40b: {  	s3 =	simm.s32 $0x13600;
	s2 =	sadd.s32 $0x280, s16  }
0x40c: {  	[hbm4b:s2+s0] =	stream.linear.scatter [tilespmem:s3], [sflag:$0x1], $0x400, $0x38;
	[tilespmem:$0x1EE00] =	vst v63  }
0x40d: {  	s5 =	sadd.s32 $0x300, s16;
	s6 =	simm.s32 $0x13E00  }
0x40e: {  	[hbm4b:s5+s0] =	stream.linear.scatter [tilespmem:s6], [sflag:$0x1], $0x400, $0x38;
	[tilespmem:$0x1EE00] =	vst v63  }
0x40f: {  	s7 =	sadd.s32 $0x380, s16;
	s8 =	simm.s32 $0x14600  }
0x410: {  	[hbm4b:s7+s0] =	stream.linear.scatter [tilespmem:s8], [sflag:$0x1], $0x400, $0x38;
	[tilespmem:$0x1EE00] =	vst v63  }
0x411: {  	s10 =	sadd.s32 $0x400, s16;
	s19 =	simm.s32 $0x14E00  }
0x412: {  	[hbm4b:s10+s0] =	stream.linear.scatter [tilespmem:s19], [sflag:$0x1], $0x400, $0x38;
	[tilespmem:$0x1EE00] =	vst v63  }
0x413: {  	s30 =	sadd.s32 $0x480, s16;
	s31 =	simm.s32 $0x15600  }
0x414: {  	[hbm4b:s30+s0] =	stream.linear.scatter [tilespmem:s31], [sflag:$0x1], $0x400, $0x38;
	[tilespmem:$0x1EE00] =	vst v63  }
0x415: {  	s3 =	sadd.s32 $0x500, s16;
	s5 =	simm.s32 $0x15E00  }
0x416: {  	[hbm4b:s3+s0] =	stream.linear.scatter [tilespmem:s5], [sflag:$0x1], $0x400, $0x38;
	[tilespmem:$0x1EE00] =	vst v63  }
0x417: {  	s6 =	sadd.s32 $0x580, s16;
	s7 =	simm.s32 $0x16600  }
0x418: {  	[hbm4b:s6+s0] =	stream.linear.scatter [tilespmem:s7], [sflag:$0x1], $0x400, $0x38;
	[tilespmem:$0x1EE00] =	vst v63  }
0x419: {  	s8 =	sadd.s32 $0x600, s16;
	s10 =	simm.s32 $0x16E00  }
0x41a: {  	[hbm4b:s8+s0] =	stream.linear.scatter [tilespmem:s10], [sflag:$0x1], $0x400, $0x38;
	[tilespmem:$0x1EE00] =	vst v63  }
0x41b: {  	s19 =	sadd.s32 $0x680, s16;
	s30 =	simm.s32 $0x17600;
	s31 =	simm.s32 $0x2  }
0x41c: {  	[hbm4b:s19+s0] =	stream.linear.scatter [tilespmem:s30], [sflag:$0x1], $0x400, $0x38;
	[tilespmem:$0x1EE00] =	vst v63  }
0x41d: {  	_ =	swait.ge [sflag:s31], $0x3800  }
0x41e: {  	[sflag:s31] =	ssyncset.done $0x0  }
0x41f: {  	s1 =	simm.s32 $0x0;
	[sflag:s31] =	ssyncadd.s32 $0xFFFFC800  }
.LBB2_30:
0x420: {  	s19 =	sshll.u32 s1, $0x4  }
0x421: {  	s2 =	sadd.s32 $0x310, s19  }
0x422: {  	v3 =	vor.u32 s2, v0;
	_ =	sdelay $0x4  }
0x423: {  	v4 =	vld.idx.msk [tilespmem:v3+s26+$0x0], $0xffff;
	_ =	sdelay $0x2  }
0x424: {  	v5 =	vld.idx.msk [tilespmem:v3+s23+$0x0], $0xffff  }
0x425: {  	v6 =	vld.idx.msk [tilespmem:v3+s0+$0x0], $0xffff  }
0x426: {  	v9 =	vmul.f32 $1.280000020e+01, v4;
	v4 =	vld.idx.msk [tilespmem:v3+s24+$0x0], $0xffff;
	_ =	sdelay $0x1  }
0x427: {  	v8 =	vld.idx.msk [tilespmem:v3+s25+$0x0], $0xffff  }
0x428: {  	v3 =	vmul.u32 $0xC, v5;
	v7 =	vtrunc.f32 v9  }
0x429: {  	v7 =	vcvt.f32.s32 v7  }
0x42a: {  	v4 =	vadd.s32 v4, v3;
	v3 =	vmul.u32 $0x81, v6  }
0x42b: {  	vm0 =	vgt.s32 v7, $0x0  }
0x42c: {  	s7 =	simm.s32 $0x7;
	v5 =	vnsel vm0, $0x0, v7;
	v7 =	vmul.u32 $0x81, v8;
	v8 =	vadd.s32 s0, v3  }
0x42d: {  	s10 =	simm.s32 $0x1;
	v22 =	vadd.s32 s7, v3  }
0x42e: {  	s8 =	simm.s32 $0x3;
	v25 =	vadd.s32 s10, v3  }
0x42f: {  	s6 =	simm.s32 $0x6;
	v6 =	vmul.u32 $0x81, v4;
	v27 =	vadd.s32 s8, v3  }
0x430: {  	s5 =	simm.s32 $0x2;
	v36 =	vadd.s32 s6, v3  }
0x431: {  	v10 =	vmin.u32 v5, $0xFF;
	v35 =	vadd.s32 s5, v3;
	v5 =	vadd.s32 $0x3BF7, v6;
	v16 =	vld.idx.msk [tilespmem:v8+s20+$0x0], $0xffff  }
0x432: {  	v7 =	vadd.s32 $0x6C57, v7;
	v11 =	vadd.s32 s0, v5;
	v22 =	vld.idx.msk [tilespmem:v22+s20+$0x0], $0xffff  }
0x433: {  	v13 =	vadd.s32 s7, v7;
	v25 =	vld.idx.msk [tilespmem:v25+s20+$0x0], $0xffff  }
0x434: {  	v4 =	vmul.u32 $0x81, v10;
	v15 =	vadd.s32 s10, v5;
	v34 =	vld.idx.msk [tilespmem:v27+s20+$0x0], $0xffff  }
0x435: {  	v18 =	vadd.s32 s7, v5;
	v43 =	vld.idx.msk [tilespmem:v36+s20+$0x0], $0xffff  }
0x436: {  	s31 =	simm.s32 $0x5;
	v20 =	vadd.s32 s8, v7;
	v6 =	vadd.s32 $0x81, v4;
	v61 =	vld.idx.msk [tilespmem:v35+s20+$0x0], $0xffff  }
0x437: {  	v14 =	vadd.s32 s31, v6;
	v19 =	vld.idx.msk [tilespmem:v11+s20+$0x0], $0xffff  }
0x438: {  	v28 =	vadd.s32 s8, v5;
	v21 =	vld.idx.msk [tilespmem:v13+s20+$0x0], $0xffff  }
0x439: {  	v37 =	vadd.s32 s6, v5;
	v15 =	vld.idx.msk [tilespmem:v15+s20+$0x0], $0xffff  }
0x43a: {  	v23 =	vadd.s32 s7, v4;
	v24 =	vld.idx.msk [tilespmem:v18+s20+$0x0], $0xffff  }
0x43b: {  	v13 =	vadd.s32 s5, v5;
	v26 =	vld.idx.msk [tilespmem:v20+s20+$0x0], $0xffff  }
0x43c: {  	s3 =	simm.s32 $0x4;
	v11 =	vld.idx.msk [tilespmem:v14+s22+$0x0], $0xffff;
	v14 =	vadd.s32 s8, v4  }
0x43d: {  	v31 =	vadd.s32 s3, v4;
	v28 =	vld.idx.msk [tilespmem:v28+s20+$0x0], $0xffff  }
0x43e: {  	v12 =	vadd.s32 s10, v6;
	v45 =	vld.idx.msk [tilespmem:v37+s20+$0x0], $0xffff  }
0x43f: {  	v17 =	vadd.s32 s7, v6;
	v23 =	vld.idx.msk [tilespmem:v23+s22+$0x0], $0xffff  }
0x440: {  	v29 =	vld.idx.msk [tilespmem:v13+s20+$0x0], $0xffff;
	v13 =	vadd.s32 s6, v6  }
0x441: {  	v18 =	vld.idx.msk [tilespmem:v14+s22+$0x0], $0xffff;
	v14 =	vadd.s32 s6, v4  }
0x442: {  	v30 =	vadd.s32 s3, v6;
	v31 =	vld.idx.msk [tilespmem:v31+s22+$0x0], $0xffff  }
0x443: {  	v33 =	vadd.s32 s3, v3;
	v10 =	vcvt.s32.f32 v10;
	v27 =	vadd.s32 s3, v7;
	v12 =	vld.idx.msk [tilespmem:v12+s22+$0x0], $0xffff  }
0x444: {  	v41 =	vadd.s32 s5, v7;
	v8 =	vadd.s32 s10, v4;
	v20 =	vmov s19;
	v17 =	vld.idx.msk [tilespmem:v17+s22+$0x0], $0xffff  }
0x445: {  	v46 =	vadd.s32 s31, v5;
	v62 =	vadd.s32 s31, v7;
	v20 =	vshll.u32 v20, $0x8;
	v32 =	vld.idx.msk [tilespmem:v13+s22+$0x0], $0xffff  }
0x446: {  	v9 =	vsub.f32 v9, v10;
	v13 =	vor.u32 v2, v20;
	v20 =	vld.idx.msk [tilespmem:v14+s22+$0x0], $0xffff;
	v14 =	vadd.s32 s3, v5  }
0x447: {  	v48 =	vadd.s32 s31, v4;
	v38 =	vadd.s32 s8, v6;
	v36 =	vadd.s32 s5, v4;
	v30 =	vld.idx.msk [tilespmem:v30+s22+$0x0], $0xffff  }
0x448: {  	v35 =	vadd.s32 s0, v4;
	v42 =	vld.idx.msk [tilespmem:v27+s20+$0x0], $0xffff;
	v22 =	vadd.f32 v24, v22;
	v27 =	vadd.f32 v19, v16  }
0x449: {  	v8 =	vld.idx.msk [tilespmem:v8+s22+$0x0], $0xffff;
	v24 =	vadd.s32 s6, v7;
	v19 =	vadd.f32 v28, v34;
	v63 =	vadd.f32 v45, v43  }
0x44a: {  	v37 =	vadd.s32 s5, v6;
	v40 =	vsub.f32 v17, v23;
	v17 =	vadd.f32 v15, v25;
	v25 =	vld.idx.msk [tilespmem:v33+s20+$0x0], $0xffff  }
0x44b: {  	v21 =	vadd.f32 v21, v22;
	v22 =	vadd.s32 s0, v7;
	v10 =	vand.u32 $0x7800, v13;
	v60 =	vld.idx.msk [tilespmem:v14+s20+$0x0], $0xffff  }
0x44c: {  	v28 =	vadd.f32 v26, v19;
	v47 =	vsub.f32 v30, v31;
	v10 =	vor.u32 v1, v10  }
0x44d: {  	v34 =	vld.idx.msk [tilespmem:v38+s22+$0x0], $0xffff;
	v21 =	vadd.f32 v23, v21;
	v23 =	vmul.f32 v40, v9;
	v44 =	vor.u32 s7, v10  }
0x44e: {  	v38 =	vadd.s32 s0, v6;
	v39 =	vsub.f32 v12, v8;
	v49 =	vld.idx.msk [tilespmem:v24+s20+$0x0], $0xffff;
	v40 =	vadd.f32 v29, v61  }
0x44f: {  	v13 =	vadd.s32 s10, v7;
	v21 =	vadd.f32 v23, v21;
	v24 =	vadd.f32 v18, v28  }
0x450: {  	v26 =	vld.idx.msk [tilespmem:v41+s20+$0x0], $0xffff;
	v12 =	vor.u32 s10, v10;
	v15 =	vor.u32 s0, v10;
	v23 =	vadd.f32 v60, v25  }
0x451: {  	v33 =	vld.idx.msk [tilespmem:v22+s20+$0x0], $0xffff;
	v16 =	vor.u32 s5, v10;
	v19 =	vor.u32 s8, v10;
	v25 =	vsub.f32 v32, v20  }
0x452: {  	v30 =	vld.idx.msk [tilespmem:v46+s20+$0x0], $0xffff;
	v14 =	vor.u32 s31, v10;
	[tilespmem:v44+s29+$0x0] =	vst.idx.msk $0xffff, v21;
	v32 =	vadd.s32 s31, v3;
	v22 =	vadd.f32 v42, v23  }
0x453: {  	v29 =	vld.idx.msk [tilespmem:v62+s20+$0x0], $0xffff;
	v28 =	vmul.f32 v25, v9;
	v23 =	vmul.f32 v39, v9;
	v39 =	vadd.f32 v49, v63  }
0x454: {  	s5 =	simm.s32 $0x8;
	v25 =	vld.idx.msk [tilespmem:v48+s22+$0x0], $0xffff;
	v21 =	vadd.f32 v31, v22;
	v22 =	vmul.f32 v47, v9;
	v31 =	vor.u32 s6, v10  }
.LBB2_31:
0x455: {  	v41 =	vadd.s32 s5, v3;
	v42 =	vadd.s32 s5, v5;
	s19 =	sadd.s32 $0x1, s5;
	s6 =	sadd.s32 $0x5, s5;
	s10 =	sadd.s32 $0x7, s5;
	v40 =	vadd.f32 v26, v40;
	v37 =	vld.idx.msk [tilespmem:v37+s22+$0x0], $0xffff  }
0x456: {  	p0 =	slt.u32 s5, $0x78;
	v27 =	vadd.f32 v33, v27;
	s7 =	smov.u32 s5;
	s5 =	sadd.s32 $0x8, s5;
	v43 =	vadd.s32 s19, v6;
	v44 =	vadd.s32 s10, v7;
	v33 =	vld.idx.msk [tilespmem:v36+s22+$0x0], $0xffff  }
0x457: {  	v36 =	vadd.s32 s19, v3;
	v45 =	vadd.s32 s10, v3;
	v18 =	vsub.f32 v34, v18;
	v38 =	vld.idx.msk [tilespmem:v38+s22+$0x0], $0xffff  }
0x458: {  	v34 =	vadd.s32 s19, v5;
	s8 =	sadd.s32 $0x2, s7;
	v46 =	vadd.s32 s10, v4;
	v20 =	vadd.f32 v20, v39;
	v35 =	vld.idx.msk [tilespmem:v35+s22+$0x0], $0xffff  }
0x459: {  	v39 =	vadd.s32 s10, v5;
	v26 =	vadd.s32 s8, v3;
	v47 =	vsub.f32 v11, v25;
	v32 =	vld.idx.msk [tilespmem:v32+s20+$0x0], $0xffff  }
0x45a: {  	s2 =	sadd.s32 $0x3, s7;
	v49 =	vadd.s32 s10, v6;
	v48 =	vadd.s32 s8, v5;
	v11 =	vadd.s32 s6, v6;
	v41 =	vld.idx.msk [tilespmem:v41+s20+$0x0], $0xffff  }
0x45b: {  	v50 =	vadd.s32 s19, v4;
	v51 =	vadd.s32 s2, v3;
	v52 =	vadd.s32 s2, v7;
	v42 =	vld.idx.msk [tilespmem:v42+s20+$0x0], $0xffff  }
0x45c: {  	v53 =	vadd.s32 s19, v7;
	s30 =	sadd.s32 $0x4, s7;
	v54 =	vadd.s32 s2, v5;
	v55 =	vadd.s32 s2, v4;
	v43 =	vld.idx.msk [tilespmem:v43+s22+$0x0], $0xffff  }
0x45d: {  	v56 =	vadd.s32 s30, v3;
	v57 =	vadd.s32 s30, v7;
	v37 =	vsub.f32 v37, v33;
	v58 =	vld.idx.msk [tilespmem:v13+s20+$0x0], $0xffff;
	v13 =	vmovc v53  }
0x45e: {  	v59 =	vadd.s32 s30, v4;
	v53 =	vadd.s32 s30, v5;
	v38 =	vsub.f32 v38, v35;
	v44 =	vld.idx.msk [tilespmem:v44+s20+$0x0], $0xffff  }
0x45f: {  	v60 =	vadd.s32 s2, v6;
	v20 =	vadd.f32 v28, v20;
	v30 =	vadd.f32 v30, v32;
	v11 =	vld.idx.msk [tilespmem:v11+s22+$0x0], $0xffff  }
0x460: {  	s31 =	sadd.s32 $0x6, s7;
	v18 =	vmul.f32 v18, v9;
	v27 =	vadd.f32 v35, v27;
	v32 =	vmul.f32 v38, v9;
	v28 =	vld.idx.msk [tilespmem:v50+s22+$0x0], $0xffff  }
0x461: {  	v35 =	vadd.s32 s31, v3;
	v38 =	vadd.s32 s31, v7;
	v29 =	vadd.f32 v29, v30;
	v34 =	vld.idx.msk [tilespmem:v34+s20+$0x0], $0xffff;
	[tilespmem:v31+s29+$0x0] =	vst.idx.msk $0xffff, v20  }
0x462: {  	v24 =	vadd.f32 v18, v24;
	v30 =	vadd.s32 s31, v5;
	v20 =	vadd.s32 s31, v4;
	v31 =	vld.idx.msk [tilespmem:v49+s22+$0x0], $0xffff  }
0x463: {  	v27 =	vadd.f32 v32, v27;
	v32 =	vmul.f32 v37, v9;
	v17 =	vadd.f32 v58, v17;
	v39 =	vld.idx.msk [tilespmem:v39+s20+$0x0], $0xffff  }
0x464: {  	v33 =	vadd.f32 v33, v40;
	v25 =	vadd.f32 v25, v29;
	v29 =	vmul.f32 v47, v9;
	v48 =	vld.idx.msk [tilespmem:v48+s20+$0x0], $0xffff  }
0x465: {  	v37 =	vadd.s32 s31, v6;
	v40 =	vadd.f32 v8, v17;
	v17 =	vor.u32 s3, v10;
	s3 =	smov.u32 s30;
	v18 =	vld.idx.msk [tilespmem:v55+s22+$0x0], $0xffff;
	[tilespmem:v19+s29+$0x0] =	vst.idx.msk $0xffff, v24  }
0x466: {  	v21 =	vadd.f32 v22, v21;
	v19 =	vld.idx.msk [tilespmem:v52+s20+$0x0], $0xffff;
	[tilespmem:v15+s29+$0x0] =	vst.idx.msk $0xffff, v27;
	v15 =	vadd.f32 v32, v33  }
0x467: {  	v24 =	vadd.f32 v29, v25;
	v8 =	vmov v28;
	v23 =	vadd.f32 v23, v40;
	v22 =	vld.idx.msk [tilespmem:v45+s20+$0x0], $0xffff  }
0x468: {  	v29 =	vsub.f32 v43, v8;
	v25 =	vld.idx.msk [tilespmem:v46+s22+$0x0], $0xffff;
	[tilespmem:v16+s29+$0x0] =	vst.idx.msk $0xffff, v15  }
0x469: {  	v16 =	vadd.s32 s3, v6;
	v15 =	vld.idx.msk [tilespmem:v36+s20+$0x0], $0xffff;
	[tilespmem:v14+s29+$0x0] =	vst.idx.msk $0xffff, v24  }
0x46a: {  	v24 =	vld.idx.msk [tilespmem:v37+s22+$0x0], $0xffff;
	[tilespmem:v12+s29+$0x0] =	vst.idx.msk $0xffff, v23  }
0x46b: {  	v20 =	vld.idx.msk [tilespmem:v20+s22+$0x0], $0xffff;
	[tilespmem:v17+s29+$0x0] =	vst.idx.msk $0xffff, v21  }
0x46c: {  	v21 =	vld.idx.msk [tilespmem:v51+s20+$0x0], $0xffff  }
0x46d: {  	v23 =	vld.idx.msk [tilespmem:v54+s20+$0x0], $0xffff  }
0x46e: {  	v31 =	vsub.f32 v31, v25;
	v28 =	vld.idx.msk [tilespmem:v16+s22+$0x0], $0xffff  }
0x46f: {  	v17 =	vadd.f32 v34, v15;
	v15 =	vadd.f32 v39, v22;
	v43 =	vld.idx.msk [tilespmem:v59+s22+$0x0], $0xffff  }
0x470: {  	v22 =	vld.idx.msk [tilespmem:v56+s20+$0x0], $0xffff  }
0x471: {  	v14 =	vor.u32 s6, v10;
	v12 =	vor.u32 s19, v10;
	v33 =	vadd.f32 v44, v15;
	v32 =	vld.idx.msk [tilespmem:v53+s20+$0x0], $0xffff  }
0x472: {  	v36 =	vadd.s32 s8, v7;
	v34 =	vadd.s32 s7, v7;
	v15 =	vor.u32 s7, v10;
	v39 =	vld.idx.msk [tilespmem:v57+s20+$0x0], $0xffff  }
0x473: {  	v27 =	vadd.f32 v42, v41;
	v21 =	vadd.f32 v23, v21;
	v23 =	vld.idx.msk [tilespmem:v35+s20+$0x0], $0xffff;
	v35 =	vor.u32 s10, v10  }
0x474: {  	v16 =	vor.u32 s8, v10;
	v25 =	vadd.f32 v25, v33;
	v40 =	vld.idx.msk [tilespmem:v30+s20+$0x0], $0xffff;
	v30 =	vmul.f32 v31, v9  }
0x475: {  	v41 =	vadd.s32 s6, v5;
	v21 =	vadd.f32 v19, v21;
	v19 =	vor.u32 s2, v10;
	v31 =	vld.idx.msk [tilespmem:v26+s20+$0x0], $0xffff  }
0x476: {  	v44 =	vadd.s32 s6, v4;
	v42 =	vsub.f32 v28, v43;
	v45 =	vld.idx.msk [tilespmem:v38+s20+$0x0], $0xffff;
	v25 =	vadd.f32 v30, v25  }
0x477: {  	v46 =	vadd.s32 s6, v7;
	v28 =	vsub.f32 v24, v20;
	v22 =	vadd.f32 v32, v22;
	v26 =	vld.idx.msk [tilespmem:v36+s20+$0x0], $0xffff  }
.Ltmp14:
0x478: {  	v37 =	vadd.s32 s8, v6;
	v24 =	vadd.f32 v18, v21;
	v32 =	vadd.s32 s6, v3;
	v33 =	vld.idx.msk [tilespmem:v34+s20+$0x0], $0xffff;
	[tilespmem:v35+s29+$0x0] =	vst.idx.msk $0xffff, v25;
	(pc) =	sbr.rel @p0 .LBB2_31-.Ltmp14, $4  }
0x479: {  	v28 =	vmul.f32 v28, v9;
	v36 =	vadd.s32 s8, v4;
	v21 =	vadd.f32 v39, v22;
	v34 =	vld.idx.msk [tilespmem:v60+s22+$0x0], $0xffff  }
0x47a: {  	v38 =	vadd.s32 s7, v6;
	v35 =	vadd.s32 s7, v4;
	v39 =	vadd.f32 v40, v23;
	v30 =	vld.idx.msk [tilespmem:v41+s20+$0x0], $0xffff  }
0x47b: {  	v22 =	vmul.f32 v42, v9;
	v40 =	vadd.f32 v48, v31;
	v21 =	vadd.f32 v43, v21;
	v25 =	vld.idx.msk [tilespmem:v44+s22+$0x0], $0xffff  }
0x47c: {  	v23 =	vmul.f32 v29, v9;
	v31 =	vor.u32 s31, v10;
	v39 =	vadd.f32 v45, v39;
	v29 =	vld.idx.msk [tilespmem:v46+s20+$0x0], $0xffff  }
0x47d: {  	_ =	sdelay $0x3  }
0x47e: {  	v3 =	vld.idx.msk [tilespmem:v37+s22+$0x0], $0xffff  }
0x47f: {  	v4 =	vld.idx.msk [tilespmem:v38+s22+$0x0], $0xffff  }
0x480: {  	v5 =	vld.idx.msk [tilespmem:v35+s22+$0x0], $0xffff  }
0x481: {  	v6 =	vld.idx.msk [tilespmem:v32+s20+$0x0], $0xffff  }
0x482: {  	v7 =	vld.idx.msk [tilespmem:v36+s22+$0x0], $0xffff  }
0x483: {  	v26 =	vadd.f32 v26, v40;
	v13 =	vld.idx.msk [tilespmem:v13+s20+$0x0], $0xffff;
	v20 =	vadd.f32 v20, v39  }
0x484: {  	v27 =	vadd.f32 v33, v27;
	v18 =	vsub.f32 v34, v18  }
0x485: {  	v11 =	vsub.f32 v11, v25;
	v20 =	vadd.f32 v28, v20  }
0x486: {  	v18 =	vmul.f32 v18, v9;
	v4 =	vsub.f32 v4, v5;
	v6 =	vadd.f32 v30, v6  }
0x487: {  	v3 =	vsub.f32 v3, v7;
	v5 =	vadd.f32 v5, v27;
	[tilespmem:v31+s29+$0x0] =	vst.idx.msk $0xffff, v20  }
0x488: {  	v18 =	vadd.f32 v18, v24;
	v13 =	vadd.f32 v13, v17;
	v4 =	vmul.f32 v4, v9  }
0x489: {  	v7 =	vadd.f32 v7, v26;
	v6 =	vadd.f32 v29, v6;
	v3 =	vmul.f32 v3, v9  }
0x48a: {  	s1 =	sadd.s32 $0x1, s1;
	v60 =	vmul.f32 v11, v9;
	v8 =	vadd.f32 v8, v13;
	v4 =	vadd.f32 v4, v5  }
0x48b: {  	v61 =	vor.u32 s3, v10;
	p0 =	sne.s32 s1, $0x7;
	[tilespmem:v19+s29+$0x0] =	vst.idx.msk $0xffff, v18;
	v59 =	vadd.f32 v25, v6;
	v3 =	vadd.f32 v3, v7  }
.Ltmp15:
0x48c: {  	v63 =	vadd.f32 v23, v8;
	[tilespmem:v15+s29+$0x0] =	vst.idx.msk $0xffff, v4;
	(pc) =	sbr.rel @p0 .LBB2_30-.Ltmp15, $4  }
0x48d: {  	v62 =	vadd.f32 v60, v59;
	[tilespmem:v16+s29+$0x0] =	vst.idx.msk $0xffff, v3  }
0x48e: {  	v3 =	vadd.f32 v22, v21;
	[tilespmem:v12+s29+$0x0] =	vst.idx.msk $0xffff, v63  }
0x48f: {  	[tilespmem:v14+s29+$0x0] =	vst.idx.msk $0xffff, v62  }
0x490: {  	[tilespmem:v61+s29+$0x0] =	vst.idx.msk $0xffff, v3  }
0x491: {  	s0 =	simm.s32 $0x0  }
0x492: {  	[hbm4b:s17+s0] =	stream.linear.scatter [tilespmem:s29], [sflag:$0x2], $0x400, $0x38;
	[tilespmem:$0x1EE00] =	vst v63  }
0x493: {  	s1 =	sadd.s32 $0x80, s17;
	s2 =	simm.s32 $0x18600  }
0x494: {  	[hbm4b:s1+s0] =	stream.linear.scatter [tilespmem:s2], [sflag:$0x2], $0x400, $0x38;
	[tilespmem:$0x1EE00] =	vst v63  }
0x495: {  	s7 =	sadd.s32 $0x100, s17;
	s8 =	simm.s32 $0x18E00  }
0x496: {  	[hbm4b:s7+s0] =	stream.linear.scatter [tilespmem:s8], [sflag:$0x2], $0x400, $0x38;
	[tilespmem:$0x1EE00] =	vst v63  }
0x497: {  	s10 =	sadd.s32 $0x180, s17;
	s19 =	simm.s32 $0x19600  }
0x498: {  	[hbm4b:s10+s0] =	stream.linear.scatter [tilespmem:s19], [sflag:$0x2], $0x400, $0x38;
	[tilespmem:$0x1EE00] =	vst v63  }
0x499: {  	s30 =	sadd.s32 $0x200, s17;
	s31 =	simm.s32 $0x19E00  }
0x49a: {  	[hbm4b:s30+s0] =	stream.linear.scatter [tilespmem:s31], [sflag:$0x2], $0x400, $0x38;
	[tilespmem:$0x1EE00] =	vst v63  }
0x49b: {  	s3 =	simm.s32 $0x1A600;
	s2 =	sadd.s32 $0x280, s17  }
0x49c: {  	[hbm4b:s2+s0] =	stream.linear.scatter [tilespmem:s3], [sflag:$0x2], $0x400, $0x38;
	[tilespmem:$0x1EE00] =	vst v63  }
0x49d: {  	s5 =	sadd.s32 $0x300, s17;
	s6 =	simm.s32 $0x1AE00  }
0x49e: {  	[hbm4b:s5+s0] =	stream.linear.scatter [tilespmem:s6], [sflag:$0x2], $0x400, $0x38;
	[tilespmem:$0x1EE00] =	vst v63  }
0x49f: {  	s7 =	sadd.s32 $0x380, s17;
	s8 =	simm.s32 $0x1B600  }
0x4a0: {  	[hbm4b:s7+s0] =	stream.linear.scatter [tilespmem:s8], [sflag:$0x2], $0x400, $0x38;
	[tilespmem:$0x1EE00] =	vst v63  }
0x4a1: {  	s10 =	sadd.s32 $0x400, s17;
	s19 =	simm.s32 $0x1BE00  }
0x4a2: {  	[hbm4b:s10+s0] =	stream.linear.scatter [tilespmem:s19], [sflag:$0x2], $0x400, $0x38;
	[tilespmem:$0x1EE00] =	vst v63  }
0x4a3: {  	s30 =	sadd.s32 $0x480, s17;
	s31 =	simm.s32 $0x1C600  }
0x4a4: {  	[hbm4b:s30+s0] =	stream.linear.scatter [tilespmem:s31], [sflag:$0x2], $0x400, $0x38;
	[tilespmem:$0x1EE00] =	vst v63  }
0x4a5: {  	s3 =	sadd.s32 $0x500, s17;
	s5 =	simm.s32 $0x1CE00  }
0x4a6: {  	[hbm4b:s3+s0] =	stream.linear.scatter [tilespmem:s5], [sflag:$0x2], $0x400, $0x38;
	[tilespmem:$0x1EE00] =	vst v63  }
0x4a7: {  	s6 =	sadd.s32 $0x580, s17;
	s7 =	simm.s32 $0x1D600  }
0x4a8: {  	[hbm4b:s6+s0] =	stream.linear.scatter [tilespmem:s7], [sflag:$0x2], $0x400, $0x38;
	[tilespmem:$0x1EE00] =	vst v63  }
0x4a9: {  	s8 =	sadd.s32 $0x600, s17;
	s10 =	simm.s32 $0x1DE00  }
0x4aa: {  	[hbm4b:s8+s0] =	stream.linear.scatter [tilespmem:s10], [sflag:$0x2], $0x400, $0x38;
	[tilespmem:$0x1EE00] =	vst v63  }
0x4ab: {  	s19 =	sadd.s32 $0x680, s17;
	s30 =	simm.s32 $0x1E600;
	s31 =	simm.s32 $0x1  }
0x4ac: {  	[hbm4b:s19+s0] =	stream.linear.scatter [tilespmem:s30], [sflag:$0x2], $0x400, $0x38;
	[tilespmem:$0x1EE00] =	vst v63  }
0x4ad: {  	_ =	swait.ge [sflag:s31], $0x3800  }
0x4ae: {  	[sflag:s31] =	ssyncset.done $0x0  }
0x4af: {  	s1 =	simm.s32 $0x0;
	[sflag:s31] =	ssyncadd.s32 $0xFFFFC800  }
.LBB2_34:
0x4b0: {  	s19 =	sshll.u32 s1, $0x4  }
0x4b1: {  	s2 =	sor.u32 $0x380, s19  }
0x4b2: {  	v3 =	vor.u32 s2, v0;
	_ =	sdelay $0x4  }
0x4b3: {  	v4 =	vld.idx.msk [tilespmem:v3+s26+$0x0], $0xffff;
	_ =	sdelay $0x2  }
0x4b4: {  	v5 =	vld.idx.msk [tilespmem:v3+s23+$0x0], $0xffff  }
0x4b5: {  	v6 =	vld.idx.msk [tilespmem:v3+s0+$0x0], $0xffff  }
0x4b6: {  	v9 =	vmul.f32 $1.280000020e+01, v4;
	v4 =	vld.idx.msk [tilespmem:v3+s24+$0x0], $0xffff;
	_ =	sdelay $0x1  }
0x4b7: {  	v8 =	vld.idx.msk [tilespmem:v3+s25+$0x0], $0xffff  }
0x4b8: {  	v3 =	vmul.u32 $0xC, v5;
	v7 =	vtrunc.f32 v9  }
0x4b9: {  	v7 =	vcvt.f32.s32 v7  }
0x4ba: {  	v4 =	vadd.s32 v4, v3;
	v3 =	vmul.u32 $0x81, v6  }
0x4bb: {  	vm0 =	vgt.s32 v7, $0x0  }
0x4bc: {  	s7 =	simm.s32 $0x7;
	v5 =	vnsel vm0, $0x0, v7;
	v7 =	vmul.u32 $0x81, v8;
	v8 =	vadd.s32 s0, v3  }
0x4bd: {  	s10 =	simm.s32 $0x1;
	v22 =	vadd.s32 s7, v3  }
0x4be: {  	s8 =	simm.s32 $0x3;
	v25 =	vadd.s32 s10, v3  }
0x4bf: {  	s6 =	simm.s32 $0x6;
	v6 =	vmul.u32 $0x81, v4;
	v27 =	vadd.s32 s8, v3  }
0x4c0: {  	s5 =	simm.s32 $0x2;
	v36 =	vadd.s32 s6, v3  }
0x4c1: {  	v10 =	vmin.u32 v5, $0xFF;
	v35 =	vadd.s32 s5, v3;
	v5 =	vadd.s32 $0x3BF7, v6;
	v16 =	vld.idx.msk [tilespmem:v8+s20+$0x0], $0xffff  }
0x4c2: {  	v7 =	vadd.s32 $0x6C57, v7;
	v11 =	vadd.s32 s0, v5;
	v22 =	vld.idx.msk [tilespmem:v22+s20+$0x0], $0xffff  }
0x4c3: {  	v13 =	vadd.s32 s7, v7;
	v25 =	vld.idx.msk [tilespmem:v25+s20+$0x0], $0xffff  }
0x4c4: {  	v4 =	vmul.u32 $0x81, v10;
	v15 =	vadd.s32 s10, v5;
	v34 =	vld.idx.msk [tilespmem:v27+s20+$0x0], $0xffff  }
0x4c5: {  	v18 =	vadd.s32 s7, v5;
	v43 =	vld.idx.msk [tilespmem:v36+s20+$0x0], $0xffff  }
0x4c6: {  	s31 =	simm.s32 $0x5;
	v20 =	vadd.s32 s8, v7;
	v6 =	vadd.s32 $0x81, v4;
	v61 =	vld.idx.msk [tilespmem:v35+s20+$0x0], $0xffff  }
0x4c7: {  	v14 =	vadd.s32 s31, v6;
	v19 =	vld.idx.msk [tilespmem:v11+s20+$0x0], $0xffff  }
0x4c8: {  	v28 =	vadd.s32 s8, v5;
	v21 =	vld.idx.msk [tilespmem:v13+s20+$0x0], $0xffff  }
0x4c9: {  	v37 =	vadd.s32 s6, v5;
	v15 =	vld.idx.msk [tilespmem:v15+s20+$0x0], $0xffff  }
0x4ca: {  	v23 =	vadd.s32 s7, v4;
	v24 =	vld.idx.msk [tilespmem:v18+s20+$0x0], $0xffff  }
0x4cb: {  	v13 =	vadd.s32 s5, v5;
	v26 =	vld.idx.msk [tilespmem:v20+s20+$0x0], $0xffff  }
0x4cc: {  	s3 =	simm.s32 $0x4;
	v11 =	vld.idx.msk [tilespmem:v14+s22+$0x0], $0xffff;
	v14 =	vadd.s32 s8, v4  }
0x4cd: {  	v31 =	vadd.s32 s3, v4;
	v28 =	vld.idx.msk [tilespmem:v28+s20+$0x0], $0xffff  }
0x4ce: {  	v12 =	vadd.s32 s10, v6;
	v45 =	vld.idx.msk [tilespmem:v37+s20+$0x0], $0xffff  }
0x4cf: {  	v17 =	vadd.s32 s7, v6;
	v23 =	vld.idx.msk [tilespmem:v23+s22+$0x0], $0xffff  }
0x4d0: {  	v29 =	vld.idx.msk [tilespmem:v13+s20+$0x0], $0xffff;
	v13 =	vadd.s32 s6, v6  }
0x4d1: {  	v18 =	vld.idx.msk [tilespmem:v14+s22+$0x0], $0xffff;
	v14 =	vadd.s32 s6, v4  }
0x4d2: {  	v30 =	vadd.s32 s3, v6;
	v31 =	vld.idx.msk [tilespmem:v31+s22+$0x0], $0xffff  }
0x4d3: {  	v33 =	vadd.s32 s3, v3;
	v10 =	vcvt.s32.f32 v10;
	v27 =	vadd.s32 s3, v7;
	v12 =	vld.idx.msk [tilespmem:v12+s22+$0x0], $0xffff  }
0x4d4: {  	v41 =	vadd.s32 s5, v7;
	v8 =	vadd.s32 s10, v4;
	v20 =	vmov s19;
	v17 =	vld.idx.msk [tilespmem:v17+s22+$0x0], $0xffff  }
0x4d5: {  	v46 =	vadd.s32 s31, v5;
	v62 =	vadd.s32 s31, v7;
	v20 =	vshll.u32 v20, $0x8;
	v32 =	vld.idx.msk [tilespmem:v13+s22+$0x0], $0xffff  }
0x4d6: {  	v9 =	vsub.f32 v9, v10;
	v13 =	vor.u32 v2, v20;
	v20 =	vld.idx.msk [tilespmem:v14+s22+$0x0], $0xffff;
	v14 =	vadd.s32 s3, v5  }
0x4d7: {  	v48 =	vadd.s32 s31, v4;
	v38 =	vadd.s32 s8, v6;
	v36 =	vadd.s32 s5, v4;
	v30 =	vld.idx.msk [tilespmem:v30+s22+$0x0], $0xffff  }
0x4d8: {  	v35 =	vadd.s32 s0, v4;
	v42 =	vld.idx.msk [tilespmem:v27+s20+$0x0], $0xffff;
	v22 =	vadd.f32 v24, v22;
	v27 =	vadd.f32 v19, v16  }
0x4d9: {  	v8 =	vld.idx.msk [tilespmem:v8+s22+$0x0], $0xffff;
	v24 =	vadd.s32 s6, v7;
	v19 =	vadd.f32 v28, v34;
	v63 =	vadd.f32 v45, v43  }
0x4da: {  	v37 =	vadd.s32 s5, v6;
	v40 =	vsub.f32 v17, v23;
	v17 =	vadd.f32 v15, v25;
	v25 =	vld.idx.msk [tilespmem:v33+s20+$0x0], $0xffff  }
0x4db: {  	v21 =	vadd.f32 v21, v22;
	v22 =	vadd.s32 s0, v7;
	v10 =	vand.u32 $0x7800, v13;
	v60 =	vld.idx.msk [tilespmem:v14+s20+$0x0], $0xffff  }
0x4dc: {  	v28 =	vadd.f32 v26, v19;
	v47 =	vsub.f32 v30, v31;
	v10 =	vor.u32 v1, v10  }
0x4dd: {  	v34 =	vld.idx.msk [tilespmem:v38+s22+$0x0], $0xffff;
	v21 =	vadd.f32 v23, v21;
	v23 =	vmul.f32 v40, v9;
	v44 =	vor.u32 s7, v10  }
0x4de: {  	v38 =	vadd.s32 s0, v6;
	v39 =	vsub.f32 v12, v8;
	v49 =	vld.idx.msk [tilespmem:v24+s20+$0x0], $0xffff;
	v40 =	vadd.f32 v29, v61  }
0x4df: {  	v13 =	vadd.s32 s10, v7;
	v21 =	vadd.f32 v23, v21;
	v24 =	vadd.f32 v18, v28  }
0x4e0: {  	v26 =	vld.idx.msk [tilespmem:v41+s20+$0x0], $0xffff;
	v12 =	vor.u32 s10, v10;
	v15 =	vor.u32 s0, v10;
	v23 =	vadd.f32 v60, v25  }
0x4e1: {  	v33 =	vld.idx.msk [tilespmem:v22+s20+$0x0], $0xffff;
	v16 =	vor.u32 s5, v10;
	v19 =	vor.u32 s8, v10;
	v25 =	vsub.f32 v32, v20  }
0x4e2: {  	v30 =	vld.idx.msk [tilespmem:v46+s20+$0x0], $0xffff;
	v14 =	vor.u32 s31, v10;
	[tilespmem:v44+s28+$0x0] =	vst.idx.msk $0xffff, v21;
	v32 =	vadd.s32 s31, v3;
	v22 =	vadd.f32 v42, v23  }
0x4e3: {  	v29 =	vld.idx.msk [tilespmem:v62+s20+$0x0], $0xffff;
	v28 =	vmul.f32 v25, v9;
	v23 =	vmul.f32 v39, v9;
	v39 =	vadd.f32 v49, v63  }
0x4e4: {  	s5 =	simm.s32 $0x8;
	v25 =	vld.idx.msk [tilespmem:v48+s22+$0x0], $0xffff;
	v21 =	vadd.f32 v31, v22;
	v22 =	vmul.f32 v47, v9;
	v31 =	vor.u32 s6, v10  }
.LBB2_35:
0x4e5: {  	v41 =	vadd.s32 s5, v3;
	v42 =	vadd.s32 s5, v5;
	s19 =	sadd.s32 $0x1, s5;
	s6 =	sadd.s32 $0x5, s5;
	s10 =	sadd.s32 $0x7, s5;
	v40 =	vadd.f32 v26, v40;
	v37 =	vld.idx.msk [tilespmem:v37+s22+$0x0], $0xffff  }
0x4e6: {  	p0 =	slt.u32 s5, $0x78;
	v27 =	vadd.f32 v33, v27;
	s7 =	smov.u32 s5;
	s5 =	sadd.s32 $0x8, s5;
	v43 =	vadd.s32 s19, v6;
	v44 =	vadd.s32 s10, v7;
	v33 =	vld.idx.msk [tilespmem:v36+s22+$0x0], $0xffff  }
0x4e7: {  	v36 =	vadd.s32 s19, v3;
	v45 =	vadd.s32 s10, v3;
	v18 =	vsub.f32 v34, v18;
	v38 =	vld.idx.msk [tilespmem:v38+s22+$0x0], $0xffff  }
0x4e8: {  	v34 =	vadd.s32 s19, v5;
	s8 =	sadd.s32 $0x2, s7;
	v46 =	vadd.s32 s10, v4;
	v20 =	vadd.f32 v20, v39;
	v35 =	vld.idx.msk [tilespmem:v35+s22+$0x0], $0xffff  }
0x4e9: {  	v39 =	vadd.s32 s10, v5;
	v26 =	vadd.s32 s8, v3;
	v47 =	vsub.f32 v11, v25;
	v32 =	vld.idx.msk [tilespmem:v32+s20+$0x0], $0xffff  }
0x4ea: {  	s2 =	sadd.s32 $0x3, s7;
	v49 =	vadd.s32 s10, v6;
	v48 =	vadd.s32 s8, v5;
	v11 =	vadd.s32 s6, v6;
	v41 =	vld.idx.msk [tilespmem:v41+s20+$0x0], $0xffff  }
0x4eb: {  	v50 =	vadd.s32 s19, v4;
	v51 =	vadd.s32 s2, v3;
	v52 =	vadd.s32 s2, v7;
	v42 =	vld.idx.msk [tilespmem:v42+s20+$0x0], $0xffff  }
0x4ec: {  	v53 =	vadd.s32 s19, v7;
	s30 =	sadd.s32 $0x4, s7;
	v54 =	vadd.s32 s2, v5;
	v55 =	vadd.s32 s2, v4;
	v43 =	vld.idx.msk [tilespmem:v43+s22+$0x0], $0xffff  }
0x4ed: {  	v56 =	vadd.s32 s30, v3;
	v57 =	vadd.s32 s30, v7;
	v37 =	vsub.f32 v37, v33;
	v58 =	vld.idx.msk [tilespmem:v13+s20+$0x0], $0xffff;
	v13 =	vmovc v53  }
0x4ee: {  	v59 =	vadd.s32 s30, v4;
	v53 =	vadd.s32 s30, v5;
	v38 =	vsub.f32 v38, v35;
	v44 =	vld.idx.msk [tilespmem:v44+s20+$0x0], $0xffff  }
0x4ef: {  	v60 =	vadd.s32 s2, v6;
	v20 =	vadd.f32 v28, v20;
	v30 =	vadd.f32 v30, v32;
	v11 =	vld.idx.msk [tilespmem:v11+s22+$0x0], $0xffff  }
0x4f0: {  	s31 =	sadd.s32 $0x6, s7;
	v18 =	vmul.f32 v18, v9;
	v27 =	vadd.f32 v35, v27;
	v32 =	vmul.f32 v38, v9;
	v28 =	vld.idx.msk [tilespmem:v50+s22+$0x0], $0xffff  }
0x4f1: {  	v35 =	vadd.s32 s31, v3;
	v38 =	vadd.s32 s31, v7;
	v29 =	vadd.f32 v29, v30;
	v34 =	vld.idx.msk [tilespmem:v34+s20+$0x0], $0xffff;
	[tilespmem:v31+s28+$0x0] =	vst.idx.msk $0xffff, v20  }
0x4f2: {  	v24 =	vadd.f32 v18, v24;
	v30 =	vadd.s32 s31, v5;
	v20 =	vadd.s32 s31, v4;
	v31 =	vld.idx.msk [tilespmem:v49+s22+$0x0], $0xffff  }
0x4f3: {  	v27 =	vadd.f32 v32, v27;
	v32 =	vmul.f32 v37, v9;
	v17 =	vadd.f32 v58, v17;
	v39 =	vld.idx.msk [tilespmem:v39+s20+$0x0], $0xffff  }
0x4f4: {  	v33 =	vadd.f32 v33, v40;
	v25 =	vadd.f32 v25, v29;
	v29 =	vmul.f32 v47, v9;
	v48 =	vld.idx.msk [tilespmem:v48+s20+$0x0], $0xffff  }
0x4f5: {  	v37 =	vadd.s32 s31, v6;
	v40 =	vadd.f32 v8, v17;
	v17 =	vor.u32 s3, v10;
	s3 =	smov.u32 s30;
	v18 =	vld.idx.msk [tilespmem:v55+s22+$0x0], $0xffff;
	[tilespmem:v19+s28+$0x0] =	vst.idx.msk $0xffff, v24  }
0x4f6: {  	v21 =	vadd.f32 v22, v21;
	v19 =	vld.idx.msk [tilespmem:v52+s20+$0x0], $0xffff;
	[tilespmem:v15+s28+$0x0] =	vst.idx.msk $0xffff, v27;
	v15 =	vadd.f32 v32, v33  }
0x4f7: {  	v24 =	vadd.f32 v29, v25;
	v8 =	vmov v28;
	v23 =	vadd.f32 v23, v40;
	v22 =	vld.idx.msk [tilespmem:v45+s20+$0x0], $0xffff  }
0x4f8: {  	v29 =	vsub.f32 v43, v8;
	v25 =	vld.idx.msk [tilespmem:v46+s22+$0x0], $0xffff;
	[tilespmem:v16+s28+$0x0] =	vst.idx.msk $0xffff, v15  }
0x4f9: {  	v16 =	vadd.s32 s3, v6;
	v15 =	vld.idx.msk [tilespmem:v36+s20+$0x0], $0xffff;
	[tilespmem:v14+s28+$0x0] =	vst.idx.msk $0xffff, v24  }
0x4fa: {  	v24 =	vld.idx.msk [tilespmem:v37+s22+$0x0], $0xffff;
	[tilespmem:v12+s28+$0x0] =	vst.idx.msk $0xffff, v23  }
0x4fb: {  	v20 =	vld.idx.msk [tilespmem:v20+s22+$0x0], $0xffff;
	[tilespmem:v17+s28+$0x0] =	vst.idx.msk $0xffff, v21  }
0x4fc: {  	v21 =	vld.idx.msk [tilespmem:v51+s20+$0x0], $0xffff  }
0x4fd: {  	v23 =	vld.idx.msk [tilespmem:v54+s20+$0x0], $0xffff  }
0x4fe: {  	v31 =	vsub.f32 v31, v25;
	v28 =	vld.idx.msk [tilespmem:v16+s22+$0x0], $0xffff  }
0x4ff: {  	v17 =	vadd.f32 v34, v15;
	v15 =	vadd.f32 v39, v22;
	v43 =	vld.idx.msk [tilespmem:v59+s22+$0x0], $0xffff  }
0x500: {  	v22 =	vld.idx.msk [tilespmem:v56+s20+$0x0], $0xffff  }
0x501: {  	v14 =	vor.u32 s6, v10;
	v12 =	vor.u32 s19, v10;
	v33 =	vadd.f32 v44, v15;
	v32 =	vld.idx.msk [tilespmem:v53+s20+$0x0], $0xffff  }
0x502: {  	v36 =	vadd.s32 s8, v7;
	v34 =	vadd.s32 s7, v7;
	v15 =	vor.u32 s7, v10;
	v39 =	vld.idx.msk [tilespmem:v57+s20+$0x0], $0xffff  }
0x503: {  	v27 =	vadd.f32 v42, v41;
	v21 =	vadd.f32 v23, v21;
	v23 =	vld.idx.msk [tilespmem:v35+s20+$0x0], $0xffff;
	v35 =	vor.u32 s10, v10  }
0x504: {  	v16 =	vor.u32 s8, v10;
	v25 =	vadd.f32 v25, v33;
	v40 =	vld.idx.msk [tilespmem:v30+s20+$0x0], $0xffff;
	v30 =	vmul.f32 v31, v9  }
0x505: {  	v41 =	vadd.s32 s6, v5;
	v21 =	vadd.f32 v19, v21;
	v19 =	vor.u32 s2, v10;
	v31 =	vld.idx.msk [tilespmem:v26+s20+$0x0], $0xffff  }
0x506: {  	v44 =	vadd.s32 s6, v4;
	v42 =	vsub.f32 v28, v43;
	v45 =	vld.idx.msk [tilespmem:v38+s20+$0x0], $0xffff;
	v25 =	vadd.f32 v30, v25  }
0x507: {  	v46 =	vadd.s32 s6, v7;
	v28 =	vsub.f32 v24, v20;
	v22 =	vadd.f32 v32, v22;
	v26 =	vld.idx.msk [tilespmem:v36+s20+$0x0], $0xffff  }
.Ltmp16:
0x508: {  	v37 =	vadd.s32 s8, v6;
	v24 =	vadd.f32 v18, v21;
	v32 =	vadd.s32 s6, v3;
	v33 =	vld.idx.msk [tilespmem:v34+s20+$0x0], $0xffff;
	[tilespmem:v35+s28+$0x0] =	vst.idx.msk $0xffff, v25;
	(pc) =	sbr.rel @p0 .LBB2_35-.Ltmp16, $4  }
0x509: {  	v28 =	vmul.f32 v28, v9;
	v36 =	vadd.s32 s8, v4;
	v21 =	vadd.f32 v39, v22;
	v34 =	vld.idx.msk [tilespmem:v60+s22+$0x0], $0xffff  }
0x50a: {  	v38 =	vadd.s32 s7, v6;
	v35 =	vadd.s32 s7, v4;
	v39 =	vadd.f32 v40, v23;
	v30 =	vld.idx.msk [tilespmem:v41+s20+$0x0], $0xffff  }
0x50b: {  	v22 =	vmul.f32 v42, v9;
	v40 =	vadd.f32 v48, v31;
	v21 =	vadd.f32 v43, v21;
	v25 =	vld.idx.msk [tilespmem:v44+s22+$0x0], $0xffff  }
0x50c: {  	v23 =	vmul.f32 v29, v9;
	v31 =	vor.u32 s31, v10;
	v39 =	vadd.f32 v45, v39;
	v29 =	vld.idx.msk [tilespmem:v46+s20+$0x0], $0xffff  }
0x50d: {  	_ =	sdelay $0x3  }
0x50e: {  	v3 =	vld.idx.msk [tilespmem:v37+s22+$0x0], $0xffff  }
0x50f: {  	v4 =	vld.idx.msk [tilespmem:v38+s22+$0x0], $0xffff  }
0x510: {  	v5 =	vld.idx.msk [tilespmem:v35+s22+$0x0], $0xffff  }
0x511: {  	v6 =	vld.idx.msk [tilespmem:v32+s20+$0x0], $0xffff  }
0x512: {  	v7 =	vld.idx.msk [tilespmem:v36+s22+$0x0], $0xffff  }
0x513: {  	v26 =	vadd.f32 v26, v40;
	v13 =	vld.idx.msk [tilespmem:v13+s20+$0x0], $0xffff;
	v20 =	vadd.f32 v20, v39  }
0x514: {  	v27 =	vadd.f32 v33, v27;
	v18 =	vsub.f32 v34, v18  }
0x515: {  	v11 =	vsub.f32 v11, v25;
	v20 =	vadd.f32 v28, v20  }
0x516: {  	v18 =	vmul.f32 v18, v9;
	v4 =	vsub.f32 v4, v5;
	v6 =	vadd.f32 v30, v6  }
0x517: {  	v3 =	vsub.f32 v3, v7;
	v5 =	vadd.f32 v5, v27;
	[tilespmem:v31+s28+$0x0] =	vst.idx.msk $0xffff, v20  }
0x518: {  	v18 =	vadd.f32 v18, v24;
	v13 =	vadd.f32 v13, v17;
	v4 =	vmul.f32 v4, v9  }
0x519: {  	v7 =	vadd.f32 v7, v26;
	v6 =	vadd.f32 v29, v6;
	v3 =	vmul.f32 v3, v9  }
0x51a: {  	s1 =	sadd.s32 $0x1, s1;
	v60 =	vmul.f32 v11, v9;
	v8 =	vadd.f32 v8, v13;
	v4 =	vadd.f32 v4, v5  }
0x51b: {  	v61 =	vor.u32 s3, v10;
	p0 =	sne.s32 s1, $0x7;
	[tilespmem:v19+s28+$0x0] =	vst.idx.msk $0xffff, v18;
	v59 =	vadd.f32 v25, v6;
	v3 =	vadd.f32 v3, v7  }
.Ltmp17:
0x51c: {  	v63 =	vadd.f32 v23, v8;
	[tilespmem:v15+s28+$0x0] =	vst.idx.msk $0xffff, v4;
	(pc) =	sbr.rel @p0 .LBB2_34-.Ltmp17, $4  }
0x51d: {  	v62 =	vadd.f32 v60, v59;
	[tilespmem:v16+s28+$0x0] =	vst.idx.msk $0xffff, v3  }
0x51e: {  	v3 =	vadd.f32 v22, v21;
	[tilespmem:v12+s28+$0x0] =	vst.idx.msk $0xffff, v63  }
0x51f: {  	[tilespmem:v14+s28+$0x0] =	vst.idx.msk $0xffff, v62  }
0x520: {  	[tilespmem:v61+s28+$0x0] =	vst.idx.msk $0xffff, v3  }
0x521: {  	[hbm4b:s18+s4] =	stream.linear.scatter [tilespmem:s28], [sflag:$0x1], $0x400, $0x38;
	[tilespmem:$0x1EE00] =	vst v63  }
0x522: {  	s0 =	sadd.s32 $0x80, s18;
	s1 =	simm.s32 $0x11600  }
0x523: {  	[hbm4b:s0+s4] =	stream.linear.scatter [tilespmem:s1], [sflag:$0x1], $0x400, $0x38;
	[tilespmem:$0x1EE00] =	vst v63  }
0x524: {  	s7 =	sadd.s32 $0x100, s18;
	s8 =	simm.s32 $0x11E00  }
0x525: {  	[hbm4b:s7+s4] =	stream.linear.scatter [tilespmem:s8], [sflag:$0x1], $0x400, $0x38;
	[tilespmem:$0x1EE00] =	vst v63  }
0x526: {  	s10 =	sadd.s32 $0x180, s18;
	s19 =	simm.s32 $0x12600  }
0x527: {  	[hbm4b:s10+s4] =	stream.linear.scatter [tilespmem:s19], [sflag:$0x1], $0x400, $0x38;
	[tilespmem:$0x1EE00] =	vst v63  }
0x528: {  	s30 =	sadd.s32 $0x200, s18;
	s31 =	simm.s32 $0x12E00  }
0x529: {  	[hbm4b:s30+s4] =	stream.linear.scatter [tilespmem:s31], [sflag:$0x1], $0x400, $0x38;
	[tilespmem:$0x1EE00] =	vst v63  }
0x52a: {  	s2 =	sadd.s32 $0x280, s18;
	s3 =	simm.s32 $0x13600  }
0x52b: {  	[hbm4b:s2+s4] =	stream.linear.scatter [tilespmem:s3], [sflag:$0x1], $0x400, $0x38;
	[tilespmem:$0x1EE00] =	vst v63  }
0x52c: {  	s5 =	sadd.s32 $0x300, s18;
	s6 =	simm.s32 $0x13E00  }
0x52d: {  	[hbm4b:s5+s4] =	stream.linear.scatter [tilespmem:s6], [sflag:$0x1], $0x400, $0x38;
	[tilespmem:$0x1EE00] =	vst v63  }
0x52e: {  	s7 =	sadd.s32 $0x380, s18;
	s8 =	simm.s32 $0x14600  }
0x52f: {  	[hbm4b:s7+s4] =	stream.linear.scatter [tilespmem:s8], [sflag:$0x1], $0x400, $0x38;
	[tilespmem:$0x1EE00] =	vst v63  }
0x530: {  	s10 =	sadd.s32 $0x400, s18;
	s19 =	simm.s32 $0x14E00  }
0x531: {  	[hbm4b:s10+s4] =	stream.linear.scatter [tilespmem:s19], [sflag:$0x1], $0x400, $0x38;
	[tilespmem:$0x1EE00] =	vst v63  }
0x532: {  	s30 =	sadd.s32 $0x480, s18;
	s31 =	simm.s32 $0x15600  }
0x533: {  	[hbm4b:s30+s4] =	stream.linear.scatter [tilespmem:s31], [sflag:$0x1], $0x400, $0x38;
	[tilespmem:$0x1EE00] =	vst v63  }
0x534: {  	s1 =	sadd.s32 $0x500, s18;
	s2 =	simm.s32 $0x15E00  }
0x535: {  	[hbm4b:s1+s4] =	stream.linear.scatter [tilespmem:s2], [sflag:$0x1], $0x400, $0x38;
	[tilespmem:$0x1EE00] =	vst v63  }
0x536: {  	s3 =	sadd.s32 $0x580, s18;
	s5 =	simm.s32 $0x16600  }
0x537: {  	[hbm4b:s3+s4] =	stream.linear.scatter [tilespmem:s5], [sflag:$0x1], $0x400, $0x38;
	[tilespmem:$0x1EE00] =	vst v63  }
0x538: {  	s6 =	sadd.s32 $0x600, s18;
	s7 =	simm.s32 $0x16E00  }
0x539: {  	[hbm4b:s6+s4] =	stream.linear.scatter [tilespmem:s7], [sflag:$0x1], $0x400, $0x38;
	[tilespmem:$0x1EE00] =	vst v63  }
0x53a: {  	s8 =	sadd.s32 $0x680, s18;
	s10 =	simm.s32 $0x17600;
	s19 =	simm.s32 $0x2  }
0x53b: {  	[hbm4b:s8+s4] =	stream.linear.scatter [tilespmem:s10], [sflag:$0x1], $0x400, $0x38;
	[tilespmem:$0x1EE00] =	vst v63  }
0x53c: {  	_ =	swait.ge [sflag:s19], $0x3800  }
0x53d: {  	[sflag:s19] =	ssyncset.done $0x0  }
0x53e: {  	s30 =	simm.s32 $0x1;
	[sflag:s19] =	ssyncadd.s32 $0xFFFFC800  }
0x53f: {  	_ =	swait.ge [sflag:s30], $0x3800  }
0x540: {  	s2 =	rddreg [dreg:$0xf]  }
0x541: {  	s31 =	rddreg [dreg:$0xe];
	s2 =	sadd.s32 $0x1, s2  }
0x542: {  	p0 =	sne.s32 s2, s31  }
.Ltmp18:
0x543: {  	_ = 	snop;
	(pc) =	sbr.rel @p0 .LBB2_1-.Ltmp18, $3  }
0x544: {  	_ =	sdelay $0x1  }
0x545: {  	[sflag:s30] =	ssyncset.done $0x0  }
0x546: {  	[sflag:s30] =	ssyncadd.s32 $0xFFFFC800  }
0x547: {  	_ =	sfence.sel $0x180000  }
0x548: {  	[bflag:$0x0] =	sbarrier.arrive $0xFFFF  }
0x549: {  	_ =	strace $0x90000047  }
0x54a: {  	s0 =	stileid.u32;
	[bflag:$0x2] =	sbarrier.arrive $0xFFFF  }
0x54b: {  	p0 =	sne.s32 s0, $0x0;
	s0 =	rddreg [dreg:$0x8]  }
0x54c: {  	s0 =	sadd.s32 @!p0 $0x100000, s0  }
0x54d: {  	[sflag:s0] =	ssyncadd.tile.s32 @!p0 $0x1;
	_ =	shalt  }
.Lfunc_end2:
_tile_overlayer_lowered:
.L_overlay_start_2:
0x54e: {  	(tag) =	ssettag $0x2  }
0x54f: {  	s0 =	rddreg [dreg:$0x0];
	s2 =	stileid.u32  }
0x550: {  	s1 =	rddreg [dreg:$0x1];
	p0 =	sne.s32 s2, $0x0  }
0x551: {  	s3 =	rddreg [dreg:$0x2];
	[bflag:$0x3] =	sbarrier.arrive $0xFFFF;
	s2 =	simm.s32 @!p0 $0x1C03  }
0x552: {  	[timem:s3], [sflag:s2] =	dma.local @!p0 [hbm:s0], s1  }
0x553: {  	s0 =	simm.s32 @!p0 $0x3  }
0x554: {  	_ =	swait.ge @!p0 [sflag:s0], s1  }
0x555: {  	s1 =	ssub.s32 @!p0 $0x0, s1;
	[sflag:s0] =	ssyncset.done @!p0 $0x0  }
0x556: {  	[sflag:s0] =	ssyncadd.s32 @!p0 s1  }
0x557: {  	[bflag:$0x3] =	sbarrier.arrive $0xFFFF  }
0x558: {  	_ =	shalt  }

</sc_bundles>
